<compile_context>
chip_gen: v7x
topology: tpu7x:2x2x1
jax: 0.10.2.dev20260603
libtpu: 0.0.44.dev20260713+nightly
codegen_flags: <defaults>
</compile_context>

<pallas_src>
import functools

import jax
import jax.numpy as jnp
from jax import lax
from jax.experimental import pallas as pl
from jax.experimental.pallas import tpu as pltpu
from jax.experimental.pallas import tpu_sc as plsc

_ABS_MASK = 0x7FFFFFFF
_NWORKERS = 32
_WIN = 8192


def _sparsity() -> float:
    s_i, s_f = 0.5, 0.9
    return s_f + (s_i - s_f) * (1.0 - 0.0) ** 3


_WROWS = 4
_NBUF = 4


def _make_sc_hist(rows, cols, nbuckets, shift, filt_shift):
    wrows = rows // _NWORKERS
    nwin = wrows // _WROWS
    hwords = 16 * nbuckets
    idx_mask = (nbuckets - 1) << shift
    mesh = plsc.VectorSubcoreMesh(
        core_axis_name="c", subcore_axis_name="s", num_cores=2, num_subcores=16
    )

    def body(x_hbm, *rest):
        if filt_shift is not None:
            sel_hbm, hist_hbm, wbuf, hist_v, scal_v, sem0, sem1 = rest
        else:
            hist_hbm, wbuf, hist_v, scal_v, sem0, sem1 = rest
        sems = (sem0, sem1)
        cid = lax.axis_index("c")
        sid = lax.axis_index("s")
        wid = sid * 2 + cid
        base = wid * wrows

        zero16 = jnp.zeros((16,), jnp.int32)

        def zbody(i, _):
            hist_v[pl.ds(i * 16, 16)] = zero16
            return 0

        lax.fori_loop(0, hwords // 16, zbody, 0, unroll=8)

        if filt_shift is not None:
            pltpu.sync_copy(sel_hbm, scal_v)
            selv = scal_v[...]

        lane = lax.iota(jnp.int32, 16)
        ones = jnp.ones((16,), jnp.int32)

        def start_copy(g, b):
            pltpu.make_async_copy(
                x_hbm.at[pl.ds(base + g * _WROWS, _WROWS)], wbuf.at[b], sems[b]
            ).start()

        def wait_copy(g, b):
            pltpu.make_async_copy(
                x_hbm.at[pl.ds(base + g * _WROWS, _WROWS)], wbuf.at[b], sems[b]
            ).wait()

        def window(g, b):
            @pl.when(g + 1 < nwin)
            def _():
                start_copy(g + 1, 1 - b)

            wait_copy(g, b)

            @plsc.parallel_loop(0, cols, step=16, unroll=4)
            def _(off):
                for r in range(_WROWS):
                    raw = plsc.bitcast(wbuf[b, r, pl.ds(off, 16)], jnp.int32)
                    masked = raw & jnp.int32(idx_mask)
                    if shift >= 4:
                        bkt16 = lax.shift_right_logical(masked, shift - 4)
                    else:
                        bkt16 = lax.shift_left(masked, 4 - shift)
                    idx = bkt16 | lane
                    if filt_shift is not None:
                        bits = raw & jnp.int32(_ABS_MASK)
                        m = lax.shift_right_logical(bits, filt_shift) == selv
                        plsc.addupdate_scatter(hist_v, [idx], ones, mask=m)
                    else:
                        plsc.addupdate_scatter(hist_v, [idx], ones)

        def pair(gp, _):
            for b in range(2):
                window(gp * 2 + b, b)
            return 0

        start_copy(0, 0)
        lax.fori_loop(0, nwin // 2, pair, 0)
        pltpu.sync_copy(hist_v, hist_hbm.at[wid])

    return functools.partial(
        pl.kernel,
        body,
        out_type=jax.ShapeDtypeStruct((_NWORKERS, hwords), jnp.int32),
        mesh=mesh,
        compiler_params=pltpu.CompilerParams(needs_layout_passes=False),
        scratch_types=[
            pltpu.VMEM((2, _WROWS, cols), jnp.float32),
            pltpu.VMEM((hwords,), jnp.int32),
            pltpu.VMEM((16,), jnp.int32),
            pltpu.SemaphoreType.DMA,
            pltpu.SemaphoreType.DMA,
        ],
    )()


def _make_merge(nbuckets, shift_this, k_static):
    nbits = nbuckets.bit_length() - 1
    has_prev = k_static is None

    def body(*refs):
        if has_prev:
            psel_ref, pkrem_ref, hist_ref, sel_out, krem_out = refs
            prev_sel = psel_ref[0]
            k_t = pkrem_ref[0]
        else:
            hist_ref, sel_out, krem_out = refs
            prev_sel = jnp.int32(0)
            k_t = jnp.int32(k_static)
        h = jnp.sum(hist_ref[...], axis=0, keepdims=True)
        iot = lax.broadcasted_iota(jnp.int32, (1, nbuckets * 16), 1)
        lo = jnp.int32(0)
        hi = jnp.int32(nbuckets)
        for _ in range(nbits):
            mid = (lo + hi) // 2
            c = jnp.sum(jnp.where(iot >= mid * 16, h, 0))
            ge = c >= k_t
            lo = jnp.where(ge, mid, lo)
            hi = jnp.where(ge, hi, mid)
        c_above = jnp.sum(jnp.where(iot >= (lo + 1) * 16, h, 0))
        new_sel = (prev_sel * jnp.int32(nbuckets)) + lo
        for i in range(16):
            sel_out[i] = new_sel
        krem_out[0] = k_t - c_above

    in_specs = [pl.BlockSpec(memory_space=pltpu.VMEM)]
    if has_prev:
        in_specs = [
            pl.BlockSpec(memory_space=pltpu.SMEM),
            pl.BlockSpec(memory_space=pltpu.SMEM),
        ] + in_specs
    return pl.pallas_call(
        body,
        in_specs=in_specs,
        out_specs=[
            pl.BlockSpec(memory_space=pltpu.SMEM),
            pl.BlockSpec(memory_space=pltpu.SMEM),
        ],
        out_shape=[
            jax.ShapeDtypeStruct((16,), jnp.int32),
            jax.ShapeDtypeStruct((1,), jnp.int32),
        ],
    )


def _mask_body(t_ref, x_ref, o_ref):
    t = t_ref[0]
    xv = x_ref[...]
    bits = lax.bitcast_convert_type(xv, jnp.int32) & jnp.int32(_ABS_MASK)
    o_ref[...] = jnp.where(bits >= t, xv, 0.0)


def kernel(x, bias):
    rows, cols = x.shape
    numel = rows * cols
    k = max(1, int(round(numel * (1.0 - _sparsity()))))

    hist1 = _make_sc_hist(rows, cols, 2048, 20, None)(x)
    sel1, krem1 = _make_merge(2048, 20, k)(hist1)

    hist2 = _make_sc_hist(rows, cols, 2048, 9, 20)(x, sel1)
    sel2, krem2 = _make_merge(2048, 9, None)(sel1, krem1, hist2)

    hist3 = _make_sc_hist(rows, cols, 512, 0, 9)(x, sel2)
    sel3, _ = _make_merge(512, 0, None)(sel2, krem2, hist3)

    nchunks = 8
    blk = rows // nchunks
    masked = pl.pallas_call(
        _mask_body,
        grid=(nchunks,),
        in_specs=[
            pl.BlockSpec(memory_space=pltpu.SMEM),
            pl.BlockSpec((blk, cols), lambda c: (c, 0)),
        ],
        out_specs=pl.BlockSpec((blk, cols), lambda c: (c, 0)),
        out_shape=jax.ShapeDtypeStruct((rows, cols), jnp.float32),
    )(sel3, x)

    return (masked, bias)

# --- scband reference (transcript-rebuilt; emitter-appended) ---
"""Pipeline reference for scband-movement-pruner-29291676958791 (READ-ONLY COPY).

The authoritative reference and input builder live on the scoring server;
editing this copy changes nothing except your own understanding.
"""

import jax, jax.numpy as jnp
import numpy as np

S_I = 0.5
S_F = 0.9
T_0 = 0
DELTA_T = 100
N_STEPS = 10
ITER = 0  # module starts with iter=0; eval mode does not increment


def sparsity_level_cubic(s_f, s_i, t, t_0, n, delta_t):
    # cubic sparsity schedule (movement pruning)
    if t < t_0:
        return s_i
    if t >= t_0 + n * delta_t:
        return s_f
    return s_f + (s_i - s_f) * (1.0 - (t - t_0) / (n * delta_t)) ** 3


def topk_mask_straight_through(score, sparsity):
    # forward: binary mask keeping top-(1-sparsity) fraction of scores
    # backward (STE): gradient passes through unchanged to score
    numel = score.shape[0]
    k = max(1, int(round(numel * (1.0 - sparsity))))
    top_vals, _ = jax.lax.top_k(score, k)
    thresh = top_vals[-1]
    hard = (score >= thresh).astype(score.dtype)
    # straight-through: value == hard, grad d(mask)/d(score) == 1
    return hard + score - jax.lax.stop_gradient(score)


def setup_inputs(seed: int = 0) -> dict:
    key = jax.random.key(seed)
    k1, k2 = jax.random.split(key)
    x = jax.random.normal(k1, (4096, 4096), dtype=jnp.float32)
    bias = jax.random.normal(k2, (4096,), dtype=jnp.float32)
    return {"x": x, "bias": bias}


def reference(x, bias):
    # tiler with tile_size=1 is an identity flatten/reshape (unstructured pruning)
    sparsity = sparsity_level_cubic(s_f=S_F, s_i=S_I, t=ITER, t_0=T_0, n=N_STEPS, delta_t=DELTA_T)
    # importance_score_mode == 'magnitude': score is |x| flattened
    score = jnp.abs(x).reshape(-1)
    mask = topk_mask_straight_through(score, sparsity)
    weight_masked = mask.reshape(x.shape) * x
    return (weight_masked, bias)

if __name__ == "__main__":
    import jax
    _d = setup_inputs()
    print(jax.jit(kernel)(*tuple(_d.values())))

</pallas_src>

<mosaic_0001>
#map = affine_map<(d0, d1) -> (0, 0)>
module attributes {stable_mosaic.version = 14 : i64} {
  func.func @body(%arg0: i32, %arg1: i32, %arg2: memref<4096x4096xf32, #tpu.memory_space<hbm>>, %arg3: memref<32x32768xi32, #tpu.memory_space<hbm>>, %arg4: memref<2x4x4096xf32, #tpu.memory_space<vmem>>, %arg5: memref<32768xi32, #tpu.memory_space<vmem>>, %arg6: memref<16xi32, #tpu.memory_space<vmem>>, %arg7: memref<!tpu.dma_semaphore, #tpu.memory_space<semaphore_mem>>, %arg8: memref<!tpu.dma_semaphore, #tpu.memory_space<semaphore_mem>>) attributes {dimension_semantics = [#tpu.dimension_semantics<core_parallel>, #tpu.dimension_semantics<subcore_parallel>], iteration_bounds = array<i64: 2, 16>, scalar_prefetch = 0 : i64, scratch_operands = 5 : i64, tpu.core_type = #tpu.core_type<sc_vector_subcore>, window_params = [{transform_indices = #map}, {transform_indices = #map}]} {
    %mul3A = arith.constant 2 : i32
    %mul3A_0 = arith.muli %arg1, %mul3A : i32
    %add3A = arith.addi %mul3A_0, %arg0 : i32
    %mul3A_1 = arith.constant 128 : i32
    %mul3A_2 = arith.muli %add3A, %mul3A_1 : i32
    %broadcast_in_dim3A = arith.constant 0 : i32
    %broadcast_in_dim3A_3 = vector.broadcast %broadcast_in_dim3A : i32 to vector<16xi32>
    %scan3A = arith.constant 0 : i32
    %scan3A_4 = arith.constant 0 : i32
    %scan3A_5 = arith.constant 2048 : i32
    %scan3A_6 = arith.addi %scan3A_4, %scan3A_5 : i32
    %scan3A_7 = arith.constant 8 : i32
    %scan3A_8 = scf.for %scan3A_33 = %scan3A_4 to %scan3A_6 step %scan3A_7 iter_args(%scan3A_34 = %scan3A) -> (i32)  : i32 {
      %mul3A_35 = arith.constant 16 : i32
      %mul3A_36 = arith.muli %scan3A_33, %mul3A_35 : i32
      %swap3A = arith.index_cast %mul3A_36 : i32 to index
      %swap3A_37 = tpu.vector_load %arg5[%swap3A] {strides = array<i32>} : memref<32768xi32, #tpu.memory_space<vmem>>, vector<16xi32>,
      tpu.vector_store %arg5[%swap3A], %broadcast_in_dim3A_3 {strides = array<i32>} : memref<32768xi32, #tpu.memory_space<vmem>>, vector<16xi32>,
      %scan3A_38 = arith.constant 0 : i32
      %scan3A_39 = arith.constant 1 : i32
      %scan3A_40 = arith.addi %scan3A_33, %scan3A_39 : i32
      %mul3A_41 = arith.constant 16 : i32
      %mul3A_42 = arith.muli %scan3A_40, %mul3A_41 : i32
      %swap3A_43 = arith.index_cast %mul3A_42 : i32 to index
      %swap3A_44 = tpu.vector_load %arg5[%swap3A_43] {strides = array<i32>} : memref<32768xi32, #tpu.memory_space<vmem>>, vector<16xi32>,
      tpu.vector_store %arg5[%swap3A_43], %broadcast_in_dim3A_3 {strides = array<i32>} : memref<32768xi32, #tpu.memory_space<vmem>>, vector<16xi32>,
      %scan3A_45 = arith.constant 0 : i32
      %scan3A_46 = arith.constant 2 : i32
      %scan3A_47 = arith.addi %scan3A_33, %scan3A_46 : i32
      %mul3A_48 = arith.constant 16 : i32
      %mul3A_49 = arith.muli %scan3A_47, %mul3A_48 : i32
      %swap3A_50 = arith.index_cast %mul3A_49 : i32 to index
      %swap3A_51 = tpu.vector_load %arg5[%swap3A_50] {strides = array<i32>} : memref<32768xi32, #tpu.memory_space<vmem>>, vector<16xi32>,
      tpu.vector_store %arg5[%swap3A_50], %broadcast_in_dim3A_3 {strides = array<i32>} : memref<32768xi32, #tpu.memory_space<vmem>>, vector<16xi32>,
      %scan3A_52 = arith.constant 0 : i32
      %scan3A_53 = arith.constant 3 : i32
      %scan3A_54 = arith.addi %scan3A_33, %scan3A_53 : i32
      %mul3A_55 = arith.constant 16 : i32
      %mul3A_56 = arith.muli %scan3A_54, %mul3A_55 : i32
      %swap3A_57 = arith.index_cast %mul3A_56 : i32 to index
      %swap3A_58 = tpu.vector_load %arg5[%swap3A_57] {strides = array<i32>} : memref<32768xi32, #tpu.memory_space<vmem>>, vector<16xi32>,
      tpu.vector_store %arg5[%swap3A_57], %broadcast_in_dim3A_3 {strides = array<i32>} : memref<32768xi32, #tpu.memory_space<vmem>>, vector<16xi32>,
      %scan3A_59 = arith.constant 0 : i32
      %scan3A_60 = arith.constant 4 : i32
      %scan3A_61 = arith.addi %scan3A_33, %scan3A_60 : i32
      %mul3A_62 = arith.constant 16 : i32
      %mul3A_63 = arith.muli %scan3A_61, %mul3A_62 : i32
      %swap3A_64 = arith.index_cast %mul3A_63 : i32 to index
      %swap3A_65 = tpu.vector_load %arg5[%swap3A_64] {strides = array<i32>} : memref<32768xi32, #tpu.memory_space<vmem>>, vector<16xi32>,
      tpu.vector_store %arg5[%swap3A_64], %broadcast_in_dim3A_3 {strides = array<i32>} : memref<32768xi32, #tpu.memory_space<vmem>>, vector<16xi32>,
      %scan3A_66 = arith.constant 0 : i32
      %scan3A_67 = arith.constant 5 : i32
      %scan3A_68 = arith.addi %scan3A_33, %scan3A_67 : i32
      %mul3A_69 = arith.constant 16 : i32
      %mul3A_70 = arith.muli %scan3A_68, %mul3A_69 : i32
      %swap3A_71 = arith.index_cast %mul3A_70 : i32 to index
      %swap3A_72 = tpu.vector_load %arg5[%swap3A_71] {strides = array<i32>} : memref<32768xi32, #tpu.memory_space<vmem>>, vector<16xi32>,
      tpu.vector_store %arg5[%swap3A_71], %broadcast_in_dim3A_3 {strides = array<i32>} : memref<32768xi32, #tpu.memory_space<vmem>>, vector<16xi32>,
      %scan3A_73 = arith.constant 0 : i32
      %scan3A_74 = arith.constant 6 : i32
      %scan3A_75 = arith.addi %scan3A_33, %scan3A_74 : i32
      %mul3A_76 = arith.constant 16 : i32
      %mul3A_77 = arith.muli %scan3A_75, %mul3A_76 : i32
      %swap3A_78 = arith.index_cast %mul3A_77 : i32 to index
      %swap3A_79 = tpu.vector_load %arg5[%swap3A_78] {strides = array<i32>} : memref<32768xi32, #tpu.memory_space<vmem>>, vector<16xi32>,
      tpu.vector_store %arg5[%swap3A_78], %broadcast_in_dim3A_3 {strides = array<i32>} : memref<32768xi32, #tpu.memory_space<vmem>>, vector<16xi32>,
      %scan3A_80 = arith.constant 0 : i32
      %scan3A_81 = arith.constant 7 : i32
      %scan3A_82 = arith.addi %scan3A_33, %scan3A_81 : i32
      %mul3A_83 = arith.constant 16 : i32
      %mul3A_84 = arith.muli %scan3A_82, %mul3A_83 : i32
      %swap3A_85 = arith.index_cast %mul3A_84 : i32 to index
      %swap3A_86 = tpu.vector_load %arg5[%swap3A_85] {strides = array<i32>} : memref<32768xi32, #tpu.memory_space<vmem>>, vector<16xi32>,
      tpu.vector_store %arg5[%swap3A_85], %broadcast_in_dim3A_3 {strides = array<i32>} : memref<32768xi32, #tpu.memory_space<vmem>>, vector<16xi32>,
      %scan3A_87 = arith.constant 0 : i32
      scf.yield %scan3A_87 : i32
    }
    %scan3A_9 = arith.constant 2048 : i32
    %iota3A = tpu.iota {dimensions = array<i32: 0>} : vector<16xi32>
    %broadcast_in_dim3A_10 = arith.constant 1 : i32
    %broadcast_in_dim3A_11 = vector.broadcast %broadcast_in_dim3A_10 : i32 to vector<16xi32>
    %add3A_12 = arith.constant 0 : i32
    %add3A_13 = arith.addi %mul3A_2, %add3A_12 : i32
    %dma_start3A = arith.constant 0 : i32
    %dma_start3A_14 = arith.constant 0 : i32
    %dma_start3A_15 = arith.constant 0 : i32
    %dma_start3A_16 = tpu.memref_slice %arg4[%dma_start3A, %dma_start3A_14, %dma_start3A_15] : memref<2x4x4096xf32, #tpu.memory_space<vmem>> -> memref<1x4x4096xf32, #tpu.memory_space<vmem>>
    %dma_start3A_17 = tpu.memref_squeeze %dma_start3A_16 : memref<1x4x4096xf32, #tpu.memory_space<vmem>> -> memref<4x4096xf32, #tpu.memory_space<vmem>>
    %dma_start3A_18 = arith.constant 0 : i32
    %dma_start3A_19 = tpu.memref_slice %arg2[%add3A_13, %dma_start3A_18] : memref<4096x4096xf32, #tpu.memory_space<hbm>> -> memref<4x4096xf32, #tpu.memory_space<hbm>>
    %dma_start3A_20 = arith.constant 0 : i32
    %dma_start3A_21 = arith.constant 0 : i32
    %dma_start3A_22 = tpu.memref_slice %arg4[%dma_start3A, %dma_start3A_20, %dma_start3A_21] : memref<2x4x4096xf32, #tpu.memory_space<vmem>> -> memref<1x4x4096xf32, #tpu.memory_space<vmem>>
    %dma_start3A_23 = tpu.memref_squeeze %dma_start3A_22 : memref<1x4x4096xf32, #tpu.memory_space<vmem>> -> memref<4x4096xf32, #tpu.memory_space<vmem>>
    %dma_start3A_24 = arith.constant 0 : i32
    %dma_start3A_25 = tpu.memref_slice %arg2[%add3A_13, %dma_start3A_24] : memref<4096x4096xf32, #tpu.memory_space<hbm>> -> memref<4x4096xf32, #tpu.memory_space<hbm>>
    tpu.enqueue_dma source(%dma_start3A_25 : memref<4x4096xf32, #tpu.memory_space<hbm>>) target(%dma_start3A_23 : memref<4x4096xf32, #tpu.memory_space<vmem>>) target_semaphore(%arg7 : memref<!tpu.dma_semaphore, #tpu.memory_space<semaphore_mem>>)
    %scan3A_26 = arith.constant 0 : i32
    %scan3A_27 = arith.constant 0 : i32
    %scan3A_28 = arith.constant 16 : i32
    %scan3A_29 = arith.addi %scan3A_27, %scan3A_28 : i32
    %scan3A_30 = arith.constant 1 : i32
    %scan3A_31 = scf.for %scan3A_33 = %scan3A_27 to %scan3A_29 step %scan3A_30 iter_args(%scan3A_34 = %scan3A_26) -> (i32)  : i32 {
      %mul3A_35 = arith.constant 2 : i32
      %mul3A_36 = arith.muli %scan3A_33, %mul3A_35 : i32
      %add3A_37 = arith.constant 0 : i32
      %add3A_38 = arith.addi %mul3A_36, %add3A_37 : i32
      %add3A_39 = arith.constant 1 : i32
      %add3A_40 = arith.addi %add3A_38, %add3A_39 : i32
      %lt3A = arith.constant 32 : i32
      %lt3A_41 = arith.cmpi slt, %add3A_40, %lt3A : i32
      %convert_element_type3A = arith.extui %lt3A_41 : i1 to i32
      %cond3A = arith.constant 0 : i32
      %cond3A_42 = arith.cmpi ne, %convert_element_type3A, %cond3A : i32
      scf.if %cond3A_42 {
        %add3A_91 = arith.constant 1 : i32
        %add3A_92 = arith.addi %add3A_38, %add3A_91 : i32
        %mul3A_93 = arith.constant 4 : i32
        %mul3A_94 = arith.muli %add3A_92, %mul3A_93 : i32
        %add3A_95 = arith.addi %mul3A_2, %mul3A_94 : i32
        %dma_start3A_96 = arith.constant 1 : i32
        %dma_start3A_97 = arith.constant 0 : i32
        %dma_start3A_98 = arith.constant 0 : i32
        %dma_start3A_99 = tpu.memref_slice %arg4[%dma_start3A_96, %dma_start3A_97, %dma_start3A_98] : memref<2x4x4096xf32, #tpu.memory_space<vmem>> -> memref<1x4x4096xf32, #tpu.memory_space<vmem>>
        %dma_start3A_100 = tpu.memref_squeeze %dma_start3A_99 : memref<1x4x4096xf32, #tpu.memory_space<vmem>> -> memref<4x4096xf32, #tpu.memory_space<vmem>>
        %dma_start3A_101 = arith.constant 0 : i32
        %dma_start3A_102 = tpu.memref_slice %arg2[%add3A_95, %dma_start3A_101] : memref<4096x4096xf32, #tpu.memory_space<hbm>> -> memref<4x4096xf32, #tpu.memory_space<hbm>>
        %dma_start3A_103 = arith.constant 0 : i32
        %dma_start3A_104 = arith.constant 0 : i32
        %dma_start3A_105 = tpu.memref_slice %arg4[%dma_start3A_96, %dma_start3A_103, %dma_start3A_104] : memref<2x4x4096xf32, #tpu.memory_space<vmem>> -> memref<1x4x4096xf32, #tpu.memory_space<vmem>>
        %dma_start3A_106 = tpu.memref_squeeze %dma_start3A_105 : memref<1x4x4096xf32, #tpu.memory_space<vmem>> -> memref<4x4096xf32, #tpu.memory_space<vmem>>
        %dma_start3A_107 = arith.constant 0 : i32
        %dma_start3A_108 = tpu.memref_slice %arg2[%add3A_95, %dma_start3A_107] : memref<4096x4096xf32, #tpu.memory_space<hbm>> -> memref<4x4096xf32, #tpu.memory_space<hbm>>
        tpu.enqueue_dma source(%dma_start3A_108 : memref<4x4096xf32, #tpu.memory_space<hbm>>) target(%dma_start3A_106 : memref<4x4096xf32, #tpu.memory_space<vmem>>) target_semaphore(%arg8 : memref<!tpu.dma_semaphore, #tpu.memory_space<semaphore_mem>>)
      } else {
      }
      %mul3A_43 = arith.constant 4 : i32
      %mul3A_44 = arith.muli %add3A_38, %mul3A_43 : i32
      %add3A_45 = arith.addi %mul3A_2, %mul3A_44 : i32
      %dma_wait3A = arith.constant 0 : i32
      %dma_wait3A_46 = arith.constant 0 : i32
      %dma_wait3A_47 = arith.constant 0 : i32
      %dma_wait3A_48 = tpu.memref_slice %arg4[%dma_wait3A, %dma_wait3A_46, %dma_wait3A_47] : memref<2x4x4096xf32, #tpu.memory_space<vmem>> -> memref<1x4x4096xf32, #tpu.memory_space<vmem>>
      %dma_wait3A_49 = tpu.memref_squeeze %dma_wait3A_48 : memref<1x4x4096xf32, #tpu.memory_space<vmem>> -> memref<4x4096xf32, #tpu.memory_space<vmem>>
      %dma_wait3A_50 = arith.constant 0 : i32
      %dma_wait3A_51 = tpu.memref_slice %arg2[%add3A_45, %dma_wait3A_50] : memref<4096x4096xf32, #tpu.memory_space<hbm>> -> memref<4x4096xf32, #tpu.memory_space<hbm>>
      %dma_wait3A_52 = arith.constant 0 : i32
      %dma_wait3A_53 = arith.constant 0 : i32
      %dma_wait3A_54 = tpu.memref_slice %arg4[%dma_wait3A, %dma_wait3A_52, %dma_wait3A_53] : memref<2x4x4096xf32, #tpu.memory_space<vmem>> -> memref<1x4x4096xf32, #tpu.memory_space<vmem>>
      %dma_wait3A_55 = tpu.memref_squeeze %dma_wait3A_54 : memref<1x4x4096xf32, #tpu.memory_space<vmem>> -> memref<4x4096xf32, #tpu.memory_space<vmem>>
      %dma_wait3A_56 = arith.constant 0 : i32
      %dma_wait3A_57 = tpu.memref_slice %arg2[%add3A_45, %dma_wait3A_56] : memref<4096x4096xf32, #tpu.memory_space<hbm>> -> memref<4x4096xf32, #tpu.memory_space<hbm>>
      tpu.wait_dma2 semaphore(%arg7 : memref<!tpu.dma_semaphore, #tpu.memory_space<semaphore_mem>>) src(%dma_wait3A_57 : memref<4x4096xf32, #tpu.memory_space<hbm>>) dst(%dma_wait3A_55 : memref<4x4096xf32, #tpu.memory_space<vmem>>)
      %parallel_loop3A = arith.constant 0 : i32
      %parallel_loop3A_58 = arith.constant 4096 : i32
      %parallel_loop3A_59 = arith.constant 16 : i32
      scf.for %parallel_loop3A_91 = %parallel_loop3A to %parallel_loop3A_58 step %parallel_loop3A_59  : i32 {
        %parallel_loop3A_92 = arith.constant 0 : i32
        %parallel_loop3A_93 = arith.constant 0 : i32
        %parallel_loop3A_94 = arith.index_cast %parallel_loop3A_92 : i32 to index
        %parallel_loop3A_95 = arith.index_cast %parallel_loop3A_93 : i32 to index
        %parallel_loop3A_96 = arith.index_cast %parallel_loop3A_91 : i32 to index
        %parallel_loop3A_97 = tpu.vector_load %arg4[%parallel_loop3A_94, %parallel_loop3A_95, %parallel_loop3A_96] {strides = array<i32>} : memref<2x4x4096xf32, #tpu.memory_space<vmem>>, vector<16xf32>,
        %parallel_loop3A_98 = vector.bitcast %parallel_loop3A_97 : vector<16xf32> to vector<16xi32>
        %parallel_loop3A_99 = arith.constant 2146435072 : i32
        %parallel_loop3A_100 = vector.broadcast %parallel_loop3A_99 : i32 to vector<16xi32>
        %parallel_loop3A_101 = arith.andi %parallel_loop3A_98, %parallel_loop3A_100 : vector<16xi32>
        %parallel_loop3A_102 = arith.constant 16 : i32
        %parallel_loop3A_103 = vector.broadcast %parallel_loop3A_102 : i32 to vector<16xi32>
        %parallel_loop3A_104 = arith.shrui %parallel_loop3A_101, %parallel_loop3A_103 : vector<16xi32>
        %parallel_loop3A_105 = arith.ori %parallel_loop3A_104, %iota3A : vector<16xi32>
        tpu.vector_store_idx %arg5[%parallel_loop3A_105], %broadcast_in_dim3A_11 {add = true} : memref<32768xi32, #tpu.memory_space<vmem>>[vector<16xi32>], vector<16xi32>,
        %parallel_loop3A_106 = arith.constant 0 : i32
        %parallel_loop3A_107 = arith.constant 1 : i32
        %parallel_loop3A_108 = arith.index_cast %parallel_loop3A_106 : i32 to index
        %parallel_loop3A_109 = arith.index_cast %parallel_loop3A_107 : i32 to index
        %parallel_loop3A_110 = arith.index_cast %parallel_loop3A_91 : i32 to index
        %parallel_loop3A_111 = tpu.vector_load %arg4[%parallel_loop3A_108, %parallel_loop3A_109, %parallel_loop3A_110] {strides = array<i32>} : memref<2x4x4096xf32, #tpu.memory_space<vmem>>, vector<16xf32>,
        %parallel_loop3A_112 = vector.bitcast %parallel_loop3A_111 : vector<16xf32> to vector<16xi32>
        %parallel_loop3A_113 = arith.constant 2146435072 : i32
        %parallel_loop3A_114 = vector.broadcast %parallel_loop3A_113 : i32 to vector<16xi32>
        %parallel_loop3A_115 = arith.andi %parallel_loop3A_112, %parallel_loop3A_114 : vector<16xi32>
        %parallel_loop3A_116 = arith.constant 16 : i32
        %parallel_loop3A_117 = vector.broadcast %parallel_loop3A_116 : i32 to vector<16xi32>
        %parallel_loop3A_118 = arith.shrui %parallel_loop3A_115, %parallel_loop3A_117 : vector<16xi32>
        %parallel_loop3A_119 = arith.ori %parallel_loop3A_118, %iota3A : vector<16xi32>
        tpu.vector_store_idx %arg5[%parallel_loop3A_119], %broadcast_in_dim3A_11 {add = true} : memref<32768xi32, #tpu.memory_space<vmem>>[vector<16xi32>], vector<16xi32>,
        %parallel_loop3A_120 = arith.constant 0 : i32
        %parallel_loop3A_121 = arith.constant 2 : i32
        %parallel_loop3A_122 = arith.index_cast %parallel_loop3A_120 : i32 to index
        %parallel_loop3A_123 = arith.index_cast %parallel_loop3A_121 : i32 to index
        %parallel_loop3A_124 = arith.index_cast %parallel_loop3A_91 : i32 to index
        %parallel_loop3A_125 = tpu.vector_load %arg4[%parallel_loop3A_122, %parallel_loop3A_123, %parallel_loop3A_124] {strides = array<i32>} : memref<2x4x4096xf32, #tpu.memory_space<vmem>>, vector<16xf32>,
        %parallel_loop3A_126 = vector.bitcast %parallel_loop3A_125 : vector<16xf32> to vector<16xi32>
        %parallel_loop3A_127 = arith.constant 2146435072 : i32
        %parallel_loop3A_128 = vector.broadcast %parallel_loop3A_127 : i32 to vector<16xi32>
        %parallel_loop3A_129 = arith.andi %parallel_loop3A_126, %parallel_loop3A_128 : vector<16xi32>
        %parallel_loop3A_130 = arith.constant 16 : i32
        %parallel_loop3A_131 = vector.broadcast %parallel_loop3A_130 : i32 to vector<16xi32>
        %parallel_loop3A_132 = arith.shrui %parallel_loop3A_129, %parallel_loop3A_131 : vector<16xi32>
        %parallel_loop3A_133 = arith.ori %parallel_loop3A_132, %iota3A : vector<16xi32>
        tpu.vector_store_idx %arg5[%parallel_loop3A_133], %broadcast_in_dim3A_11 {add = true} : memref<32768xi32, #tpu.memory_space<vmem>>[vector<16xi32>], vector<16xi32>,
        %parallel_loop3A_134 = arith.constant 0 : i32
        %parallel_loop3A_135 = arith.constant 3 : i32
        %parallel_loop3A_136 = arith.index_cast %parallel_loop3A_134 : i32 to index
        %parallel_loop3A_137 = arith.index_cast %parallel_loop3A_135 : i32 to index
        %parallel_loop3A_138 = arith.index_cast %parallel_loop3A_91 : i32 to index
        %parallel_loop3A_139 = tpu.vector_load %arg4[%parallel_loop3A_136, %parallel_loop3A_137, %parallel_loop3A_138] {strides = array<i32>} : memref<2x4x4096xf32, #tpu.memory_space<vmem>>, vector<16xf32>,
        %parallel_loop3A_140 = vector.bitcast %parallel_loop3A_139 : vector<16xf32> to vector<16xi32>
        %parallel_loop3A_141 = arith.constant 2146435072 : i32
        %parallel_loop3A_142 = vector.broadcast %parallel_loop3A_141 : i32 to vector<16xi32>
        %parallel_loop3A_143 = arith.andi %parallel_loop3A_140, %parallel_loop3A_142 : vector<16xi32>
        %parallel_loop3A_144 = arith.constant 16 : i32
        %parallel_loop3A_145 = vector.broadcast %parallel_loop3A_144 : i32 to vector<16xi32>
        %parallel_loop3A_146 = arith.shrui %parallel_loop3A_143, %parallel_loop3A_145 : vector<16xi32>
        %parallel_loop3A_147 = arith.ori %parallel_loop3A_146, %iota3A : vector<16xi32>
        tpu.vector_store_idx %arg5[%parallel_loop3A_147], %broadcast_in_dim3A_11 {add = true} : memref<32768xi32, #tpu.memory_space<vmem>>[vector<16xi32>], vector<16xi32>,
      } {sc.loop_unroll_factor = 4 : i64, sc.parallel_access}
      %mul3A_60 = arith.constant 2 : i32
      %mul3A_61 = arith.muli %scan3A_33, %mul3A_60 : i32
      %add3A_62 = arith.constant 1 : i32
      %add3A_63 = arith.addi %mul3A_61, %add3A_62 : i32
      %add3A_64 = arith.constant 1 : i32
      %add3A_65 = arith.addi %add3A_63, %add3A_64 : i32
      %lt3A_66 = arith.constant 32 : i32
      %lt3A_67 = arith.cmpi slt, %add3A_65, %lt3A_66 : i32
      %convert_element_type3A_68 = arith.extui %lt3A_67 : i1 to i32
      %cond3A_69 = arith.constant 0 : i32
      %cond3A_70 = arith.cmpi ne, %convert_element_type3A_68, %cond3A_69 : i32
      scf.if %cond3A_70 {
        %add3A_91 = arith.constant 1 : i32
        %add3A_92 = arith.addi %add3A_63, %add3A_91 : i32
        %mul3A_93 = arith.constant 4 : i32
        %mul3A_94 = arith.muli %add3A_92, %mul3A_93 : i32
        %add3A_95 = arith.addi %mul3A_2, %mul3A_94 : i32
        %dma_start3A_96 = arith.constant 0 : i32
        %dma_start3A_97 = arith.constant 0 : i32
        %dma_start3A_98 = arith.constant 0 : i32
        %dma_start3A_99 = tpu.memref_slice %arg4[%dma_start3A_96, %dma_start3A_97, %dma_start3A_98] : memref<2x4x4096xf32, #tpu.memory_space<vmem>> -> memref<1x4x4096xf32, #tpu.memory_space<vmem>>
        %dma_start3A_100 = tpu.memref_squeeze %dma_start3A_99 : memref<1x4x4096xf32, #tpu.memory_space<vmem>> -> memref<4x4096xf32, #tpu.memory_space<vmem>>
        %dma_start3A_101 = arith.constant 0 : i32
        %dma_start3A_102 = tpu.memref_slice %arg2[%add3A_95, %dma_start3A_101] : memref<4096x4096xf32, #tpu.memory_space<hbm>> -> memref<4x4096xf32, #tpu.memory_space<hbm>>
        %dma_start3A_103 = arith.constant 0 : i32
        %dma_start3A_104 = arith.constant 0 : i32
        %dma_start3A_105 = tpu.memref_slice %arg4[%dma_start3A_96, %dma_start3A_103, %dma_start3A_104] : memref<2x4x4096xf32, #tpu.memory_space<vmem>> -> memref<1x4x4096xf32, #tpu.memory_space<vmem>>
        %dma_start3A_106 = tpu.memref_squeeze %dma_start3A_105 : memref<1x4x4096xf32, #tpu.memory_space<vmem>> -> memref<4x4096xf32, #tpu.memory_space<vmem>>
        %dma_start3A_107 = arith.constant 0 : i32
        %dma_start3A_108 = tpu.memref_slice %arg2[%add3A_95, %dma_start3A_107] : memref<4096x4096xf32, #tpu.memory_space<hbm>> -> memref<4x4096xf32, #tpu.memory_space<hbm>>
        tpu.enqueue_dma source(%dma_start3A_108 : memref<4x4096xf32, #tpu.memory_space<hbm>>) target(%dma_start3A_106 : memref<4x4096xf32, #tpu.memory_space<vmem>>) target_semaphore(%arg7 : memref<!tpu.dma_semaphore, #tpu.memory_space<semaphore_mem>>)
      } else {
      }
      %mul3A_71 = arith.constant 4 : i32
      %mul3A_72 = arith.muli %add3A_63, %mul3A_71 : i32
      %add3A_73 = arith.addi %mul3A_2, %mul3A_72 : i32
      %dma_wait3A_74 = arith.constant 1 : i32
      %dma_wait3A_75 = arith.constant 0 : i32
      %dma_wait3A_76 = arith.constant 0 : i32
      %dma_wait3A_77 = tpu.memref_slice %arg4[%dma_wait3A_74, %dma_wait3A_75, %dma_wait3A_76] : memref<2x4x4096xf32, #tpu.memory_space<vmem>> -> memref<1x4x4096xf32, #tpu.memory_space<vmem>>
      %dma_wait3A_78 = tpu.memref_squeeze %dma_wait3A_77 : memref<1x4x4096xf32, #tpu.memory_space<vmem>> -> memref<4x4096xf32, #tpu.memory_space<vmem>>
      %dma_wait3A_79 = arith.constant 0 : i32
      %dma_wait3A_80 = tpu.memref_slice %arg2[%add3A_73, %dma_wait3A_79] : memref<4096x4096xf32, #tpu.memory_space<hbm>> -> memref<4x4096xf32, #tpu.memory_space<hbm>>
      %dma_wait3A_81 = arith.constant 0 : i32
      %dma_wait3A_82 = arith.constant 0 : i32
      %dma_wait3A_83 = tpu.memref_slice %arg4[%dma_wait3A_74, %dma_wait3A_81, %dma_wait3A_82] : memref<2x4x4096xf32, #tpu.memory_space<vmem>> -> memref<1x4x4096xf32, #tpu.memory_space<vmem>>
      %dma_wait3A_84 = tpu.memref_squeeze %dma_wait3A_83 : memref<1x4x4096xf32, #tpu.memory_space<vmem>> -> memref<4x4096xf32, #tpu.memory_space<vmem>>
      %dma_wait3A_85 = arith.constant 0 : i32
      %dma_wait3A_86 = tpu.memref_slice %arg2[%add3A_73, %dma_wait3A_85] : memref<4096x4096xf32, #tpu.memory_space<hbm>> -> memref<4x4096xf32, #tpu.memory_space<hbm>>
      tpu.wait_dma2 semaphore(%arg8 : memref<!tpu.dma_semaphore, #tpu.memory_space<semaphore_mem>>) src(%dma_wait3A_86 : memref<4x4096xf32, #tpu.memory_space<hbm>>) dst(%dma_wait3A_84 : memref<4x4096xf32, #tpu.memory_space<vmem>>)
      %parallel_loop3A_87 = arith.constant 0 : i32
      %parallel_loop3A_88 = arith.constant 4096 : i32
      %parallel_loop3A_89 = arith.constant 16 : i32
      scf.for %parallel_loop3A_91 = %parallel_loop3A_87 to %parallel_loop3A_88 step %parallel_loop3A_89  : i32 {
        %parallel_loop3A_92 = arith.constant 1 : i32
        %parallel_loop3A_93 = arith.constant 0 : i32
        %parallel_loop3A_94 = arith.index_cast %parallel_loop3A_92 : i32 to index
        %parallel_loop3A_95 = arith.index_cast %parallel_loop3A_93 : i32 to index
        %parallel_loop3A_96 = arith.index_cast %parallel_loop3A_91 : i32 to index
        %parallel_loop3A_97 = tpu.vector_load %arg4[%parallel_loop3A_94, %parallel_loop3A_95, %parallel_loop3A_96] {strides = array<i32>} : memref<2x4x4096xf32, #tpu.memory_space<vmem>>, vector<16xf32>,
        %parallel_loop3A_98 = vector.bitcast %parallel_loop3A_97 : vector<16xf32> to vector<16xi32>
        %parallel_loop3A_99 = arith.constant 2146435072 : i32
        %parallel_loop3A_100 = vector.broadcast %parallel_loop3A_99 : i32 to vector<16xi32>
        %parallel_loop3A_101 = arith.andi %parallel_loop3A_98, %parallel_loop3A_100 : vector<16xi32>
        %parallel_loop3A_102 = arith.constant 16 : i32
        %parallel_loop3A_103 = vector.broadcast %parallel_loop3A_102 : i32 to vector<16xi32>
        %parallel_loop3A_104 = arith.shrui %parallel_loop3A_101, %parallel_loop3A_103 : vector<16xi32>
        %parallel_loop3A_105 = arith.ori %parallel_loop3A_104, %iota3A : vector<16xi32>
        tpu.vector_store_idx %arg5[%parallel_loop3A_105], %broadcast_in_dim3A_11 {add = true} : memref<32768xi32, #tpu.memory_space<vmem>>[vector<16xi32>], vector<16xi32>,
        %parallel_loop3A_106 = arith.constant 1 : i32
        %parallel_loop3A_107 = arith.constant 1 : i32
        %parallel_loop3A_108 = arith.index_cast %parallel_loop3A_106 : i32 to index
        %parallel_loop3A_109 = arith.index_cast %parallel_loop3A_107 : i32 to index
        %parallel_loop3A_110 = arith.index_cast %parallel_loop3A_91 : i32 to index
        %parallel_loop3A_111 = tpu.vector_load %arg4[%parallel_loop3A_108, %parallel_loop3A_109, %parallel_loop3A_110] {strides = array<i32>} : memref<2x4x4096xf32, #tpu.memory_space<vmem>>, vector<16xf32>,
        %parallel_loop3A_112 = vector.bitcast %parallel_loop3A_111 : vector<16xf32> to vector<16xi32>
        %parallel_loop3A_113 = arith.constant 2146435072 : i32
        %parallel_loop3A_114 = vector.broadcast %parallel_loop3A_113 : i32 to vector<16xi32>
        %parallel_loop3A_115 = arith.andi %parallel_loop3A_112, %parallel_loop3A_114 : vector<16xi32>
        %parallel_loop3A_116 = arith.constant 16 : i32
        %parallel_loop3A_117 = vector.broadcast %parallel_loop3A_116 : i32 to vector<16xi32>
        %parallel_loop3A_118 = arith.shrui %parallel_loop3A_115, %parallel_loop3A_117 : vector<16xi32>
        %parallel_loop3A_119 = arith.ori %parallel_loop3A_118, %iota3A : vector<16xi32>
        tpu.vector_store_idx %arg5[%parallel_loop3A_119], %broadcast_in_dim3A_11 {add = true} : memref<32768xi32, #tpu.memory_space<vmem>>[vector<16xi32>], vector<16xi32>,
        %parallel_loop3A_120 = arith.constant 1 : i32
        %parallel_loop3A_121 = arith.constant 2 : i32
        %parallel_loop3A_122 = arith.index_cast %parallel_loop3A_120 : i32 to index
        %parallel_loop3A_123 = arith.index_cast %parallel_loop3A_121 : i32 to index
        %parallel_loop3A_124 = arith.index_cast %parallel_loop3A_91 : i32 to index
        %parallel_loop3A_125 = tpu.vector_load %arg4[%parallel_loop3A_122, %parallel_loop3A_123, %parallel_loop3A_124] {strides = array<i32>} : memref<2x4x4096xf32, #tpu.memory_space<vmem>>, vector<16xf32>,
        %parallel_loop3A_126 = vector.bitcast %parallel_loop3A_125 : vector<16xf32> to vector<16xi32>
        %parallel_loop3A_127 = arith.constant 2146435072 : i32
        %parallel_loop3A_128 = vector.broadcast %parallel_loop3A_127 : i32 to vector<16xi32>
        %parallel_loop3A_129 = arith.andi %parallel_loop3A_126, %parallel_loop3A_128 : vector<16xi32>
        %parallel_loop3A_130 = arith.constant 16 : i32
        %parallel_loop3A_131 = vector.broadcast %parallel_loop3A_130 : i32 to vector<16xi32>
        %parallel_loop3A_132 = arith.shrui %parallel_loop3A_129, %parallel_loop3A_131 : vector<16xi32>
        %parallel_loop3A_133 = arith.ori %parallel_loop3A_132, %iota3A : vector<16xi32>
        tpu.vector_store_idx %arg5[%parallel_loop3A_133], %broadcast_in_dim3A_11 {add = true} : memref<32768xi32, #tpu.memory_space<vmem>>[vector<16xi32>], vector<16xi32>,
        %parallel_loop3A_134 = arith.constant 1 : i32
        %parallel_loop3A_135 = arith.constant 3 : i32
        %parallel_loop3A_136 = arith.index_cast %parallel_loop3A_134 : i32 to index
        %parallel_loop3A_137 = arith.index_cast %parallel_loop3A_135 : i32 to index
        %parallel_loop3A_138 = arith.index_cast %parallel_loop3A_91 : i32 to index
        %parallel_loop3A_139 = tpu.vector_load %arg4[%parallel_loop3A_136, %parallel_loop3A_137, %parallel_loop3A_138] {strides = array<i32>} : memref<2x4x4096xf32, #tpu.memory_space<vmem>>, vector<16xf32>,
        %parallel_loop3A_140 = vector.bitcast %parallel_loop3A_139 : vector<16xf32> to vector<16xi32>
        %parallel_loop3A_141 = arith.constant 2146435072 : i32
        %parallel_loop3A_142 = vector.broadcast %parallel_loop3A_141 : i32 to vector<16xi32>
        %parallel_loop3A_143 = arith.andi %parallel_loop3A_140, %parallel_loop3A_142 : vector<16xi32>
        %parallel_loop3A_144 = arith.constant 16 : i32
        %parallel_loop3A_145 = vector.broadcast %parallel_loop3A_144 : i32 to vector<16xi32>
        %parallel_loop3A_146 = arith.shrui %parallel_loop3A_143, %parallel_loop3A_145 : vector<16xi32>
        %parallel_loop3A_147 = arith.ori %parallel_loop3A_146, %iota3A : vector<16xi32>
        tpu.vector_store_idx %arg5[%parallel_loop3A_147], %broadcast_in_dim3A_11 {add = true} : memref<32768xi32, #tpu.memory_space<vmem>>[vector<16xi32>], vector<16xi32>,
      } {sc.loop_unroll_factor = 4 : i64, sc.parallel_access}
      %scan3A_90 = arith.constant 0 : i32
      scf.yield %scan3A_90 : i32
    }
    %scan3A_32 = arith.constant 16 : i32
    "tpu.region"() ({
      %run_scoped3A = tpu.sem_alloc : memref<!tpu.dma_semaphore, #tpu.memory_space<semaphore_mem>>
      %dma_start3A_33 = arith.constant 0 : i32
      %dma_start3A_34 = tpu.memref_slice %arg3[%add3A, %dma_start3A_33] : memref<32x32768xi32, #tpu.memory_space<hbm>> -> memref<1x32768xi32, #tpu.memory_space<hbm>>
      %dma_start3A_35 = tpu.memref_squeeze %dma_start3A_34 : memref<1x32768xi32, #tpu.memory_space<hbm>> -> memref<32768xi32, #tpu.memory_space<hbm>>
      %dma_start3A_36 = arith.constant 0 : i32
      %dma_start3A_37 = tpu.memref_slice %arg3[%add3A, %dma_start3A_36] : memref<32x32768xi32, #tpu.memory_space<hbm>> -> memref<1x32768xi32, #tpu.memory_space<hbm>>
      %dma_start3A_38 = tpu.memref_squeeze %dma_start3A_37 : memref<1x32768xi32, #tpu.memory_space<hbm>> -> memref<32768xi32, #tpu.memory_space<hbm>>
      tpu.enqueue_dma source(%arg5 : memref<32768xi32, #tpu.memory_space<vmem>>) target(%dma_start3A_38 : memref<32768xi32, #tpu.memory_space<hbm>>) target_semaphore(%run_scoped3A : memref<!tpu.dma_semaphore, #tpu.memory_space<semaphore_mem>>)
      %dma_wait3A = arith.constant 0 : i32
      %dma_wait3A_39 = tpu.memref_slice %arg3[%add3A, %dma_wait3A] : memref<32x32768xi32, #tpu.memory_space<hbm>> -> memref<1x32768xi32, #tpu.memory_space<hbm>>
      %dma_wait3A_40 = tpu.memref_squeeze %dma_wait3A_39 : memref<1x32768xi32, #tpu.memory_space<hbm>> -> memref<32768xi32, #tpu.memory_space<hbm>>
      %dma_wait3A_41 = arith.constant 0 : i32
      %dma_wait3A_42 = tpu.memref_slice %arg3[%add3A, %dma_wait3A_41] : memref<32x32768xi32, #tpu.memory_space<hbm>> -> memref<1x32768xi32, #tpu.memory_space<hbm>>
      %dma_wait3A_43 = tpu.memref_squeeze %dma_wait3A_42 : memref<1x32768xi32, #tpu.memory_space<hbm>> -> memref<32768xi32, #tpu.memory_space<hbm>>
      tpu.wait_dma2 semaphore(%run_scoped3A : memref<!tpu.dma_semaphore, #tpu.memory_space<semaphore_mem>>) src(%arg5 : memref<32768xi32, #tpu.memory_space<vmem>>) dst(%dma_wait3A_43 : memref<32768xi32, #tpu.memory_space<hbm>>)
      tpu.yield
    }) : () -> ()
    return
  }
}

#map = affine_map<(d0, d1) -> (0, 0)>
#map1 = affine_map<(d0, d1) -> (0)>
module attributes {stable_mosaic.version = 14 : i64} {
  func.func @body(%arg0: i32, %arg1: i32, %arg2: memref<4096x4096xf32, #tpu.memory_space<hbm>>, %arg3: memref<16xi32, #tpu.memory_space<hbm>>, %arg4: memref<32x32768xi32, #tpu.memory_space<hbm>>, %arg5: memref<2x4x4096xf32, #tpu.memory_space<vmem>>, %arg6: memref<32768xi32, #tpu.memory_space<vmem>>, %arg7: memref<16xi32, #tpu.memory_space<vmem>>, %arg8: memref<!tpu.dma_semaphore, #tpu.memory_space<semaphore_mem>>, %arg9: memref<!tpu.dma_semaphore, #tpu.memory_space<semaphore_mem>>) attributes {dimension_semantics = [#tpu.dimension_semantics<core_parallel>, #tpu.dimension_semantics<subcore_parallel>], iteration_bounds = array<i64: 2, 16>, scalar_prefetch = 0 : i64, scratch_operands = 5 : i64, tpu.core_type = #tpu.core_type<sc_vector_subcore>, window_params = [{transform_indices = #map}, {transform_indices = #map1}, {transform_indices = #map}]} {
    %mul3A = arith.constant 2 : i32
    %mul3A_0 = arith.muli %arg1, %mul3A : i32
    %add3A = arith.addi %mul3A_0, %arg0 : i32
    %mul3A_1 = arith.constant 128 : i32
    %mul3A_2 = arith.muli %add3A, %mul3A_1 : i32
    %broadcast_in_dim3A = arith.constant 0 : i32
    %broadcast_in_dim3A_3 = vector.broadcast %broadcast_in_dim3A : i32 to vector<16xi32>
    %scan3A = arith.constant 0 : i32
    %scan3A_4 = arith.constant 0 : i32
    %scan3A_5 = arith.constant 2048 : i32
    %scan3A_6 = arith.addi %scan3A_4, %scan3A_5 : i32
    %scan3A_7 = arith.constant 8 : i32
    %scan3A_8 = scf.for %scan3A_34 = %scan3A_4 to %scan3A_6 step %scan3A_7 iter_args(%scan3A_35 = %scan3A) -> (i32)  : i32 {
      %mul3A_36 = arith.constant 16 : i32
      %mul3A_37 = arith.muli %scan3A_34, %mul3A_36 : i32
      %swap3A = arith.index_cast %mul3A_37 : i32 to index
      %swap3A_38 = tpu.vector_load %arg6[%swap3A] {strides = array<i32>} : memref<32768xi32, #tpu.memory_space<vmem>>, vector<16xi32>,
      tpu.vector_store %arg6[%swap3A], %broadcast_in_dim3A_3 {strides = array<i32>} : memref<32768xi32, #tpu.memory_space<vmem>>, vector<16xi32>,
      %scan3A_39 = arith.constant 0 : i32
      %scan3A_40 = arith.constant 1 : i32
      %scan3A_41 = arith.addi %scan3A_34, %scan3A_40 : i32
      %mul3A_42 = arith.constant 16 : i32
      %mul3A_43 = arith.muli %scan3A_41, %mul3A_42 : i32
      %swap3A_44 = arith.index_cast %mul3A_43 : i32 to index
      %swap3A_45 = tpu.vector_load %arg6[%swap3A_44] {strides = array<i32>} : memref<32768xi32, #tpu.memory_space<vmem>>, vector<16xi32>,
      tpu.vector_store %arg6[%swap3A_44], %broadcast_in_dim3A_3 {strides = array<i32>} : memref<32768xi32, #tpu.memory_space<vmem>>, vector<16xi32>,
      %scan3A_46 = arith.constant 0 : i32
      %scan3A_47 = arith.constant 2 : i32
      %scan3A_48 = arith.addi %scan3A_34, %scan3A_47 : i32
      %mul3A_49 = arith.constant 16 : i32
      %mul3A_50 = arith.muli %scan3A_48, %mul3A_49 : i32
      %swap3A_51 = arith.index_cast %mul3A_50 : i32 to index
      %swap3A_52 = tpu.vector_load %arg6[%swap3A_51] {strides = array<i32>} : memref<32768xi32, #tpu.memory_space<vmem>>, vector<16xi32>,
      tpu.vector_store %arg6[%swap3A_51], %broadcast_in_dim3A_3 {strides = array<i32>} : memref<32768xi32, #tpu.memory_space<vmem>>, vector<16xi32>,
      %scan3A_53 = arith.constant 0 : i32
      %scan3A_54 = arith.constant 3 : i32
      %scan3A_55 = arith.addi %scan3A_34, %scan3A_54 : i32
      %mul3A_56 = arith.constant 16 : i32
      %mul3A_57 = arith.muli %scan3A_55, %mul3A_56 : i32
      %swap3A_58 = arith.index_cast %mul3A_57 : i32 to index
      %swap3A_59 = tpu.vector_load %arg6[%swap3A_58] {strides = array<i32>} : memref<32768xi32, #tpu.memory_space<vmem>>, vector<16xi32>,
      tpu.vector_store %arg6[%swap3A_58], %broadcast_in_dim3A_3 {strides = array<i32>} : memref<32768xi32, #tpu.memory_space<vmem>>, vector<16xi32>,
      %scan3A_60 = arith.constant 0 : i32
      %scan3A_61 = arith.constant 4 : i32
      %scan3A_62 = arith.addi %scan3A_34, %scan3A_61 : i32
      %mul3A_63 = arith.constant 16 : i32
      %mul3A_64 = arith.muli %scan3A_62, %mul3A_63 : i32
      %swap3A_65 = arith.index_cast %mul3A_64 : i32 to index
      %swap3A_66 = tpu.vector_load %arg6[%swap3A_65] {strides = array<i32>} : memref<32768xi32, #tpu.memory_space<vmem>>, vector<16xi32>,
      tpu.vector_store %arg6[%swap3A_65], %broadcast_in_dim3A_3 {strides = array<i32>} : memref<32768xi32, #tpu.memory_space<vmem>>, vector<16xi32>,
      %scan3A_67 = arith.constant 0 : i32
      %scan3A_68 = arith.constant 5 : i32
      %scan3A_69 = arith.addi %scan3A_34, %scan3A_68 : i32
      %mul3A_70 = arith.constant 16 : i32
      %mul3A_71 = arith.muli %scan3A_69, %mul3A_70 : i32
      %swap3A_72 = arith.index_cast %mul3A_71 : i32 to index
      %swap3A_73 = tpu.vector_load %arg6[%swap3A_72] {strides = array<i32>} : memref<32768xi32, #tpu.memory_space<vmem>>, vector<16xi32>,
      tpu.vector_store %arg6[%swap3A_72], %broadcast_in_dim3A_3 {strides = array<i32>} : memref<32768xi32, #tpu.memory_space<vmem>>, vector<16xi32>,
      %scan3A_74 = arith.constant 0 : i32
      %scan3A_75 = arith.constant 6 : i32
      %scan3A_76 = arith.addi %scan3A_34, %scan3A_75 : i32
      %mul3A_77 = arith.constant 16 : i32
      %mul3A_78 = arith.muli %scan3A_76, %mul3A_77 : i32
      %swap3A_79 = arith.index_cast %mul3A_78 : i32 to index
      %swap3A_80 = tpu.vector_load %arg6[%swap3A_79] {strides = array<i32>} : memref<32768xi32, #tpu.memory_space<vmem>>, vector<16xi32>,
      tpu.vector_store %arg6[%swap3A_79], %broadcast_in_dim3A_3 {strides = array<i32>} : memref<32768xi32, #tpu.memory_space<vmem>>, vector<16xi32>,
      %scan3A_81 = arith.constant 0 : i32
      %scan3A_82 = arith.constant 7 : i32
      %scan3A_83 = arith.addi %scan3A_34, %scan3A_82 : i32
      %mul3A_84 = arith.constant 16 : i32
      %mul3A_85 = arith.muli %scan3A_83, %mul3A_84 : i32
      %swap3A_86 = arith.index_cast %mul3A_85 : i32 to index
      %swap3A_87 = tpu.vector_load %arg6[%swap3A_86] {strides = array<i32>} : memref<32768xi32, #tpu.memory_space<vmem>>, vector<16xi32>,
      tpu.vector_store %arg6[%swap3A_86], %broadcast_in_dim3A_3 {strides = array<i32>} : memref<32768xi32, #tpu.memory_space<vmem>>, vector<16xi32>,
      %scan3A_88 = arith.constant 0 : i32
      scf.yield %scan3A_88 : i32
    }
    %scan3A_9 = arith.constant 2048 : i32
    "tpu.region"() ({
      %run_scoped3A = tpu.sem_alloc : memref<!tpu.dma_semaphore, #tpu.memory_space<semaphore_mem>>
      tpu.enqueue_dma source(%arg3 : memref<16xi32, #tpu.memory_space<hbm>>) target(%arg7 : memref<16xi32, #tpu.memory_space<vmem>>) target_semaphore(%run_scoped3A : memref<!tpu.dma_semaphore, #tpu.memory_space<semaphore_mem>>)
      tpu.wait_dma2 semaphore(%run_scoped3A : memref<!tpu.dma_semaphore, #tpu.memory_space<semaphore_mem>>) src(%arg3 : memref<16xi32, #tpu.memory_space<hbm>>) dst(%arg7 : memref<16xi32, #tpu.memory_space<vmem>>)
      tpu.yield
    }) : () -> ()
    %get3A = arith.constant 0 : index
    %get3A_10 = tpu.vector_load %arg7[%get3A] {strides = array<i32>} : memref<16xi32, #tpu.memory_space<vmem>>, vector<16xi32>,
    %iota3A = tpu.iota {dimensions = array<i32: 0>} : vector<16xi32>
    %broadcast_in_dim3A_11 = arith.constant 1 : i32
    %broadcast_in_dim3A_12 = vector.broadcast %broadcast_in_dim3A_11 : i32 to vector<16xi32>
    %add3A_13 = arith.constant 0 : i32
    %add3A_14 = arith.addi %mul3A_2, %add3A_13 : i32
    %dma_start3A = arith.constant 0 : i32
    %dma_start3A_15 = arith.constant 0 : i32
    %dma_start3A_16 = arith.constant 0 : i32
    %dma_start3A_17 = tpu.memref_slice %arg5[%dma_start3A, %dma_start3A_15, %dma_start3A_16] : memref<2x4x4096xf32, #tpu.memory_space<vmem>> -> memref<1x4x4096xf32, #tpu.memory_space<vmem>>
    %dma_start3A_18 = tpu.memref_squeeze %dma_start3A_17 : memref<1x4x4096xf32, #tpu.memory_space<vmem>> -> memref<4x4096xf32, #tpu.memory_space<vmem>>
    %dma_start3A_19 = arith.constant 0 : i32
    %dma_start3A_20 = tpu.memref_slice %arg2[%add3A_14, %dma_start3A_19] : memref<4096x4096xf32, #tpu.memory_space<hbm>> -> memref<4x4096xf32, #tpu.memory_space<hbm>>
    %dma_start3A_21 = arith.constant 0 : i32
    %dma_start3A_22 = arith.constant 0 : i32
    %dma_start3A_23 = tpu.memref_slice %arg5[%dma_start3A, %dma_start3A_21, %dma_start3A_22] : memref<2x4x4096xf32, #tpu.memory_space<vmem>> -> memref<1x4x4096xf32, #tpu.memory_space<vmem>>
    %dma_start3A_24 = tpu.memref_squeeze %dma_start3A_23 : memref<1x4x4096xf32, #tpu.memory_space<vmem>> -> memref<4x4096xf32, #tpu.memory_space<vmem>>
    %dma_start3A_25 = arith.constant 0 : i32
    %dma_start3A_26 = tpu.memref_slice %arg2[%add3A_14, %dma_start3A_25] : memref<4096x4096xf32, #tpu.memory_space<hbm>> -> memref<4x4096xf32, #tpu.memory_space<hbm>>
    tpu.enqueue_dma source(%dma_start3A_26 : memref<4x4096xf32, #tpu.memory_space<hbm>>) target(%dma_start3A_24 : memref<4x4096xf32, #tpu.memory_space<vmem>>) target_semaphore(%arg8 : memref<!tpu.dma_semaphore, #tpu.memory_space<semaphore_mem>>)
    %scan3A_27 = arith.constant 0 : i32
    %scan3A_28 = arith.constant 0 : i32
    %scan3A_29 = arith.constant 16 : i32
    %scan3A_30 = arith.addi %scan3A_28, %scan3A_29 : i32
    %scan3A_31 = arith.constant 1 : i32
    %scan3A_32 = scf.for %scan3A_34 = %scan3A_28 to %scan3A_30 step %scan3A_31 iter_args(%scan3A_35 = %scan3A_27) -> (i32)  : i32 {
      %mul3A_36 = arith.constant 2 : i32
      %mul3A_37 = arith.muli %scan3A_34, %mul3A_36 : i32
      %add3A_38 = arith.constant 0 : i32
      %add3A_39 = arith.addi %mul3A_37, %add3A_38 : i32
      %add3A_40 = arith.constant 1 : i32
      %add3A_41 = arith.addi %add3A_39, %add3A_40 : i32
      %lt3A = arith.constant 32 : i32
      %lt3A_42 = arith.cmpi slt, %add3A_41, %lt3A : i32
      %convert_element_type3A = arith.extui %lt3A_42 : i1 to i32
      %cond3A = arith.constant 0 : i32
      %cond3A_43 = arith.cmpi ne, %convert_element_type3A, %cond3A : i32
      scf.if %cond3A_43 {
        %add3A_92 = arith.constant 1 : i32
        %add3A_93 = arith.addi %add3A_39, %add3A_92 : i32
        %mul3A_94 = arith.constant 4 : i32
        %mul3A_95 = arith.muli %add3A_93, %mul3A_94 : i32
        %add3A_96 = arith.addi %mul3A_2, %mul3A_95 : i32
        %dma_start3A_97 = arith.constant 1 : i32
        %dma_start3A_98 = arith.constant 0 : i32
        %dma_start3A_99 = arith.constant 0 : i32
        %dma_start3A_100 = tpu.memref_slice %arg5[%dma_start3A_97, %dma_start3A_98, %dma_start3A_99] : memref<2x4x4096xf32, #tpu.memory_space<vmem>> -> memref<1x4x4096xf32, #tpu.memory_space<vmem>>
        %dma_start3A_101 = tpu.memref_squeeze %dma_start3A_100 : memref<1x4x4096xf32, #tpu.memory_space<vmem>> -> memref<4x4096xf32, #tpu.memory_space<vmem>>
        %dma_start3A_102 = arith.constant 0 : i32
        %dma_start3A_103 = tpu.memref_slice %arg2[%add3A_96, %dma_start3A_102] : memref<4096x4096xf32, #tpu.memory_space<hbm>> -> memref<4x4096xf32, #tpu.memory_space<hbm>>
        %dma_start3A_104 = arith.constant 0 : i32
        %dma_start3A_105 = arith.constant 0 : i32
        %dma_start3A_106 = tpu.memref_slice %arg5[%dma_start3A_97, %dma_start3A_104, %dma_start3A_105] : memref<2x4x4096xf32, #tpu.memory_space<vmem>> -> memref<1x4x4096xf32, #tpu.memory_space<vmem>>
        %dma_start3A_107 = tpu.memref_squeeze %dma_start3A_106 : memref<1x4x4096xf32, #tpu.memory_space<vmem>> -> memref<4x4096xf32, #tpu.memory_space<vmem>>
        %dma_start3A_108 = arith.constant 0 : i32
        %dma_start3A_109 = tpu.memref_slice %arg2[%add3A_96, %dma_start3A_108] : memref<4096x4096xf32, #tpu.memory_space<hbm>> -> memref<4x4096xf32, #tpu.memory_space<hbm>>
        tpu.enqueue_dma source(%dma_start3A_109 : memref<4x4096xf32, #tpu.memory_space<hbm>>) target(%dma_start3A_107 : memref<4x4096xf32, #tpu.memory_space<vmem>>) target_semaphore(%arg9 : memref<!tpu.dma_semaphore, #tpu.memory_space<semaphore_mem>>)
      } else {
      }
      %mul3A_44 = arith.constant 4 : i32
      %mul3A_45 = arith.muli %add3A_39, %mul3A_44 : i32
      %add3A_46 = arith.addi %mul3A_2, %mul3A_45 : i32
      %dma_wait3A = arith.constant 0 : i32
      %dma_wait3A_47 = arith.constant 0 : i32
      %dma_wait3A_48 = arith.constant 0 : i32
      %dma_wait3A_49 = tpu.memref_slice %arg5[%dma_wait3A, %dma_wait3A_47, %dma_wait3A_48] : memref<2x4x4096xf32, #tpu.memory_space<vmem>> -> memref<1x4x4096xf32, #tpu.memory_space<vmem>>
      %dma_wait3A_50 = tpu.memref_squeeze %dma_wait3A_49 : memref<1x4x4096xf32, #tpu.memory_space<vmem>> -> memref<4x4096xf32, #tpu.memory_space<vmem>>
      %dma_wait3A_51 = arith.constant 0 : i32
      %dma_wait3A_52 = tpu.memref_slice %arg2[%add3A_46, %dma_wait3A_51] : memref<4096x4096xf32, #tpu.memory_space<hbm>> -> memref<4x4096xf32, #tpu.memory_space<hbm>>
      %dma_wait3A_53 = arith.constant 0 : i32
      %dma_wait3A_54 = arith.constant 0 : i32
      %dma_wait3A_55 = tpu.memref_slice %arg5[%dma_wait3A, %dma_wait3A_53, %dma_wait3A_54] : memref<2x4x4096xf32, #tpu.memory_space<vmem>> -> memref<1x4x4096xf32, #tpu.memory_space<vmem>>
      %dma_wait3A_56 = tpu.memref_squeeze %dma_wait3A_55 : memref<1x4x4096xf32, #tpu.memory_space<vmem>> -> memref<4x4096xf32, #tpu.memory_space<vmem>>
      %dma_wait3A_57 = arith.constant 0 : i32
      %dma_wait3A_58 = tpu.memref_slice %arg2[%add3A_46, %dma_wait3A_57] : memref<4096x4096xf32, #tpu.memory_space<hbm>> -> memref<4x4096xf32, #tpu.memory_space<hbm>>
      tpu.wait_dma2 semaphore(%arg8 : memref<!tpu.dma_semaphore, #tpu.memory_space<semaphore_mem>>) src(%dma_wait3A_58 : memref<4x4096xf32, #tpu.memory_space<hbm>>) dst(%dma_wait3A_56 : memref<4x4096xf32, #tpu.memory_space<vmem>>)
      %parallel_loop3A = arith.constant 0 : i32
      %parallel_loop3A_59 = arith.constant 4096 : i32
      %parallel_loop3A_60 = arith.constant 16 : i32
      scf.for %parallel_loop3A_92 = %parallel_loop3A to %parallel_loop3A_59 step %parallel_loop3A_60  : i32 {
        %parallel_loop3A_93 = arith.constant 0 : i32
        %parallel_loop3A_94 = arith.constant 0 : i32
        %parallel_loop3A_95 = arith.index_cast %parallel_loop3A_93 : i32 to index
        %parallel_loop3A_96 = arith.index_cast %parallel_loop3A_94 : i32 to index
        %parallel_loop3A_97 = arith.index_cast %parallel_loop3A_92 : i32 to index
        %parallel_loop3A_98 = tpu.vector_load %arg5[%parallel_loop3A_95, %parallel_loop3A_96, %parallel_loop3A_97] {strides = array<i32>} : memref<2x4x4096xf32, #tpu.memory_space<vmem>>, vector<16xf32>,
        %parallel_loop3A_99 = vector.bitcast %parallel_loop3A_98 : vector<16xf32> to vector<16xi32>
        %parallel_loop3A_100 = arith.constant 1048064 : i32
        %parallel_loop3A_101 = vector.broadcast %parallel_loop3A_100 : i32 to vector<16xi32>
        %parallel_loop3A_102 = arith.andi %parallel_loop3A_99, %parallel_loop3A_101 : vector<16xi32>
        %parallel_loop3A_103 = arith.constant 5 : i32
        %parallel_loop3A_104 = vector.broadcast %parallel_loop3A_103 : i32 to vector<16xi32>
        %parallel_loop3A_105 = arith.shrui %parallel_loop3A_102, %parallel_loop3A_104 : vector<16xi32>
        %parallel_loop3A_106 = arith.ori %parallel_loop3A_105, %iota3A : vector<16xi32>
        %parallel_loop3A_107 = arith.constant 2147483647 : i32
        %parallel_loop3A_108 = vector.broadcast %parallel_loop3A_107 : i32 to vector<16xi32>
        %parallel_loop3A_109 = arith.andi %parallel_loop3A_99, %parallel_loop3A_108 : vector<16xi32>
        %parallel_loop3A_110 = arith.constant 20 : i32
        %parallel_loop3A_111 = vector.broadcast %parallel_loop3A_110 : i32 to vector<16xi32>
        %parallel_loop3A_112 = arith.shrui %parallel_loop3A_109, %parallel_loop3A_111 : vector<16xi32>
        %parallel_loop3A_113 = arith.cmpi eq, %parallel_loop3A_112, %get3A_10 : vector<16xi32>
        tpu.vector_store_idx %arg6[%parallel_loop3A_106], %broadcast_in_dim3A_12 masked %parallel_loop3A_113 {add = true} : memref<32768xi32, #tpu.memory_space<vmem>>[vector<16xi32>], vector<16xi32>, vector<16xi1>
        %parallel_loop3A_114 = arith.constant 0 : i32
        %parallel_loop3A_115 = arith.constant 1 : i32
        %parallel_loop3A_116 = arith.index_cast %parallel_loop3A_114 : i32 to index
        %parallel_loop3A_117 = arith.index_cast %parallel_loop3A_115 : i32 to index
        %parallel_loop3A_118 = arith.index_cast %parallel_loop3A_92 : i32 to index
        %parallel_loop3A_119 = tpu.vector_load %arg5[%parallel_loop3A_116, %parallel_loop3A_117, %parallel_loop3A_118] {strides = array<i32>} : memref<2x4x4096xf32, #tpu.memory_space<vmem>>, vector<16xf32>,
        %parallel_loop3A_120 = vector.bitcast %parallel_loop3A_119 : vector<16xf32> to vector<16xi32>
        %parallel_loop3A_121 = arith.constant 1048064 : i32
        %parallel_loop3A_122 = vector.broadcast %parallel_loop3A_121 : i32 to vector<16xi32>
        %parallel_loop3A_123 = arith.andi %parallel_loop3A_120, %parallel_loop3A_122 : vector<16xi32>
        %parallel_loop3A_124 = arith.constant 5 : i32
        %parallel_loop3A_125 = vector.broadcast %parallel_loop3A_124 : i32 to vector<16xi32>
        %parallel_loop3A_126 = arith.shrui %parallel_loop3A_123, %parallel_loop3A_125 : vector<16xi32>
        %parallel_loop3A_127 = arith.ori %parallel_loop3A_126, %iota3A : vector<16xi32>
        %parallel_loop3A_128 = arith.constant 2147483647 : i32
        %parallel_loop3A_129 = vector.broadcast %parallel_loop3A_128 : i32 to vector<16xi32>
        %parallel_loop3A_130 = arith.andi %parallel_loop3A_120, %parallel_loop3A_129 : vector<16xi32>
        %parallel_loop3A_131 = arith.constant 20 : i32
        %parallel_loop3A_132 = vector.broadcast %parallel_loop3A_131 : i32 to vector<16xi32>
        %parallel_loop3A_133 = arith.shrui %parallel_loop3A_130, %parallel_loop3A_132 : vector<16xi32>
        %parallel_loop3A_134 = arith.cmpi eq, %parallel_loop3A_133, %get3A_10 : vector<16xi32>
        tpu.vector_store_idx %arg6[%parallel_loop3A_127], %broadcast_in_dim3A_12 masked %parallel_loop3A_134 {add = true} : memref<32768xi32, #tpu.memory_space<vmem>>[vector<16xi32>], vector<16xi32>, vector<16xi1>
        %parallel_loop3A_135 = arith.constant 0 : i32
        %parallel_loop3A_136 = arith.constant 2 : i32
        %parallel_loop3A_137 = arith.index_cast %parallel_loop3A_135 : i32 to index
        %parallel_loop3A_138 = arith.index_cast %parallel_loop3A_136 : i32 to index
        %parallel_loop3A_139 = arith.index_cast %parallel_loop3A_92 : i32 to index
        %parallel_loop3A_140 = tpu.vector_load %arg5[%parallel_loop3A_137, %parallel_loop3A_138, %parallel_loop3A_139] {strides = array<i32>} : memref<2x4x4096xf32, #tpu.memory_space<vmem>>, vector<16xf32>,
        %parallel_loop3A_141 = vector.bitcast %parallel_loop3A_140 : vector<16xf32> to vector<16xi32>
        %parallel_loop3A_142 = arith.constant 1048064 : i32
        %parallel_loop3A_143 = vector.broadcast %parallel_loop3A_142 : i32 to vector<16xi32>
        %parallel_loop3A_144 = arith.andi %parallel_loop3A_141, %parallel_loop3A_143 : vector<16xi32>
        %parallel_loop3A_145 = arith.constant 5 : i32
        %parallel_loop3A_146 = vector.broadcast %parallel_loop3A_145 : i32 to vector<16xi32>
        %parallel_loop3A_147 = arith.shrui %parallel_loop3A_144, %parallel_loop3A_146 : vector<16xi32>
        %parallel_loop3A_148 = arith.ori %parallel_loop3A_147, %iota3A : vector<16xi32>
        %parallel_loop3A_149 = arith.constant 2147483647 : i32
        %parallel_loop3A_150 = vector.broadcast %parallel_loop3A_149 : i32 to vector<16xi32>
        %parallel_loop3A_151 = arith.andi %parallel_loop3A_141, %parallel_loop3A_150 : vector<16xi32>
        %parallel_loop3A_152 = arith.constant 20 : i32
        %parallel_loop3A_153 = vector.broadcast %parallel_loop3A_152 : i32 to vector<16xi32>
        %parallel_loop3A_154 = arith.shrui %parallel_loop3A_151, %parallel_loop3A_153 : vector<16xi32>
        %parallel_loop3A_155 = arith.cmpi eq, %parallel_loop3A_154, %get3A_10 : vector<16xi32>
        tpu.vector_store_idx %arg6[%parallel_loop3A_148], %broadcast_in_dim3A_12 masked %parallel_loop3A_155 {add = true} : memref<32768xi32, #tpu.memory_space<vmem>>[vector<16xi32>], vector<16xi32>, vector<16xi1>
        %parallel_loop3A_156 = arith.constant 0 : i32
        %parallel_loop3A_157 = arith.constant 3 : i32
        %parallel_loop3A_158 = arith.index_cast %parallel_loop3A_156 : i32 to index
        %parallel_loop3A_159 = arith.index_cast %parallel_loop3A_157 : i32 to index
        %parallel_loop3A_160 = arith.index_cast %parallel_loop3A_92 : i32 to index
        %parallel_loop3A_161 = tpu.vector_load %arg5[%parallel_loop3A_158, %parallel_loop3A_159, %parallel_loop3A_160] {strides = array<i32>} : memref<2x4x4096xf32, #tpu.memory_space<vmem>>, vector<16xf32>,
        %parallel_loop3A_162 = vector.bitcast %parallel_loop3A_161 : vector<16xf32> to vector<16xi32>
        %parallel_loop3A_163 = arith.constant 1048064 : i32
        %parallel_loop3A_164 = vector.broadcast %parallel_loop3A_163 : i32 to vector<16xi32>
        %parallel_loop3A_165 = arith.andi %parallel_loop3A_162, %parallel_loop3A_164 : vector<16xi32>
        %parallel_loop3A_166 = arith.constant 5 : i32
        %parallel_loop3A_167 = vector.broadcast %parallel_loop3A_166 : i32 to vector<16xi32>
        %parallel_loop3A_168 = arith.shrui %parallel_loop3A_165, %parallel_loop3A_167 : vector<16xi32>
        %parallel_loop3A_169 = arith.ori %parallel_loop3A_168, %iota3A : vector<16xi32>
        %parallel_loop3A_170 = arith.constant 2147483647 : i32
        %parallel_loop3A_171 = vector.broadcast %parallel_loop3A_170 : i32 to vector<16xi32>
        %parallel_loop3A_172 = arith.andi %parallel_loop3A_162, %parallel_loop3A_171 : vector<16xi32>
        %parallel_loop3A_173 = arith.constant 20 : i32
        %parallel_loop3A_174 = vector.broadcast %parallel_loop3A_173 : i32 to vector<16xi32>
        %parallel_loop3A_175 = arith.shrui %parallel_loop3A_172, %parallel_loop3A_174 : vector<16xi32>
        %parallel_loop3A_176 = arith.cmpi eq, %parallel_loop3A_175, %get3A_10 : vector<16xi32>
        tpu.vector_store_idx %arg6[%parallel_loop3A_169], %broadcast_in_dim3A_12 masked %parallel_loop3A_176 {add = true} : memref<32768xi32, #tpu.memory_space<vmem>>[vector<16xi32>], vector<16xi32>, vector<16xi1>
      } {sc.loop_unroll_factor = 4 : i64, sc.parallel_access}
      %mul3A_61 = arith.constant 2 : i32
      %mul3A_62 = arith.muli %scan3A_34, %mul3A_61 : i32
      %add3A_63 = arith.constant 1 : i32
      %add3A_64 = arith.addi %mul3A_62, %add3A_63 : i32
      %add3A_65 = arith.constant 1 : i32
      %add3A_66 = arith.addi %add3A_64, %add3A_65 : i32
      %lt3A_67 = arith.constant 32 : i32
      %lt3A_68 = arith.cmpi slt, %add3A_66, %lt3A_67 : i32
      %convert_element_type3A_69 = arith.extui %lt3A_68 : i1 to i32
      %cond3A_70 = arith.constant 0 : i32
      %cond3A_71 = arith.cmpi ne, %convert_element_type3A_69, %cond3A_70 : i32
      scf.if %cond3A_71 {
        %add3A_92 = arith.constant 1 : i32
        %add3A_93 = arith.addi %add3A_64, %add3A_92 : i32
        %mul3A_94 = arith.constant 4 : i32
        %mul3A_95 = arith.muli %add3A_93, %mul3A_94 : i32
        %add3A_96 = arith.addi %mul3A_2, %mul3A_95 : i32
        %dma_start3A_97 = arith.constant 0 : i32
        %dma_start3A_98 = arith.constant 0 : i32
        %dma_start3A_99 = arith.constant 0 : i32
        %dma_start3A_100 = tpu.memref_slice %arg5[%dma_start3A_97, %dma_start3A_98, %dma_start3A_99] : memref<2x4x4096xf32, #tpu.memory_space<vmem>> -> memref<1x4x4096xf32, #tpu.memory_space<vmem>>
        %dma_start3A_101 = tpu.memref_squeeze %dma_start3A_100 : memref<1x4x4096xf32, #tpu.memory_space<vmem>> -> memref<4x4096xf32, #tpu.memory_space<vmem>>
        %dma_start3A_102 = arith.constant 0 : i32
        %dma_start3A_103 = tpu.memref_slice %arg2[%add3A_96, %dma_start3A_102] : memref<4096x4096xf32, #tpu.memory_space<hbm>> -> memref<4x4096xf32, #tpu.memory_space<hbm>>
        %dma_start3A_104 = arith.constant 0 : i32
        %dma_start3A_105 = arith.constant 0 : i32
        %dma_start3A_106 = tpu.memref_slice %arg5[%dma_start3A_97, %dma_start3A_104, %dma_start3A_105] : memref<2x4x4096xf32, #tpu.memory_space<vmem>> -> memref<1x4x4096xf32, #tpu.memory_space<vmem>>
        %dma_start3A_107 = tpu.memref_squeeze %dma_start3A_106 : memref<1x4x4096xf32, #tpu.memory_space<vmem>> -> memref<4x4096xf32, #tpu.memory_space<vmem>>
        %dma_start3A_108 = arith.constant 0 : i32
        %dma_start3A_109 = tpu.memref_slice %arg2[%add3A_96, %dma_start3A_108] : memref<4096x4096xf32, #tpu.memory_space<hbm>> -> memref<4x4096xf32, #tpu.memory_space<hbm>>
        tpu.enqueue_dma source(%dma_start3A_109 : memref<4x4096xf32, #tpu.memory_space<hbm>>) target(%dma_start3A_107 : memref<4x4096xf32, #tpu.memory_space<vmem>>) target_semaphore(%arg8 : memref<!tpu.dma_semaphore, #tpu.memory_space<semaphore_mem>>)
      } else {
      }
      %mul3A_72 = arith.constant 4 : i32
      %mul3A_73 = arith.muli %add3A_64, %mul3A_72 : i32
      %add3A_74 = arith.addi %mul3A_2, %mul3A_73 : i32
      %dma_wait3A_75 = arith.constant 1 : i32
      %dma_wait3A_76 = arith.constant 0 : i32
      %dma_wait3A_77 = arith.constant 0 : i32
      %dma_wait3A_78 = tpu.memref_slice %arg5[%dma_wait3A_75, %dma_wait3A_76, %dma_wait3A_77] : memref<2x4x4096xf32, #tpu.memory_space<vmem>> -> memref<1x4x4096xf32, #tpu.memory_space<vmem>>
      %dma_wait3A_79 = tpu.memref_squeeze %dma_wait3A_78 : memref<1x4x4096xf32, #tpu.memory_space<vmem>> -> memref<4x4096xf32, #tpu.memory_space<vmem>>
      %dma_wait3A_80 = arith.constant 0 : i32
      %dma_wait3A_81 = tpu.memref_slice %arg2[%add3A_74, %dma_wait3A_80] : memref<4096x4096xf32, #tpu.memory_space<hbm>> -> memref<4x4096xf32, #tpu.memory_space<hbm>>
      %dma_wait3A_82 = arith.constant 0 : i32
      %dma_wait3A_83 = arith.constant 0 : i32
      %dma_wait3A_84 = tpu.memref_slice %arg5[%dma_wait3A_75, %dma_wait3A_82, %dma_wait3A_83] : memref<2x4x4096xf32, #tpu.memory_space<vmem>> -> memref<1x4x4096xf32, #tpu.memory_space<vmem>>
      %dma_wait3A_85 = tpu.memref_squeeze %dma_wait3A_84 : memref<1x4x4096xf32, #tpu.memory_space<vmem>> -> memref<4x4096xf32, #tpu.memory_space<vmem>>
      %dma_wait3A_86 = arith.constant 0 : i32
      %dma_wait3A_87 = tpu.memref_slice %arg2[%add3A_74, %dma_wait3A_86] : memref<4096x4096xf32, #tpu.memory_space<hbm>> -> memref<4x4096xf32, #tpu.memory_space<hbm>>
      tpu.wait_dma2 semaphore(%arg9 : memref<!tpu.dma_semaphore, #tpu.memory_space<semaphore_mem>>) src(%dma_wait3A_87 : memref<4x4096xf32, #tpu.memory_space<hbm>>) dst(%dma_wait3A_85 : memref<4x4096xf32, #tpu.memory_space<vmem>>)
      %parallel_loop3A_88 = arith.constant 0 : i32
      %parallel_loop3A_89 = arith.constant 4096 : i32
      %parallel_loop3A_90 = arith.constant 16 : i32
      scf.for %parallel_loop3A_92 = %parallel_loop3A_88 to %parallel_loop3A_89 step %parallel_loop3A_90  : i32 {
        %parallel_loop3A_93 = arith.constant 1 : i32
        %parallel_loop3A_94 = arith.constant 0 : i32
        %parallel_loop3A_95 = arith.index_cast %parallel_loop3A_93 : i32 to index
        %parallel_loop3A_96 = arith.index_cast %parallel_loop3A_94 : i32 to index
        %parallel_loop3A_97 = arith.index_cast %parallel_loop3A_92 : i32 to index
        %parallel_loop3A_98 = tpu.vector_load %arg5[%parallel_loop3A_95, %parallel_loop3A_96, %parallel_loop3A_97] {strides = array<i32>} : memref<2x4x4096xf32, #tpu.memory_space<vmem>>, vector<16xf32>,
        %parallel_loop3A_99 = vector.bitcast %parallel_loop3A_98 : vector<16xf32> to vector<16xi32>
        %parallel_loop3A_100 = arith.constant 1048064 : i32
        %parallel_loop3A_101 = vector.broadcast %parallel_loop3A_100 : i32 to vector<16xi32>
        %parallel_loop3A_102 = arith.andi %parallel_loop3A_99, %parallel_loop3A_101 : vector<16xi32>
        %parallel_loop3A_103 = arith.constant 5 : i32
        %parallel_loop3A_104 = vector.broadcast %parallel_loop3A_103 : i32 to vector<16xi32>
        %parallel_loop3A_105 = arith.shrui %parallel_loop3A_102, %parallel_loop3A_104 : vector<16xi32>
        %parallel_loop3A_106 = arith.ori %parallel_loop3A_105, %iota3A : vector<16xi32>
        %parallel_loop3A_107 = arith.constant 2147483647 : i32
        %parallel_loop3A_108 = vector.broadcast %parallel_loop3A_107 : i32 to vector<16xi32>
        %parallel_loop3A_109 = arith.andi %parallel_loop3A_99, %parallel_loop3A_108 : vector<16xi32>
        %parallel_loop3A_110 = arith.constant 20 : i32
        %parallel_loop3A_111 = vector.broadcast %parallel_loop3A_110 : i32 to vector<16xi32>
        %parallel_loop3A_112 = arith.shrui %parallel_loop3A_109, %parallel_loop3A_111 : vector<16xi32>
        %parallel_loop3A_113 = arith.cmpi eq, %parallel_loop3A_112, %get3A_10 : vector<16xi32>
        tpu.vector_store_idx %arg6[%parallel_loop3A_106], %broadcast_in_dim3A_12 masked %parallel_loop3A_113 {add = true} : memref<32768xi32, #tpu.memory_space<vmem>>[vector<16xi32>], vector<16xi32>, vector<16xi1>
        %parallel_loop3A_114 = arith.constant 1 : i32
        %parallel_loop3A_115 = arith.constant 1 : i32
        %parallel_loop3A_116 = arith.index_cast %parallel_loop3A_114 : i32 to index
        %parallel_loop3A_117 = arith.index_cast %parallel_loop3A_115 : i32 to index
        %parallel_loop3A_118 = arith.index_cast %parallel_loop3A_92 : i32 to index
        %parallel_loop3A_119 = tpu.vector_load %arg5[%parallel_loop3A_116, %parallel_loop3A_117, %parallel_loop3A_118] {strides = array<i32>} : memref<2x4x4096xf32, #tpu.memory_space<vmem>>, vector<16xf32>,
        %parallel_loop3A_120 = vector.bitcast %parallel_loop3A_119 : vector<16xf32> to vector<16xi32>
        %parallel_loop3A_121 = arith.constant 1048064 : i32
        %parallel_loop3A_122 = vector.broadcast %parallel_loop3A_121 : i32 to vector<16xi32>
        %parallel_loop3A_123 = arith.andi %parallel_loop3A_120, %parallel_loop3A_122 : vector<16xi32>
        %parallel_loop3A_124 = arith.constant 5 : i32
        %parallel_loop3A_125 = vector.broadcast %parallel_loop3A_124 : i32 to vector<16xi32>
        %parallel_loop3A_126 = arith.shrui %parallel_loop3A_123, %parallel_loop3A_125 : vector<16xi32>
        %parallel_loop3A_127 = arith.ori %parallel_loop3A_126, %iota3A : vector<16xi32>
        %parallel_loop3A_128 = arith.constant 2147483647 : i32
        %parallel_loop3A_129 = vector.broadcast %parallel_loop3A_128 : i32 to vector<16xi32>
        %parallel_loop3A_130 = arith.andi %parallel_loop3A_120, %parallel_loop3A_129 : vector<16xi32>
        %parallel_loop3A_131 = arith.constant 20 : i32
        %parallel_loop3A_132 = vector.broadcast %parallel_loop3A_131 : i32 to vector<16xi32>
        %parallel_loop3A_133 = arith.shrui %parallel_loop3A_130, %parallel_loop3A_132 : vector<16xi32>
        %parallel_loop3A_134 = arith.cmpi eq, %parallel_loop3A_133, %get3A_10 : vector<16xi32>
        tpu.vector_store_idx %arg6[%parallel_loop3A_127], %broadcast_in_dim3A_12 masked %parallel_loop3A_134 {add = true} : memref<32768xi32, #tpu.memory_space<vmem>>[vector<16xi32>], vector<16xi32>, vector<16xi1>
        %parallel_loop3A_135 = arith.constant 1 : i32
        %parallel_loop3A_136 = arith.constant 2 : i32
        %parallel_loop3A_137 = arith.index_cast %parallel_loop3A_135 : i32 to index
        %parallel_loop3A_138 = arith.index_cast %parallel_loop3A_136 : i32 to index
        %parallel_loop3A_139 = arith.index_cast %parallel_loop3A_92 : i32 to index
        %parallel_loop3A_140 = tpu.vector_load %arg5[%parallel_loop3A_137, %parallel_loop3A_138, %parallel_loop3A_139] {strides = array<i32>} : memref<2x4x4096xf32, #tpu.memory_space<vmem>>, vector<16xf32>,
        %parallel_loop3A_141 = vector.bitcast %parallel_loop3A_140 : vector<16xf32> to vector<16xi32>
        %parallel_loop3A_142 = arith.constant 1048064 : i32
        %parallel_loop3A_143 = vector.broadcast %parallel_loop3A_142 : i32 to vector<16xi32>
        %parallel_loop3A_144 = arith.andi %parallel_loop3A_141, %parallel_loop3A_143 : vector<16xi32>
        %parallel_loop3A_145 = arith.constant 5 : i32
        %parallel_loop3A_146 = vector.broadcast %parallel_loop3A_145 : i32 to vector<16xi32>
        %parallel_loop3A_147 = arith.shrui %parallel_loop3A_144, %parallel_loop3A_146 : vector<16xi32>
        %parallel_loop3A_148 = arith.ori %parallel_loop3A_147, %iota3A : vector<16xi32>
        %parallel_loop3A_149 = arith.constant 2147483647 : i32
        %parallel_loop3A_150 = vector.broadcast %parallel_loop3A_149 : i32 to vector<16xi32>
        %parallel_loop3A_151 = arith.andi %parallel_loop3A_141, %parallel_loop3A_150 : vector<16xi32>
        %parallel_loop3A_152 = arith.constant 20 : i32
        %parallel_loop3A_153 = vector.broadcast %parallel_loop3A_152 : i32 to vector<16xi32>
        %parallel_loop3A_154 = arith.shrui %parallel_loop3A_151, %parallel_loop3A_153 : vector<16xi32>
        %parallel_loop3A_155 = arith.cmpi eq, %parallel_loop3A_154, %get3A_10 : vector<16xi32>
        tpu.vector_store_idx %arg6[%parallel_loop3A_148], %broadcast_in_dim3A_12 masked %parallel_loop3A_155 {add = true} : memref<32768xi32, #tpu.memory_space<vmem>>[vector<16xi32>], vector<16xi32>, vector<16xi1>
        %parallel_loop3A_156 = arith.constant 1 : i32
        %parallel_loop3A_157 = arith.constant 3 : i32
        %parallel_loop3A_158 = arith.index_cast %parallel_loop3A_156 : i32 to index
        %parallel_loop3A_159 = arith.index_cast %parallel_loop3A_157 : i32 to index
        %parallel_loop3A_160 = arith.index_cast %parallel_loop3A_92 : i32 to index
        %parallel_loop3A_161 = tpu.vector_load %arg5[%parallel_loop3A_158, %parallel_loop3A_159, %parallel_loop3A_160] {strides = array<i32>} : memref<2x4x4096xf32, #tpu.memory_space<vmem>>, vector<16xf32>,
        %parallel_loop3A_162 = vector.bitcast %parallel_loop3A_161 : vector<16xf32> to vector<16xi32>
        %parallel_loop3A_163 = arith.constant 1048064 : i32
        %parallel_loop3A_164 = vector.broadcast %parallel_loop3A_163 : i32 to vector<16xi32>
        %parallel_loop3A_165 = arith.andi %parallel_loop3A_162, %parallel_loop3A_164 : vector<16xi32>
        %parallel_loop3A_166 = arith.constant 5 : i32
        %parallel_loop3A_167 = vector.broadcast %parallel_loop3A_166 : i32 to vector<16xi32>
        %parallel_loop3A_168 = arith.shrui %parallel_loop3A_165, %parallel_loop3A_167 : vector<16xi32>
        %parallel_loop3A_169 = arith.ori %parallel_loop3A_168, %iota3A : vector<16xi32>
        %parallel_loop3A_170 = arith.constant 2147483647 : i32
        %parallel_loop3A_171 = vector.broadcast %parallel_loop3A_170 : i32 to vector<16xi32>
        %parallel_loop3A_172 = arith.andi %parallel_loop3A_162, %parallel_loop3A_171 : vector<16xi32>
        %parallel_loop3A_173 = arith.constant 20 : i32
        %parallel_loop3A_174 = vector.broadcast %parallel_loop3A_173 : i32 to vector<16xi32>
        %parallel_loop3A_175 = arith.shrui %parallel_loop3A_172, %parallel_loop3A_174 : vector<16xi32>
        %parallel_loop3A_176 = arith.cmpi eq, %parallel_loop3A_175, %get3A_10 : vector<16xi32>
        tpu.vector_store_idx %arg6[%parallel_loop3A_169], %broadcast_in_dim3A_12 masked %parallel_loop3A_176 {add = true} : memref<32768xi32, #tpu.memory_space<vmem>>[vector<16xi32>], vector<16xi32>, vector<16xi1>
      } {sc.loop_unroll_factor = 4 : i64, sc.parallel_access}
      %scan3A_91 = arith.constant 0 : i32
      scf.yield %scan3A_91 : i32
    }
    %scan3A_33 = arith.constant 16 : i32
    "tpu.region"() ({
      %run_scoped3A = tpu.sem_alloc : memref<!tpu.dma_semaphore, #tpu.memory_space<semaphore_mem>>
      %dma_start3A_34 = arith.constant 0 : i32
      %dma_start3A_35 = tpu.memref_slice %arg4[%add3A, %dma_start3A_34] : memref<32x32768xi32, #tpu.memory_space<hbm>> -> memref<1x32768xi32, #tpu.memory_space<hbm>>
      %dma_start3A_36 = tpu.memref_squeeze %dma_start3A_35 : memref<1x32768xi32, #tpu.memory_space<hbm>> -> memref<32768xi32, #tpu.memory_space<hbm>>
      %dma_start3A_37 = arith.constant 0 : i32
      %dma_start3A_38 = tpu.memref_slice %arg4[%add3A, %dma_start3A_37] : memref<32x32768xi32, #tpu.memory_space<hbm>> -> memref<1x32768xi32, #tpu.memory_space<hbm>>
      %dma_start3A_39 = tpu.memref_squeeze %dma_start3A_38 : memref<1x32768xi32, #tpu.memory_space<hbm>> -> memref<32768xi32, #tpu.memory_space<hbm>>
      tpu.enqueue_dma source(%arg6 : memref<32768xi32, #tpu.memory_space<vmem>>) target(%dma_start3A_39 : memref<32768xi32, #tpu.memory_space<hbm>>) target_semaphore(%run_scoped3A : memref<!tpu.dma_semaphore, #tpu.memory_space<semaphore_mem>>)
      %dma_wait3A = arith.constant 0 : i32
      %dma_wait3A_40 = tpu.memref_slice %arg4[%add3A, %dma_wait3A] : memref<32x32768xi32, #tpu.memory_space<hbm>> -> memref<1x32768xi32, #tpu.memory_space<hbm>>
      %dma_wait3A_41 = tpu.memref_squeeze %dma_wait3A_40 : memref<1x32768xi32, #tpu.memory_space<hbm>> -> memref<32768xi32, #tpu.memory_space<hbm>>
      %dma_wait3A_42 = arith.constant 0 : i32
      %dma_wait3A_43 = tpu.memref_slice %arg4[%add3A, %dma_wait3A_42] : memref<32x32768xi32, #tpu.memory_space<hbm>> -> memref<1x32768xi32, #tpu.memory_space<hbm>>
      %dma_wait3A_44 = tpu.memref_squeeze %dma_wait3A_43 : memref<1x32768xi32, #tpu.memory_space<hbm>> -> memref<32768xi32, #tpu.memory_space<hbm>>
      tpu.wait_dma2 semaphore(%run_scoped3A : memref<!tpu.dma_semaphore, #tpu.memory_space<semaphore_mem>>) src(%arg6 : memref<32768xi32, #tpu.memory_space<vmem>>) dst(%dma_wait3A_44 : memref<32768xi32, #tpu.memory_space<hbm>>)
      tpu.yield
    }) : () -> ()
    return
  }
}

#map = affine_map<(d0, d1) -> (0, 0)>
#map1 = affine_map<(d0, d1) -> (0)>
module attributes {stable_mosaic.version = 14 : i64} {
  func.func @body(%arg0: i32, %arg1: i32, %arg2: memref<4096x4096xf32, #tpu.memory_space<hbm>>, %arg3: memref<16xi32, #tpu.memory_space<hbm>>, %arg4: memref<32x8192xi32, #tpu.memory_space<hbm>>, %arg5: memref<2x4x4096xf32, #tpu.memory_space<vmem>>, %arg6: memref<8192xi32, #tpu.memory_space<vmem>>, %arg7: memref<16xi32, #tpu.memory_space<vmem>>, %arg8: memref<!tpu.dma_semaphore, #tpu.memory_space<semaphore_mem>>, %arg9: memref<!tpu.dma_semaphore, #tpu.memory_space<semaphore_mem>>) attributes {dimension_semantics = [#tpu.dimension_semantics<core_parallel>, #tpu.dimension_semantics<subcore_parallel>], iteration_bounds = array<i64: 2, 16>, scalar_prefetch = 0 : i64, scratch_operands = 5 : i64, tpu.core_type = #tpu.core_type<sc_vector_subcore>, window_params = [{transform_indices = #map}, {transform_indices = #map1}, {transform_indices = #map}]} {
    %mul3A = arith.constant 2 : i32
    %mul3A_0 = arith.muli %arg1, %mul3A : i32
    %add3A = arith.addi %mul3A_0, %arg0 : i32
    %mul3A_1 = arith.constant 128 : i32
    %mul3A_2 = arith.muli %add3A, %mul3A_1 : i32
    %broadcast_in_dim3A = arith.constant 0 : i32
    %broadcast_in_dim3A_3 = vector.broadcast %broadcast_in_dim3A : i32 to vector<16xi32>
    %scan3A = arith.constant 0 : i32
    %scan3A_4 = arith.constant 0 : i32
    %scan3A_5 = arith.constant 512 : i32
    %scan3A_6 = arith.addi %scan3A_4, %scan3A_5 : i32
    %scan3A_7 = arith.constant 8 : i32
    %scan3A_8 = scf.for %scan3A_34 = %scan3A_4 to %scan3A_6 step %scan3A_7 iter_args(%scan3A_35 = %scan3A) -> (i32)  : i32 {
      %mul3A_36 = arith.constant 16 : i32
      %mul3A_37 = arith.muli %scan3A_34, %mul3A_36 : i32
      %swap3A = arith.index_cast %mul3A_37 : i32 to index
      %swap3A_38 = tpu.vector_load %arg6[%swap3A] {strides = array<i32>} : memref<8192xi32, #tpu.memory_space<vmem>>, vector<16xi32>,
      tpu.vector_store %arg6[%swap3A], %broadcast_in_dim3A_3 {strides = array<i32>} : memref<8192xi32, #tpu.memory_space<vmem>>, vector<16xi32>,
      %scan3A_39 = arith.constant 0 : i32
      %scan3A_40 = arith.constant 1 : i32
      %scan3A_41 = arith.addi %scan3A_34, %scan3A_40 : i32
      %mul3A_42 = arith.constant 16 : i32
      %mul3A_43 = arith.muli %scan3A_41, %mul3A_42 : i32
      %swap3A_44 = arith.index_cast %mul3A_43 : i32 to index
      %swap3A_45 = tpu.vector_load %arg6[%swap3A_44] {strides = array<i32>} : memref<8192xi32, #tpu.memory_space<vmem>>, vector<16xi32>,
      tpu.vector_store %arg6[%swap3A_44], %broadcast_in_dim3A_3 {strides = array<i32>} : memref<8192xi32, #tpu.memory_space<vmem>>, vector<16xi32>,
      %scan3A_46 = arith.constant 0 : i32
      %scan3A_47 = arith.constant 2 : i32
      %scan3A_48 = arith.addi %scan3A_34, %scan3A_47 : i32
      %mul3A_49 = arith.constant 16 : i32
      %mul3A_50 = arith.muli %scan3A_48, %mul3A_49 : i32
      %swap3A_51 = arith.index_cast %mul3A_50 : i32 to index
      %swap3A_52 = tpu.vector_load %arg6[%swap3A_51] {strides = array<i32>} : memref<8192xi32, #tpu.memory_space<vmem>>, vector<16xi32>,
      tpu.vector_store %arg6[%swap3A_51], %broadcast_in_dim3A_3 {strides = array<i32>} : memref<8192xi32, #tpu.memory_space<vmem>>, vector<16xi32>,
      %scan3A_53 = arith.constant 0 : i32
      %scan3A_54 = arith.constant 3 : i32
      %scan3A_55 = arith.addi %scan3A_34, %scan3A_54 : i32
      %mul3A_56 = arith.constant 16 : i32
      %mul3A_57 = arith.muli %scan3A_55, %mul3A_56 : i32
      %swap3A_58 = arith.index_cast %mul3A_57 : i32 to index
      %swap3A_59 = tpu.vector_load %arg6[%swap3A_58] {strides = array<i32>} : memref<8192xi32, #tpu.memory_space<vmem>>, vector<16xi32>,
      tpu.vector_store %arg6[%swap3A_58], %broadcast_in_dim3A_3 {strides = array<i32>} : memref<8192xi32, #tpu.memory_space<vmem>>, vector<16xi32>,
      %scan3A_60 = arith.constant 0 : i32
      %scan3A_61 = arith.constant 4 : i32
      %scan3A_62 = arith.addi %scan3A_34, %scan3A_61 : i32
      %mul3A_63 = arith.constant 16 : i32
      %mul3A_64 = arith.muli %scan3A_62, %mul3A_63 : i32
      %swap3A_65 = arith.index_cast %mul3A_64 : i32 to index
      %swap3A_66 = tpu.vector_load %arg6[%swap3A_65] {strides = array<i32>} : memref<8192xi32, #tpu.memory_space<vmem>>, vector<16xi32>,
      tpu.vector_store %arg6[%swap3A_65], %broadcast_in_dim3A_3 {strides = array<i32>} : memref<8192xi32, #tpu.memory_space<vmem>>, vector<16xi32>,
      %scan3A_67 = arith.constant 0 : i32
      %scan3A_68 = arith.constant 5 : i32
      %scan3A_69 = arith.addi %scan3A_34, %scan3A_68 : i32
      %mul3A_70 = arith.constant 16 : i32
      %mul3A_71 = arith.muli %scan3A_69, %mul3A_70 : i32
      %swap3A_72 = arith.index_cast %mul3A_71 : i32 to index
      %swap3A_73 = tpu.vector_load %arg6[%swap3A_72] {strides = array<i32>} : memref<8192xi32, #tpu.memory_space<vmem>>, vector<16xi32>,
      tpu.vector_store %arg6[%swap3A_72], %broadcast_in_dim3A_3 {strides = array<i32>} : memref<8192xi32, #tpu.memory_space<vmem>>, vector<16xi32>,
      %scan3A_74 = arith.constant 0 : i32
      %scan3A_75 = arith.constant 6 : i32
      %scan3A_76 = arith.addi %scan3A_34, %scan3A_75 : i32
      %mul3A_77 = arith.constant 16 : i32
      %mul3A_78 = arith.muli %scan3A_76, %mul3A_77 : i32
      %swap3A_79 = arith.index_cast %mul3A_78 : i32 to index
      %swap3A_80 = tpu.vector_load %arg6[%swap3A_79] {strides = array<i32>} : memref<8192xi32, #tpu.memory_space<vmem>>, vector<16xi32>,
      tpu.vector_store %arg6[%swap3A_79], %broadcast_in_dim3A_3 {strides = array<i32>} : memref<8192xi32, #tpu.memory_space<vmem>>, vector<16xi32>,
      %scan3A_81 = arith.constant 0 : i32
      %scan3A_82 = arith.constant 7 : i32
      %scan3A_83 = arith.addi %scan3A_34, %scan3A_82 : i32
      %mul3A_84 = arith.constant 16 : i32
      %mul3A_85 = arith.muli %scan3A_83, %mul3A_84 : i32
      %swap3A_86 = arith.index_cast %mul3A_85 : i32 to index
      %swap3A_87 = tpu.vector_load %arg6[%swap3A_86] {strides = array<i32>} : memref<8192xi32, #tpu.memory_space<vmem>>, vector<16xi32>,
      tpu.vector_store %arg6[%swap3A_86], %broadcast_in_dim3A_3 {strides = array<i32>} : memref<8192xi32, #tpu.memory_space<vmem>>, vector<16xi32>,
      %scan3A_88 = arith.constant 0 : i32
      scf.yield %scan3A_88 : i32
    }
    %scan3A_9 = arith.constant 512 : i32
    "tpu.region"() ({
      %run_scoped3A = tpu.sem_alloc : memref<!tpu.dma_semaphore, #tpu.memory_space<semaphore_mem>>
      tpu.enqueue_dma source(%arg3 : memref<16xi32, #tpu.memory_space<hbm>>) target(%arg7 : memref<16xi32, #tpu.memory_space<vmem>>) target_semaphore(%run_scoped3A : memref<!tpu.dma_semaphore, #tpu.memory_space<semaphore_mem>>)
      tpu.wait_dma2 semaphore(%run_scoped3A : memref<!tpu.dma_semaphore, #tpu.memory_space<semaphore_mem>>) src(%arg3 : memref<16xi32, #tpu.memory_space<hbm>>) dst(%arg7 : memref<16xi32, #tpu.memory_space<vmem>>)
      tpu.yield
    }) : () -> ()
    %get3A = arith.constant 0 : index
    %get3A_10 = tpu.vector_load %arg7[%get3A] {strides = array<i32>} : memref<16xi32, #tpu.memory_space<vmem>>, vector<16xi32>,
    %iota3A = tpu.iota {dimensions = array<i32: 0>} : vector<16xi32>
    %broadcast_in_dim3A_11 = arith.constant 1 : i32
    %broadcast_in_dim3A_12 = vector.broadcast %broadcast_in_dim3A_11 : i32 to vector<16xi32>
    %add3A_13 = arith.constant 0 : i32
    %add3A_14 = arith.addi %mul3A_2, %add3A_13 : i32
    %dma_start3A = arith.constant 0 : i32
    %dma_start3A_15 = arith.constant 0 : i32
    %dma_start3A_16 = arith.constant 0 : i32
    %dma_start3A_17 = tpu.memref_slice %arg5[%dma_start3A, %dma_start3A_15, %dma_start3A_16] : memref<2x4x4096xf32, #tpu.memory_space<vmem>> -> memref<1x4x4096xf32, #tpu.memory_space<vmem>>
    %dma_start3A_18 = tpu.memref_squeeze %dma_start3A_17 : memref<1x4x4096xf32, #tpu.memory_space<vmem>> -> memref<4x4096xf32, #tpu.memory_space<vmem>>
    %dma_start3A_19 = arith.constant 0 : i32
    %dma_start3A_20 = tpu.memref_slice %arg2[%add3A_14, %dma_start3A_19] : memref<4096x4096xf32, #tpu.memory_space<hbm>> -> memref<4x4096xf32, #tpu.memory_space<hbm>>
    %dma_start3A_21 = arith.constant 0 : i32
    %dma_start3A_22 = arith.constant 0 : i32
    %dma_start3A_23 = tpu.memref_slice %arg5[%dma_start3A, %dma_start3A_21, %dma_start3A_22] : memref<2x4x4096xf32, #tpu.memory_space<vmem>> -> memref<1x4x4096xf32, #tpu.memory_space<vmem>>
    %dma_start3A_24 = tpu.memref_squeeze %dma_start3A_23 : memref<1x4x4096xf32, #tpu.memory_space<vmem>> -> memref<4x4096xf32, #tpu.memory_space<vmem>>
    %dma_start3A_25 = arith.constant 0 : i32
    %dma_start3A_26 = tpu.memref_slice %arg2[%add3A_14, %dma_start3A_25] : memref<4096x4096xf32, #tpu.memory_space<hbm>> -> memref<4x4096xf32, #tpu.memory_space<hbm>>
    tpu.enqueue_dma source(%dma_start3A_26 : memref<4x4096xf32, #tpu.memory_space<hbm>>) target(%dma_start3A_24 : memref<4x4096xf32, #tpu.memory_space<vmem>>) target_semaphore(%arg8 : memref<!tpu.dma_semaphore, #tpu.memory_space<semaphore_mem>>)
    %scan3A_27 = arith.constant 0 : i32
    %scan3A_28 = arith.constant 0 : i32
    %scan3A_29 = arith.constant 16 : i32
    %scan3A_30 = arith.addi %scan3A_28, %scan3A_29 : i32
    %scan3A_31 = arith.constant 1 : i32
    %scan3A_32 = scf.for %scan3A_34 = %scan3A_28 to %scan3A_30 step %scan3A_31 iter_args(%scan3A_35 = %scan3A_27) -> (i32)  : i32 {
      %mul3A_36 = arith.constant 2 : i32
      %mul3A_37 = arith.muli %scan3A_34, %mul3A_36 : i32
      %add3A_38 = arith.constant 0 : i32
      %add3A_39 = arith.addi %mul3A_37, %add3A_38 : i32
      %add3A_40 = arith.constant 1 : i32
      %add3A_41 = arith.addi %add3A_39, %add3A_40 : i32
      %lt3A = arith.constant 32 : i32
      %lt3A_42 = arith.cmpi slt, %add3A_41, %lt3A : i32
      %convert_element_type3A = arith.extui %lt3A_42 : i1 to i32
      %cond3A = arith.constant 0 : i32
      %cond3A_43 = arith.cmpi ne, %convert_element_type3A, %cond3A : i32
      scf.if %cond3A_43 {
        %add3A_92 = arith.constant 1 : i32
        %add3A_93 = arith.addi %add3A_39, %add3A_92 : i32
        %mul3A_94 = arith.constant 4 : i32
        %mul3A_95 = arith.muli %add3A_93, %mul3A_94 : i32
        %add3A_96 = arith.addi %mul3A_2, %mul3A_95 : i32
        %dma_start3A_97 = arith.constant 1 : i32
        %dma_start3A_98 = arith.constant 0 : i32
        %dma_start3A_99 = arith.constant 0 : i32
        %dma_start3A_100 = tpu.memref_slice %arg5[%dma_start3A_97, %dma_start3A_98, %dma_start3A_99] : memref<2x4x4096xf32, #tpu.memory_space<vmem>> -> memref<1x4x4096xf32, #tpu.memory_space<vmem>>
        %dma_start3A_101 = tpu.memref_squeeze %dma_start3A_100 : memref<1x4x4096xf32, #tpu.memory_space<vmem>> -> memref<4x4096xf32, #tpu.memory_space<vmem>>
        %dma_start3A_102 = arith.constant 0 : i32
        %dma_start3A_103 = tpu.memref_slice %arg2[%add3A_96, %dma_start3A_102] : memref<4096x4096xf32, #tpu.memory_space<hbm>> -> memref<4x4096xf32, #tpu.memory_space<hbm>>
        %dma_start3A_104 = arith.constant 0 : i32
        %dma_start3A_105 = arith.constant 0 : i32
        %dma_start3A_106 = tpu.memref_slice %arg5[%dma_start3A_97, %dma_start3A_104, %dma_start3A_105] : memref<2x4x4096xf32, #tpu.memory_space<vmem>> -> memref<1x4x4096xf32, #tpu.memory_space<vmem>>
        %dma_start3A_107 = tpu.memref_squeeze %dma_start3A_106 : memref<1x4x4096xf32, #tpu.memory_space<vmem>> -> memref<4x4096xf32, #tpu.memory_space<vmem>>
        %dma_start3A_108 = arith.constant 0 : i32
        %dma_start3A_109 = tpu.memref_slice %arg2[%add3A_96, %dma_start3A_108] : memref<4096x4096xf32, #tpu.memory_space<hbm>> -> memref<4x4096xf32, #tpu.memory_space<hbm>>
        tpu.enqueue_dma source(%dma_start3A_109 : memref<4x4096xf32, #tpu.memory_space<hbm>>) target(%dma_start3A_107 : memref<4x4096xf32, #tpu.memory_space<vmem>>) target_semaphore(%arg9 : memref<!tpu.dma_semaphore, #tpu.memory_space<semaphore_mem>>)
      } else {
      }
      %mul3A_44 = arith.constant 4 : i32
      %mul3A_45 = arith.muli %add3A_39, %mul3A_44 : i32
      %add3A_46 = arith.addi %mul3A_2, %mul3A_45 : i32
      %dma_wait3A = arith.constant 0 : i32
      %dma_wait3A_47 = arith.constant 0 : i32
      %dma_wait3A_48 = arith.constant 0 : i32
      %dma_wait3A_49 = tpu.memref_slice %arg5[%dma_wait3A, %dma_wait3A_47, %dma_wait3A_48] : memref<2x4x4096xf32, #tpu.memory_space<vmem>> -> memref<1x4x4096xf32, #tpu.memory_space<vmem>>
      %dma_wait3A_50 = tpu.memref_squeeze %dma_wait3A_49 : memref<1x4x4096xf32, #tpu.memory_space<vmem>> -> memref<4x4096xf32, #tpu.memory_space<vmem>>
      %dma_wait3A_51 = arith.constant 0 : i32
      %dma_wait3A_52 = tpu.memref_slice %arg2[%add3A_46, %dma_wait3A_51] : memref<4096x4096xf32, #tpu.memory_space<hbm>> -> memref<4x4096xf32, #tpu.memory_space<hbm>>
      %dma_wait3A_53 = arith.constant 0 : i32
      %dma_wait3A_54 = arith.constant 0 : i32
      %dma_wait3A_55 = tpu.memref_slice %arg5[%dma_wait3A, %dma_wait3A_53, %dma_wait3A_54] : memref<2x4x4096xf32, #tpu.memory_space<vmem>> -> memref<1x4x4096xf32, #tpu.memory_space<vmem>>
      %dma_wait3A_56 = tpu.memref_squeeze %dma_wait3A_55 : memref<1x4x4096xf32, #tpu.memory_space<vmem>> -> memref<4x4096xf32, #tpu.memory_space<vmem>>
      %dma_wait3A_57 = arith.constant 0 : i32
      %dma_wait3A_58 = tpu.memref_slice %arg2[%add3A_46, %dma_wait3A_57] : memref<4096x4096xf32, #tpu.memory_space<hbm>> -> memref<4x4096xf32, #tpu.memory_space<hbm>>
      tpu.wait_dma2 semaphore(%arg8 : memref<!tpu.dma_semaphore, #tpu.memory_space<semaphore_mem>>) src(%dma_wait3A_58 : memref<4x4096xf32, #tpu.memory_space<hbm>>) dst(%dma_wait3A_56 : memref<4x4096xf32, #tpu.memory_space<vmem>>)
      %parallel_loop3A = arith.constant 0 : i32
      %parallel_loop3A_59 = arith.constant 4096 : i32
      %parallel_loop3A_60 = arith.constant 16 : i32
      scf.for %parallel_loop3A_92 = %parallel_loop3A to %parallel_loop3A_59 step %parallel_loop3A_60  : i32 {
        %parallel_loop3A_93 = arith.constant 0 : i32
        %parallel_loop3A_94 = arith.constant 0 : i32
        %parallel_loop3A_95 = arith.index_cast %parallel_loop3A_93 : i32 to index
        %parallel_loop3A_96 = arith.index_cast %parallel_loop3A_94 : i32 to index
        %parallel_loop3A_97 = arith.index_cast %parallel_loop3A_92 : i32 to index
        %parallel_loop3A_98 = tpu.vector_load %arg5[%parallel_loop3A_95, %parallel_loop3A_96, %parallel_loop3A_97] {strides = array<i32>} : memref<2x4x4096xf32, #tpu.memory_space<vmem>>, vector<16xf32>,
        %parallel_loop3A_99 = vector.bitcast %parallel_loop3A_98 : vector<16xf32> to vector<16xi32>
        %parallel_loop3A_100 = arith.constant 511 : i32
        %parallel_loop3A_101 = vector.broadcast %parallel_loop3A_100 : i32 to vector<16xi32>
        %parallel_loop3A_102 = arith.andi %parallel_loop3A_99, %parallel_loop3A_101 : vector<16xi32>
        %parallel_loop3A_103 = arith.constant 4 : i32
        %parallel_loop3A_104 = vector.broadcast %parallel_loop3A_103 : i32 to vector<16xi32>
        %parallel_loop3A_105 = arith.shli %parallel_loop3A_102, %parallel_loop3A_104 : vector<16xi32>
        %parallel_loop3A_106 = arith.ori %parallel_loop3A_105, %iota3A : vector<16xi32>
        %parallel_loop3A_107 = arith.constant 2147483647 : i32
        %parallel_loop3A_108 = vector.broadcast %parallel_loop3A_107 : i32 to vector<16xi32>
        %parallel_loop3A_109 = arith.andi %parallel_loop3A_99, %parallel_loop3A_108 : vector<16xi32>
        %parallel_loop3A_110 = arith.constant 9 : i32
        %parallel_loop3A_111 = vector.broadcast %parallel_loop3A_110 : i32 to vector<16xi32>
        %parallel_loop3A_112 = arith.shrui %parallel_loop3A_109, %parallel_loop3A_111 : vector<16xi32>
        %parallel_loop3A_113 = arith.cmpi eq, %parallel_loop3A_112, %get3A_10 : vector<16xi32>
        tpu.vector_store_idx %arg6[%parallel_loop3A_106], %broadcast_in_dim3A_12 masked %parallel_loop3A_113 {add = true} : memref<8192xi32, #tpu.memory_space<vmem>>[vector<16xi32>], vector<16xi32>, vector<16xi1>
        %parallel_loop3A_114 = arith.constant 0 : i32
        %parallel_loop3A_115 = arith.constant 1 : i32
        %parallel_loop3A_116 = arith.index_cast %parallel_loop3A_114 : i32 to index
        %parallel_loop3A_117 = arith.index_cast %parallel_loop3A_115 : i32 to index
        %parallel_loop3A_118 = arith.index_cast %parallel_loop3A_92 : i32 to index
        %parallel_loop3A_119 = tpu.vector_load %arg5[%parallel_loop3A_116, %parallel_loop3A_117, %parallel_loop3A_118] {strides = array<i32>} : memref<2x4x4096xf32, #tpu.memory_space<vmem>>, vector<16xf32>,
        %parallel_loop3A_120 = vector.bitcast %parallel_loop3A_119 : vector<16xf32> to vector<16xi32>
        %parallel_loop3A_121 = arith.constant 511 : i32
        %parallel_loop3A_122 = vector.broadcast %parallel_loop3A_121 : i32 to vector<16xi32>
        %parallel_loop3A_123 = arith.andi %parallel_loop3A_120, %parallel_loop3A_122 : vector<16xi32>
        %parallel_loop3A_124 = arith.constant 4 : i32
        %parallel_loop3A_125 = vector.broadcast %parallel_loop3A_124 : i32 to vector<16xi32>
        %parallel_loop3A_126 = arith.shli %parallel_loop3A_123, %parallel_loop3A_125 : vector<16xi32>
        %parallel_loop3A_127 = arith.ori %parallel_loop3A_126, %iota3A : vector<16xi32>
        %parallel_loop3A_128 = arith.constant 2147483647 : i32
        %parallel_loop3A_129 = vector.broadcast %parallel_loop3A_128 : i32 to vector<16xi32>
        %parallel_loop3A_130 = arith.andi %parallel_loop3A_120, %parallel_loop3A_129 : vector<16xi32>
        %parallel_loop3A_131 = arith.constant 9 : i32
        %parallel_loop3A_132 = vector.broadcast %parallel_loop3A_131 : i32 to vector<16xi32>
        %parallel_loop3A_133 = arith.shrui %parallel_loop3A_130, %parallel_loop3A_132 : vector<16xi32>
        %parallel_loop3A_134 = arith.cmpi eq, %parallel_loop3A_133, %get3A_10 : vector<16xi32>
        tpu.vector_store_idx %arg6[%parallel_loop3A_127], %broadcast_in_dim3A_12 masked %parallel_loop3A_134 {add = true} : memref<8192xi32, #tpu.memory_space<vmem>>[vector<16xi32>], vector<16xi32>, vector<16xi1>
        %parallel_loop3A_135 = arith.constant 0 : i32
        %parallel_loop3A_136 = arith.constant 2 : i32
        %parallel_loop3A_137 = arith.index_cast %parallel_loop3A_135 : i32 to index
        %parallel_loop3A_138 = arith.index_cast %parallel_loop3A_136 : i32 to index
        %parallel_loop3A_139 = arith.index_cast %parallel_loop3A_92 : i32 to index
        %parallel_loop3A_140 = tpu.vector_load %arg5[%parallel_loop3A_137, %parallel_loop3A_138, %parallel_loop3A_139] {strides = array<i32>} : memref<2x4x4096xf32, #tpu.memory_space<vmem>>, vector<16xf32>,
        %parallel_loop3A_141 = vector.bitcast %parallel_loop3A_140 : vector<16xf32> to vector<16xi32>
        %parallel_loop3A_142 = arith.constant 511 : i32
        %parallel_loop3A_143 = vector.broadcast %parallel_loop3A_142 : i32 to vector<16xi32>
        %parallel_loop3A_144 = arith.andi %parallel_loop3A_141, %parallel_loop3A_143 : vector<16xi32>
        %parallel_loop3A_145 = arith.constant 4 : i32
        %parallel_loop3A_146 = vector.broadcast %parallel_loop3A_145 : i32 to vector<16xi32>
        %parallel_loop3A_147 = arith.shli %parallel_loop3A_144, %parallel_loop3A_146 : vector<16xi32>
        %parallel_loop3A_148 = arith.ori %parallel_loop3A_147, %iota3A : vector<16xi32>
        %parallel_loop3A_149 = arith.constant 2147483647 : i32
        %parallel_loop3A_150 = vector.broadcast %parallel_loop3A_149 : i32 to vector<16xi32>
        %parallel_loop3A_151 = arith.andi %parallel_loop3A_141, %parallel_loop3A_150 : vector<16xi32>
        %parallel_loop3A_152 = arith.constant 9 : i32
        %parallel_loop3A_153 = vector.broadcast %parallel_loop3A_152 : i32 to vector<16xi32>
        %parallel_loop3A_154 = arith.shrui %parallel_loop3A_151, %parallel_loop3A_153 : vector<16xi32>
        %parallel_loop3A_155 = arith.cmpi eq, %parallel_loop3A_154, %get3A_10 : vector<16xi32>
        tpu.vector_store_idx %arg6[%parallel_loop3A_148], %broadcast_in_dim3A_12 masked %parallel_loop3A_155 {add = true} : memref<8192xi32, #tpu.memory_space<vmem>>[vector<16xi32>], vector<16xi32>, vector<16xi1>
        %parallel_loop3A_156 = arith.constant 0 : i32
        %parallel_loop3A_157 = arith.constant 3 : i32
        %parallel_loop3A_158 = arith.index_cast %parallel_loop3A_156 : i32 to index
        %parallel_loop3A_159 = arith.index_cast %parallel_loop3A_157 : i32 to index
        %parallel_loop3A_160 = arith.index_cast %parallel_loop3A_92 : i32 to index
        %parallel_loop3A_161 = tpu.vector_load %arg5[%parallel_loop3A_158, %parallel_loop3A_159, %parallel_loop3A_160] {strides = array<i32>} : memref<2x4x4096xf32, #tpu.memory_space<vmem>>, vector<16xf32>,
        %parallel_loop3A_162 = vector.bitcast %parallel_loop3A_161 : vector<16xf32> to vector<16xi32>
        %parallel_loop3A_163 = arith.constant 511 : i32
        %parallel_loop3A_164 = vector.broadcast %parallel_loop3A_163 : i32 to vector<16xi32>
        %parallel_loop3A_165 = arith.andi %parallel_loop3A_162, %parallel_loop3A_164 : vector<16xi32>
        %parallel_loop3A_166 = arith.constant 4 : i32
        %parallel_loop3A_167 = vector.broadcast %parallel_loop3A_166 : i32 to vector<16xi32>
        %parallel_loop3A_168 = arith.shli %parallel_loop3A_165, %parallel_loop3A_167 : vector<16xi32>
        %parallel_loop3A_169 = arith.ori %parallel_loop3A_168, %iota3A : vector<16xi32>
        %parallel_loop3A_170 = arith.constant 2147483647 : i32
        %parallel_loop3A_171 = vector.broadcast %parallel_loop3A_170 : i32 to vector<16xi32>
        %parallel_loop3A_172 = arith.andi %parallel_loop3A_162, %parallel_loop3A_171 : vector<16xi32>
        %parallel_loop3A_173 = arith.constant 9 : i32
        %parallel_loop3A_174 = vector.broadcast %parallel_loop3A_173 : i32 to vector<16xi32>
        %parallel_loop3A_175 = arith.shrui %parallel_loop3A_172, %parallel_loop3A_174 : vector<16xi32>
        %parallel_loop3A_176 = arith.cmpi eq, %parallel_loop3A_175, %get3A_10 : vector<16xi32>
        tpu.vector_store_idx %arg6[%parallel_loop3A_169], %broadcast_in_dim3A_12 masked %parallel_loop3A_176 {add = true} : memref<8192xi32, #tpu.memory_space<vmem>>[vector<16xi32>], vector<16xi32>, vector<16xi1>
      } {sc.loop_unroll_factor = 4 : i64, sc.parallel_access}
      %mul3A_61 = arith.constant 2 : i32
      %mul3A_62 = arith.muli %scan3A_34, %mul3A_61 : i32
      %add3A_63 = arith.constant 1 : i32
      %add3A_64 = arith.addi %mul3A_62, %add3A_63 : i32
      %add3A_65 = arith.constant 1 : i32
      %add3A_66 = arith.addi %add3A_64, %add3A_65 : i32
      %lt3A_67 = arith.constant 32 : i32
      %lt3A_68 = arith.cmpi slt, %add3A_66, %lt3A_67 : i32
      %convert_element_type3A_69 = arith.extui %lt3A_68 : i1 to i32
      %cond3A_70 = arith.constant 0 : i32
      %cond3A_71 = arith.cmpi ne, %convert_element_type3A_69, %cond3A_70 : i32
      scf.if %cond3A_71 {
        %add3A_92 = arith.constant 1 : i32
        %add3A_93 = arith.addi %add3A_64, %add3A_92 : i32
        %mul3A_94 = arith.constant 4 : i32
        %mul3A_95 = arith.muli %add3A_93, %mul3A_94 : i32
        %add3A_96 = arith.addi %mul3A_2, %mul3A_95 : i32
        %dma_start3A_97 = arith.constant 0 : i32
        %dma_start3A_98 = arith.constant 0 : i32
        %dma_start3A_99 = arith.constant 0 : i32
        %dma_start3A_100 = tpu.memref_slice %arg5[%dma_start3A_97, %dma_start3A_98, %dma_start3A_99] : memref<2x4x4096xf32, #tpu.memory_space<vmem>> -> memref<1x4x4096xf32, #tpu.memory_space<vmem>>
        %dma_start3A_101 = tpu.memref_squeeze %dma_start3A_100 : memref<1x4x4096xf32, #tpu.memory_space<vmem>> -> memref<4x4096xf32, #tpu.memory_space<vmem>>
        %dma_start3A_102 = arith.constant 0 : i32
        %dma_start3A_103 = tpu.memref_slice %arg2[%add3A_96, %dma_start3A_102] : memref<4096x4096xf32, #tpu.memory_space<hbm>> -> memref<4x4096xf32, #tpu.memory_space<hbm>>
        %dma_start3A_104 = arith.constant 0 : i32
        %dma_start3A_105 = arith.constant 0 : i32
        %dma_start3A_106 = tpu.memref_slice %arg5[%dma_start3A_97, %dma_start3A_104, %dma_start3A_105] : memref<2x4x4096xf32, #tpu.memory_space<vmem>> -> memref<1x4x4096xf32, #tpu.memory_space<vmem>>
        %dma_start3A_107 = tpu.memref_squeeze %dma_start3A_106 : memref<1x4x4096xf32, #tpu.memory_space<vmem>> -> memref<4x4096xf32, #tpu.memory_space<vmem>>
        %dma_start3A_108 = arith.constant 0 : i32
        %dma_start3A_109 = tpu.memref_slice %arg2[%add3A_96, %dma_start3A_108] : memref<4096x4096xf32, #tpu.memory_space<hbm>> -> memref<4x4096xf32, #tpu.memory_space<hbm>>
        tpu.enqueue_dma source(%dma_start3A_109 : memref<4x4096xf32, #tpu.memory_space<hbm>>) target(%dma_start3A_107 : memref<4x4096xf32, #tpu.memory_space<vmem>>) target_semaphore(%arg8 : memref<!tpu.dma_semaphore, #tpu.memory_space<semaphore_mem>>)
      } else {
      }
      %mul3A_72 = arith.constant 4 : i32
      %mul3A_73 = arith.muli %add3A_64, %mul3A_72 : i32
      %add3A_74 = arith.addi %mul3A_2, %mul3A_73 : i32
      %dma_wait3A_75 = arith.constant 1 : i32
      %dma_wait3A_76 = arith.constant 0 : i32
      %dma_wait3A_77 = arith.constant 0 : i32
      %dma_wait3A_78 = tpu.memref_slice %arg5[%dma_wait3A_75, %dma_wait3A_76, %dma_wait3A_77] : memref<2x4x4096xf32, #tpu.memory_space<vmem>> -> memref<1x4x4096xf32, #tpu.memory_space<vmem>>
      %dma_wait3A_79 = tpu.memref_squeeze %dma_wait3A_78 : memref<1x4x4096xf32, #tpu.memory_space<vmem>> -> memref<4x4096xf32, #tpu.memory_space<vmem>>
      %dma_wait3A_80 = arith.constant 0 : i32
      %dma_wait3A_81 = tpu.memref_slice %arg2[%add3A_74, %dma_wait3A_80] : memref<4096x4096xf32, #tpu.memory_space<hbm>> -> memref<4x4096xf32, #tpu.memory_space<hbm>>
      %dma_wait3A_82 = arith.constant 0 : i32
      %dma_wait3A_83 = arith.constant 0 : i32
      %dma_wait3A_84 = tpu.memref_slice %arg5[%dma_wait3A_75, %dma_wait3A_82, %dma_wait3A_83] : memref<2x4x4096xf32, #tpu.memory_space<vmem>> -> memref<1x4x4096xf32, #tpu.memory_space<vmem>>
      %dma_wait3A_85 = tpu.memref_squeeze %dma_wait3A_84 : memref<1x4x4096xf32, #tpu.memory_space<vmem>> -> memref<4x4096xf32, #tpu.memory_space<vmem>>
      %dma_wait3A_86 = arith.constant 0 : i32
      %dma_wait3A_87 = tpu.memref_slice %arg2[%add3A_74, %dma_wait3A_86] : memref<4096x4096xf32, #tpu.memory_space<hbm>> -> memref<4x4096xf32, #tpu.memory_space<hbm>>
      tpu.wait_dma2 semaphore(%arg9 : memref<!tpu.dma_semaphore, #tpu.memory_space<semaphore_mem>>) src(%dma_wait3A_87 : memref<4x4096xf32, #tpu.memory_space<hbm>>) dst(%dma_wait3A_85 : memref<4x4096xf32, #tpu.memory_space<vmem>>)
      %parallel_loop3A_88 = arith.constant 0 : i32
      %parallel_loop3A_89 = arith.constant 4096 : i32
      %parallel_loop3A_90 = arith.constant 16 : i32
      scf.for %parallel_loop3A_92 = %parallel_loop3A_88 to %parallel_loop3A_89 step %parallel_loop3A_90  : i32 {
        %parallel_loop3A_93 = arith.constant 1 : i32
        %parallel_loop3A_94 = arith.constant 0 : i32
        %parallel_loop3A_95 = arith.index_cast %parallel_loop3A_93 : i32 to index
        %parallel_loop3A_96 = arith.index_cast %parallel_loop3A_94 : i32 to index
        %parallel_loop3A_97 = arith.index_cast %parallel_loop3A_92 : i32 to index
        %parallel_loop3A_98 = tpu.vector_load %arg5[%parallel_loop3A_95, %parallel_loop3A_96, %parallel_loop3A_97] {strides = array<i32>} : memref<2x4x4096xf32, #tpu.memory_space<vmem>>, vector<16xf32>,
        %parallel_loop3A_99 = vector.bitcast %parallel_loop3A_98 : vector<16xf32> to vector<16xi32>
        %parallel_loop3A_100 = arith.constant 511 : i32
        %parallel_loop3A_101 = vector.broadcast %parallel_loop3A_100 : i32 to vector<16xi32>
        %parallel_loop3A_102 = arith.andi %parallel_loop3A_99, %parallel_loop3A_101 : vector<16xi32>
        %parallel_loop3A_103 = arith.constant 4 : i32
        %parallel_loop3A_104 = vector.broadcast %parallel_loop3A_103 : i32 to vector<16xi32>
        %parallel_loop3A_105 = arith.shli %parallel_loop3A_102, %parallel_loop3A_104 : vector<16xi32>
        %parallel_loop3A_106 = arith.ori %parallel_loop3A_105, %iota3A : vector<16xi32>
        %parallel_loop3A_107 = arith.constant 2147483647 : i32
        %parallel_loop3A_108 = vector.broadcast %parallel_loop3A_107 : i32 to vector<16xi32>
        %parallel_loop3A_109 = arith.andi %parallel_loop3A_99, %parallel_loop3A_108 : vector<16xi32>
        %parallel_loop3A_110 = arith.constant 9 : i32
        %parallel_loop3A_111 = vector.broadcast %parallel_loop3A_110 : i32 to vector<16xi32>
        %parallel_loop3A_112 = arith.shrui %parallel_loop3A_109, %parallel_loop3A_111 : vector<16xi32>
        %parallel_loop3A_113 = arith.cmpi eq, %parallel_loop3A_112, %get3A_10 : vector<16xi32>
        tpu.vector_store_idx %arg6[%parallel_loop3A_106], %broadcast_in_dim3A_12 masked %parallel_loop3A_113 {add = true} : memref<8192xi32, #tpu.memory_space<vmem>>[vector<16xi32>], vector<16xi32>, vector<16xi1>
        %parallel_loop3A_114 = arith.constant 1 : i32
        %parallel_loop3A_115 = arith.constant 1 : i32
        %parallel_loop3A_116 = arith.index_cast %parallel_loop3A_114 : i32 to index
        %parallel_loop3A_117 = arith.index_cast %parallel_loop3A_115 : i32 to index
        %parallel_loop3A_118 = arith.index_cast %parallel_loop3A_92 : i32 to index
        %parallel_loop3A_119 = tpu.vector_load %arg5[%parallel_loop3A_116, %parallel_loop3A_117, %parallel_loop3A_118] {strides = array<i32>} : memref<2x4x4096xf32, #tpu.memory_space<vmem>>, vector<16xf32>,
        %parallel_loop3A_120 = vector.bitcast %parallel_loop3A_119 : vector<16xf32> to vector<16xi32>
        %parallel_loop3A_121 = arith.constant 511 : i32
        %parallel_loop3A_122 = vector.broadcast %parallel_loop3A_121 : i32 to vector<16xi32>
        %parallel_loop3A_123 = arith.andi %parallel_loop3A_120, %parallel_loop3A_122 : vector<16xi32>
        %parallel_loop3A_124 = arith.constant 4 : i32
        %parallel_loop3A_125 = vector.broadcast %parallel_loop3A_124 : i32 to vector<16xi32>
        %parallel_loop3A_126 = arith.shli %parallel_loop3A_123, %parallel_loop3A_125 : vector<16xi32>
        %parallel_loop3A_127 = arith.ori %parallel_loop3A_126, %iota3A : vector<16xi32>
        %parallel_loop3A_128 = arith.constant 2147483647 : i32
        %parallel_loop3A_129 = vector.broadcast %parallel_loop3A_128 : i32 to vector<16xi32>
        %parallel_loop3A_130 = arith.andi %parallel_loop3A_120, %parallel_loop3A_129 : vector<16xi32>
        %parallel_loop3A_131 = arith.constant 9 : i32
        %parallel_loop3A_132 = vector.broadcast %parallel_loop3A_131 : i32 to vector<16xi32>
        %parallel_loop3A_133 = arith.shrui %parallel_loop3A_130, %parallel_loop3A_132 : vector<16xi32>
        %parallel_loop3A_134 = arith.cmpi eq, %parallel_loop3A_133, %get3A_10 : vector<16xi32>
        tpu.vector_store_idx %arg6[%parallel_loop3A_127], %broadcast_in_dim3A_12 masked %parallel_loop3A_134 {add = true} : memref<8192xi32, #tpu.memory_space<vmem>>[vector<16xi32>], vector<16xi32>, vector<16xi1>
        %parallel_loop3A_135 = arith.constant 1 : i32
        %parallel_loop3A_136 = arith.constant 2 : i32
        %parallel_loop3A_137 = arith.index_cast %parallel_loop3A_135 : i32 to index
        %parallel_loop3A_138 = arith.index_cast %parallel_loop3A_136 : i32 to index
        %parallel_loop3A_139 = arith.index_cast %parallel_loop3A_92 : i32 to index
        %parallel_loop3A_140 = tpu.vector_load %arg5[%parallel_loop3A_137, %parallel_loop3A_138, %parallel_loop3A_139] {strides = array<i32>} : memref<2x4x4096xf32, #tpu.memory_space<vmem>>, vector<16xf32>,
        %parallel_loop3A_141 = vector.bitcast %parallel_loop3A_140 : vector<16xf32> to vector<16xi32>
        %parallel_loop3A_142 = arith.constant 511 : i32
        %parallel_loop3A_143 = vector.broadcast %parallel_loop3A_142 : i32 to vector<16xi32>
        %parallel_loop3A_144 = arith.andi %parallel_loop3A_141, %parallel_loop3A_143 : vector<16xi32>
        %parallel_loop3A_145 = arith.constant 4 : i32
        %parallel_loop3A_146 = vector.broadcast %parallel_loop3A_145 : i32 to vector<16xi32>
        %parallel_loop3A_147 = arith.shli %parallel_loop3A_144, %parallel_loop3A_146 : vector<16xi32>
        %parallel_loop3A_148 = arith.ori %parallel_loop3A_147, %iota3A : vector<16xi32>
        %parallel_loop3A_149 = arith.constant 2147483647 : i32
        %parallel_loop3A_150 = vector.broadcast %parallel_loop3A_149 : i32 to vector<16xi32>
        %parallel_loop3A_151 = arith.andi %parallel_loop3A_141, %parallel_loop3A_150 : vector<16xi32>
        %parallel_loop3A_152 = arith.constant 9 : i32
        %parallel_loop3A_153 = vector.broadcast %parallel_loop3A_152 : i32 to vector<16xi32>
        %parallel_loop3A_154 = arith.shrui %parallel_loop3A_151, %parallel_loop3A_153 : vector<16xi32>
        %parallel_loop3A_155 = arith.cmpi eq, %parallel_loop3A_154, %get3A_10 : vector<16xi32>
        tpu.vector_store_idx %arg6[%parallel_loop3A_148], %broadcast_in_dim3A_12 masked %parallel_loop3A_155 {add = true} : memref<8192xi32, #tpu.memory_space<vmem>>[vector<16xi32>], vector<16xi32>, vector<16xi1>
        %parallel_loop3A_156 = arith.constant 1 : i32
        %parallel_loop3A_157 = arith.constant 3 : i32
        %parallel_loop3A_158 = arith.index_cast %parallel_loop3A_156 : i32 to index
        %parallel_loop3A_159 = arith.index_cast %parallel_loop3A_157 : i32 to index
        %parallel_loop3A_160 = arith.index_cast %parallel_loop3A_92 : i32 to index
        %parallel_loop3A_161 = tpu.vector_load %arg5[%parallel_loop3A_158, %parallel_loop3A_159, %parallel_loop3A_160] {strides = array<i32>} : memref<2x4x4096xf32, #tpu.memory_space<vmem>>, vector<16xf32>,
        %parallel_loop3A_162 = vector.bitcast %parallel_loop3A_161 : vector<16xf32> to vector<16xi32>
        %parallel_loop3A_163 = arith.constant 511 : i32
        %parallel_loop3A_164 = vector.broadcast %parallel_loop3A_163 : i32 to vector<16xi32>
        %parallel_loop3A_165 = arith.andi %parallel_loop3A_162, %parallel_loop3A_164 : vector<16xi32>
        %parallel_loop3A_166 = arith.constant 4 : i32
        %parallel_loop3A_167 = vector.broadcast %parallel_loop3A_166 : i32 to vector<16xi32>
        %parallel_loop3A_168 = arith.shli %parallel_loop3A_165, %parallel_loop3A_167 : vector<16xi32>
        %parallel_loop3A_169 = arith.ori %parallel_loop3A_168, %iota3A : vector<16xi32>
        %parallel_loop3A_170 = arith.constant 2147483647 : i32
        %parallel_loop3A_171 = vector.broadcast %parallel_loop3A_170 : i32 to vector<16xi32>
        %parallel_loop3A_172 = arith.andi %parallel_loop3A_162, %parallel_loop3A_171 : vector<16xi32>
        %parallel_loop3A_173 = arith.constant 9 : i32
        %parallel_loop3A_174 = vector.broadcast %parallel_loop3A_173 : i32 to vector<16xi32>
        %parallel_loop3A_175 = arith.shrui %parallel_loop3A_172, %parallel_loop3A_174 : vector<16xi32>
        %parallel_loop3A_176 = arith.cmpi eq, %parallel_loop3A_175, %get3A_10 : vector<16xi32>
        tpu.vector_store_idx %arg6[%parallel_loop3A_169], %broadcast_in_dim3A_12 masked %parallel_loop3A_176 {add = true} : memref<8192xi32, #tpu.memory_space<vmem>>[vector<16xi32>], vector<16xi32>, vector<16xi1>
      } {sc.loop_unroll_factor = 4 : i64, sc.parallel_access}
      %scan3A_91 = arith.constant 0 : i32
      scf.yield %scan3A_91 : i32
    }
    %scan3A_33 = arith.constant 16 : i32
    "tpu.region"() ({
      %run_scoped3A = tpu.sem_alloc : memref<!tpu.dma_semaphore, #tpu.memory_space<semaphore_mem>>
      %dma_start3A_34 = arith.constant 0 : i32
      %dma_start3A_35 = tpu.memref_slice %arg4[%add3A, %dma_start3A_34] : memref<32x8192xi32, #tpu.memory_space<hbm>> -> memref<1x8192xi32, #tpu.memory_space<hbm>>
      %dma_start3A_36 = tpu.memref_squeeze %dma_start3A_35 : memref<1x8192xi32, #tpu.memory_space<hbm>> -> memref<8192xi32, #tpu.memory_space<hbm>>
      %dma_start3A_37 = arith.constant 0 : i32
      %dma_start3A_38 = tpu.memref_slice %arg4[%add3A, %dma_start3A_37] : memref<32x8192xi32, #tpu.memory_space<hbm>> -> memref<1x8192xi32, #tpu.memory_space<hbm>>
      %dma_start3A_39 = tpu.memref_squeeze %dma_start3A_38 : memref<1x8192xi32, #tpu.memory_space<hbm>> -> memref<8192xi32, #tpu.memory_space<hbm>>
      tpu.enqueue_dma source(%arg6 : memref<8192xi32, #tpu.memory_space<vmem>>) target(%dma_start3A_39 : memref<8192xi32, #tpu.memory_space<hbm>>) target_semaphore(%run_scoped3A : memref<!tpu.dma_semaphore, #tpu.memory_space<semaphore_mem>>)
      %dma_wait3A = arith.constant 0 : i32
      %dma_wait3A_40 = tpu.memref_slice %arg4[%add3A, %dma_wait3A] : memref<32x8192xi32, #tpu.memory_space<hbm>> -> memref<1x8192xi32, #tpu.memory_space<hbm>>
      %dma_wait3A_41 = tpu.memref_squeeze %dma_wait3A_40 : memref<1x8192xi32, #tpu.memory_space<hbm>> -> memref<8192xi32, #tpu.memory_space<hbm>>
      %dma_wait3A_42 = arith.constant 0 : i32
      %dma_wait3A_43 = tpu.memref_slice %arg4[%add3A, %dma_wait3A_42] : memref<32x8192xi32, #tpu.memory_space<hbm>> -> memref<1x8192xi32, #tpu.memory_space<hbm>>
      %dma_wait3A_44 = tpu.memref_squeeze %dma_wait3A_43 : memref<1x8192xi32, #tpu.memory_space<hbm>> -> memref<8192xi32, #tpu.memory_space<hbm>>
      tpu.wait_dma2 semaphore(%run_scoped3A : memref<!tpu.dma_semaphore, #tpu.memory_space<semaphore_mem>>) src(%arg6 : memref<8192xi32, #tpu.memory_space<vmem>>) dst(%dma_wait3A_44 : memref<8192xi32, #tpu.memory_space<hbm>>)
      tpu.yield
    }) : () -> ()
    return
  }
}

module attributes {stable_mosaic.version = 14 : i64} {
  func.func @body(%arg0: memref<16xi32, #tpu.memory_space<smem>>, %arg1: memref<1xi32, #tpu.memory_space<smem>>, %arg2: memref<32x8192xi32, #tpu.memory_space<vmem>>, %arg3: memref<16xi32, #tpu.memory_space<smem>>, %arg4: memref<1xi32, #tpu.memory_space<smem>>) attributes {dimension_semantics = [], scalar_prefetch = 0 : i64, scratch_operands = 0 : i64, tpu.core_type = #tpu.core_type<tc>} {
    %get3A = arith.constant 0 : index
    %get3A_0 = memref.load %arg0[%get3A] : memref<16xi32, #tpu.memory_space<smem>>
    %get3A_1 = arith.constant 0 : index
    %get3A_2 = memref.load %arg1[%get3A_1] : memref<1xi32, #tpu.memory_space<smem>>
    %get3A_3 = arith.constant 0 : index
    %get3A_4 = arith.constant 0 : index
    %get3A_5 = vector.load %arg2[%get3A_3, %get3A_4] : memref<32x8192xi32, #tpu.memory_space<vmem>>, vector<32x8192xi32>
    %reduce_sum3A = arith.constant dense<0> : vector<8192xi32>
    %reduce_sum3A_6 = vector.multi_reduction <add>, %get3A_5, %reduce_sum3A [0] : vector<32x8192xi32> to vector<8192xi32>
    %broadcast_in_dim3A = vector.shape_cast %reduce_sum3A_6 : vector<8192xi32> to vector<1x8192xi32>
    %iota3A = tpu.iota {dimensions = array<i32: 1>} : vector<1x8192xi32>
    %add3A = arith.constant 0 : i32
    %add3A_7 = arith.constant 512 : i32
    %add3A_8 = arith.addi %add3A, %add3A_7 : i32
    %jit3A = arith.constant 2 : i32
    %div3A = arith.divsi %add3A_8, %jit3A : i32
    %sign3A = arith.constant 0 : i32
    %sign3A_9 = arith.cmpi sgt, %add3A_8, %sign3A : i32
    %sign3A_10 = arith.extui %sign3A_9 : i1 to i32
    %sign3A_11 = arith.constant 0 : i32
    %sign3A_12 = arith.cmpi slt, %add3A_8, %sign3A_11 : i32
    %sign3A_13 = arith.extui %sign3A_12 : i1 to i32
    %sign3A_14 = arith.subi %sign3A_10, %sign3A_13 : i32
    %sign3A_15 = arith.constant 0 : i32
    %sign3A_16 = arith.cmpi sgt, %jit3A, %sign3A_15 : i32
    %sign3A_17 = arith.extui %sign3A_16 : i1 to i32
    %sign3A_18 = arith.constant 0 : i32
    %sign3A_19 = arith.cmpi slt, %jit3A, %sign3A_18 : i32
    %sign3A_20 = arith.extui %sign3A_19 : i1 to i32
    %sign3A_21 = arith.subi %sign3A_17, %sign3A_20 : i32
    %ne3A = arith.cmpi ne, %sign3A_14, %sign3A_21 : i32
    %rem3A = arith.remsi %add3A_8, %jit3A : i32
    %ne3A_22 = arith.constant 0 : i32
    %ne3A_23 = arith.cmpi ne, %rem3A, %ne3A_22 : i32
    %and3A = arith.andi %ne3A, %ne3A_23 : i1
    %sub3A = arith.constant 1 : i32
    %sub3A_24 = arith.subi %div3A, %sub3A : i32
    %select_n3A = arith.select %and3A, %sub3A_24, %div3A : i32
    %mul3A = arith.constant 16 : i32
    %mul3A_25 = arith.muli %select_n3A, %mul3A : i32
    %ge3A = vector.broadcast %mul3A_25 : i32 to vector<1x8192xi32>
    %ge3A_26 = arith.cmpi sge, %iota3A, %ge3A : vector<1x8192xi32>
    %jit3A_27 = arith.constant 0 : i32
    %broadcast_in_dim3A_28 = vector.broadcast %jit3A_27 : i32 to vector<1x8192xi32>
    %select_n3A_29 = arith.select %ge3A_26, %broadcast_in_dim3A, %broadcast_in_dim3A_28 : vector<1x8192xi1>, vector<1x8192xi32>
    %reduce_sum3A_30 = vector.shape_cast %select_n3A_29 : vector<1x8192xi32> to vector<1x1x8192xi32>
    %reduce_sum3A_31 = arith.constant dense<0> : vector<1xi32>
    %reduce_sum3A_32 = vector.multi_reduction <add>, %reduce_sum3A_30, %reduce_sum3A_31 [1, 2] : vector<1x1x8192xi32> to vector<1xi32>
    %reduce_sum3A_33 = vector.shape_cast %reduce_sum3A_32 : vector<1xi32> to vector<1x1x1xi32>
    %reduce_sum3A_34 = vector.extract %reduce_sum3A_33[0, 0, 0] : i32 from vector<1x1x1xi32>
    %ge3A_35 = arith.cmpi sge, %reduce_sum3A_34, %get3A_2 : i32
    %jit3A_36 = arith.constant 0 : i32
    %select_n3A_37 = arith.select %ge3A_35, %select_n3A, %jit3A_36 : i32
    %jit3A_38 = arith.constant 512 : i32
    %select_n3A_39 = arith.select %ge3A_35, %jit3A_38, %select_n3A : i32
    %add3A_40 = arith.addi %select_n3A_37, %select_n3A_39 : i32
    %jit3A_41 = arith.constant 2 : i32
    %div3A_42 = arith.divsi %add3A_40, %jit3A_41 : i32
    %sign3A_43 = arith.constant 0 : i32
    %sign3A_44 = arith.cmpi sgt, %add3A_40, %sign3A_43 : i32
    %sign3A_45 = arith.extui %sign3A_44 : i1 to i32
    %sign3A_46 = arith.constant 0 : i32
    %sign3A_47 = arith.cmpi slt, %add3A_40, %sign3A_46 : i32
    %sign3A_48 = arith.extui %sign3A_47 : i1 to i32
    %sign3A_49 = arith.subi %sign3A_45, %sign3A_48 : i32
    %sign3A_50 = arith.constant 0 : i32
    %sign3A_51 = arith.cmpi sgt, %jit3A_41, %sign3A_50 : i32
    %sign3A_52 = arith.extui %sign3A_51 : i1 to i32
    %sign3A_53 = arith.constant 0 : i32
    %sign3A_54 = arith.cmpi slt, %jit3A_41, %sign3A_53 : i32
    %sign3A_55 = arith.extui %sign3A_54 : i1 to i32
    %sign3A_56 = arith.subi %sign3A_52, %sign3A_55 : i32
    %ne3A_57 = arith.cmpi ne, %sign3A_49, %sign3A_56 : i32
    %rem3A_58 = arith.remsi %add3A_40, %jit3A_41 : i32
    %ne3A_59 = arith.constant 0 : i32
    %ne3A_60 = arith.cmpi ne, %rem3A_58, %ne3A_59 : i32
    %and3A_61 = arith.andi %ne3A_57, %ne3A_60 : i1
    %sub3A_62 = arith.constant 1 : i32
    %sub3A_63 = arith.subi %div3A_42, %sub3A_62 : i32
    %select_n3A_64 = arith.select %and3A_61, %sub3A_63, %div3A_42 : i32
    %mul3A_65 = arith.constant 16 : i32
    %mul3A_66 = arith.muli %select_n3A_64, %mul3A_65 : i32
    %ge3A_67 = vector.broadcast %mul3A_66 : i32 to vector<1x8192xi32>
    %ge3A_68 = arith.cmpi sge, %iota3A, %ge3A_67 : vector<1x8192xi32>
    %jit3A_69 = arith.constant 0 : i32
    %broadcast_in_dim3A_70 = vector.broadcast %jit3A_69 : i32 to vector<1x8192xi32>
    %select_n3A_71 = arith.select %ge3A_68, %broadcast_in_dim3A, %broadcast_in_dim3A_70 : vector<1x8192xi1>, vector<1x8192xi32>
    %reduce_sum3A_72 = vector.shape_cast %select_n3A_71 : vector<1x8192xi32> to vector<1x1x8192xi32>
    %reduce_sum3A_73 = arith.constant dense<0> : vector<1xi32>
    %reduce_sum3A_74 = vector.multi_reduction <add>, %reduce_sum3A_72, %reduce_sum3A_73 [1, 2] : vector<1x1x8192xi32> to vector<1xi32>
    %reduce_sum3A_75 = vector.shape_cast %reduce_sum3A_74 : vector<1xi32> to vector<1x1x1xi32>
    %reduce_sum3A_76 = vector.extract %reduce_sum3A_75[0, 0, 0] : i32 from vector<1x1x1xi32>
    %ge3A_77 = arith.cmpi sge, %reduce_sum3A_76, %get3A_2 : i32
    %select_n3A_78 = arith.select %ge3A_77, %select_n3A_64, %select_n3A_37 : i32
    %select_n3A_79 = arith.select %ge3A_77, %select_n3A_39, %select_n3A_64 : i32
    %add3A_80 = arith.addi %select_n3A_78, %select_n3A_79 : i32
    %jit3A_81 = arith.constant 2 : i32
    %div3A_82 = arith.divsi %add3A_80, %jit3A_81 : i32
    %sign3A_83 = arith.constant 0 : i32
    %sign3A_84 = arith.cmpi sgt, %add3A_80, %sign3A_83 : i32
    %sign3A_85 = arith.extui %sign3A_84 : i1 to i32
    %sign3A_86 = arith.constant 0 : i32
    %sign3A_87 = arith.cmpi slt, %add3A_80, %sign3A_86 : i32
    %sign3A_88 = arith.extui %sign3A_87 : i1 to i32
    %sign3A_89 = arith.subi %sign3A_85, %sign3A_88 : i32
    %sign3A_90 = arith.constant 0 : i32
    %sign3A_91 = arith.cmpi sgt, %jit3A_81, %sign3A_90 : i32
    %sign3A_92 = arith.extui %sign3A_91 : i1 to i32
    %sign3A_93 = arith.constant 0 : i32
    %sign3A_94 = arith.cmpi slt, %jit3A_81, %sign3A_93 : i32
    %sign3A_95 = arith.extui %sign3A_94 : i1 to i32
    %sign3A_96 = arith.subi %sign3A_92, %sign3A_95 : i32
    %ne3A_97 = arith.cmpi ne, %sign3A_89, %sign3A_96 : i32
    %rem3A_98 = arith.remsi %add3A_80, %jit3A_81 : i32
    %ne3A_99 = arith.constant 0 : i32
    %ne3A_100 = arith.cmpi ne, %rem3A_98, %ne3A_99 : i32
    %and3A_101 = arith.andi %ne3A_97, %ne3A_100 : i1
    %sub3A_102 = arith.constant 1 : i32
    %sub3A_103 = arith.subi %div3A_82, %sub3A_102 : i32
    %select_n3A_104 = arith.select %and3A_101, %sub3A_103, %div3A_82 : i32
    %mul3A_105 = arith.constant 16 : i32
    %mul3A_106 = arith.muli %select_n3A_104, %mul3A_105 : i32
    %ge3A_107 = vector.broadcast %mul3A_106 : i32 to vector<1x8192xi32>
    %ge3A_108 = arith.cmpi sge, %iota3A, %ge3A_107 : vector<1x8192xi32>
    %jit3A_109 = arith.constant 0 : i32
    %broadcast_in_dim3A_110 = vector.broadcast %jit3A_109 : i32 to vector<1x8192xi32>
    %select_n3A_111 = arith.select %ge3A_108, %broadcast_in_dim3A, %broadcast_in_dim3A_110 : vector<1x8192xi1>, vector<1x8192xi32>
    %reduce_sum3A_112 = vector.shape_cast %select_n3A_111 : vector<1x8192xi32> to vector<1x1x8192xi32>
    %reduce_sum3A_113 = arith.constant dense<0> : vector<1xi32>
    %reduce_sum3A_114 = vector.multi_reduction <add>, %reduce_sum3A_112, %reduce_sum3A_113 [1, 2] : vector<1x1x8192xi32> to vector<1xi32>
    %reduce_sum3A_115 = vector.shape_cast %reduce_sum3A_114 : vector<1xi32> to vector<1x1x1xi32>
    %reduce_sum3A_116 = vector.extract %reduce_sum3A_115[0, 0, 0] : i32 from vector<1x1x1xi32>
    %ge3A_117 = arith.cmpi sge, %reduce_sum3A_116, %get3A_2 : i32
    %select_n3A_118 = arith.select %ge3A_117, %select_n3A_104, %select_n3A_78 : i32
    %select_n3A_119 = arith.select %ge3A_117, %select_n3A_79, %select_n3A_104 : i32
    %add3A_120 = arith.addi %select_n3A_118, %select_n3A_119 : i32
    %jit3A_121 = arith.constant 2 : i32
    %div3A_122 = arith.divsi %add3A_120, %jit3A_121 : i32
    %sign3A_123 = arith.constant 0 : i32
    %sign3A_124 = arith.cmpi sgt, %add3A_120, %sign3A_123 : i32
    %sign3A_125 = arith.extui %sign3A_124 : i1 to i32
    %sign3A_126 = arith.constant 0 : i32
    %sign3A_127 = arith.cmpi slt, %add3A_120, %sign3A_126 : i32
    %sign3A_128 = arith.extui %sign3A_127 : i1 to i32
    %sign3A_129 = arith.subi %sign3A_125, %sign3A_128 : i32
    %sign3A_130 = arith.constant 0 : i32
    %sign3A_131 = arith.cmpi sgt, %jit3A_121, %sign3A_130 : i32
    %sign3A_132 = arith.extui %sign3A_131 : i1 to i32
    %sign3A_133 = arith.constant 0 : i32
    %sign3A_134 = arith.cmpi slt, %jit3A_121, %sign3A_133 : i32
    %sign3A_135 = arith.extui %sign3A_134 : i1 to i32
    %sign3A_136 = arith.subi %sign3A_132, %sign3A_135 : i32
    %ne3A_137 = arith.cmpi ne, %sign3A_129, %sign3A_136 : i32
    %rem3A_138 = arith.remsi %add3A_120, %jit3A_121 : i32
    %ne3A_139 = arith.constant 0 : i32
    %ne3A_140 = arith.cmpi ne, %rem3A_138, %ne3A_139 : i32
    %and3A_141 = arith.andi %ne3A_137, %ne3A_140 : i1
    %sub3A_142 = arith.constant 1 : i32
    %sub3A_143 = arith.subi %div3A_122, %sub3A_142 : i32
    %select_n3A_144 = arith.select %and3A_141, %sub3A_143, %div3A_122 : i32
    %mul3A_145 = arith.constant 16 : i32
    %mul3A_146 = arith.muli %select_n3A_144, %mul3A_145 : i32
    %ge3A_147 = vector.broadcast %mul3A_146 : i32 to vector<1x8192xi32>
    %ge3A_148 = arith.cmpi sge, %iota3A, %ge3A_147 : vector<1x8192xi32>
    %jit3A_149 = arith.constant 0 : i32
    %broadcast_in_dim3A_150 = vector.broadcast %jit3A_149 : i32 to vector<1x8192xi32>
    %select_n3A_151 = arith.select %ge3A_148, %broadcast_in_dim3A, %broadcast_in_dim3A_150 : vector<1x8192xi1>, vector<1x8192xi32>
    %reduce_sum3A_152 = vector.shape_cast %select_n3A_151 : vector<1x8192xi32> to vector<1x1x8192xi32>
    %reduce_sum3A_153 = arith.constant dense<0> : vector<1xi32>
    %reduce_sum3A_154 = vector.multi_reduction <add>, %reduce_sum3A_152, %reduce_sum3A_153 [1, 2] : vector<1x1x8192xi32> to vector<1xi32>
    %reduce_sum3A_155 = vector.shape_cast %reduce_sum3A_154 : vector<1xi32> to vector<1x1x1xi32>
    %reduce_sum3A_156 = vector.extract %reduce_sum3A_155[0, 0, 0] : i32 from vector<1x1x1xi32>
    %ge3A_157 = arith.cmpi sge, %reduce_sum3A_156, %get3A_2 : i32
    %select_n3A_158 = arith.select %ge3A_157, %select_n3A_144, %select_n3A_118 : i32
    %select_n3A_159 = arith.select %ge3A_157, %select_n3A_119, %select_n3A_144 : i32
    %add3A_160 = arith.addi %select_n3A_158, %select_n3A_159 : i32
    %jit3A_161 = arith.constant 2 : i32
    %div3A_162 = arith.divsi %add3A_160, %jit3A_161 : i32
    %sign3A_163 = arith.constant 0 : i32
    %sign3A_164 = arith.cmpi sgt, %add3A_160, %sign3A_163 : i32
    %sign3A_165 = arith.extui %sign3A_164 : i1 to i32
    %sign3A_166 = arith.constant 0 : i32
    %sign3A_167 = arith.cmpi slt, %add3A_160, %sign3A_166 : i32
    %sign3A_168 = arith.extui %sign3A_167 : i1 to i32
    %sign3A_169 = arith.subi %sign3A_165, %sign3A_168 : i32
    %sign3A_170 = arith.constant 0 : i32
    %sign3A_171 = arith.cmpi sgt, %jit3A_161, %sign3A_170 : i32
    %sign3A_172 = arith.extui %sign3A_171 : i1 to i32
    %sign3A_173 = arith.constant 0 : i32
    %sign3A_174 = arith.cmpi slt, %jit3A_161, %sign3A_173 : i32
    %sign3A_175 = arith.extui %sign3A_174 : i1 to i32
    %sign3A_176 = arith.subi %sign3A_172, %sign3A_175 : i32
    %ne3A_177 = arith.cmpi ne, %sign3A_169, %sign3A_176 : i32
    %rem3A_178 = arith.remsi %add3A_160, %jit3A_161 : i32
    %ne3A_179 = arith.constant 0 : i32
    %ne3A_180 = arith.cmpi ne, %rem3A_178, %ne3A_179 : i32
    %and3A_181 = arith.andi %ne3A_177, %ne3A_180 : i1
    %sub3A_182 = arith.constant 1 : i32
    %sub3A_183 = arith.subi %div3A_162, %sub3A_182 : i32
    %select_n3A_184 = arith.select %and3A_181, %sub3A_183, %div3A_162 : i32
    %mul3A_185 = arith.constant 16 : i32
    %mul3A_186 = arith.muli %select_n3A_184, %mul3A_185 : i32
    %ge3A_187 = vector.broadcast %mul3A_186 : i32 to vector<1x8192xi32>
    %ge3A_188 = arith.cmpi sge, %iota3A, %ge3A_187 : vector<1x8192xi32>
    %jit3A_189 = arith.constant 0 : i32
    %broadcast_in_dim3A_190 = vector.broadcast %jit3A_189 : i32 to vector<1x8192xi32>
    %select_n3A_191 = arith.select %ge3A_188, %broadcast_in_dim3A, %broadcast_in_dim3A_190 : vector<1x8192xi1>, vector<1x8192xi32>
    %reduce_sum3A_192 = vector.shape_cast %select_n3A_191 : vector<1x8192xi32> to vector<1x1x8192xi32>
    %reduce_sum3A_193 = arith.constant dense<0> : vector<1xi32>
    %reduce_sum3A_194 = vector.multi_reduction <add>, %reduce_sum3A_192, %reduce_sum3A_193 [1, 2] : vector<1x1x8192xi32> to vector<1xi32>
    %reduce_sum3A_195 = vector.shape_cast %reduce_sum3A_194 : vector<1xi32> to vector<1x1x1xi32>
    %reduce_sum3A_196 = vector.extract %reduce_sum3A_195[0, 0, 0] : i32 from vector<1x1x1xi32>
    %ge3A_197 = arith.cmpi sge, %reduce_sum3A_196, %get3A_2 : i32
    %select_n3A_198 = arith.select %ge3A_197, %select_n3A_184, %select_n3A_158 : i32
    %select_n3A_199 = arith.select %ge3A_197, %select_n3A_159, %select_n3A_184 : i32
    %add3A_200 = arith.addi %select_n3A_198, %select_n3A_199 : i32
    %jit3A_201 = arith.constant 2 : i32
    %div3A_202 = arith.divsi %add3A_200, %jit3A_201 : i32
    %sign3A_203 = arith.constant 0 : i32
    %sign3A_204 = arith.cmpi sgt, %add3A_200, %sign3A_203 : i32
    %sign3A_205 = arith.extui %sign3A_204 : i1 to i32
    %sign3A_206 = arith.constant 0 : i32
    %sign3A_207 = arith.cmpi slt, %add3A_200, %sign3A_206 : i32
    %sign3A_208 = arith.extui %sign3A_207 : i1 to i32
    %sign3A_209 = arith.subi %sign3A_205, %sign3A_208 : i32
    %sign3A_210 = arith.constant 0 : i32
    %sign3A_211 = arith.cmpi sgt, %jit3A_201, %sign3A_210 : i32
    %sign3A_212 = arith.extui %sign3A_211 : i1 to i32
    %sign3A_213 = arith.constant 0 : i32
    %sign3A_214 = arith.cmpi slt, %jit3A_201, %sign3A_213 : i32
    %sign3A_215 = arith.extui %sign3A_214 : i1 to i32
    %sign3A_216 = arith.subi %sign3A_212, %sign3A_215 : i32
    %ne3A_217 = arith.cmpi ne, %sign3A_209, %sign3A_216 : i32
    %rem3A_218 = arith.remsi %add3A_200, %jit3A_201 : i32
    %ne3A_219 = arith.constant 0 : i32
    %ne3A_220 = arith.cmpi ne, %rem3A_218, %ne3A_219 : i32
    %and3A_221 = arith.andi %ne3A_217, %ne3A_220 : i1
    %sub3A_222 = arith.constant 1 : i32
    %sub3A_223 = arith.subi %div3A_202, %sub3A_222 : i32
    %select_n3A_224 = arith.select %and3A_221, %sub3A_223, %div3A_202 : i32
    %mul3A_225 = arith.constant 16 : i32
    %mul3A_226 = arith.muli %select_n3A_224, %mul3A_225 : i32
    %ge3A_227 = vector.broadcast %mul3A_226 : i32 to vector<1x8192xi32>
    %ge3A_228 = arith.cmpi sge, %iota3A, %ge3A_227 : vector<1x8192xi32>
    %jit3A_229 = arith.constant 0 : i32
    %broadcast_in_dim3A_230 = vector.broadcast %jit3A_229 : i32 to vector<1x8192xi32>
    %select_n3A_231 = arith.select %ge3A_228, %broadcast_in_dim3A, %broadcast_in_dim3A_230 : vector<1x8192xi1>, vector<1x8192xi32>
    %reduce_sum3A_232 = vector.shape_cast %select_n3A_231 : vector<1x8192xi32> to vector<1x1x8192xi32>
    %reduce_sum3A_233 = arith.constant dense<0> : vector<1xi32>
    %reduce_sum3A_234 = vector.multi_reduction <add>, %reduce_sum3A_232, %reduce_sum3A_233 [1, 2] : vector<1x1x8192xi32> to vector<1xi32>
    %reduce_sum3A_235 = vector.shape_cast %reduce_sum3A_234 : vector<1xi32> to vector<1x1x1xi32>
    %reduce_sum3A_236 = vector.extract %reduce_sum3A_235[0, 0, 0] : i32 from vector<1x1x1xi32>
    %ge3A_237 = arith.cmpi sge, %reduce_sum3A_236, %get3A_2 : i32
    %select_n3A_238 = arith.select %ge3A_237, %select_n3A_224, %select_n3A_198 : i32
    %select_n3A_239 = arith.select %ge3A_237, %select_n3A_199, %select_n3A_224 : i32
    %add3A_240 = arith.addi %select_n3A_238, %select_n3A_239 : i32
    %jit3A_241 = arith.constant 2 : i32
    %div3A_242 = arith.divsi %add3A_240, %jit3A_241 : i32
    %sign3A_243 = arith.constant 0 : i32
    %sign3A_244 = arith.cmpi sgt, %add3A_240, %sign3A_243 : i32
    %sign3A_245 = arith.extui %sign3A_244 : i1 to i32
    %sign3A_246 = arith.constant 0 : i32
    %sign3A_247 = arith.cmpi slt, %add3A_240, %sign3A_246 : i32
    %sign3A_248 = arith.extui %sign3A_247 : i1 to i32
    %sign3A_249 = arith.subi %sign3A_245, %sign3A_248 : i32
    %sign3A_250 = arith.constant 0 : i32
    %sign3A_251 = arith.cmpi sgt, %jit3A_241, %sign3A_250 : i32
    %sign3A_252 = arith.extui %sign3A_251 : i1 to i32
    %sign3A_253 = arith.constant 0 : i32
    %sign3A_254 = arith.cmpi slt, %jit3A_241, %sign3A_253 : i32
    %sign3A_255 = arith.extui %sign3A_254 : i1 to i32
    %sign3A_256 = arith.subi %sign3A_252, %sign3A_255 : i32
    %ne3A_257 = arith.cmpi ne, %sign3A_249, %sign3A_256 : i32
    %rem3A_258 = arith.remsi %add3A_240, %jit3A_241 : i32
    %ne3A_259 = arith.constant 0 : i32
    %ne3A_260 = arith.cmpi ne, %rem3A_258, %ne3A_259 : i32
    %and3A_261 = arith.andi %ne3A_257, %ne3A_260 : i1
    %sub3A_262 = arith.constant 1 : i32
    %sub3A_263 = arith.subi %div3A_242, %sub3A_262 : i32
    %select_n3A_264 = arith.select %and3A_261, %sub3A_263, %div3A_242 : i32
    %mul3A_265 = arith.constant 16 : i32
    %mul3A_266 = arith.muli %select_n3A_264, %mul3A_265 : i32
    %ge3A_267 = vector.broadcast %mul3A_266 : i32 to vector<1x8192xi32>
    %ge3A_268 = arith.cmpi sge, %iota3A, %ge3A_267 : vector<1x8192xi32>
    %jit3A_269 = arith.constant 0 : i32
    %broadcast_in_dim3A_270 = vector.broadcast %jit3A_269 : i32 to vector<1x8192xi32>
    %select_n3A_271 = arith.select %ge3A_268, %broadcast_in_dim3A, %broadcast_in_dim3A_270 : vector<1x8192xi1>, vector<1x8192xi32>
    %reduce_sum3A_272 = vector.shape_cast %select_n3A_271 : vector<1x8192xi32> to vector<1x1x8192xi32>
    %reduce_sum3A_273 = arith.constant dense<0> : vector<1xi32>
    %reduce_sum3A_274 = vector.multi_reduction <add>, %reduce_sum3A_272, %reduce_sum3A_273 [1, 2] : vector<1x1x8192xi32> to vector<1xi32>
    %reduce_sum3A_275 = vector.shape_cast %reduce_sum3A_274 : vector<1xi32> to vector<1x1x1xi32>
    %reduce_sum3A_276 = vector.extract %reduce_sum3A_275[0, 0, 0] : i32 from vector<1x1x1xi32>
    %ge3A_277 = arith.cmpi sge, %reduce_sum3A_276, %get3A_2 : i32
    %select_n3A_278 = arith.select %ge3A_277, %select_n3A_264, %select_n3A_238 : i32
    %select_n3A_279 = arith.select %ge3A_277, %select_n3A_239, %select_n3A_264 : i32
    %add3A_280 = arith.addi %select_n3A_278, %select_n3A_279 : i32
    %jit3A_281 = arith.constant 2 : i32
    %div3A_282 = arith.divsi %add3A_280, %jit3A_281 : i32
    %sign3A_283 = arith.constant 0 : i32
    %sign3A_284 = arith.cmpi sgt, %add3A_280, %sign3A_283 : i32
    %sign3A_285 = arith.extui %sign3A_284 : i1 to i32
    %sign3A_286 = arith.constant 0 : i32
    %sign3A_287 = arith.cmpi slt, %add3A_280, %sign3A_286 : i32
    %sign3A_288 = arith.extui %sign3A_287 : i1 to i32
    %sign3A_289 = arith.subi %sign3A_285, %sign3A_288 : i32
    %sign3A_290 = arith.constant 0 : i32
    %sign3A_291 = arith.cmpi sgt, %jit3A_281, %sign3A_290 : i32
    %sign3A_292 = arith.extui %sign3A_291 : i1 to i32
    %sign3A_293 = arith.constant 0 : i32
    %sign3A_294 = arith.cmpi slt, %jit3A_281, %sign3A_293 : i32
    %sign3A_295 = arith.extui %sign3A_294 : i1 to i32
    %sign3A_296 = arith.subi %sign3A_292, %sign3A_295 : i32
    %ne3A_297 = arith.cmpi ne, %sign3A_289, %sign3A_296 : i32
    %rem3A_298 = arith.remsi %add3A_280, %jit3A_281 : i32
    %ne3A_299 = arith.constant 0 : i32
    %ne3A_300 = arith.cmpi ne, %rem3A_298, %ne3A_299 : i32
    %and3A_301 = arith.andi %ne3A_297, %ne3A_300 : i1
    %sub3A_302 = arith.constant 1 : i32
    %sub3A_303 = arith.subi %div3A_282, %sub3A_302 : i32
    %select_n3A_304 = arith.select %and3A_301, %sub3A_303, %div3A_282 : i32
    %mul3A_305 = arith.constant 16 : i32
    %mul3A_306 = arith.muli %select_n3A_304, %mul3A_305 : i32
    %ge3A_307 = vector.broadcast %mul3A_306 : i32 to vector<1x8192xi32>
    %ge3A_308 = arith.cmpi sge, %iota3A, %ge3A_307 : vector<1x8192xi32>
    %jit3A_309 = arith.constant 0 : i32
    %broadcast_in_dim3A_310 = vector.broadcast %jit3A_309 : i32 to vector<1x8192xi32>
    %select_n3A_311 = arith.select %ge3A_308, %broadcast_in_dim3A, %broadcast_in_dim3A_310 : vector<1x8192xi1>, vector<1x8192xi32>
    %reduce_sum3A_312 = vector.shape_cast %select_n3A_311 : vector<1x8192xi32> to vector<1x1x8192xi32>
    %reduce_sum3A_313 = arith.constant dense<0> : vector<1xi32>
    %reduce_sum3A_314 = vector.multi_reduction <add>, %reduce_sum3A_312, %reduce_sum3A_313 [1, 2] : vector<1x1x8192xi32> to vector<1xi32>
    %reduce_sum3A_315 = vector.shape_cast %reduce_sum3A_314 : vector<1xi32> to vector<1x1x1xi32>
    %reduce_sum3A_316 = vector.extract %reduce_sum3A_315[0, 0, 0] : i32 from vector<1x1x1xi32>
    %ge3A_317 = arith.cmpi sge, %reduce_sum3A_316, %get3A_2 : i32
    %select_n3A_318 = arith.select %ge3A_317, %select_n3A_304, %select_n3A_278 : i32
    %select_n3A_319 = arith.select %ge3A_317, %select_n3A_279, %select_n3A_304 : i32
    %add3A_320 = arith.addi %select_n3A_318, %select_n3A_319 : i32
    %jit3A_321 = arith.constant 2 : i32
    %div3A_322 = arith.divsi %add3A_320, %jit3A_321 : i32
    %sign3A_323 = arith.constant 0 : i32
    %sign3A_324 = arith.cmpi sgt, %add3A_320, %sign3A_323 : i32
    %sign3A_325 = arith.extui %sign3A_324 : i1 to i32
    %sign3A_326 = arith.constant 0 : i32
    %sign3A_327 = arith.cmpi slt, %add3A_320, %sign3A_326 : i32
    %sign3A_328 = arith.extui %sign3A_327 : i1 to i32
    %sign3A_329 = arith.subi %sign3A_325, %sign3A_328 : i32
    %sign3A_330 = arith.constant 0 : i32
    %sign3A_331 = arith.cmpi sgt, %jit3A_321, %sign3A_330 : i32
    %sign3A_332 = arith.extui %sign3A_331 : i1 to i32
    %sign3A_333 = arith.constant 0 : i32
    %sign3A_334 = arith.cmpi slt, %jit3A_321, %sign3A_333 : i32
    %sign3A_335 = arith.extui %sign3A_334 : i1 to i32
    %sign3A_336 = arith.subi %sign3A_332, %sign3A_335 : i32
    %ne3A_337 = arith.cmpi ne, %sign3A_329, %sign3A_336 : i32
    %rem3A_338 = arith.remsi %add3A_320, %jit3A_321 : i32
    %ne3A_339 = arith.constant 0 : i32
    %ne3A_340 = arith.cmpi ne, %rem3A_338, %ne3A_339 : i32
    %and3A_341 = arith.andi %ne3A_337, %ne3A_340 : i1
    %sub3A_342 = arith.constant 1 : i32
    %sub3A_343 = arith.subi %div3A_322, %sub3A_342 : i32
    %select_n3A_344 = arith.select %and3A_341, %sub3A_343, %div3A_322 : i32
    %mul3A_345 = arith.constant 16 : i32
    %mul3A_346 = arith.muli %select_n3A_344, %mul3A_345 : i32
    %ge3A_347 = vector.broadcast %mul3A_346 : i32 to vector<1x8192xi32>
    %ge3A_348 = arith.cmpi sge, %iota3A, %ge3A_347 : vector<1x8192xi32>
    %jit3A_349 = arith.constant 0 : i32
    %broadcast_in_dim3A_350 = vector.broadcast %jit3A_349 : i32 to vector<1x8192xi32>
    %select_n3A_351 = arith.select %ge3A_348, %broadcast_in_dim3A, %broadcast_in_dim3A_350 : vector<1x8192xi1>, vector<1x8192xi32>
    %reduce_sum3A_352 = vector.shape_cast %select_n3A_351 : vector<1x8192xi32> to vector<1x1x8192xi32>
    %reduce_sum3A_353 = arith.constant dense<0> : vector<1xi32>
    %reduce_sum3A_354 = vector.multi_reduction <add>, %reduce_sum3A_352, %reduce_sum3A_353 [1, 2] : vector<1x1x8192xi32> to vector<1xi32>
    %reduce_sum3A_355 = vector.shape_cast %reduce_sum3A_354 : vector<1xi32> to vector<1x1x1xi32>
    %reduce_sum3A_356 = vector.extract %reduce_sum3A_355[0, 0, 0] : i32 from vector<1x1x1xi32>
    %ge3A_357 = arith.cmpi sge, %reduce_sum3A_356, %get3A_2 : i32
    %select_n3A_358 = arith.select %ge3A_357, %select_n3A_344, %select_n3A_318 : i32
    %add3A_359 = arith.constant 1 : i32
    %add3A_360 = arith.addi %select_n3A_358, %add3A_359 : i32
    %mul3A_361 = arith.constant 16 : i32
    %mul3A_362 = arith.muli %add3A_360, %mul3A_361 : i32
    %ge3A_363 = vector.broadcast %mul3A_362 : i32 to vector<1x8192xi32>
    %ge3A_364 = arith.cmpi sge, %iota3A, %ge3A_363 : vector<1x8192xi32>
    %jit3A_365 = arith.constant 0 : i32
    %broadcast_in_dim3A_366 = vector.broadcast %jit3A_365 : i32 to vector<1x8192xi32>
    %select_n3A_367 = arith.select %ge3A_364, %broadcast_in_dim3A, %broadcast_in_dim3A_366 : vector<1x8192xi1>, vector<1x8192xi32>
    %reduce_sum3A_368 = vector.shape_cast %select_n3A_367 : vector<1x8192xi32> to vector<1x1x8192xi32>
    %reduce_sum3A_369 = arith.constant dense<0> : vector<1xi32>
    %reduce_sum3A_370 = vector.multi_reduction <add>, %reduce_sum3A_368, %reduce_sum3A_369 [1, 2] : vector<1x1x8192xi32> to vector<1xi32>
    %reduce_sum3A_371 = vector.shape_cast %reduce_sum3A_370 : vector<1xi32> to vector<1x1x1xi32>
    %reduce_sum3A_372 = vector.extract %reduce_sum3A_371[0, 0, 0] : i32 from vector<1x1x1xi32>
    %mul3A_373 = arith.constant 512 : i32
    %mul3A_374 = arith.muli %get3A_0, %mul3A_373 : i32
    %add3A_375 = arith.addi %mul3A_374, %select_n3A_358 : i32
    %swap3A = arith.constant 0 : index
    %swap3A_376 = memref.load %arg3[%swap3A] : memref<16xi32, #tpu.memory_space<smem>>
    memref.store %add3A_375, %arg3[%swap3A] : memref<16xi32, #tpu.memory_space<smem>>
    %swap3A_377 = arith.constant 1 : index
    %swap3A_378 = memref.load %arg3[%swap3A_377] : memref<16xi32, #tpu.memory_space<smem>>
    memref.store %add3A_375, %arg3[%swap3A_377] : memref<16xi32, #tpu.memory_space<smem>>
    %swap3A_379 = arith.constant 2 : index
    %swap3A_380 = memref.load %arg3[%swap3A_379] : memref<16xi32, #tpu.memory_space<smem>>
    memref.store %add3A_375, %arg3[%swap3A_379] : memref<16xi32, #tpu.memory_space<smem>>
    %swap3A_381 = arith.constant 3 : index
    %swap3A_382 = memref.load %arg3[%swap3A_381] : memref<16xi32, #tpu.memory_space<smem>>
    memref.store %add3A_375, %arg3[%swap3A_381] : memref<16xi32, #tpu.memory_space<smem>>
    %swap3A_383 = arith.constant 4 : index
    %swap3A_384 = memref.load %arg3[%swap3A_383] : memref<16xi32, #tpu.memory_space<smem>>
    memref.store %add3A_375, %arg3[%swap3A_383] : memref<16xi32, #tpu.memory_space<smem>>
    %swap3A_385 = arith.constant 5 : index
    %swap3A_386 = memref.load %arg3[%swap3A_385] : memref<16xi32, #tpu.memory_space<smem>>
    memref.store %add3A_375, %arg3[%swap3A_385] : memref<16xi32, #tpu.memory_space<smem>>
    %swap3A_387 = arith.constant 6 : index
    %swap3A_388 = memref.load %arg3[%swap3A_387] : memref<16xi32, #tpu.memory_space<smem>>
    memref.store %add3A_375, %arg3[%swap3A_387] : memref<16xi32, #tpu.memory_space<smem>>
    %swap3A_389 = arith.constant 7 : index
    %swap3A_390 = memref.load %arg3[%swap3A_389] : memref<16xi32, #tpu.memory_space<smem>>
    memref.store %add3A_375, %arg3[%swap3A_389] : memref<16xi32, #tpu.memory_space<smem>>
    %swap3A_391 = arith.constant 8 : index
    %swap3A_392 = memref.load %arg3[%swap3A_391] : memref<16xi32, #tpu.memory_space<smem>>
    memref.store %add3A_375, %arg3[%swap3A_391] : memref<16xi32, #tpu.memory_space<smem>>
    %swap3A_393 = arith.constant 9 : index
    %swap3A_394 = memref.load %arg3[%swap3A_393] : memref<16xi32, #tpu.memory_space<smem>>
    memref.store %add3A_375, %arg3[%swap3A_393] : memref<16xi32, #tpu.memory_space<smem>>
    %swap3A_395 = arith.constant 10 : index
    %swap3A_396 = memref.load %arg3[%swap3A_395] : memref<16xi32, #tpu.memory_space<smem>>
    memref.store %add3A_375, %arg3[%swap3A_395] : memref<16xi32, #tpu.memory_space<smem>>
    %swap3A_397 = arith.constant 11 : index
    %swap3A_398 = memref.load %arg3[%swap3A_397] : memref<16xi32, #tpu.memory_space<smem>>
    memref.store %add3A_375, %arg3[%swap3A_397] : memref<16xi32, #tpu.memory_space<smem>>
    %swap3A_399 = arith.constant 12 : index
    %swap3A_400 = memref.load %arg3[%swap3A_399] : memref<16xi32, #tpu.memory_space<smem>>
    memref.store %add3A_375, %arg3[%swap3A_399] : memref<16xi32, #tpu.memory_space<smem>>
    %swap3A_401 = arith.constant 13 : index
    %swap3A_402 = memref.load %arg3[%swap3A_401] : memref<16xi32, #tpu.memory_space<smem>>
    memref.store %add3A_375, %arg3[%swap3A_401] : memref<16xi32, #tpu.memory_space<smem>>
    %swap3A_403 = arith.constant 14 : index
    %swap3A_404 = memref.load %arg3[%swap3A_403] : memref<16xi32, #tpu.memory_space<smem>>
    memref.store %add3A_375, %arg3[%swap3A_403] : memref<16xi32, #tpu.memory_space<smem>>
    %swap3A_405 = arith.constant 15 : index
    %swap3A_406 = memref.load %arg3[%swap3A_405] : memref<16xi32, #tpu.memory_space<smem>>
    memref.store %add3A_375, %arg3[%swap3A_405] : memref<16xi32, #tpu.memory_space<smem>>
    %sub3A_407 = arith.subi %get3A_2, %reduce_sum3A_372 : i32
    %swap3A_408 = arith.constant 0 : index
    %swap3A_409 = memref.load %arg4[%swap3A_408] : memref<1xi32, #tpu.memory_space<smem>>
    memref.store %sub3A_407, %arg4[%swap3A_408] : memref<1xi32, #tpu.memory_space<smem>>
    return
  }
}

module attributes {stable_mosaic.version = 14 : i64} {
  func.func @body(%arg0: memref<16xi32, #tpu.memory_space<smem>>, %arg1: memref<1xi32, #tpu.memory_space<smem>>, %arg2: memref<32x32768xi32, #tpu.memory_space<vmem>>, %arg3: memref<16xi32, #tpu.memory_space<smem>>, %arg4: memref<1xi32, #tpu.memory_space<smem>>) attributes {dimension_semantics = [], scalar_prefetch = 0 : i64, scratch_operands = 0 : i64, tpu.core_type = #tpu.core_type<tc>} {
    %get3A = arith.constant 0 : index
    %get3A_0 = memref.load %arg0[%get3A] : memref<16xi32, #tpu.memory_space<smem>>
    %get3A_1 = arith.constant 0 : index
    %get3A_2 = memref.load %arg1[%get3A_1] : memref<1xi32, #tpu.memory_space<smem>>
    %get3A_3 = arith.constant 0 : index
    %get3A_4 = arith.constant 0 : index
    %get3A_5 = vector.load %arg2[%get3A_3, %get3A_4] : memref<32x32768xi32, #tpu.memory_space<vmem>>, vector<32x32768xi32>
    %reduce_sum3A = arith.constant dense<0> : vector<32768xi32>
    %reduce_sum3A_6 = vector.multi_reduction <add>, %get3A_5, %reduce_sum3A [0] : vector<32x32768xi32> to vector<32768xi32>
    %broadcast_in_dim3A = vector.shape_cast %reduce_sum3A_6 : vector<32768xi32> to vector<1x32768xi32>
    %iota3A = tpu.iota {dimensions = array<i32: 1>} : vector<1x32768xi32>
    %add3A = arith.constant 0 : i32
    %add3A_7 = arith.constant 2048 : i32
    %add3A_8 = arith.addi %add3A, %add3A_7 : i32
    %jit3A = arith.constant 2 : i32
    %div3A = arith.divsi %add3A_8, %jit3A : i32
    %sign3A = arith.constant 0 : i32
    %sign3A_9 = arith.cmpi sgt, %add3A_8, %sign3A : i32
    %sign3A_10 = arith.extui %sign3A_9 : i1 to i32
    %sign3A_11 = arith.constant 0 : i32
    %sign3A_12 = arith.cmpi slt, %add3A_8, %sign3A_11 : i32
    %sign3A_13 = arith.extui %sign3A_12 : i1 to i32
    %sign3A_14 = arith.subi %sign3A_10, %sign3A_13 : i32
    %sign3A_15 = arith.constant 0 : i32
    %sign3A_16 = arith.cmpi sgt, %jit3A, %sign3A_15 : i32
    %sign3A_17 = arith.extui %sign3A_16 : i1 to i32
    %sign3A_18 = arith.constant 0 : i32
    %sign3A_19 = arith.cmpi slt, %jit3A, %sign3A_18 : i32
    %sign3A_20 = arith.extui %sign3A_19 : i1 to i32
    %sign3A_21 = arith.subi %sign3A_17, %sign3A_20 : i32
    %ne3A = arith.cmpi ne, %sign3A_14, %sign3A_21 : i32
    %rem3A = arith.remsi %add3A_8, %jit3A : i32
    %ne3A_22 = arith.constant 0 : i32
    %ne3A_23 = arith.cmpi ne, %rem3A, %ne3A_22 : i32
    %and3A = arith.andi %ne3A, %ne3A_23 : i1
    %sub3A = arith.constant 1 : i32
    %sub3A_24 = arith.subi %div3A, %sub3A : i32
    %select_n3A = arith.select %and3A, %sub3A_24, %div3A : i32
    %mul3A = arith.constant 16 : i32
    %mul3A_25 = arith.muli %select_n3A, %mul3A : i32
    %ge3A = vector.broadcast %mul3A_25 : i32 to vector<1x32768xi32>
    %ge3A_26 = arith.cmpi sge, %iota3A, %ge3A : vector<1x32768xi32>
    %jit3A_27 = arith.constant 0 : i32
    %broadcast_in_dim3A_28 = vector.broadcast %jit3A_27 : i32 to vector<1x32768xi32>
    %select_n3A_29 = arith.select %ge3A_26, %broadcast_in_dim3A, %broadcast_in_dim3A_28 : vector<1x32768xi1>, vector<1x32768xi32>
    %reduce_sum3A_30 = vector.shape_cast %select_n3A_29 : vector<1x32768xi32> to vector<1x1x32768xi32>
    %reduce_sum3A_31 = arith.constant dense<0> : vector<1xi32>
    %reduce_sum3A_32 = vector.multi_reduction <add>, %reduce_sum3A_30, %reduce_sum3A_31 [1, 2] : vector<1x1x32768xi32> to vector<1xi32>
    %reduce_sum3A_33 = vector.shape_cast %reduce_sum3A_32 : vector<1xi32> to vector<1x1x1xi32>
    %reduce_sum3A_34 = vector.extract %reduce_sum3A_33[0, 0, 0] : i32 from vector<1x1x1xi32>
    %ge3A_35 = arith.cmpi sge, %reduce_sum3A_34, %get3A_2 : i32
    %jit3A_36 = arith.constant 0 : i32
    %select_n3A_37 = arith.select %ge3A_35, %select_n3A, %jit3A_36 : i32
    %jit3A_38 = arith.constant 2048 : i32
    %select_n3A_39 = arith.select %ge3A_35, %jit3A_38, %select_n3A : i32
    %add3A_40 = arith.addi %select_n3A_37, %select_n3A_39 : i32
    %jit3A_41 = arith.constant 2 : i32
    %div3A_42 = arith.divsi %add3A_40, %jit3A_41 : i32
    %sign3A_43 = arith.constant 0 : i32
    %sign3A_44 = arith.cmpi sgt, %add3A_40, %sign3A_43 : i32
    %sign3A_45 = arith.extui %sign3A_44 : i1 to i32
    %sign3A_46 = arith.constant 0 : i32
    %sign3A_47 = arith.cmpi slt, %add3A_40, %sign3A_46 : i32
    %sign3A_48 = arith.extui %sign3A_47 : i1 to i32
    %sign3A_49 = arith.subi %sign3A_45, %sign3A_48 : i32
    %sign3A_50 = arith.constant 0 : i32
    %sign3A_51 = arith.cmpi sgt, %jit3A_41, %sign3A_50 : i32
    %sign3A_52 = arith.extui %sign3A_51 : i1 to i32
    %sign3A_53 = arith.constant 0 : i32
    %sign3A_54 = arith.cmpi slt, %jit3A_41, %sign3A_53 : i32
    %sign3A_55 = arith.extui %sign3A_54 : i1 to i32
    %sign3A_56 = arith.subi %sign3A_52, %sign3A_55 : i32
    %ne3A_57 = arith.cmpi ne, %sign3A_49, %sign3A_56 : i32
    %rem3A_58 = arith.remsi %add3A_40, %jit3A_41 : i32
    %ne3A_59 = arith.constant 0 : i32
    %ne3A_60 = arith.cmpi ne, %rem3A_58, %ne3A_59 : i32
    %and3A_61 = arith.andi %ne3A_57, %ne3A_60 : i1
    %sub3A_62 = arith.constant 1 : i32
    %sub3A_63 = arith.subi %div3A_42, %sub3A_62 : i32
    %select_n3A_64 = arith.select %and3A_61, %sub3A_63, %div3A_42 : i32
    %mul3A_65 = arith.constant 16 : i32
    %mul3A_66 = arith.muli %select_n3A_64, %mul3A_65 : i32
    %ge3A_67 = vector.broadcast %mul3A_66 : i32 to vector<1x32768xi32>
    %ge3A_68 = arith.cmpi sge, %iota3A, %ge3A_67 : vector<1x32768xi32>
    %jit3A_69 = arith.constant 0 : i32
    %broadcast_in_dim3A_70 = vector.broadcast %jit3A_69 : i32 to vector<1x32768xi32>
    %select_n3A_71 = arith.select %ge3A_68, %broadcast_in_dim3A, %broadcast_in_dim3A_70 : vector<1x32768xi1>, vector<1x32768xi32>
    %reduce_sum3A_72 = vector.shape_cast %select_n3A_71 : vector<1x32768xi32> to vector<1x1x32768xi32>
    %reduce_sum3A_73 = arith.constant dense<0> : vector<1xi32>
    %reduce_sum3A_74 = vector.multi_reduction <add>, %reduce_sum3A_72, %reduce_sum3A_73 [1, 2] : vector<1x1x32768xi32> to vector<1xi32>
    %reduce_sum3A_75 = vector.shape_cast %reduce_sum3A_74 : vector<1xi32> to vector<1x1x1xi32>
    %reduce_sum3A_76 = vector.extract %reduce_sum3A_75[0, 0, 0] : i32 from vector<1x1x1xi32>
    %ge3A_77 = arith.cmpi sge, %reduce_sum3A_76, %get3A_2 : i32
    %select_n3A_78 = arith.select %ge3A_77, %select_n3A_64, %select_n3A_37 : i32
    %select_n3A_79 = arith.select %ge3A_77, %select_n3A_39, %select_n3A_64 : i32
    %add3A_80 = arith.addi %select_n3A_78, %select_n3A_79 : i32
    %jit3A_81 = arith.constant 2 : i32
    %div3A_82 = arith.divsi %add3A_80, %jit3A_81 : i32
    %sign3A_83 = arith.constant 0 : i32
    %sign3A_84 = arith.cmpi sgt, %add3A_80, %sign3A_83 : i32
    %sign3A_85 = arith.extui %sign3A_84 : i1 to i32
    %sign3A_86 = arith.constant 0 : i32
    %sign3A_87 = arith.cmpi slt, %add3A_80, %sign3A_86 : i32
    %sign3A_88 = arith.extui %sign3A_87 : i1 to i32
    %sign3A_89 = arith.subi %sign3A_85, %sign3A_88 : i32
    %sign3A_90 = arith.constant 0 : i32
    %sign3A_91 = arith.cmpi sgt, %jit3A_81, %sign3A_90 : i32
    %sign3A_92 = arith.extui %sign3A_91 : i1 to i32
    %sign3A_93 = arith.constant 0 : i32
    %sign3A_94 = arith.cmpi slt, %jit3A_81, %sign3A_93 : i32
    %sign3A_95 = arith.extui %sign3A_94 : i1 to i32
    %sign3A_96 = arith.subi %sign3A_92, %sign3A_95 : i32
    %ne3A_97 = arith.cmpi ne, %sign3A_89, %sign3A_96 : i32
    %rem3A_98 = arith.remsi %add3A_80, %jit3A_81 : i32
    %ne3A_99 = arith.constant 0 : i32
    %ne3A_100 = arith.cmpi ne, %rem3A_98, %ne3A_99 : i32
    %and3A_101 = arith.andi %ne3A_97, %ne3A_100 : i1
    %sub3A_102 = arith.constant 1 : i32
    %sub3A_103 = arith.subi %div3A_82, %sub3A_102 : i32
    %select_n3A_104 = arith.select %and3A_101, %sub3A_103, %div3A_82 : i32
    %mul3A_105 = arith.constant 16 : i32
    %mul3A_106 = arith.muli %select_n3A_104, %mul3A_105 : i32
    %ge3A_107 = vector.broadcast %mul3A_106 : i32 to vector<1x32768xi32>
    %ge3A_108 = arith.cmpi sge, %iota3A, %ge3A_107 : vector<1x32768xi32>
    %jit3A_109 = arith.constant 0 : i32
    %broadcast_in_dim3A_110 = vector.broadcast %jit3A_109 : i32 to vector<1x32768xi32>
    %select_n3A_111 = arith.select %ge3A_108, %broadcast_in_dim3A, %broadcast_in_dim3A_110 : vector<1x32768xi1>, vector<1x32768xi32>
    %reduce_sum3A_112 = vector.shape_cast %select_n3A_111 : vector<1x32768xi32> to vector<1x1x32768xi32>
    %reduce_sum3A_113 = arith.constant dense<0> : vector<1xi32>
    %reduce_sum3A_114 = vector.multi_reduction <add>, %reduce_sum3A_112, %reduce_sum3A_113 [1, 2] : vector<1x1x32768xi32> to vector<1xi32>
    %reduce_sum3A_115 = vector.shape_cast %reduce_sum3A_114 : vector<1xi32> to vector<1x1x1xi32>
    %reduce_sum3A_116 = vector.extract %reduce_sum3A_115[0, 0, 0] : i32 from vector<1x1x1xi32>
    %ge3A_117 = arith.cmpi sge, %reduce_sum3A_116, %get3A_2 : i32
    %select_n3A_118 = arith.select %ge3A_117, %select_n3A_104, %select_n3A_78 : i32
    %select_n3A_119 = arith.select %ge3A_117, %select_n3A_79, %select_n3A_104 : i32
    %add3A_120 = arith.addi %select_n3A_118, %select_n3A_119 : i32
    %jit3A_121 = arith.constant 2 : i32
    %div3A_122 = arith.divsi %add3A_120, %jit3A_121 : i32
    %sign3A_123 = arith.constant 0 : i32
    %sign3A_124 = arith.cmpi sgt, %add3A_120, %sign3A_123 : i32
    %sign3A_125 = arith.extui %sign3A_124 : i1 to i32
    %sign3A_126 = arith.constant 0 : i32
    %sign3A_127 = arith.cmpi slt, %add3A_120, %sign3A_126 : i32
    %sign3A_128 = arith.extui %sign3A_127 : i1 to i32
    %sign3A_129 = arith.subi %sign3A_125, %sign3A_128 : i32
    %sign3A_130 = arith.constant 0 : i32
    %sign3A_131 = arith.cmpi sgt, %jit3A_121, %sign3A_130 : i32
    %sign3A_132 = arith.extui %sign3A_131 : i1 to i32
    %sign3A_133 = arith.constant 0 : i32
    %sign3A_134 = arith.cmpi slt, %jit3A_121, %sign3A_133 : i32
    %sign3A_135 = arith.extui %sign3A_134 : i1 to i32
    %sign3A_136 = arith.subi %sign3A_132, %sign3A_135 : i32
    %ne3A_137 = arith.cmpi ne, %sign3A_129, %sign3A_136 : i32
    %rem3A_138 = arith.remsi %add3A_120, %jit3A_121 : i32
    %ne3A_139 = arith.constant 0 : i32
    %ne3A_140 = arith.cmpi ne, %rem3A_138, %ne3A_139 : i32
    %and3A_141 = arith.andi %ne3A_137, %ne3A_140 : i1
    %sub3A_142 = arith.constant 1 : i32
    %sub3A_143 = arith.subi %div3A_122, %sub3A_142 : i32
    %select_n3A_144 = arith.select %and3A_141, %sub3A_143, %div3A_122 : i32
    %mul3A_145 = arith.constant 16 : i32
    %mul3A_146 = arith.muli %select_n3A_144, %mul3A_145 : i32
    %ge3A_147 = vector.broadcast %mul3A_146 : i32 to vector<1x32768xi32>
    %ge3A_148 = arith.cmpi sge, %iota3A, %ge3A_147 : vector<1x32768xi32>
    %jit3A_149 = arith.constant 0 : i32
    %broadcast_in_dim3A_150 = vector.broadcast %jit3A_149 : i32 to vector<1x32768xi32>
    %select_n3A_151 = arith.select %ge3A_148, %broadcast_in_dim3A, %broadcast_in_dim3A_150 : vector<1x32768xi1>, vector<1x32768xi32>
    %reduce_sum3A_152 = vector.shape_cast %select_n3A_151 : vector<1x32768xi32> to vector<1x1x32768xi32>
    %reduce_sum3A_153 = arith.constant dense<0> : vector<1xi32>
    %reduce_sum3A_154 = vector.multi_reduction <add>, %reduce_sum3A_152, %reduce_sum3A_153 [1, 2] : vector<1x1x32768xi32> to vector<1xi32>
    %reduce_sum3A_155 = vector.shape_cast %reduce_sum3A_154 : vector<1xi32> to vector<1x1x1xi32>
    %reduce_sum3A_156 = vector.extract %reduce_sum3A_155[0, 0, 0] : i32 from vector<1x1x1xi32>
    %ge3A_157 = arith.cmpi sge, %reduce_sum3A_156, %get3A_2 : i32
    %select_n3A_158 = arith.select %ge3A_157, %select_n3A_144, %select_n3A_118 : i32
    %select_n3A_159 = arith.select %ge3A_157, %select_n3A_119, %select_n3A_144 : i32
    %add3A_160 = arith.addi %select_n3A_158, %select_n3A_159 : i32
    %jit3A_161 = arith.constant 2 : i32
    %div3A_162 = arith.divsi %add3A_160, %jit3A_161 : i32
    %sign3A_163 = arith.constant 0 : i32
    %sign3A_164 = arith.cmpi sgt, %add3A_160, %sign3A_163 : i32
    %sign3A_165 = arith.extui %sign3A_164 : i1 to i32
    %sign3A_166 = arith.constant 0 : i32
    %sign3A_167 = arith.cmpi slt, %add3A_160, %sign3A_166 : i32
    %sign3A_168 = arith.extui %sign3A_167 : i1 to i32
    %sign3A_169 = arith.subi %sign3A_165, %sign3A_168 : i32
    %sign3A_170 = arith.constant 0 : i32
    %sign3A_171 = arith.cmpi sgt, %jit3A_161, %sign3A_170 : i32
    %sign3A_172 = arith.extui %sign3A_171 : i1 to i32
    %sign3A_173 = arith.constant 0 : i32
    %sign3A_174 = arith.cmpi slt, %jit3A_161, %sign3A_173 : i32
    %sign3A_175 = arith.extui %sign3A_174 : i1 to i32
    %sign3A_176 = arith.subi %sign3A_172, %sign3A_175 : i32
    %ne3A_177 = arith.cmpi ne, %sign3A_169, %sign3A_176 : i32
    %rem3A_178 = arith.remsi %add3A_160, %jit3A_161 : i32
    %ne3A_179 = arith.constant 0 : i32
    %ne3A_180 = arith.cmpi ne, %rem3A_178, %ne3A_179 : i32
    %and3A_181 = arith.andi %ne3A_177, %ne3A_180 : i1
    %sub3A_182 = arith.constant 1 : i32
    %sub3A_183 = arith.subi %div3A_162, %sub3A_182 : i32
    %select_n3A_184 = arith.select %and3A_181, %sub3A_183, %div3A_162 : i32
    %mul3A_185 = arith.constant 16 : i32
    %mul3A_186 = arith.muli %select_n3A_184, %mul3A_185 : i32
    %ge3A_187 = vector.broadcast %mul3A_186 : i32 to vector<1x32768xi32>
    %ge3A_188 = arith.cmpi sge, %iota3A, %ge3A_187 : vector<1x32768xi32>
    %jit3A_189 = arith.constant 0 : i32
    %broadcast_in_dim3A_190 = vector.broadcast %jit3A_189 : i32 to vector<1x32768xi32>
    %select_n3A_191 = arith.select %ge3A_188, %broadcast_in_dim3A, %broadcast_in_dim3A_190 : vector<1x32768xi1>, vector<1x32768xi32>
    %reduce_sum3A_192 = vector.shape_cast %select_n3A_191 : vector<1x32768xi32> to vector<1x1x32768xi32>
    %reduce_sum3A_193 = arith.constant dense<0> : vector<1xi32>
    %reduce_sum3A_194 = vector.multi_reduction <add>, %reduce_sum3A_192, %reduce_sum3A_193 [1, 2] : vector<1x1x32768xi32> to vector<1xi32>
    %reduce_sum3A_195 = vector.shape_cast %reduce_sum3A_194 : vector<1xi32> to vector<1x1x1xi32>
    %reduce_sum3A_196 = vector.extract %reduce_sum3A_195[0, 0, 0] : i32 from vector<1x1x1xi32>
    %ge3A_197 = arith.cmpi sge, %reduce_sum3A_196, %get3A_2 : i32
    %select_n3A_198 = arith.select %ge3A_197, %select_n3A_184, %select_n3A_158 : i32
    %select_n3A_199 = arith.select %ge3A_197, %select_n3A_159, %select_n3A_184 : i32
    %add3A_200 = arith.addi %select_n3A_198, %select_n3A_199 : i32
    %jit3A_201 = arith.constant 2 : i32
    %div3A_202 = arith.divsi %add3A_200, %jit3A_201 : i32
    %sign3A_203 = arith.constant 0 : i32
    %sign3A_204 = arith.cmpi sgt, %add3A_200, %sign3A_203 : i32
    %sign3A_205 = arith.extui %sign3A_204 : i1 to i32
    %sign3A_206 = arith.constant 0 : i32
    %sign3A_207 = arith.cmpi slt, %add3A_200, %sign3A_206 : i32
    %sign3A_208 = arith.extui %sign3A_207 : i1 to i32
    %sign3A_209 = arith.subi %sign3A_205, %sign3A_208 : i32
    %sign3A_210 = arith.constant 0 : i32
    %sign3A_211 = arith.cmpi sgt, %jit3A_201, %sign3A_210 : i32
    %sign3A_212 = arith.extui %sign3A_211 : i1 to i32
    %sign3A_213 = arith.constant 0 : i32
    %sign3A_214 = arith.cmpi slt, %jit3A_201, %sign3A_213 : i32
    %sign3A_215 = arith.extui %sign3A_214 : i1 to i32
    %sign3A_216 = arith.subi %sign3A_212, %sign3A_215 : i32
    %ne3A_217 = arith.cmpi ne, %sign3A_209, %sign3A_216 : i32
    %rem3A_218 = arith.remsi %add3A_200, %jit3A_201 : i32
    %ne3A_219 = arith.constant 0 : i32
    %ne3A_220 = arith.cmpi ne, %rem3A_218, %ne3A_219 : i32
    %and3A_221 = arith.andi %ne3A_217, %ne3A_220 : i1
    %sub3A_222 = arith.constant 1 : i32
    %sub3A_223 = arith.subi %div3A_202, %sub3A_222 : i32
    %select_n3A_224 = arith.select %and3A_221, %sub3A_223, %div3A_202 : i32
    %mul3A_225 = arith.constant 16 : i32
    %mul3A_226 = arith.muli %select_n3A_224, %mul3A_225 : i32
    %ge3A_227 = vector.broadcast %mul3A_226 : i32 to vector<1x32768xi32>
    %ge3A_228 = arith.cmpi sge, %iota3A, %ge3A_227 : vector<1x32768xi32>
    %jit3A_229 = arith.constant 0 : i32
    %broadcast_in_dim3A_230 = vector.broadcast %jit3A_229 : i32 to vector<1x32768xi32>
    %select_n3A_231 = arith.select %ge3A_228, %broadcast_in_dim3A, %broadcast_in_dim3A_230 : vector<1x32768xi1>, vector<1x32768xi32>
    %reduce_sum3A_232 = vector.shape_cast %select_n3A_231 : vector<1x32768xi32> to vector<1x1x32768xi32>
    %reduce_sum3A_233 = arith.constant dense<0> : vector<1xi32>
    %reduce_sum3A_234 = vector.multi_reduction <add>, %reduce_sum3A_232, %reduce_sum3A_233 [1, 2] : vector<1x1x32768xi32> to vector<1xi32>
    %reduce_sum3A_235 = vector.shape_cast %reduce_sum3A_234 : vector<1xi32> to vector<1x1x1xi32>
    %reduce_sum3A_236 = vector.extract %reduce_sum3A_235[0, 0, 0] : i32 from vector<1x1x1xi32>
    %ge3A_237 = arith.cmpi sge, %reduce_sum3A_236, %get3A_2 : i32
    %select_n3A_238 = arith.select %ge3A_237, %select_n3A_224, %select_n3A_198 : i32
    %select_n3A_239 = arith.select %ge3A_237, %select_n3A_199, %select_n3A_224 : i32
    %add3A_240 = arith.addi %select_n3A_238, %select_n3A_239 : i32
    %jit3A_241 = arith.constant 2 : i32
    %div3A_242 = arith.divsi %add3A_240, %jit3A_241 : i32
    %sign3A_243 = arith.constant 0 : i32
    %sign3A_244 = arith.cmpi sgt, %add3A_240, %sign3A_243 : i32
    %sign3A_245 = arith.extui %sign3A_244 : i1 to i32
    %sign3A_246 = arith.constant 0 : i32
    %sign3A_247 = arith.cmpi slt, %add3A_240, %sign3A_246 : i32
    %sign3A_248 = arith.extui %sign3A_247 : i1 to i32
    %sign3A_249 = arith.subi %sign3A_245, %sign3A_248 : i32
    %sign3A_250 = arith.constant 0 : i32
    %sign3A_251 = arith.cmpi sgt, %jit3A_241, %sign3A_250 : i32
    %sign3A_252 = arith.extui %sign3A_251 : i1 to i32
    %sign3A_253 = arith.constant 0 : i32
    %sign3A_254 = arith.cmpi slt, %jit3A_241, %sign3A_253 : i32
    %sign3A_255 = arith.extui %sign3A_254 : i1 to i32
    %sign3A_256 = arith.subi %sign3A_252, %sign3A_255 : i32
    %ne3A_257 = arith.cmpi ne, %sign3A_249, %sign3A_256 : i32
    %rem3A_258 = arith.remsi %add3A_240, %jit3A_241 : i32
    %ne3A_259 = arith.constant 0 : i32
    %ne3A_260 = arith.cmpi ne, %rem3A_258, %ne3A_259 : i32
    %and3A_261 = arith.andi %ne3A_257, %ne3A_260 : i1
    %sub3A_262 = arith.constant 1 : i32
    %sub3A_263 = arith.subi %div3A_242, %sub3A_262 : i32
    %select_n3A_264 = arith.select %and3A_261, %sub3A_263, %div3A_242 : i32
    %mul3A_265 = arith.constant 16 : i32
    %mul3A_266 = arith.muli %select_n3A_264, %mul3A_265 : i32
    %ge3A_267 = vector.broadcast %mul3A_266 : i32 to vector<1x32768xi32>
    %ge3A_268 = arith.cmpi sge, %iota3A, %ge3A_267 : vector<1x32768xi32>
    %jit3A_269 = arith.constant 0 : i32
    %broadcast_in_dim3A_270 = vector.broadcast %jit3A_269 : i32 to vector<1x32768xi32>
    %select_n3A_271 = arith.select %ge3A_268, %broadcast_in_dim3A, %broadcast_in_dim3A_270 : vector<1x32768xi1>, vector<1x32768xi32>
    %reduce_sum3A_272 = vector.shape_cast %select_n3A_271 : vector<1x32768xi32> to vector<1x1x32768xi32>
    %reduce_sum3A_273 = arith.constant dense<0> : vector<1xi32>
    %reduce_sum3A_274 = vector.multi_reduction <add>, %reduce_sum3A_272, %reduce_sum3A_273 [1, 2] : vector<1x1x32768xi32> to vector<1xi32>
    %reduce_sum3A_275 = vector.shape_cast %reduce_sum3A_274 : vector<1xi32> to vector<1x1x1xi32>
    %reduce_sum3A_276 = vector.extract %reduce_sum3A_275[0, 0, 0] : i32 from vector<1x1x1xi32>
    %ge3A_277 = arith.cmpi sge, %reduce_sum3A_276, %get3A_2 : i32
    %select_n3A_278 = arith.select %ge3A_277, %select_n3A_264, %select_n3A_238 : i32
    %select_n3A_279 = arith.select %ge3A_277, %select_n3A_239, %select_n3A_264 : i32
    %add3A_280 = arith.addi %select_n3A_278, %select_n3A_279 : i32
    %jit3A_281 = arith.constant 2 : i32
    %div3A_282 = arith.divsi %add3A_280, %jit3A_281 : i32
    %sign3A_283 = arith.constant 0 : i32
    %sign3A_284 = arith.cmpi sgt, %add3A_280, %sign3A_283 : i32
    %sign3A_285 = arith.extui %sign3A_284 : i1 to i32
    %sign3A_286 = arith.constant 0 : i32
    %sign3A_287 = arith.cmpi slt, %add3A_280, %sign3A_286 : i32
    %sign3A_288 = arith.extui %sign3A_287 : i1 to i32
    %sign3A_289 = arith.subi %sign3A_285, %sign3A_288 : i32
    %sign3A_290 = arith.constant 0 : i32
    %sign3A_291 = arith.cmpi sgt, %jit3A_281, %sign3A_290 : i32
    %sign3A_292 = arith.extui %sign3A_291 : i1 to i32
    %sign3A_293 = arith.constant 0 : i32
    %sign3A_294 = arith.cmpi slt, %jit3A_281, %sign3A_293 : i32
    %sign3A_295 = arith.extui %sign3A_294 : i1 to i32
    %sign3A_296 = arith.subi %sign3A_292, %sign3A_295 : i32
    %ne3A_297 = arith.cmpi ne, %sign3A_289, %sign3A_296 : i32
    %rem3A_298 = arith.remsi %add3A_280, %jit3A_281 : i32
    %ne3A_299 = arith.constant 0 : i32
    %ne3A_300 = arith.cmpi ne, %rem3A_298, %ne3A_299 : i32
    %and3A_301 = arith.andi %ne3A_297, %ne3A_300 : i1
    %sub3A_302 = arith.constant 1 : i32
    %sub3A_303 = arith.subi %div3A_282, %sub3A_302 : i32
    %select_n3A_304 = arith.select %and3A_301, %sub3A_303, %div3A_282 : i32
    %mul3A_305 = arith.constant 16 : i32
    %mul3A_306 = arith.muli %select_n3A_304, %mul3A_305 : i32
    %ge3A_307 = vector.broadcast %mul3A_306 : i32 to vector<1x32768xi32>
    %ge3A_308 = arith.cmpi sge, %iota3A, %ge3A_307 : vector<1x32768xi32>
    %jit3A_309 = arith.constant 0 : i32
    %broadcast_in_dim3A_310 = vector.broadcast %jit3A_309 : i32 to vector<1x32768xi32>
    %select_n3A_311 = arith.select %ge3A_308, %broadcast_in_dim3A, %broadcast_in_dim3A_310 : vector<1x32768xi1>, vector<1x32768xi32>
    %reduce_sum3A_312 = vector.shape_cast %select_n3A_311 : vector<1x32768xi32> to vector<1x1x32768xi32>
    %reduce_sum3A_313 = arith.constant dense<0> : vector<1xi32>
    %reduce_sum3A_314 = vector.multi_reduction <add>, %reduce_sum3A_312, %reduce_sum3A_313 [1, 2] : vector<1x1x32768xi32> to vector<1xi32>
    %reduce_sum3A_315 = vector.shape_cast %reduce_sum3A_314 : vector<1xi32> to vector<1x1x1xi32>
    %reduce_sum3A_316 = vector.extract %reduce_sum3A_315[0, 0, 0] : i32 from vector<1x1x1xi32>
    %ge3A_317 = arith.cmpi sge, %reduce_sum3A_316, %get3A_2 : i32
    %select_n3A_318 = arith.select %ge3A_317, %select_n3A_304, %select_n3A_278 : i32
    %select_n3A_319 = arith.select %ge3A_317, %select_n3A_279, %select_n3A_304 : i32
    %add3A_320 = arith.addi %select_n3A_318, %select_n3A_319 : i32
    %jit3A_321 = arith.constant 2 : i32
    %div3A_322 = arith.divsi %add3A_320, %jit3A_321 : i32
    %sign3A_323 = arith.constant 0 : i32
    %sign3A_324 = arith.cmpi sgt, %add3A_320, %sign3A_323 : i32
    %sign3A_325 = arith.extui %sign3A_324 : i1 to i32
    %sign3A_326 = arith.constant 0 : i32
    %sign3A_327 = arith.cmpi slt, %add3A_320, %sign3A_326 : i32
    %sign3A_328 = arith.extui %sign3A_327 : i1 to i32
    %sign3A_329 = arith.subi %sign3A_325, %sign3A_328 : i32
    %sign3A_330 = arith.constant 0 : i32
    %sign3A_331 = arith.cmpi sgt, %jit3A_321, %sign3A_330 : i32
    %sign3A_332 = arith.extui %sign3A_331 : i1 to i32
    %sign3A_333 = arith.constant 0 : i32
    %sign3A_334 = arith.cmpi slt, %jit3A_321, %sign3A_333 : i32
    %sign3A_335 = arith.extui %sign3A_334 : i1 to i32
    %sign3A_336 = arith.subi %sign3A_332, %sign3A_335 : i32
    %ne3A_337 = arith.cmpi ne, %sign3A_329, %sign3A_336 : i32
    %rem3A_338 = arith.remsi %add3A_320, %jit3A_321 : i32
    %ne3A_339 = arith.constant 0 : i32
    %ne3A_340 = arith.cmpi ne, %rem3A_338, %ne3A_339 : i32
    %and3A_341 = arith.andi %ne3A_337, %ne3A_340 : i1
    %sub3A_342 = arith.constant 1 : i32
    %sub3A_343 = arith.subi %div3A_322, %sub3A_342 : i32
    %select_n3A_344 = arith.select %and3A_341, %sub3A_343, %div3A_322 : i32
    %mul3A_345 = arith.constant 16 : i32
    %mul3A_346 = arith.muli %select_n3A_344, %mul3A_345 : i32
    %ge3A_347 = vector.broadcast %mul3A_346 : i32 to vector<1x32768xi32>
    %ge3A_348 = arith.cmpi sge, %iota3A, %ge3A_347 : vector<1x32768xi32>
    %jit3A_349 = arith.constant 0 : i32
    %broadcast_in_dim3A_350 = vector.broadcast %jit3A_349 : i32 to vector<1x32768xi32>
    %select_n3A_351 = arith.select %ge3A_348, %broadcast_in_dim3A, %broadcast_in_dim3A_350 : vector<1x32768xi1>, vector<1x32768xi32>
    %reduce_sum3A_352 = vector.shape_cast %select_n3A_351 : vector<1x32768xi32> to vector<1x1x32768xi32>
    %reduce_sum3A_353 = arith.constant dense<0> : vector<1xi32>
    %reduce_sum3A_354 = vector.multi_reduction <add>, %reduce_sum3A_352, %reduce_sum3A_353 [1, 2] : vector<1x1x32768xi32> to vector<1xi32>
    %reduce_sum3A_355 = vector.shape_cast %reduce_sum3A_354 : vector<1xi32> to vector<1x1x1xi32>
    %reduce_sum3A_356 = vector.extract %reduce_sum3A_355[0, 0, 0] : i32 from vector<1x1x1xi32>
    %ge3A_357 = arith.cmpi sge, %reduce_sum3A_356, %get3A_2 : i32
    %select_n3A_358 = arith.select %ge3A_357, %select_n3A_344, %select_n3A_318 : i32
    %select_n3A_359 = arith.select %ge3A_357, %select_n3A_319, %select_n3A_344 : i32
    %add3A_360 = arith.addi %select_n3A_358, %select_n3A_359 : i32
    %jit3A_361 = arith.constant 2 : i32
    %div3A_362 = arith.divsi %add3A_360, %jit3A_361 : i32
    %sign3A_363 = arith.constant 0 : i32
    %sign3A_364 = arith.cmpi sgt, %add3A_360, %sign3A_363 : i32
    %sign3A_365 = arith.extui %sign3A_364 : i1 to i32
    %sign3A_366 = arith.constant 0 : i32
    %sign3A_367 = arith.cmpi slt, %add3A_360, %sign3A_366 : i32
    %sign3A_368 = arith.extui %sign3A_367 : i1 to i32
    %sign3A_369 = arith.subi %sign3A_365, %sign3A_368 : i32
    %sign3A_370 = arith.constant 0 : i32
    %sign3A_371 = arith.cmpi sgt, %jit3A_361, %sign3A_370 : i32
    %sign3A_372 = arith.extui %sign3A_371 : i1 to i32
    %sign3A_373 = arith.constant 0 : i32
    %sign3A_374 = arith.cmpi slt, %jit3A_361, %sign3A_373 : i32
    %sign3A_375 = arith.extui %sign3A_374 : i1 to i32
    %sign3A_376 = arith.subi %sign3A_372, %sign3A_375 : i32
    %ne3A_377 = arith.cmpi ne, %sign3A_369, %sign3A_376 : i32
    %rem3A_378 = arith.remsi %add3A_360, %jit3A_361 : i32
    %ne3A_379 = arith.constant 0 : i32
    %ne3A_380 = arith.cmpi ne, %rem3A_378, %ne3A_379 : i32
    %and3A_381 = arith.andi %ne3A_377, %ne3A_380 : i1
    %sub3A_382 = arith.constant 1 : i32
    %sub3A_383 = arith.subi %div3A_362, %sub3A_382 : i32
    %select_n3A_384 = arith.select %and3A_381, %sub3A_383, %div3A_362 : i32
    %mul3A_385 = arith.constant 16 : i32
    %mul3A_386 = arith.muli %select_n3A_384, %mul3A_385 : i32
    %ge3A_387 = vector.broadcast %mul3A_386 : i32 to vector<1x32768xi32>
    %ge3A_388 = arith.cmpi sge, %iota3A, %ge3A_387 : vector<1x32768xi32>
    %jit3A_389 = arith.constant 0 : i32
    %broadcast_in_dim3A_390 = vector.broadcast %jit3A_389 : i32 to vector<1x32768xi32>
    %select_n3A_391 = arith.select %ge3A_388, %broadcast_in_dim3A, %broadcast_in_dim3A_390 : vector<1x32768xi1>, vector<1x32768xi32>
    %reduce_sum3A_392 = vector.shape_cast %select_n3A_391 : vector<1x32768xi32> to vector<1x1x32768xi32>
    %reduce_sum3A_393 = arith.constant dense<0> : vector<1xi32>
    %reduce_sum3A_394 = vector.multi_reduction <add>, %reduce_sum3A_392, %reduce_sum3A_393 [1, 2] : vector<1x1x32768xi32> to vector<1xi32>
    %reduce_sum3A_395 = vector.shape_cast %reduce_sum3A_394 : vector<1xi32> to vector<1x1x1xi32>
    %reduce_sum3A_396 = vector.extract %reduce_sum3A_395[0, 0, 0] : i32 from vector<1x1x1xi32>
    %ge3A_397 = arith.cmpi sge, %reduce_sum3A_396, %get3A_2 : i32
    %select_n3A_398 = arith.select %ge3A_397, %select_n3A_384, %select_n3A_358 : i32
    %select_n3A_399 = arith.select %ge3A_397, %select_n3A_359, %select_n3A_384 : i32
    %add3A_400 = arith.addi %select_n3A_398, %select_n3A_399 : i32
    %jit3A_401 = arith.constant 2 : i32
    %div3A_402 = arith.divsi %add3A_400, %jit3A_401 : i32
    %sign3A_403 = arith.constant 0 : i32
    %sign3A_404 = arith.cmpi sgt, %add3A_400, %sign3A_403 : i32
    %sign3A_405 = arith.extui %sign3A_404 : i1 to i32
    %sign3A_406 = arith.constant 0 : i32
    %sign3A_407 = arith.cmpi slt, %add3A_400, %sign3A_406 : i32
    %sign3A_408 = arith.extui %sign3A_407 : i1 to i32
    %sign3A_409 = arith.subi %sign3A_405, %sign3A_408 : i32
    %sign3A_410 = arith.constant 0 : i32
    %sign3A_411 = arith.cmpi sgt, %jit3A_401, %sign3A_410 : i32
    %sign3A_412 = arith.extui %sign3A_411 : i1 to i32
    %sign3A_413 = arith.constant 0 : i32
    %sign3A_414 = arith.cmpi slt, %jit3A_401, %sign3A_413 : i32
    %sign3A_415 = arith.extui %sign3A_414 : i1 to i32
    %sign3A_416 = arith.subi %sign3A_412, %sign3A_415 : i32
    %ne3A_417 = arith.cmpi ne, %sign3A_409, %sign3A_416 : i32
    %rem3A_418 = arith.remsi %add3A_400, %jit3A_401 : i32
    %ne3A_419 = arith.constant 0 : i32
    %ne3A_420 = arith.cmpi ne, %rem3A_418, %ne3A_419 : i32
    %and3A_421 = arith.andi %ne3A_417, %ne3A_420 : i1
    %sub3A_422 = arith.constant 1 : i32
    %sub3A_423 = arith.subi %div3A_402, %sub3A_422 : i32
    %select_n3A_424 = arith.select %and3A_421, %sub3A_423, %div3A_402 : i32
    %mul3A_425 = arith.constant 16 : i32
    %mul3A_426 = arith.muli %select_n3A_424, %mul3A_425 : i32
    %ge3A_427 = vector.broadcast %mul3A_426 : i32 to vector<1x32768xi32>
    %ge3A_428 = arith.cmpi sge, %iota3A, %ge3A_427 : vector<1x32768xi32>
    %jit3A_429 = arith.constant 0 : i32
    %broadcast_in_dim3A_430 = vector.broadcast %jit3A_429 : i32 to vector<1x32768xi32>
    %select_n3A_431 = arith.select %ge3A_428, %broadcast_in_dim3A, %broadcast_in_dim3A_430 : vector<1x32768xi1>, vector<1x32768xi32>
    %reduce_sum3A_432 = vector.shape_cast %select_n3A_431 : vector<1x32768xi32> to vector<1x1x32768xi32>
    %reduce_sum3A_433 = arith.constant dense<0> : vector<1xi32>
    %reduce_sum3A_434 = vector.multi_reduction <add>, %reduce_sum3A_432, %reduce_sum3A_433 [1, 2] : vector<1x1x32768xi32> to vector<1xi32>
    %reduce_sum3A_435 = vector.shape_cast %reduce_sum3A_434 : vector<1xi32> to vector<1x1x1xi32>
    %reduce_sum3A_436 = vector.extract %reduce_sum3A_435[0, 0, 0] : i32 from vector<1x1x1xi32>
    %ge3A_437 = arith.cmpi sge, %reduce_sum3A_436, %get3A_2 : i32
    %select_n3A_438 = arith.select %ge3A_437, %select_n3A_424, %select_n3A_398 : i32
    %add3A_439 = arith.constant 1 : i32
    %add3A_440 = arith.addi %select_n3A_438, %add3A_439 : i32
    %mul3A_441 = arith.constant 16 : i32
    %mul3A_442 = arith.muli %add3A_440, %mul3A_441 : i32
    %ge3A_443 = vector.broadcast %mul3A_442 : i32 to vector<1x32768xi32>
    %ge3A_444 = arith.cmpi sge, %iota3A, %ge3A_443 : vector<1x32768xi32>
    %jit3A_445 = arith.constant 0 : i32
    %broadcast_in_dim3A_446 = vector.broadcast %jit3A_445 : i32 to vector<1x32768xi32>
    %select_n3A_447 = arith.select %ge3A_444, %broadcast_in_dim3A, %broadcast_in_dim3A_446 : vector<1x32768xi1>, vector<1x32768xi32>
    %reduce_sum3A_448 = vector.shape_cast %select_n3A_447 : vector<1x32768xi32> to vector<1x1x32768xi32>
    %reduce_sum3A_449 = arith.constant dense<0> : vector<1xi32>
    %reduce_sum3A_450 = vector.multi_reduction <add>, %reduce_sum3A_448, %reduce_sum3A_449 [1, 2] : vector<1x1x32768xi32> to vector<1xi32>
    %reduce_sum3A_451 = vector.shape_cast %reduce_sum3A_450 : vector<1xi32> to vector<1x1x1xi32>
    %reduce_sum3A_452 = vector.extract %reduce_sum3A_451[0, 0, 0] : i32 from vector<1x1x1xi32>
    %mul3A_453 = arith.constant 2048 : i32
    %mul3A_454 = arith.muli %get3A_0, %mul3A_453 : i32
    %add3A_455 = arith.addi %mul3A_454, %select_n3A_438 : i32
    %swap3A = arith.constant 0 : index
    %swap3A_456 = memref.load %arg3[%swap3A] : memref<16xi32, #tpu.memory_space<smem>>
    memref.store %add3A_455, %arg3[%swap3A] : memref<16xi32, #tpu.memory_space<smem>>
    %swap3A_457 = arith.constant 1 : index
    %swap3A_458 = memref.load %arg3[%swap3A_457] : memref<16xi32, #tpu.memory_space<smem>>
    memref.store %add3A_455, %arg3[%swap3A_457] : memref<16xi32, #tpu.memory_space<smem>>
    %swap3A_459 = arith.constant 2 : index
    %swap3A_460 = memref.load %arg3[%swap3A_459] : memref<16xi32, #tpu.memory_space<smem>>
    memref.store %add3A_455, %arg3[%swap3A_459] : memref<16xi32, #tpu.memory_space<smem>>
    %swap3A_461 = arith.constant 3 : index
    %swap3A_462 = memref.load %arg3[%swap3A_461] : memref<16xi32, #tpu.memory_space<smem>>
    memref.store %add3A_455, %arg3[%swap3A_461] : memref<16xi32, #tpu.memory_space<smem>>
    %swap3A_463 = arith.constant 4 : index
    %swap3A_464 = memref.load %arg3[%swap3A_463] : memref<16xi32, #tpu.memory_space<smem>>
    memref.store %add3A_455, %arg3[%swap3A_463] : memref<16xi32, #tpu.memory_space<smem>>
    %swap3A_465 = arith.constant 5 : index
    %swap3A_466 = memref.load %arg3[%swap3A_465] : memref<16xi32, #tpu.memory_space<smem>>
    memref.store %add3A_455, %arg3[%swap3A_465] : memref<16xi32, #tpu.memory_space<smem>>
    %swap3A_467 = arith.constant 6 : index
    %swap3A_468 = memref.load %arg3[%swap3A_467] : memref<16xi32, #tpu.memory_space<smem>>
    memref.store %add3A_455, %arg3[%swap3A_467] : memref<16xi32, #tpu.memory_space<smem>>
    %swap3A_469 = arith.constant 7 : index
    %swap3A_470 = memref.load %arg3[%swap3A_469] : memref<16xi32, #tpu.memory_space<smem>>
    memref.store %add3A_455, %arg3[%swap3A_469] : memref<16xi32, #tpu.memory_space<smem>>
    %swap3A_471 = arith.constant 8 : index
    %swap3A_472 = memref.load %arg3[%swap3A_471] : memref<16xi32, #tpu.memory_space<smem>>
    memref.store %add3A_455, %arg3[%swap3A_471] : memref<16xi32, #tpu.memory_space<smem>>
    %swap3A_473 = arith.constant 9 : index
    %swap3A_474 = memref.load %arg3[%swap3A_473] : memref<16xi32, #tpu.memory_space<smem>>
    memref.store %add3A_455, %arg3[%swap3A_473] : memref<16xi32, #tpu.memory_space<smem>>
    %swap3A_475 = arith.constant 10 : index
    %swap3A_476 = memref.load %arg3[%swap3A_475] : memref<16xi32, #tpu.memory_space<smem>>
    memref.store %add3A_455, %arg3[%swap3A_475] : memref<16xi32, #tpu.memory_space<smem>>
    %swap3A_477 = arith.constant 11 : index
    %swap3A_478 = memref.load %arg3[%swap3A_477] : memref<16xi32, #tpu.memory_space<smem>>
    memref.store %add3A_455, %arg3[%swap3A_477] : memref<16xi32, #tpu.memory_space<smem>>
    %swap3A_479 = arith.constant 12 : index
    %swap3A_480 = memref.load %arg3[%swap3A_479] : memref<16xi32, #tpu.memory_space<smem>>
    memref.store %add3A_455, %arg3[%swap3A_479] : memref<16xi32, #tpu.memory_space<smem>>
    %swap3A_481 = arith.constant 13 : index
    %swap3A_482 = memref.load %arg3[%swap3A_481] : memref<16xi32, #tpu.memory_space<smem>>
    memref.store %add3A_455, %arg3[%swap3A_481] : memref<16xi32, #tpu.memory_space<smem>>
    %swap3A_483 = arith.constant 14 : index
    %swap3A_484 = memref.load %arg3[%swap3A_483] : memref<16xi32, #tpu.memory_space<smem>>
    memref.store %add3A_455, %arg3[%swap3A_483] : memref<16xi32, #tpu.memory_space<smem>>
    %swap3A_485 = arith.constant 15 : index
    %swap3A_486 = memref.load %arg3[%swap3A_485] : memref<16xi32, #tpu.memory_space<smem>>
    memref.store %add3A_455, %arg3[%swap3A_485] : memref<16xi32, #tpu.memory_space<smem>>
    %sub3A_487 = arith.subi %get3A_2, %reduce_sum3A_452 : i32
    %swap3A_488 = arith.constant 0 : index
    %swap3A_489 = memref.load %arg4[%swap3A_488] : memref<1xi32, #tpu.memory_space<smem>>
    memref.store %sub3A_487, %arg4[%swap3A_488] : memref<1xi32, #tpu.memory_space<smem>>
    return
  }
}

module attributes {stable_mosaic.version = 14 : i64} {
  func.func @body(%arg0: memref<32x32768xi32, #tpu.memory_space<vmem>>, %arg1: memref<16xi32, #tpu.memory_space<smem>>, %arg2: memref<1xi32, #tpu.memory_space<smem>>) attributes {dimension_semantics = [], scalar_prefetch = 0 : i64, scratch_operands = 0 : i64, tpu.core_type = #tpu.core_type<tc>} {
    %get3A = arith.constant 0 : index
    %get3A_0 = arith.constant 0 : index
    %get3A_1 = vector.load %arg0[%get3A, %get3A_0] : memref<32x32768xi32, #tpu.memory_space<vmem>>, vector<32x32768xi32>
    %reduce_sum3A = arith.constant dense<0> : vector<32768xi32>
    %reduce_sum3A_2 = vector.multi_reduction <add>, %get3A_1, %reduce_sum3A [0] : vector<32x32768xi32> to vector<32768xi32>
    %broadcast_in_dim3A = vector.shape_cast %reduce_sum3A_2 : vector<32768xi32> to vector<1x32768xi32>
    %iota3A = tpu.iota {dimensions = array<i32: 1>} : vector<1x32768xi32>
    %add3A = arith.constant 0 : i32
    %add3A_3 = arith.constant 2048 : i32
    %add3A_4 = arith.addi %add3A, %add3A_3 : i32
    %jit3A = arith.constant 2 : i32
    %div3A = arith.divsi %add3A_4, %jit3A : i32
    %sign3A = arith.constant 0 : i32
    %sign3A_5 = arith.cmpi sgt, %add3A_4, %sign3A : i32
    %sign3A_6 = arith.extui %sign3A_5 : i1 to i32
    %sign3A_7 = arith.constant 0 : i32
    %sign3A_8 = arith.cmpi slt, %add3A_4, %sign3A_7 : i32
    %sign3A_9 = arith.extui %sign3A_8 : i1 to i32
    %sign3A_10 = arith.subi %sign3A_6, %sign3A_9 : i32
    %sign3A_11 = arith.constant 0 : i32
    %sign3A_12 = arith.cmpi sgt, %jit3A, %sign3A_11 : i32
    %sign3A_13 = arith.extui %sign3A_12 : i1 to i32
    %sign3A_14 = arith.constant 0 : i32
    %sign3A_15 = arith.cmpi slt, %jit3A, %sign3A_14 : i32
    %sign3A_16 = arith.extui %sign3A_15 : i1 to i32
    %sign3A_17 = arith.subi %sign3A_13, %sign3A_16 : i32
    %ne3A = arith.cmpi ne, %sign3A_10, %sign3A_17 : i32
    %rem3A = arith.remsi %add3A_4, %jit3A : i32
    %ne3A_18 = arith.constant 0 : i32
    %ne3A_19 = arith.cmpi ne, %rem3A, %ne3A_18 : i32
    %and3A = arith.andi %ne3A, %ne3A_19 : i1
    %sub3A = arith.constant 1 : i32
    %sub3A_20 = arith.subi %div3A, %sub3A : i32
    %select_n3A = arith.select %and3A, %sub3A_20, %div3A : i32
    %mul3A = arith.constant 16 : i32
    %mul3A_21 = arith.muli %select_n3A, %mul3A : i32
    %ge3A = vector.broadcast %mul3A_21 : i32 to vector<1x32768xi32>
    %ge3A_22 = arith.cmpi sge, %iota3A, %ge3A : vector<1x32768xi32>
    %jit3A_23 = arith.constant 0 : i32
    %broadcast_in_dim3A_24 = vector.broadcast %jit3A_23 : i32 to vector<1x32768xi32>
    %select_n3A_25 = arith.select %ge3A_22, %broadcast_in_dim3A, %broadcast_in_dim3A_24 : vector<1x32768xi1>, vector<1x32768xi32>
    %reduce_sum3A_26 = vector.shape_cast %select_n3A_25 : vector<1x32768xi32> to vector<1x1x32768xi32>
    %reduce_sum3A_27 = arith.constant dense<0> : vector<1xi32>
    %reduce_sum3A_28 = vector.multi_reduction <add>, %reduce_sum3A_26, %reduce_sum3A_27 [1, 2] : vector<1x1x32768xi32> to vector<1xi32>
    %reduce_sum3A_29 = vector.shape_cast %reduce_sum3A_28 : vector<1xi32> to vector<1x1x1xi32>
    %reduce_sum3A_30 = vector.extract %reduce_sum3A_29[0, 0, 0] : i32 from vector<1x1x1xi32>
    %ge3A_31 = arith.constant 8388608 : i32
    %ge3A_32 = arith.cmpi sge, %reduce_sum3A_30, %ge3A_31 : i32
    %jit3A_33 = arith.constant 0 : i32
    %select_n3A_34 = arith.select %ge3A_32, %select_n3A, %jit3A_33 : i32
    %jit3A_35 = arith.constant 2048 : i32
    %select_n3A_36 = arith.select %ge3A_32, %jit3A_35, %select_n3A : i32
    %add3A_37 = arith.addi %select_n3A_34, %select_n3A_36 : i32
    %jit3A_38 = arith.constant 2 : i32
    %div3A_39 = arith.divsi %add3A_37, %jit3A_38 : i32
    %sign3A_40 = arith.constant 0 : i32
    %sign3A_41 = arith.cmpi sgt, %add3A_37, %sign3A_40 : i32
    %sign3A_42 = arith.extui %sign3A_41 : i1 to i32
    %sign3A_43 = arith.constant 0 : i32
    %sign3A_44 = arith.cmpi slt, %add3A_37, %sign3A_43 : i32
    %sign3A_45 = arith.extui %sign3A_44 : i1 to i32
    %sign3A_46 = arith.subi %sign3A_42, %sign3A_45 : i32
    %sign3A_47 = arith.constant 0 : i32
    %sign3A_48 = arith.cmpi sgt, %jit3A_38, %sign3A_47 : i32
    %sign3A_49 = arith.extui %sign3A_48 : i1 to i32
    %sign3A_50 = arith.constant 0 : i32
    %sign3A_51 = arith.cmpi slt, %jit3A_38, %sign3A_50 : i32
    %sign3A_52 = arith.extui %sign3A_51 : i1 to i32
    %sign3A_53 = arith.subi %sign3A_49, %sign3A_52 : i32
    %ne3A_54 = arith.cmpi ne, %sign3A_46, %sign3A_53 : i32
    %rem3A_55 = arith.remsi %add3A_37, %jit3A_38 : i32
    %ne3A_56 = arith.constant 0 : i32
    %ne3A_57 = arith.cmpi ne, %rem3A_55, %ne3A_56 : i32
    %and3A_58 = arith.andi %ne3A_54, %ne3A_57 : i1
    %sub3A_59 = arith.constant 1 : i32
    %sub3A_60 = arith.subi %div3A_39, %sub3A_59 : i32
    %select_n3A_61 = arith.select %and3A_58, %sub3A_60, %div3A_39 : i32
    %mul3A_62 = arith.constant 16 : i32
    %mul3A_63 = arith.muli %select_n3A_61, %mul3A_62 : i32
    %ge3A_64 = vector.broadcast %mul3A_63 : i32 to vector<1x32768xi32>
    %ge3A_65 = arith.cmpi sge, %iota3A, %ge3A_64 : vector<1x32768xi32>
    %jit3A_66 = arith.constant 0 : i32
    %broadcast_in_dim3A_67 = vector.broadcast %jit3A_66 : i32 to vector<1x32768xi32>
    %select_n3A_68 = arith.select %ge3A_65, %broadcast_in_dim3A, %broadcast_in_dim3A_67 : vector<1x32768xi1>, vector<1x32768xi32>
    %reduce_sum3A_69 = vector.shape_cast %select_n3A_68 : vector<1x32768xi32> to vector<1x1x32768xi32>
    %reduce_sum3A_70 = arith.constant dense<0> : vector<1xi32>
    %reduce_sum3A_71 = vector.multi_reduction <add>, %reduce_sum3A_69, %reduce_sum3A_70 [1, 2] : vector<1x1x32768xi32> to vector<1xi32>
    %reduce_sum3A_72 = vector.shape_cast %reduce_sum3A_71 : vector<1xi32> to vector<1x1x1xi32>
    %reduce_sum3A_73 = vector.extract %reduce_sum3A_72[0, 0, 0] : i32 from vector<1x1x1xi32>
    %ge3A_74 = arith.constant 8388608 : i32
    %ge3A_75 = arith.cmpi sge, %reduce_sum3A_73, %ge3A_74 : i32
    %select_n3A_76 = arith.select %ge3A_75, %select_n3A_61, %select_n3A_34 : i32
    %select_n3A_77 = arith.select %ge3A_75, %select_n3A_36, %select_n3A_61 : i32
    %add3A_78 = arith.addi %select_n3A_76, %select_n3A_77 : i32
    %jit3A_79 = arith.constant 2 : i32
    %div3A_80 = arith.divsi %add3A_78, %jit3A_79 : i32
    %sign3A_81 = arith.constant 0 : i32
    %sign3A_82 = arith.cmpi sgt, %add3A_78, %sign3A_81 : i32
    %sign3A_83 = arith.extui %sign3A_82 : i1 to i32
    %sign3A_84 = arith.constant 0 : i32
    %sign3A_85 = arith.cmpi slt, %add3A_78, %sign3A_84 : i32
    %sign3A_86 = arith.extui %sign3A_85 : i1 to i32
    %sign3A_87 = arith.subi %sign3A_83, %sign3A_86 : i32
    %sign3A_88 = arith.constant 0 : i32
    %sign3A_89 = arith.cmpi sgt, %jit3A_79, %sign3A_88 : i32
    %sign3A_90 = arith.extui %sign3A_89 : i1 to i32
    %sign3A_91 = arith.constant 0 : i32
    %sign3A_92 = arith.cmpi slt, %jit3A_79, %sign3A_91 : i32
    %sign3A_93 = arith.extui %sign3A_92 : i1 to i32
    %sign3A_94 = arith.subi %sign3A_90, %sign3A_93 : i32
    %ne3A_95 = arith.cmpi ne, %sign3A_87, %sign3A_94 : i32
    %rem3A_96 = arith.remsi %add3A_78, %jit3A_79 : i32
    %ne3A_97 = arith.constant 0 : i32
    %ne3A_98 = arith.cmpi ne, %rem3A_96, %ne3A_97 : i32
    %and3A_99 = arith.andi %ne3A_95, %ne3A_98 : i1
    %sub3A_100 = arith.constant 1 : i32
    %sub3A_101 = arith.subi %div3A_80, %sub3A_100 : i32
    %select_n3A_102 = arith.select %and3A_99, %sub3A_101, %div3A_80 : i32
    %mul3A_103 = arith.constant 16 : i32
    %mul3A_104 = arith.muli %select_n3A_102, %mul3A_103 : i32
    %ge3A_105 = vector.broadcast %mul3A_104 : i32 to vector<1x32768xi32>
    %ge3A_106 = arith.cmpi sge, %iota3A, %ge3A_105 : vector<1x32768xi32>
    %jit3A_107 = arith.constant 0 : i32
    %broadcast_in_dim3A_108 = vector.broadcast %jit3A_107 : i32 to vector<1x32768xi32>
    %select_n3A_109 = arith.select %ge3A_106, %broadcast_in_dim3A, %broadcast_in_dim3A_108 : vector<1x32768xi1>, vector<1x32768xi32>
    %reduce_sum3A_110 = vector.shape_cast %select_n3A_109 : vector<1x32768xi32> to vector<1x1x32768xi32>
    %reduce_sum3A_111 = arith.constant dense<0> : vector<1xi32>
    %reduce_sum3A_112 = vector.multi_reduction <add>, %reduce_sum3A_110, %reduce_sum3A_111 [1, 2] : vector<1x1x32768xi32> to vector<1xi32>
    %reduce_sum3A_113 = vector.shape_cast %reduce_sum3A_112 : vector<1xi32> to vector<1x1x1xi32>
    %reduce_sum3A_114 = vector.extract %reduce_sum3A_113[0, 0, 0] : i32 from vector<1x1x1xi32>
    %ge3A_115 = arith.constant 8388608 : i32
    %ge3A_116 = arith.cmpi sge, %reduce_sum3A_114, %ge3A_115 : i32
    %select_n3A_117 = arith.select %ge3A_116, %select_n3A_102, %select_n3A_76 : i32
    %select_n3A_118 = arith.select %ge3A_116, %select_n3A_77, %select_n3A_102 : i32
    %add3A_119 = arith.addi %select_n3A_117, %select_n3A_118 : i32
    %jit3A_120 = arith.constant 2 : i32
    %div3A_121 = arith.divsi %add3A_119, %jit3A_120 : i32
    %sign3A_122 = arith.constant 0 : i32
    %sign3A_123 = arith.cmpi sgt, %add3A_119, %sign3A_122 : i32
    %sign3A_124 = arith.extui %sign3A_123 : i1 to i32
    %sign3A_125 = arith.constant 0 : i32
    %sign3A_126 = arith.cmpi slt, %add3A_119, %sign3A_125 : i32
    %sign3A_127 = arith.extui %sign3A_126 : i1 to i32
    %sign3A_128 = arith.subi %sign3A_124, %sign3A_127 : i32
    %sign3A_129 = arith.constant 0 : i32
    %sign3A_130 = arith.cmpi sgt, %jit3A_120, %sign3A_129 : i32
    %sign3A_131 = arith.extui %sign3A_130 : i1 to i32
    %sign3A_132 = arith.constant 0 : i32
    %sign3A_133 = arith.cmpi slt, %jit3A_120, %sign3A_132 : i32
    %sign3A_134 = arith.extui %sign3A_133 : i1 to i32
    %sign3A_135 = arith.subi %sign3A_131, %sign3A_134 : i32
    %ne3A_136 = arith.cmpi ne, %sign3A_128, %sign3A_135 : i32
    %rem3A_137 = arith.remsi %add3A_119, %jit3A_120 : i32
    %ne3A_138 = arith.constant 0 : i32
    %ne3A_139 = arith.cmpi ne, %rem3A_137, %ne3A_138 : i32
    %and3A_140 = arith.andi %ne3A_136, %ne3A_139 : i1
    %sub3A_141 = arith.constant 1 : i32
    %sub3A_142 = arith.subi %div3A_121, %sub3A_141 : i32
    %select_n3A_143 = arith.select %and3A_140, %sub3A_142, %div3A_121 : i32
    %mul3A_144 = arith.constant 16 : i32
    %mul3A_145 = arith.muli %select_n3A_143, %mul3A_144 : i32
    %ge3A_146 = vector.broadcast %mul3A_145 : i32 to vector<1x32768xi32>
    %ge3A_147 = arith.cmpi sge, %iota3A, %ge3A_146 : vector<1x32768xi32>
    %jit3A_148 = arith.constant 0 : i32
    %broadcast_in_dim3A_149 = vector.broadcast %jit3A_148 : i32 to vector<1x32768xi32>
    %select_n3A_150 = arith.select %ge3A_147, %broadcast_in_dim3A, %broadcast_in_dim3A_149 : vector<1x32768xi1>, vector<1x32768xi32>
    %reduce_sum3A_151 = vector.shape_cast %select_n3A_150 : vector<1x32768xi32> to vector<1x1x32768xi32>
    %reduce_sum3A_152 = arith.constant dense<0> : vector<1xi32>
    %reduce_sum3A_153 = vector.multi_reduction <add>, %reduce_sum3A_151, %reduce_sum3A_152 [1, 2] : vector<1x1x32768xi32> to vector<1xi32>
    %reduce_sum3A_154 = vector.shape_cast %reduce_sum3A_153 : vector<1xi32> to vector<1x1x1xi32>
    %reduce_sum3A_155 = vector.extract %reduce_sum3A_154[0, 0, 0] : i32 from vector<1x1x1xi32>
    %ge3A_156 = arith.constant 8388608 : i32
    %ge3A_157 = arith.cmpi sge, %reduce_sum3A_155, %ge3A_156 : i32
    %select_n3A_158 = arith.select %ge3A_157, %select_n3A_143, %select_n3A_117 : i32
    %select_n3A_159 = arith.select %ge3A_157, %select_n3A_118, %select_n3A_143 : i32
    %add3A_160 = arith.addi %select_n3A_158, %select_n3A_159 : i32
    %jit3A_161 = arith.constant 2 : i32
    %div3A_162 = arith.divsi %add3A_160, %jit3A_161 : i32
    %sign3A_163 = arith.constant 0 : i32
    %sign3A_164 = arith.cmpi sgt, %add3A_160, %sign3A_163 : i32
    %sign3A_165 = arith.extui %sign3A_164 : i1 to i32
    %sign3A_166 = arith.constant 0 : i32
    %sign3A_167 = arith.cmpi slt, %add3A_160, %sign3A_166 : i32
    %sign3A_168 = arith.extui %sign3A_167 : i1 to i32
    %sign3A_169 = arith.subi %sign3A_165, %sign3A_168 : i32
    %sign3A_170 = arith.constant 0 : i32
    %sign3A_171 = arith.cmpi sgt, %jit3A_161, %sign3A_170 : i32
    %sign3A_172 = arith.extui %sign3A_171 : i1 to i32
    %sign3A_173 = arith.constant 0 : i32
    %sign3A_174 = arith.cmpi slt, %jit3A_161, %sign3A_173 : i32
    %sign3A_175 = arith.extui %sign3A_174 : i1 to i32
    %sign3A_176 = arith.subi %sign3A_172, %sign3A_175 : i32
    %ne3A_177 = arith.cmpi ne, %sign3A_169, %sign3A_176 : i32
    %rem3A_178 = arith.remsi %add3A_160, %jit3A_161 : i32
    %ne3A_179 = arith.constant 0 : i32
    %ne3A_180 = arith.cmpi ne, %rem3A_178, %ne3A_179 : i32
    %and3A_181 = arith.andi %ne3A_177, %ne3A_180 : i1
    %sub3A_182 = arith.constant 1 : i32
    %sub3A_183 = arith.subi %div3A_162, %sub3A_182 : i32
    %select_n3A_184 = arith.select %and3A_181, %sub3A_183, %div3A_162 : i32
    %mul3A_185 = arith.constant 16 : i32
    %mul3A_186 = arith.muli %select_n3A_184, %mul3A_185 : i32
    %ge3A_187 = vector.broadcast %mul3A_186 : i32 to vector<1x32768xi32>
    %ge3A_188 = arith.cmpi sge, %iota3A, %ge3A_187 : vector<1x32768xi32>
    %jit3A_189 = arith.constant 0 : i32
    %broadcast_in_dim3A_190 = vector.broadcast %jit3A_189 : i32 to vector<1x32768xi32>
    %select_n3A_191 = arith.select %ge3A_188, %broadcast_in_dim3A, %broadcast_in_dim3A_190 : vector<1x32768xi1>, vector<1x32768xi32>
    %reduce_sum3A_192 = vector.shape_cast %select_n3A_191 : vector<1x32768xi32> to vector<1x1x32768xi32>
    %reduce_sum3A_193 = arith.constant dense<0> : vector<1xi32>
    %reduce_sum3A_194 = vector.multi_reduction <add>, %reduce_sum3A_192, %reduce_sum3A_193 [1, 2] : vector<1x1x32768xi32> to vector<1xi32>
    %reduce_sum3A_195 = vector.shape_cast %reduce_sum3A_194 : vector<1xi32> to vector<1x1x1xi32>
    %reduce_sum3A_196 = vector.extract %reduce_sum3A_195[0, 0, 0] : i32 from vector<1x1x1xi32>
    %ge3A_197 = arith.constant 8388608 : i32
    %ge3A_198 = arith.cmpi sge, %reduce_sum3A_196, %ge3A_197 : i32
    %select_n3A_199 = arith.select %ge3A_198, %select_n3A_184, %select_n3A_158 : i32
    %select_n3A_200 = arith.select %ge3A_198, %select_n3A_159, %select_n3A_184 : i32
    %add3A_201 = arith.addi %select_n3A_199, %select_n3A_200 : i32
    %jit3A_202 = arith.constant 2 : i32
    %div3A_203 = arith.divsi %add3A_201, %jit3A_202 : i32
    %sign3A_204 = arith.constant 0 : i32
    %sign3A_205 = arith.cmpi sgt, %add3A_201, %sign3A_204 : i32
    %sign3A_206 = arith.extui %sign3A_205 : i1 to i32
    %sign3A_207 = arith.constant 0 : i32
    %sign3A_208 = arith.cmpi slt, %add3A_201, %sign3A_207 : i32
    %sign3A_209 = arith.extui %sign3A_208 : i1 to i32
    %sign3A_210 = arith.subi %sign3A_206, %sign3A_209 : i32
    %sign3A_211 = arith.constant 0 : i32
    %sign3A_212 = arith.cmpi sgt, %jit3A_202, %sign3A_211 : i32
    %sign3A_213 = arith.extui %sign3A_212 : i1 to i32
    %sign3A_214 = arith.constant 0 : i32
    %sign3A_215 = arith.cmpi slt, %jit3A_202, %sign3A_214 : i32
    %sign3A_216 = arith.extui %sign3A_215 : i1 to i32
    %sign3A_217 = arith.subi %sign3A_213, %sign3A_216 : i32
    %ne3A_218 = arith.cmpi ne, %sign3A_210, %sign3A_217 : i32
    %rem3A_219 = arith.remsi %add3A_201, %jit3A_202 : i32
    %ne3A_220 = arith.constant 0 : i32
    %ne3A_221 = arith.cmpi ne, %rem3A_219, %ne3A_220 : i32
    %and3A_222 = arith.andi %ne3A_218, %ne3A_221 : i1
    %sub3A_223 = arith.constant 1 : i32
    %sub3A_224 = arith.subi %div3A_203, %sub3A_223 : i32
    %select_n3A_225 = arith.select %and3A_222, %sub3A_224, %div3A_203 : i32
    %mul3A_226 = arith.constant 16 : i32
    %mul3A_227 = arith.muli %select_n3A_225, %mul3A_226 : i32
    %ge3A_228 = vector.broadcast %mul3A_227 : i32 to vector<1x32768xi32>
    %ge3A_229 = arith.cmpi sge, %iota3A, %ge3A_228 : vector<1x32768xi32>
    %jit3A_230 = arith.constant 0 : i32
    %broadcast_in_dim3A_231 = vector.broadcast %jit3A_230 : i32 to vector<1x32768xi32>
    %select_n3A_232 = arith.select %ge3A_229, %broadcast_in_dim3A, %broadcast_in_dim3A_231 : vector<1x32768xi1>, vector<1x32768xi32>
    %reduce_sum3A_233 = vector.shape_cast %select_n3A_232 : vector<1x32768xi32> to vector<1x1x32768xi32>
    %reduce_sum3A_234 = arith.constant dense<0> : vector<1xi32>
    %reduce_sum3A_235 = vector.multi_reduction <add>, %reduce_sum3A_233, %reduce_sum3A_234 [1, 2] : vector<1x1x32768xi32> to vector<1xi32>
    %reduce_sum3A_236 = vector.shape_cast %reduce_sum3A_235 : vector<1xi32> to vector<1x1x1xi32>
    %reduce_sum3A_237 = vector.extract %reduce_sum3A_236[0, 0, 0] : i32 from vector<1x1x1xi32>
    %ge3A_238 = arith.constant 8388608 : i32
    %ge3A_239 = arith.cmpi sge, %reduce_sum3A_237, %ge3A_238 : i32
    %select_n3A_240 = arith.select %ge3A_239, %select_n3A_225, %select_n3A_199 : i32
    %select_n3A_241 = arith.select %ge3A_239, %select_n3A_200, %select_n3A_225 : i32
    %add3A_242 = arith.addi %select_n3A_240, %select_n3A_241 : i32
    %jit3A_243 = arith.constant 2 : i32
    %div3A_244 = arith.divsi %add3A_242, %jit3A_243 : i32
    %sign3A_245 = arith.constant 0 : i32
    %sign3A_246 = arith.cmpi sgt, %add3A_242, %sign3A_245 : i32
    %sign3A_247 = arith.extui %sign3A_246 : i1 to i32
    %sign3A_248 = arith.constant 0 : i32
    %sign3A_249 = arith.cmpi slt, %add3A_242, %sign3A_248 : i32
    %sign3A_250 = arith.extui %sign3A_249 : i1 to i32
    %sign3A_251 = arith.subi %sign3A_247, %sign3A_250 : i32
    %sign3A_252 = arith.constant 0 : i32
    %sign3A_253 = arith.cmpi sgt, %jit3A_243, %sign3A_252 : i32
    %sign3A_254 = arith.extui %sign3A_253 : i1 to i32
    %sign3A_255 = arith.constant 0 : i32
    %sign3A_256 = arith.cmpi slt, %jit3A_243, %sign3A_255 : i32
    %sign3A_257 = arith.extui %sign3A_256 : i1 to i32
    %sign3A_258 = arith.subi %sign3A_254, %sign3A_257 : i32
    %ne3A_259 = arith.cmpi ne, %sign3A_251, %sign3A_258 : i32
    %rem3A_260 = arith.remsi %add3A_242, %jit3A_243 : i32
    %ne3A_261 = arith.constant 0 : i32
    %ne3A_262 = arith.cmpi ne, %rem3A_260, %ne3A_261 : i32
    %and3A_263 = arith.andi %ne3A_259, %ne3A_262 : i1
    %sub3A_264 = arith.constant 1 : i32
    %sub3A_265 = arith.subi %div3A_244, %sub3A_264 : i32
    %select_n3A_266 = arith.select %and3A_263, %sub3A_265, %div3A_244 : i32
    %mul3A_267 = arith.constant 16 : i32
    %mul3A_268 = arith.muli %select_n3A_266, %mul3A_267 : i32
    %ge3A_269 = vector.broadcast %mul3A_268 : i32 to vector<1x32768xi32>
    %ge3A_270 = arith.cmpi sge, %iota3A, %ge3A_269 : vector<1x32768xi32>
    %jit3A_271 = arith.constant 0 : i32
    %broadcast_in_dim3A_272 = vector.broadcast %jit3A_271 : i32 to vector<1x32768xi32>
    %select_n3A_273 = arith.select %ge3A_270, %broadcast_in_dim3A, %broadcast_in_dim3A_272 : vector<1x32768xi1>, vector<1x32768xi32>
    %reduce_sum3A_274 = vector.shape_cast %select_n3A_273 : vector<1x32768xi32> to vector<1x1x32768xi32>
    %reduce_sum3A_275 = arith.constant dense<0> : vector<1xi32>
    %reduce_sum3A_276 = vector.multi_reduction <add>, %reduce_sum3A_274, %reduce_sum3A_275 [1, 2] : vector<1x1x32768xi32> to vector<1xi32>
    %reduce_sum3A_277 = vector.shape_cast %reduce_sum3A_276 : vector<1xi32> to vector<1x1x1xi32>
    %reduce_sum3A_278 = vector.extract %reduce_sum3A_277[0, 0, 0] : i32 from vector<1x1x1xi32>
    %ge3A_279 = arith.constant 8388608 : i32
    %ge3A_280 = arith.cmpi sge, %reduce_sum3A_278, %ge3A_279 : i32
    %select_n3A_281 = arith.select %ge3A_280, %select_n3A_266, %select_n3A_240 : i32
    %select_n3A_282 = arith.select %ge3A_280, %select_n3A_241, %select_n3A_266 : i32
    %add3A_283 = arith.addi %select_n3A_281, %select_n3A_282 : i32
    %jit3A_284 = arith.constant 2 : i32
    %div3A_285 = arith.divsi %add3A_283, %jit3A_284 : i32
    %sign3A_286 = arith.constant 0 : i32
    %sign3A_287 = arith.cmpi sgt, %add3A_283, %sign3A_286 : i32
    %sign3A_288 = arith.extui %sign3A_287 : i1 to i32
    %sign3A_289 = arith.constant 0 : i32
    %sign3A_290 = arith.cmpi slt, %add3A_283, %sign3A_289 : i32
    %sign3A_291 = arith.extui %sign3A_290 : i1 to i32
    %sign3A_292 = arith.subi %sign3A_288, %sign3A_291 : i32
    %sign3A_293 = arith.constant 0 : i32
    %sign3A_294 = arith.cmpi sgt, %jit3A_284, %sign3A_293 : i32
    %sign3A_295 = arith.extui %sign3A_294 : i1 to i32
    %sign3A_296 = arith.constant 0 : i32
    %sign3A_297 = arith.cmpi slt, %jit3A_284, %sign3A_296 : i32
    %sign3A_298 = arith.extui %sign3A_297 : i1 to i32
    %sign3A_299 = arith.subi %sign3A_295, %sign3A_298 : i32
    %ne3A_300 = arith.cmpi ne, %sign3A_292, %sign3A_299 : i32
    %rem3A_301 = arith.remsi %add3A_283, %jit3A_284 : i32
    %ne3A_302 = arith.constant 0 : i32
    %ne3A_303 = arith.cmpi ne, %rem3A_301, %ne3A_302 : i32
    %and3A_304 = arith.andi %ne3A_300, %ne3A_303 : i1
    %sub3A_305 = arith.constant 1 : i32
    %sub3A_306 = arith.subi %div3A_285, %sub3A_305 : i32
    %select_n3A_307 = arith.select %and3A_304, %sub3A_306, %div3A_285 : i32
    %mul3A_308 = arith.constant 16 : i32
    %mul3A_309 = arith.muli %select_n3A_307, %mul3A_308 : i32
    %ge3A_310 = vector.broadcast %mul3A_309 : i32 to vector<1x32768xi32>
    %ge3A_311 = arith.cmpi sge, %iota3A, %ge3A_310 : vector<1x32768xi32>
    %jit3A_312 = arith.constant 0 : i32
    %broadcast_in_dim3A_313 = vector.broadcast %jit3A_312 : i32 to vector<1x32768xi32>
    %select_n3A_314 = arith.select %ge3A_311, %broadcast_in_dim3A, %broadcast_in_dim3A_313 : vector<1x32768xi1>, vector<1x32768xi32>
    %reduce_sum3A_315 = vector.shape_cast %select_n3A_314 : vector<1x32768xi32> to vector<1x1x32768xi32>
    %reduce_sum3A_316 = arith.constant dense<0> : vector<1xi32>
    %reduce_sum3A_317 = vector.multi_reduction <add>, %reduce_sum3A_315, %reduce_sum3A_316 [1, 2] : vector<1x1x32768xi32> to vector<1xi32>
    %reduce_sum3A_318 = vector.shape_cast %reduce_sum3A_317 : vector<1xi32> to vector<1x1x1xi32>
    %reduce_sum3A_319 = vector.extract %reduce_sum3A_318[0, 0, 0] : i32 from vector<1x1x1xi32>
    %ge3A_320 = arith.constant 8388608 : i32
    %ge3A_321 = arith.cmpi sge, %reduce_sum3A_319, %ge3A_320 : i32
    %select_n3A_322 = arith.select %ge3A_321, %select_n3A_307, %select_n3A_281 : i32
    %select_n3A_323 = arith.select %ge3A_321, %select_n3A_282, %select_n3A_307 : i32
    %add3A_324 = arith.addi %select_n3A_322, %select_n3A_323 : i32
    %jit3A_325 = arith.constant 2 : i32
    %div3A_326 = arith.divsi %add3A_324, %jit3A_325 : i32
    %sign3A_327 = arith.constant 0 : i32
    %sign3A_328 = arith.cmpi sgt, %add3A_324, %sign3A_327 : i32
    %sign3A_329 = arith.extui %sign3A_328 : i1 to i32
    %sign3A_330 = arith.constant 0 : i32
    %sign3A_331 = arith.cmpi slt, %add3A_324, %sign3A_330 : i32
    %sign3A_332 = arith.extui %sign3A_331 : i1 to i32
    %sign3A_333 = arith.subi %sign3A_329, %sign3A_332 : i32
    %sign3A_334 = arith.constant 0 : i32
    %sign3A_335 = arith.cmpi sgt, %jit3A_325, %sign3A_334 : i32
    %sign3A_336 = arith.extui %sign3A_335 : i1 to i32
    %sign3A_337 = arith.constant 0 : i32
    %sign3A_338 = arith.cmpi slt, %jit3A_325, %sign3A_337 : i32
    %sign3A_339 = arith.extui %sign3A_338 : i1 to i32
    %sign3A_340 = arith.subi %sign3A_336, %sign3A_339 : i32
    %ne3A_341 = arith.cmpi ne, %sign3A_333, %sign3A_340 : i32
    %rem3A_342 = arith.remsi %add3A_324, %jit3A_325 : i32
    %ne3A_343 = arith.constant 0 : i32
    %ne3A_344 = arith.cmpi ne, %rem3A_342, %ne3A_343 : i32
    %and3A_345 = arith.andi %ne3A_341, %ne3A_344 : i1
    %sub3A_346 = arith.constant 1 : i32
    %sub3A_347 = arith.subi %div3A_326, %sub3A_346 : i32
    %select_n3A_348 = arith.select %and3A_345, %sub3A_347, %div3A_326 : i32
    %mul3A_349 = arith.constant 16 : i32
    %mul3A_350 = arith.muli %select_n3A_348, %mul3A_349 : i32
    %ge3A_351 = vector.broadcast %mul3A_350 : i32 to vector<1x32768xi32>
    %ge3A_352 = arith.cmpi sge, %iota3A, %ge3A_351 : vector<1x32768xi32>
    %jit3A_353 = arith.constant 0 : i32
    %broadcast_in_dim3A_354 = vector.broadcast %jit3A_353 : i32 to vector<1x32768xi32>
    %select_n3A_355 = arith.select %ge3A_352, %broadcast_in_dim3A, %broadcast_in_dim3A_354 : vector<1x32768xi1>, vector<1x32768xi32>
    %reduce_sum3A_356 = vector.shape_cast %select_n3A_355 : vector<1x32768xi32> to vector<1x1x32768xi32>
    %reduce_sum3A_357 = arith.constant dense<0> : vector<1xi32>
    %reduce_sum3A_358 = vector.multi_reduction <add>, %reduce_sum3A_356, %reduce_sum3A_357 [1, 2] : vector<1x1x32768xi32> to vector<1xi32>
    %reduce_sum3A_359 = vector.shape_cast %reduce_sum3A_358 : vector<1xi32> to vector<1x1x1xi32>
    %reduce_sum3A_360 = vector.extract %reduce_sum3A_359[0, 0, 0] : i32 from vector<1x1x1xi32>
    %ge3A_361 = arith.constant 8388608 : i32
    %ge3A_362 = arith.cmpi sge, %reduce_sum3A_360, %ge3A_361 : i32
    %select_n3A_363 = arith.select %ge3A_362, %select_n3A_348, %select_n3A_322 : i32
    %select_n3A_364 = arith.select %ge3A_362, %select_n3A_323, %select_n3A_348 : i32
    %add3A_365 = arith.addi %select_n3A_363, %select_n3A_364 : i32
    %jit3A_366 = arith.constant 2 : i32
    %div3A_367 = arith.divsi %add3A_365, %jit3A_366 : i32
    %sign3A_368 = arith.constant 0 : i32
    %sign3A_369 = arith.cmpi sgt, %add3A_365, %sign3A_368 : i32
    %sign3A_370 = arith.extui %sign3A_369 : i1 to i32
    %sign3A_371 = arith.constant 0 : i32
    %sign3A_372 = arith.cmpi slt, %add3A_365, %sign3A_371 : i32
    %sign3A_373 = arith.extui %sign3A_372 : i1 to i32
    %sign3A_374 = arith.subi %sign3A_370, %sign3A_373 : i32
    %sign3A_375 = arith.constant 0 : i32
    %sign3A_376 = arith.cmpi sgt, %jit3A_366, %sign3A_375 : i32
    %sign3A_377 = arith.extui %sign3A_376 : i1 to i32
    %sign3A_378 = arith.constant 0 : i32
    %sign3A_379 = arith.cmpi slt, %jit3A_366, %sign3A_378 : i32
    %sign3A_380 = arith.extui %sign3A_379 : i1 to i32
    %sign3A_381 = arith.subi %sign3A_377, %sign3A_380 : i32
    %ne3A_382 = arith.cmpi ne, %sign3A_374, %sign3A_381 : i32
    %rem3A_383 = arith.remsi %add3A_365, %jit3A_366 : i32
    %ne3A_384 = arith.constant 0 : i32
    %ne3A_385 = arith.cmpi ne, %rem3A_383, %ne3A_384 : i32
    %and3A_386 = arith.andi %ne3A_382, %ne3A_385 : i1
    %sub3A_387 = arith.constant 1 : i32
    %sub3A_388 = arith.subi %div3A_367, %sub3A_387 : i32
    %select_n3A_389 = arith.select %and3A_386, %sub3A_388, %div3A_367 : i32
    %mul3A_390 = arith.constant 16 : i32
    %mul3A_391 = arith.muli %select_n3A_389, %mul3A_390 : i32
    %ge3A_392 = vector.broadcast %mul3A_391 : i32 to vector<1x32768xi32>
    %ge3A_393 = arith.cmpi sge, %iota3A, %ge3A_392 : vector<1x32768xi32>
    %jit3A_394 = arith.constant 0 : i32
    %broadcast_in_dim3A_395 = vector.broadcast %jit3A_394 : i32 to vector<1x32768xi32>
    %select_n3A_396 = arith.select %ge3A_393, %broadcast_in_dim3A, %broadcast_in_dim3A_395 : vector<1x32768xi1>, vector<1x32768xi32>
    %reduce_sum3A_397 = vector.shape_cast %select_n3A_396 : vector<1x32768xi32> to vector<1x1x32768xi32>
    %reduce_sum3A_398 = arith.constant dense<0> : vector<1xi32>
    %reduce_sum3A_399 = vector.multi_reduction <add>, %reduce_sum3A_397, %reduce_sum3A_398 [1, 2] : vector<1x1x32768xi32> to vector<1xi32>
    %reduce_sum3A_400 = vector.shape_cast %reduce_sum3A_399 : vector<1xi32> to vector<1x1x1xi32>
    %reduce_sum3A_401 = vector.extract %reduce_sum3A_400[0, 0, 0] : i32 from vector<1x1x1xi32>
    %ge3A_402 = arith.constant 8388608 : i32
    %ge3A_403 = arith.cmpi sge, %reduce_sum3A_401, %ge3A_402 : i32
    %select_n3A_404 = arith.select %ge3A_403, %select_n3A_389, %select_n3A_363 : i32
    %select_n3A_405 = arith.select %ge3A_403, %select_n3A_364, %select_n3A_389 : i32
    %add3A_406 = arith.addi %select_n3A_404, %select_n3A_405 : i32
    %jit3A_407 = arith.constant 2 : i32
    %div3A_408 = arith.divsi %add3A_406, %jit3A_407 : i32
    %sign3A_409 = arith.constant 0 : i32
    %sign3A_410 = arith.cmpi sgt, %add3A_406, %sign3A_409 : i32
    %sign3A_411 = arith.extui %sign3A_410 : i1 to i32
    %sign3A_412 = arith.constant 0 : i32
    %sign3A_413 = arith.cmpi slt, %add3A_406, %sign3A_412 : i32
    %sign3A_414 = arith.extui %sign3A_413 : i1 to i32
    %sign3A_415 = arith.subi %sign3A_411, %sign3A_414 : i32
    %sign3A_416 = arith.constant 0 : i32
    %sign3A_417 = arith.cmpi sgt, %jit3A_407, %sign3A_416 : i32
    %sign3A_418 = arith.extui %sign3A_417 : i1 to i32
    %sign3A_419 = arith.constant 0 : i32
    %sign3A_420 = arith.cmpi slt, %jit3A_407, %sign3A_419 : i32
    %sign3A_421 = arith.extui %sign3A_420 : i1 to i32
    %sign3A_422 = arith.subi %sign3A_418, %sign3A_421 : i32
    %ne3A_423 = arith.cmpi ne, %sign3A_415, %sign3A_422 : i32
    %rem3A_424 = arith.remsi %add3A_406, %jit3A_407 : i32
    %ne3A_425 = arith.constant 0 : i32
    %ne3A_426 = arith.cmpi ne, %rem3A_424, %ne3A_425 : i32
    %and3A_427 = arith.andi %ne3A_423, %ne3A_426 : i1
    %sub3A_428 = arith.constant 1 : i32
    %sub3A_429 = arith.subi %div3A_408, %sub3A_428 : i32
    %select_n3A_430 = arith.select %and3A_427, %sub3A_429, %div3A_408 : i32
    %mul3A_431 = arith.constant 16 : i32
    %mul3A_432 = arith.muli %select_n3A_430, %mul3A_431 : i32
    %ge3A_433 = vector.broadcast %mul3A_432 : i32 to vector<1x32768xi32>
    %ge3A_434 = arith.cmpi sge, %iota3A, %ge3A_433 : vector<1x32768xi32>
    %jit3A_435 = arith.constant 0 : i32
    %broadcast_in_dim3A_436 = vector.broadcast %jit3A_435 : i32 to vector<1x32768xi32>
    %select_n3A_437 = arith.select %ge3A_434, %broadcast_in_dim3A, %broadcast_in_dim3A_436 : vector<1x32768xi1>, vector<1x32768xi32>
    %reduce_sum3A_438 = vector.shape_cast %select_n3A_437 : vector<1x32768xi32> to vector<1x1x32768xi32>
    %reduce_sum3A_439 = arith.constant dense<0> : vector<1xi32>
    %reduce_sum3A_440 = vector.multi_reduction <add>, %reduce_sum3A_438, %reduce_sum3A_439 [1, 2] : vector<1x1x32768xi32> to vector<1xi32>
    %reduce_sum3A_441 = vector.shape_cast %reduce_sum3A_440 : vector<1xi32> to vector<1x1x1xi32>
    %reduce_sum3A_442 = vector.extract %reduce_sum3A_441[0, 0, 0] : i32 from vector<1x1x1xi32>
    %ge3A_443 = arith.constant 8388608 : i32
    %ge3A_444 = arith.cmpi sge, %reduce_sum3A_442, %ge3A_443 : i32
    %select_n3A_445 = arith.select %ge3A_444, %select_n3A_430, %select_n3A_404 : i32
    %add3A_446 = arith.constant 1 : i32
    %add3A_447 = arith.addi %select_n3A_445, %add3A_446 : i32
    %mul3A_448 = arith.constant 16 : i32
    %mul3A_449 = arith.muli %add3A_447, %mul3A_448 : i32
    %ge3A_450 = vector.broadcast %mul3A_449 : i32 to vector<1x32768xi32>
    %ge3A_451 = arith.cmpi sge, %iota3A, %ge3A_450 : vector<1x32768xi32>
    %jit3A_452 = arith.constant 0 : i32
    %broadcast_in_dim3A_453 = vector.broadcast %jit3A_452 : i32 to vector<1x32768xi32>
    %select_n3A_454 = arith.select %ge3A_451, %broadcast_in_dim3A, %broadcast_in_dim3A_453 : vector<1x32768xi1>, vector<1x32768xi32>
    %reduce_sum3A_455 = vector.shape_cast %select_n3A_454 : vector<1x32768xi32> to vector<1x1x32768xi32>
    %reduce_sum3A_456 = arith.constant dense<0> : vector<1xi32>
    %reduce_sum3A_457 = vector.multi_reduction <add>, %reduce_sum3A_455, %reduce_sum3A_456 [1, 2] : vector<1x1x32768xi32> to vector<1xi32>
    %reduce_sum3A_458 = vector.shape_cast %reduce_sum3A_457 : vector<1xi32> to vector<1x1x1xi32>
    %reduce_sum3A_459 = vector.extract %reduce_sum3A_458[0, 0, 0] : i32 from vector<1x1x1xi32>
    %mul3A_460 = arith.constant 0 : i32
    %mul3A_461 = arith.constant 2048 : i32
    %mul3A_462 = arith.muli %mul3A_460, %mul3A_461 : i32
    %add3A_463 = arith.addi %mul3A_462, %select_n3A_445 : i32
    %swap3A = arith.constant 0 : index
    %swap3A_464 = memref.load %arg1[%swap3A] : memref<16xi32, #tpu.memory_space<smem>>
    memref.store %add3A_463, %arg1[%swap3A] : memref<16xi32, #tpu.memory_space<smem>>
    %swap3A_465 = arith.constant 1 : index
    %swap3A_466 = memref.load %arg1[%swap3A_465] : memref<16xi32, #tpu.memory_space<smem>>
    memref.store %add3A_463, %arg1[%swap3A_465] : memref<16xi32, #tpu.memory_space<smem>>
    %swap3A_467 = arith.constant 2 : index
    %swap3A_468 = memref.load %arg1[%swap3A_467] : memref<16xi32, #tpu.memory_space<smem>>
    memref.store %add3A_463, %arg1[%swap3A_467] : memref<16xi32, #tpu.memory_space<smem>>
    %swap3A_469 = arith.constant 3 : index
    %swap3A_470 = memref.load %arg1[%swap3A_469] : memref<16xi32, #tpu.memory_space<smem>>
    memref.store %add3A_463, %arg1[%swap3A_469] : memref<16xi32, #tpu.memory_space<smem>>
    %swap3A_471 = arith.constant 4 : index
    %swap3A_472 = memref.load %arg1[%swap3A_471] : memref<16xi32, #tpu.memory_space<smem>>
    memref.store %add3A_463, %arg1[%swap3A_471] : memref<16xi32, #tpu.memory_space<smem>>
    %swap3A_473 = arith.constant 5 : index
    %swap3A_474 = memref.load %arg1[%swap3A_473] : memref<16xi32, #tpu.memory_space<smem>>
    memref.store %add3A_463, %arg1[%swap3A_473] : memref<16xi32, #tpu.memory_space<smem>>
    %swap3A_475 = arith.constant 6 : index
    %swap3A_476 = memref.load %arg1[%swap3A_475] : memref<16xi32, #tpu.memory_space<smem>>
    memref.store %add3A_463, %arg1[%swap3A_475] : memref<16xi32, #tpu.memory_space<smem>>
    %swap3A_477 = arith.constant 7 : index
    %swap3A_478 = memref.load %arg1[%swap3A_477] : memref<16xi32, #tpu.memory_space<smem>>
    memref.store %add3A_463, %arg1[%swap3A_477] : memref<16xi32, #tpu.memory_space<smem>>
    %swap3A_479 = arith.constant 8 : index
    %swap3A_480 = memref.load %arg1[%swap3A_479] : memref<16xi32, #tpu.memory_space<smem>>
    memref.store %add3A_463, %arg1[%swap3A_479] : memref<16xi32, #tpu.memory_space<smem>>
    %swap3A_481 = arith.constant 9 : index
    %swap3A_482 = memref.load %arg1[%swap3A_481] : memref<16xi32, #tpu.memory_space<smem>>
    memref.store %add3A_463, %arg1[%swap3A_481] : memref<16xi32, #tpu.memory_space<smem>>
    %swap3A_483 = arith.constant 10 : index
    %swap3A_484 = memref.load %arg1[%swap3A_483] : memref<16xi32, #tpu.memory_space<smem>>
    memref.store %add3A_463, %arg1[%swap3A_483] : memref<16xi32, #tpu.memory_space<smem>>
    %swap3A_485 = arith.constant 11 : index
    %swap3A_486 = memref.load %arg1[%swap3A_485] : memref<16xi32, #tpu.memory_space<smem>>
    memref.store %add3A_463, %arg1[%swap3A_485] : memref<16xi32, #tpu.memory_space<smem>>
    %swap3A_487 = arith.constant 12 : index
    %swap3A_488 = memref.load %arg1[%swap3A_487] : memref<16xi32, #tpu.memory_space<smem>>
    memref.store %add3A_463, %arg1[%swap3A_487] : memref<16xi32, #tpu.memory_space<smem>>
    %swap3A_489 = arith.constant 13 : index
    %swap3A_490 = memref.load %arg1[%swap3A_489] : memref<16xi32, #tpu.memory_space<smem>>
    memref.store %add3A_463, %arg1[%swap3A_489] : memref<16xi32, #tpu.memory_space<smem>>
    %swap3A_491 = arith.constant 14 : index
    %swap3A_492 = memref.load %arg1[%swap3A_491] : memref<16xi32, #tpu.memory_space<smem>>
    memref.store %add3A_463, %arg1[%swap3A_491] : memref<16xi32, #tpu.memory_space<smem>>
    %swap3A_493 = arith.constant 15 : index
    %swap3A_494 = memref.load %arg1[%swap3A_493] : memref<16xi32, #tpu.memory_space<smem>>
    memref.store %add3A_463, %arg1[%swap3A_493] : memref<16xi32, #tpu.memory_space<smem>>
    %sub3A_495 = arith.constant 8388608 : i32
    %sub3A_496 = arith.subi %sub3A_495, %reduce_sum3A_459 : i32
    %swap3A_497 = arith.constant 0 : index
    %swap3A_498 = memref.load %arg2[%swap3A_497] : memref<1xi32, #tpu.memory_space<smem>>
    memref.store %sub3A_496, %arg2[%swap3A_497] : memref<1xi32, #tpu.memory_space<smem>>
    return
  }
}

module attributes {stable_mosaic.version = 14 : i64} {
  func.func @_mask_body(%arg0: i32, %arg1: memref<16xi32, #tpu.memory_space<smem>>, %arg2: memref<512x4096xf32, #tpu.memory_space<vmem>>, %arg3: memref<512x4096xf32, #tpu.memory_space<vmem>>) attributes {dimension_semantics = [#tpu.dimension_semantics<arbitrary>], iteration_bounds = array<i64: 8>, scalar_prefetch = 0 : i64, scratch_operands = 0 : i64, tpu.core_type = #tpu.core_type<tc>, window_params = [{transform_indices = @transform_0, window_bounds = array<i64: 16>}, {transform_indices = @transform_1, window_bounds = array<i64: 512, 4096>}, {transform_indices = @transform_2, window_bounds = array<i64: 512, 4096>}]} {
    %get3A = arith.constant 0 : index
    %get3A_0 = memref.load %arg1[%get3A] : memref<16xi32, #tpu.memory_space<smem>>
    %get3A_1 = arith.constant 0 : index
    %get3A_2 = arith.constant 0 : index
    %get3A_3 = vector.load %arg2[%get3A_1, %get3A_2] : memref<512x4096xf32, #tpu.memory_space<vmem>>, vector<512x4096xf32>
    %bitcast_convert_type3A = tpu.bitcast %get3A_3 : vector<512x4096xf32> -> vector<512x4096xi32>
    %and3A = arith.constant 2147483647 : i32
    %and3A_4 = vector.broadcast %and3A : i32 to vector<512x4096xi32>
    %and3A_5 = arith.andi %bitcast_convert_type3A, %and3A_4 : vector<512x4096xi32>
    %ge3A = vector.broadcast %get3A_0 : i32 to vector<512x4096xi32>
    %ge3A_6 = arith.cmpi sge, %and3A_5, %ge3A : vector<512x4096xi32>
    %jit3A = arith.constant 0.000000e+00 : f32
    %broadcast_in_dim3A = vector.broadcast %jit3A : f32 to vector<512x4096xf32>
    %select_n3A = arith.select %ge3A_6, %get3A_3, %broadcast_in_dim3A : vector<512x4096xi1>, vector<512x4096xf32>
    %swap3A = arith.constant 0 : index
    %swap3A_7 = arith.constant 0 : index
    %swap3A_8 = vector.load %arg3[%swap3A, %swap3A_7] : memref<512x4096xf32, #tpu.memory_space<vmem>>, vector<512x4096xf32>
    tpu.vector_store %arg3[%swap3A, %swap3A_7], %select_n3A {strides = array<i32>} : memref<512x4096xf32, #tpu.memory_space<vmem>>, vector<512x4096xf32>,
    return
  }
  func.func @transform_0(%arg0: i32) -> i32 {
    %c0_i32 = arith.constant 0 : i32
    %c0_i32_0 = arith.constant 0 : i32
    return %c0_i32 : i32
  }
  func.func @transform_1(%arg0: i32) -> (i32, i32) {
    %c0_i32 = arith.constant 0 : i32
    %c0_i32_0 = arith.constant 0 : i32
    return %arg0, %c0_i32 : i32, i32
  }
  func.func @transform_2(%arg0: i32) -> (i32, i32) {
    %c0_i32 = arith.constant 0 : i32
    %c0_i32_0 = arith.constant 0 : i32
    return %arg0, %c0_i32 : i32, i32
  }
}

</mosaic_0001>

<sc_bundles>
// kernel: kernel.12.cloned.1.call-start
scs
__scs_entry_jumppad:
0x0: {  	(pc) =	sbr.rel $0x88, $3  }
0x1: {  	(tag) =	ssettag $0x0;
	lr =	simm.s32 $0x1  }
0x2: {  	[smem:$0x3F9F] =	sst lr;
	_ =	strace $0xD0000000  }
0x3: {  	_ = 	snop  }
0x4: {  	_ = 	snop  }
0x5: {  	_ = 	snop  }
0x6: {  	_ = 	snop  }
0x7: {  	_ = 	snop  }
__scs_overlays_trampoline_lowered:
0x8: {  	[smem:$0x3FAE] =	sst s0  }
0x9: {  	[smem:$0x3FAF] =	sst s1  }
0xa: {  	[smem:$0x3FB0] =	sst s2  }
0xb: {  	[smem:$0x3FB1] =	sst s3  }
0xc: {  	[smem:$0x3FB2] =	sst s4  }
0xd: {  	[smem:$0x3FB3] =	sst s5  }
0xe: {  	[smem:$0x3FB4] =	sst s6  }
0xf: {  	[smem:$0x3FB5] =	sst s7  }
0x10: {  	[smem:$0x3FB6] =	sst s8  }
0x11: {  	[smem:$0x3FB7] =	sst s9;
	s0 =	simm.s32 @!p0 $0x0  }
0x12: {  	s1 =	sld [smem:$0x3F9D];
	s0 =	simm.s32 @p0 $0x1  }
0x13: {  	[smem:$0x3FB8] =	sst s0;
	s0 =	simm.s32 @!p1 $0x0  }
0x14: {  	s2 =	sld [smem:$0x3F9C];
	s0 =	simm.s32 @p1 $0x1  }
0x15: {  	[smem:$0x3FB9] =	sst s0;
	s0 =	simm.s32 @!p2 $0x0  }
0x16: {  	s3 =	sld [smem:$0x3FDB];
	s0 =	simm.s32 @p2 $0x1  }
0x17: {  	s4 =	simm.s32 $0x1BF5;
	[smem:$0x3FBB] =	sst s0  }
0x18: {  	s0 =	sld [smem:$0x3F9E];
	_ =	swait.ge [sflag:s4], $0x0  }
0x19: {  	s7 =	sld [smem:$0x3F9F]  }
0x1a: {  	s8 =	sadd.s32 $0xFFFFE003, lr  }
0x1b: {  	s9 =	sadd.s32 $0xFFFFFEF7, lr;
	s5 =	simm.s32 $0xFFFFFFFF;
	p2 =	slt.u32 s8, $0xFFFFF086  }
0x1c: {  	p1 =	slt.u32 s9, $0xF7A;
	s5 =	simm.s32 @!p2 $0x0  }
0x1d: {  	s5 =	simm.s32 @p1 $0x1;
	p0 =	seq.s32 s7, s2  }
0x1e: {  	s7 =	smul.u32 @!p0 $0xF7A, s2;
	p2 =	seq.s32 @!p0 s5, $0x0  }
0x1f: {  	s9 =	smul.u32 $0xF7A, s1;
	s8 =	simm.s32 @!p0 $0x1BF5;
	p2 =	por !p2, p0  }
0x20: {  	[sflag:s8] =	ssyncset.s32 @!p0 $0xFFFFF086;
	s6 =	sadd.s32 @!p0 s3, s7;
	s7 =	simm.s32 @!p0 $0x108  }
0x21: {  	s3 =	sadd.s32 s3, s9;
	s6 =	sadd.s32 @!p0 $0x88, s6;
	s7 =	simm.s32 @p2 $0x1082  }
0x22: {  	[simem:s7], [sflag:s8] =	dma.local @!p0 [hbm:s6], $0xF7A  }
0x23: {  	s9 =	sor.u32 $0xD0000000, s2;
	s6 =	simm.s32 $0x108;
	_ =	swait.ge @!p0 [sflag:s8], $0x0  }
0x24: {  	s3 =	sadd.s32 $0x88, s3;
	s6 =	simm.s32 @!p1 $0x1082;
	[sflag:s4] =	ssyncset.s32 $0xFFFFF086  }
0x25: {  	[simem:s6], [sflag:s4] =	dma.local [hbm:s3], $0xF7A  }
0x26: {  	[smem:$0x3F9F] =	sst s1;
	(tag) =	ssettag s2;
	_ =	strace s9  }
0x27: {  	s1 =	sld [smem:$0x3FAF]  }
0x28: {  	s2 =	sld [smem:$0x3FB0]  }
0x29: {  	s4 =	sld [smem:$0x3FB2]  }
0x2a: {  	p0 =	seq.s32 s5, $0x0;
	s5 =	sld [smem:$0x3FB3]  }
0x2b: {  	s6 =	sld [smem:$0x3FB4]  }
0x2c: {  	s7 =	sld [smem:$0x3FB5]  }
0x2d: {  	s3 =	simm.s32 $0x108;
	s8 =	sld [smem:$0x3FB6]  }
0x2e: {  	s3 =	simm.s32 @!p0 $0x1082;
	s9 =	sld [smem:$0x3FB7]  }
0x2f: {  	lr =	sadd.s32 s0, s3;
	s0 =	sld [smem:$0x3FAE]  }
0x30: {  	s3 =	sld [smem:$0x3FB1]  }
0x31: {  	[smem:$0x3FBA] =	sst s10  }
0x32: {  	s10 =	sld [smem:$0x3FB8];
	_ =	sdelay $0x3  }
0x33: {  	p0 =	seq.s32 s10, $0x1;
	s10 =	sld [smem:$0x3FBA];
	_ =	sdelay $0x3  }
0x34: {  	[smem:$0x3FBA] =	sst s10  }
0x35: {  	s10 =	sld [smem:$0x3FB9];
	_ =	sdelay $0x3  }
0x36: {  	p1 =	seq.s32 s10, $0x1;
	s10 =	sld [smem:$0x3FBA];
	_ =	sdelay $0x3  }
0x37: {  	[smem:$0x3FBA] =	sst s10  }
0x38: {  	s10 =	sld [smem:$0x3FBB]  }
0x39: {  	_ = 	snop;
	(pc) =	sbr.ind lr, $3  }
0x3a: {  	_ = 	snop  }
0x3b: {  	_ = 	snop  }
0x3c: {  	p2 =	seq.s32 s10, $0x1;
	s10 =	sld [smem:$0x3FBA]  }
0x3d: {  	_ =	shalt  }
0x3e: {  	_ =	shalt  }
0x3f: {  	_ =	shalt  }
0x40: {  	_ =	shalt  }
0x41: {  	_ =	shalt  }
0x42: {  	_ =	shalt  }
0x43: {  	_ =	shalt  }
0x44: {  	_ =	shalt  }
0x45: {  	_ =	shalt  }
0x46: {  	_ =	shalt  }
0x47: {  	_ =	shalt  }
0x48: {  	_ =	shalt  }
0x49: {  	_ =	shalt  }
0x4a: {  	_ =	shalt  }
0x4b: {  	_ =	shalt  }
0x4c: {  	_ =	shalt  }
0x4d: {  	_ =	shalt  }
0x4e: {  	_ =	shalt  }
0x4f: {  	_ =	shalt  }
0x50: {  	_ =	shalt  }
0x51: {  	_ =	shalt  }
0x52: {  	_ =	shalt  }
0x53: {  	_ =	shalt  }
0x54: {  	_ =	shalt  }
0x55: {  	_ =	shalt  }
0x56: {  	_ =	shalt  }
0x57: {  	_ =	shalt  }
0x58: {  	_ =	shalt  }
0x59: {  	_ =	shalt  }
0x5a: {  	_ =	shalt  }
0x5b: {  	_ =	shalt  }
0x5c: {  	_ =	shalt  }
0x5d: {  	_ =	shalt  }
0x5e: {  	_ =	shalt  }
0x5f: {  	_ =	shalt  }
0x60: {  	_ =	shalt  }
0x61: {  	_ =	shalt  }
0x62: {  	_ =	shalt  }
0x63: {  	_ =	shalt  }
0x64: {  	_ =	shalt  }
0x65: {  	_ =	shalt  }
0x66: {  	_ =	shalt  }
0x67: {  	_ =	shalt  }
0x68: {  	_ =	shalt  }
0x69: {  	_ =	shalt  }
0x6a: {  	_ =	shalt  }
0x6b: {  	_ =	shalt  }
0x6c: {  	_ =	shalt  }
0x6d: {  	_ =	shalt  }
0x6e: {  	_ =	shalt  }
0x6f: {  	_ =	shalt  }
0x70: {  	_ =	shalt  }
0x71: {  	_ =	shalt  }
0x72: {  	_ =	shalt  }
0x73: {  	_ =	shalt  }
0x74: {  	_ =	shalt  }
0x75: {  	_ =	shalt  }
0x76: {  	_ =	shalt  }
0x77: {  	_ =	shalt  }
0x78: {  	_ =	shalt  }
0x79: {  	_ =	shalt  }
0x7a: {  	_ =	shalt  }
0x7b: {  	_ =	shalt  }
0x7c: {  	_ =	shalt  }
0x7d: {  	_ =	shalt  }
0x7e: {  	_ =	shalt  }
0x7f: {  	_ =	shalt  }
0x80: {  	_ =	shalt  }
0x81: {  	_ =	shalt  }
0x82: {  	_ =	shalt  }
0x83: {  	_ =	shalt  }
0x84: {  	_ =	shalt  }
0x85: {  	_ =	shalt  }
0x86: {  	_ =	shalt  }
0x87: {  	_ =	shalt  }
.Lfunc_end0:
.L_simem_size_0:
called_computation.1_lowered:
.L_overlay_start_0:
0x88: {  	s2 =	sld [smem:$0x3FD9]  }
0x89: {  	s3 =	sld [smem:$0x3FFE];
	_ =	sdelay $0x1  }
0x8a: {  	s1 =	srdreg.scid  }
0x8b: {  	s0 =	sand.u32 $0x1, s1  }
0x8c: {  	s14 =	sshll.u32 s0, $0xA;
	s2 =	sadd.s32 s3, s2  }
0x8d: {  	s2 =	sadd.s32 s2, s14  }
0x8e: {  	[smem:$0x3FC6] =	sst s2  }
0x8f: {  	_ = 	snop  }
0x90: {  	s2 =	sld [smem:$0x3FD0];
	_ =	sdelay $0x2  }
0x91: {  	s4 =	simm.s32 $0xA;
	s5 =	simm.s32 $0x10;
	s15 =	sld [smem:$0x3FC9]  }
0x92: {  	[smem:s5], [sflag:s4] =	dma.local [hbm:s2], $0x1  }
0x93: {  	_ =	swait.eq [sflag:s4], $0x1  }
0x94: {  	[sflag:s4] =	ssyncset.done $0x0  }
0x95: {  	[sflag:s4] =	ssyncadd.s32 $0xFFFFFFFF  }
0x96: {  	s16 =	sld [smem:$0x10];
	(tm) =	ssettm $0x1  }
0x97: {  	s17 =	sld [smem:$0x3FFB];
	_ =	sdelay $0x3  }
0x98: {  	_ =	strace s17  }
0x99: {  	s4 =	sld [smem:$0x3FFC];
	_ =	sdelay $0x3  }
0x9a: {  	_ =	strace s4  }
0x9b: {  	s4 =	sld [smem:$0x3FFD];
	_ =	sdelay $0x3  }
0x9c: {  	_ =	strace s4  }
0x9d: {  	_ =	strace $0x8FFFFFFF  }
0x9e: {  	s18 =	sld [smem:$0x3FDB];
	_ =	sdelay $0x1  }
0x9f: {  	s19 =	simm.s32 $_scs_section_size  }
0xa0: {  	s6 =	simm.s32 $_size__tile_overlayer_lowered;
	s7 =	simm.s32 $_tile_overlayer_lowered  }
0xa1: {  	s22 =	simm.s32 $0x1BFF;
	s21 =	sshll.u32 s7, $0x1;
	s4 =	sadd.s32 s19, s18  }
0xa2: {  	s8 =	simm.s32 $0x0;
	s20 =	sshll.u32 s6, $0x1;
	s6 =	sadd.s32 s21, s4  }
0xa3: {  	[timem:s8], [sflag:s22] =	dma.local [hbm:s6], s20  }
0xa4: {  	_ =	swait.ge [sflag:s22], s20  }
0xa5: {  	s5 =	ssub.s32 $0x0, s20;
	[sflag:s22] =	ssyncset.done $0x0  }
0xa6: {  	[sflag:s22] =	ssyncadd.s32 s5;
	_ =	sdelay $0x1  }
0xa7: {  	s23 =	simm.s32 $0x1B8B  }
0xa8: {  	_ =	swait.ge [sflag:s23], $0x1  }
0xa9: {  	[sflag:s23] =	ssyncset.done $0x0  }
0xaa: {  	s25 =	simm.s32 $0x1B8E;
	s24 =	sld [smem:$0x3FFE];
	[sflag:s23] =	ssyncadd.s32 $0xFFFFFFFF  }
0xab: {  	s26 =	simm.s32 $execute0_lowered;
	[smem:$0x3FD2] =	sst s25  }
0xac: {  	s6 =	sshll.u32 s26, $0x1;
	_ =	strace $0x80000049;
	[dreg:$0x1] =	wrdreg $0xFFFFFFFF  }
0xad: {  	s28 =	simm.s32 $_size_execute0_lowered;
	s4 =	sadd.s32 s4, s6;
	[dreg:$0x0] =	wrdreg $0x0  }
0xae: {  	s6 =	sshll.u32 s28, $0x1;
	[dreg:$0x2] =	wrdreg s4  }
0xaf: {  	[dreg:$0x3] =	wrdreg s6  }
0xb0: {  	[dreg:$0x4] =	wrdreg $0xC0  }
0xb1: {  	_ =	task [dreg:s8], $0x5FFFF  }
0xb2: {  	[dreg:$0x1] =	wrdreg $0xFFFFFFFF  }
0xb3: {  	[dreg:$0x0] =	wrdreg $0x60  }
0xb4: {  	[dreg:$0x2] =	wrdreg s15  }
0xb5: {  	[dreg:$0x3] =	wrdreg s24  }
0xb6: {  	[dreg:$0x4] =	wrdreg s16  }
0xb7: {  	[dreg:$0x5] =	wrdreg $0x9  }
0xb8: {  	_ =	task.clear_ibuf [dreg:s8], $0x6FFFF;
	_ =	strace $0x90000049  }
0xb9: {  	s29 =	simm.s32 $0x9;
	_ =	strace $0x8000004B  }
0xba: {  	_ =	swait.ge [sflag:s29], $0x1  }
0xbb: {  	[sflag:s29] =	ssyncadd.s32 $0xFFFFFFFF  }
0xbc: {  	_ =	strace $0x9000004B  }
0xbd: {  	_ =	sfence  }
0xbe: {  	s30 =	sld [smem:$0x0];
	_ =	sdelay $0x2  }
0xbf: {  	s31 =	sshll.u32 s1, $0xD;
	s1 =	sshrl.u32 s1, $0x2  }
0xc0: {  	s3 =	sand.u32 $0x4000, s31;
	s1 =	sadd.s32 s1, s30  }
0xc1: {  	s0 =	sor.u32 s3, s0;
	s1 =	sshll.u32 s1, $0x11  }
0xc2: {  	s0 =	sor.u32 s1, s0  }
0xc3: {  	s0 =	sadd.s32 $0x8F2B, s0  }
0xc4: {  	[sflag:s0] =	ssyncadd.remote.s32 $0x1  }
0xc5: {  	_ =	sfence.sel $0xFFFF  }
0xc6: {  	[dreg:$0x0] =	wrdreg $0xFFFFFFFF;
	(pc) =	sbr.abs _section_cstart, $3  }
0xc7: {  	[dreg:$0x1] =	wrdreg $0xFFFFFFFF  }
0xc8: {  	_ =	task.clear_ibuf [dreg:s8], $0x2FFFF;
	_ =	strace $0x9FFFFFFF  }
0xc9: {  	(tm) =	ssettm $0x7FFFFFFF  }
tec
execute0_lowered:
.L_overlay_start_1:
0x0: {  	(tag) =	ssettag $0x1  }
0x1: {  	s0 =	rddreg [dreg:$0x0]  }
0x2: {  	s1 =	rddreg [dreg:$0x1]  }
0x3: {  	s3 =	rddreg [dreg:$0x2];
	s8 =	simm.s32 $0x0  }
0x4: {  	s4 =	srdreg.scid;
	s2 =	stileid.u32;
	s12 =	simm.s32 $0x200  }
0x5: {  	s13 =	simm.s32 $0x400;
	s15 =	simm.s32 $0x1;
	s16 =	simm.s32 $0x8000  }
0x6: {  	s17 =	simm.s32 $0x2;
	s19 =	simm.s32 $0x0;
	[smem:$0x7FF] =	sst s8  }
0x7: {  	s4 =	sand.u32 $0x1, s4;
	s6 =	sshll.u32 s2, $0x1;
	s1 =	sadd.s32 $0x2200, s1  }
0x8: {  	s28 =	sshll.u32 s2, $0xD;
	_ =	strace $0x8000004A;
	s5 =	ssub.s32 $0x2, s4  }
0x9: {  	[dreg:$0x5] =	wrdreg s1;
	s6 =	sor.u32 s4, s6;
	s26 =	sshrl.u32 s5, $0x1  }
0xa: {  	s4 =	sshll.u32 s6, $0x10;
	s7 =	sshll.u32 s6, $0x4;
	s1 =	ssub.s32 s5, s26  }
0xb: {  	s29 =	sadd.s32 s0, s4;
	s5 =	sand.u32 $0x18000, s28;
	s30 =	sand.u32 $0x70, s7  }
0xc: {  	s3 =	sadd.s32 s3, s5;
	[dreg:$0x6] =	wrdreg s29;
	s31 =	smax.u32 s1, $0x1  }
0xd: {  	s6 =	sadd.s32 $0x40, s0;
	s0 =	sadd.s32 s30, s3;
	[dreg:$0x8] =	wrdreg s31  }
0xe: {  	v0 =	vimm.s32 $0x0;
	v1 =	vlaneseq.u32;
	v2 =	vimm.s32 $0x1;
	s2 =	simm.s32 $0x3;
	s7 =	sadd.s32 $0x1000, s29;
	[dreg:$0x7] =	wrdreg s0  }
.LBB2_1:
0xf: {  	s0 =	simm.s32 $0x8040  }
0x10: {  	[tilespmem:s0+$0xFFFFFFC0] =	vst v0  }
0x11: {  	[tilespmem:s0+$0x30] =	vst v0  }
0x12: {  	[tilespmem:s0+$0x20] =	vst v0  }
0x13: {  	[tilespmem:s0+$0x10] =	vst v0  }
0x14: {  	[tilespmem:s0+$0x0] =	vst v0  }
0x15: {  	[tilespmem:s0+$0xFFFFFFF0] =	vst v0  }
0x16: {  	[dreg:$0x4] =	wrdreg s8;
	s1 =	simm.s32 $0x0;
	[tilespmem:s0+$0xFFFFFFE0] =	vst v0  }
.LBB2_2:
0x17: {  	s1 =	sadd.s32 $0x8, s1;
	[tilespmem:s0+$0xFFFFFFD0] =	vst v0;
	s0 =	sadd.s32 $0x80, s0  }
0x18: {  	[tilespmem:s0+$0xFFFFFFC0] =	vst v0;
	p0 =	slt.u32 s1, $0x7F8  }
0x19: {  	[tilespmem:s0+$0x30] =	vst v0  }
.Ltmp0:
0x1a: {  	[tilespmem:s0+$0x20] =	vst v0;
	(pc) =	sbr.rel @p0 .LBB2_2-.Ltmp0, $4  }
0x1b: {  	[tilespmem:s0+$0x10] =	vst v0  }
0x1c: {  	[tilespmem:s0+$0x0] =	vst v0  }
0x1d: {  	[tilespmem:s0+$0xFFFFFFF0] =	vst v0  }
0x1e: {  	[tilespmem:s0+$0xFFFFFFE0] =	vst v0  }
0x1f: {  	[tilespmem:s0+$0xFFFFFFD0] =	vst v0;
	s30 =	rddreg [dreg:$0x5];
	s1 =	simm.s32 $0x10000  }
0x20: {  	[tilespmem:s1], [sflag:$0x3] =	stream.linear.gather [hbm4b:s30+s19], $0x80, $0x38;
	[tilespmem:$0x10080] =	vst v63  }
0x21: {  	_ =	swait.ge [sflag:s2], $0x80  }
0x22: {  	[sflag:s2] =	ssyncset.done $0x0  }
0x23: {  	[sflag:s2] =	ssyncadd.s32 $0xFFFFFF80  }
0x24: {  	v3 =	vld [tilespmem:$0x10000];
	_ =	sdelay $0x2  }
0x25: {  	s20 =	simm.s32 $0x0;
	s31 =	rddreg [dreg:$0x6]  }
0x26: {  	[tilespmem:s19], [sflag:$0x1] =	stream.strided.gather [hbm4b:s31+s12], $0x4000, s13, s12, $0x38;
	[tilespmem:$0x10080] =	vst v63  }
.LBB2_4:
0x27: {  	s21 =	sshll.u32 s20, $0xC  }
0x28: {  	s0 =	sor.u32 s21, s4  }
0x29: {  	s1 =	simm.s32 $0x4000;
	s0 =	sadd.s32 s0, s6  }
0x2a: {  	[tilespmem:s1], [sflag:$0x2] =	stream.strided.gather [hbm4b:s0+s12], $0x4000, s13, s12, $0x38;
	[tilespmem:$0x10080] =	vst v63  }
0x2b: {  	s9 =	simm.s32 $0x0;
	_ =	swait.ge [sflag:s15], $0x4000  }
0x2c: {  	s10 =	sand.u32 $0x3E00, s19;
	s0 =	sand.u32 $0x40, s9;
	[sflag:s15] =	ssyncset.done $0x0  }
0x2d: {  	s0 =	sor.u32 s0, s10;
	[sflag:s15] =	ssyncadd.s32 $0xFFFFC000  }
0x2e: {  	v4 =	vld [tilespmem:s0+$0x30];
	_ =	sdelay $0x1  }
0x2f: {  	v6 =	vld [tilespmem:s0+$0x10]  }
0x30: {  	v7 =	vld [tilespmem:s0+$0x20];
	_ =	sdelay $0x1  }
0x31: {  	v5 =	vld [tilespmem:s0+$0x0];
	v8 =	vshrl.u32 v4, $0x14  }
0x32: {  	v4 =	vshrl.u32 v4, $0x5;
	v8 =	vand.u32 $0x7FF, v8  }
0x33: {  	v4 =	vand.u32 $0x7FF0, v4;
	vm0 =	veq.s32 v8, v3  }
0x34: {  	v9 =	vshrl.u32 v6, $0x14;
	v10 =	vshrl.u32 v7, $0x14;
	v4 =	vor.u32 v1, v4  }
0x35: {  	v6 =	vshrl.u32 v6, $0x5;
	v7 =	vshrl.u32 v7, $0x5;
	v9 =	vand.u32 $0x7FF, v9  }
0x36: {  	v10 =	vand.u32 $0x7FF, v10;
	v6 =	vand.u32 $0x7FF0, v6;
	v8 =	vshrl.u32 v5, $0x14  }
0x37: {  	v5 =	vshrl.u32 v5, $0x5;
	vm2 =	veq.s32 v9, v3;
	v8 =	vand.u32 $0x7FF, v8  }
0x38: {  	v6 =	vor.u32 v1, v6;
	v5 =	vand.u32 $0x7FF0, v5;
	vm1 =	veq.s32 v8, v3  }
0x39: {  	v7 =	vand.u32 $0x7FF0, v7;
	vm3 =	veq.s32 v10, v3;
	v5 =	vor.u32 v1, v5;
	[tilespmem:v4+s16+$0x0] =	vst.idx.add.s32.msk vm0, v2  }
0x3a: {  	v4 =	vor.u32 v1, v7;
	v7 =	vld [tilespmem:s0+$0xB0];
	_ =	sdelay $0x2  }
0x3b: {  	[tilespmem:v6+s16+$0x0] =	vst.idx.add.s32.msk vm2, v2  }
0x3c: {  	[tilespmem:v5+s16+$0x0] =	vst.idx.add.s32.msk vm1, v2  }
0x3d: {  	[tilespmem:v4+s16+$0x0] =	vst.idx.add.s32.msk vm3, v2;
	v4 =	vshrl.u32 v7, $0x14  }
0x3e: {  	v5 =	vld [tilespmem:s0+$0x80];
	v6 =	vshrl.u32 v7, $0x5;
	v4 =	vand.u32 $0x7FF, v4  }
0x3f: {  	v7 =	vld [tilespmem:s0+$0x90];
	vm0 =	veq.s32 v4, v3;
	v4 =	vand.u32 $0x7FF0, v6  }
0x40: {  	p0 =	por $0x0, $0x0;
	v6 =	vld [tilespmem:s0+$0xA0];
	s0 =	simm.s32 $0x1;
	v4 =	vor.u32 v1, v4  }
0x41: {  	s11 =	simm.s32 $0x40;
	s3 =	simm.s32 $0x100;
	s0 =	simm.s32 @!p0 $0x0  }
0x42: {  	s3 =	sand.u32 $0x3E00, s3;
	s1 =	sand.u32 $0x40, s11;
	s0 =	sshll.u32 s0, $0x6  }
0x43: {  	s3 =	sor.u32 s1, s3;
	v8 =	vshrl.u32 v5, $0x5;
	v5 =	vshrl.u32 v5, $0x14;
	s10 =	sadd.s32 $0x0, s0  }
0x44: {  	v10 =	vld [tilespmem:s3+$0x30];
	v5 =	vand.u32 $0x7FF, v5;
	v9 =	vshrl.u32 v7, $0x5;
	v7 =	vshrl.u32 v7, $0x14;
	s5 =	sadd.s32 $0x30, s10  }
0x45: {  	v7 =	vand.u32 $0x7FF, v7;
	v11 =	vshrl.u32 v6, $0x5;
	v6 =	vshrl.u32 v6, $0x14;
	s14 =	sor.u32 $0x100, s5;
	[tilespmem:v4+s16+$0x0] =	vst.idx.add.s32.msk vm0, v2  }
0x46: {  	v4 =	vand.u32 $0x7FF0, v8;
	v8 =	vand.u32 $0x7FF0, v9;
	vm0 =	veq.s32 v5, v3;
	v9 =	vld [tilespmem:s14+$0x0]  }
0x47: {  	vm1 =	veq.s32 v7, v3;
	v5 =	vand.u32 $0x7FF, v6;
	v4 =	vor.u32 v1, v4  }
0x48: {  	v12 =	vld [tilespmem:s3+$0x20];
	v6 =	vand.u32 $0x7FF0, v11;
	v7 =	vor.u32 v1, v8;
	vm2 =	veq.s32 v5, v3  }
0x49: {  	v11 =	vshrl.u32 v10, $0x14;
	v6 =	vor.u32 v1, v6;
	v8 =	vld [tilespmem:s3+$0x10]  }
0x4a: {  	v10 =	vshrl.u32 v10, $0x5;
	v5 =	vld [tilespmem:s3+$0x0];
	v11 =	vand.u32 $0x7FF, v11  }
0x4b: {  	v10 =	vand.u32 $0x7FF0, v10;
	vm3 =	veq.s32 v11, v3;
	v13 =	vshrl.u32 v9, $0x14  }
0x4c: {  	v9 =	vshrl.u32 v9, $0x5;
	[tilespmem:v4+s16+$0x0] =	vst.idx.add.s32.msk vm0, v2;
	v4 =	vor.u32 v1, v10;
	v11 =	vand.u32 $0x7FF, v13  }
0x4d: {  	[tilespmem:v7+s16+$0x0] =	vst.idx.add.s32.msk vm1, v2;
	v9 =	vand.u32 $0x7FF0, v9;
	vm0 =	veq.s32 v11, v3  }
0x4e: {  	s0 =	sadd.s32 $0x10, s10;
	s18 =	sor.u32 $0x100, s10;
	[tilespmem:v6+s16+$0x0] =	vst.idx.add.s32.msk vm2, v2;
	v6 =	vshrl.u32 v8, $0x14;
	v8 =	vshrl.u32 v8, $0x5;
	v7 =	vor.u32 v1, v9  }
0x4f: {  	s8 =	sor.u32 $0x100, s0;
	v10 =	vld [tilespmem:s18+$0x0];
	v9 =	vshrl.u32 v5, $0x14;
	v5 =	vshrl.u32 v5, $0x5;
	v11 =	vshrl.u32 v12, $0x14  }
0x50: {  	v13 =	vld [tilespmem:s8+$0x0];
	v12 =	vshrl.u32 v12, $0x5;
	v6 =	vand.u32 $0x7FF, v6;
	v9 =	vand.u32 $0x7FF, v9  }
0x51: {  	v5 =	vand.u32 $0x7FF0, v5;
	v11 =	vand.u32 $0x7FF, v11;
	vm1 =	veq.s32 v9, v3;
	[tilespmem:v4+s16+$0x0] =	vst.idx.add.s32.msk vm3, v2  }
0x52: {  	vm2 =	veq.s32 v6, v3;
	v5 =	vor.u32 v1, v5;
	v4 =	vand.u32 $0x7FF0, v8;
	v6 =	vld [tilespmem:s3+$0xB0]  }
0x53: {  	v4 =	vor.u32 v1, v4;
	[tilespmem:v7+s16+$0x0] =	vst.idx.add.s32.msk vm0, v2;
	v7 =	vand.u32 $0x7FF0, v12;
	vm0 =	veq.s32 v11, v3  }
0x54: {  	s1 =	sadd.s32 $0x20, s10;
	s5 =	sor.u32 $0x180, s5;
	v7 =	vor.u32 v1, v7  }
0x55: {  	s22 =	sor.u32 $0x100, s1;
	v8 =	vld [tilespmem:s5+$0x0]  }
0x56: {  	v9 =	vld [tilespmem:s22+$0x0];
	v11 =	vshrl.u32 v10, $0x14;
	v10 =	vshrl.u32 v10, $0x5;
	v12 =	vshrl.u32 v13, $0x5  }
0x57: {  	v13 =	vshrl.u32 v13, $0x14;
	v11 =	vand.u32 $0x7FF, v11;
	v10 =	vand.u32 $0x7FF0, v10;
	[tilespmem:v5+s16+$0x0] =	vst.idx.add.s32.msk vm1, v2  }
0x58: {  	vm1 =	veq.s32 v11, v3;
	v5 =	vshrl.u32 v6, $0x14;
	[tilespmem:v4+s16+$0x0] =	vst.idx.add.s32.msk vm2, v2;
	v4 =	vshrl.u32 v6, $0x5  }
0x59: {  	v10 =	vor.u32 v1, v10;
	v5 =	vand.u32 $0x7FF, v5;
	v4 =	vand.u32 $0x7FF0, v4;
	[tilespmem:v7+s16+$0x0] =	vst.idx.add.s32.msk vm0, v2  }
0x5a: {  	v6 =	vshrl.u32 v8, $0x14;
	vm0 =	veq.s32 v5, v3;
	v7 =	vshrl.u32 v8, $0x5;
	v8 =	vld [tilespmem:s3+$0x80]  }
0x5b: {  	p0 =	por !p0, !p0;
	v13 =	vand.u32 $0x7FF, v13;
	s5 =	simm.s32 $0x1;
	v11 =	vld [tilespmem:s3+$0x90];
	v4 =	vor.u32 v1, v4  }
0x5c: {  	s5 =	simm.s32 @!p0 $0x0;
	vm2 =	veq.s32 v13, v3;
	v5 =	vshrl.u32 v9, $0x14;
	v6 =	vand.u32 $0x7FF, v6;
	v14 =	vld [tilespmem:s3+$0xA0]  }
0x5d: {  	s23 =	sshll.u32 s5, $0x6;
	vm3 =	veq.s32 v6, v3;
	v6 =	vand.u32 $0x7FF0, v7;
	v7 =	vand.u32 $0x7FF0, v12  }
0x5e: {  	s3 =	sadd.s32 $0x100, s23;
	v5 =	vand.u32 $0x7FF, v5;
	v7 =	vor.u32 v1, v7  }
0x5f: {  	s9 =	sadd.s32 $0x30, s3;
	[tilespmem:v10+s16+$0x0] =	vst.idx.add.s32.msk vm1, v2;
	vm1 =	veq.s32 v5, v3;
	v12 =	vshrl.u32 v8, $0x5;
	v8 =	vshrl.u32 v8, $0x14  }
0x60: {  	s24 =	sor.u32 $0x100, s9;
	[tilespmem:v4+s16+$0x0] =	vst.idx.add.s32.msk vm0, v2;
	v4 =	vand.u32 $0x7FF, v8;
	v8 =	vshrl.u32 v11, $0x5;
	v11 =	vshrl.u32 v11, $0x14  }
0x61: {  	s25 =	sor.u32 $0x180, s10;
	s22 =	simm.s32 $0x80;
	s23 =	simm.s32 $0x200;
	v15 =	vshrl.u32 v14, $0x5;
	v14 =	vshrl.u32 v14, $0x14;
	v10 =	vand.u32 $0x7FF0, v12;
	v13 =	vld [tilespmem:s24+$0x0]  }
0x62: {  	s26 =	sand.u32 $0x40, s22;
	s30 =	sand.u32 $0x3E00, s23;
	v11 =	vand.u32 $0x7FF, v11;
	v8 =	vand.u32 $0x7FF0, v8;
	vm0 =	veq.s32 v4, v3;
	v4 =	vld [tilespmem:s25+$0x0]  }
0x63: {  	s10 =	sor.u32 s26, s30;
	v12 =	vand.u32 $0x7FF, v14;
	vm4 =	veq.s32 v11, v3;
	[tilespmem:v7+s16+$0x0] =	vst.idx.add.s32.msk vm2, v2;
	v7 =	vand.u32 $0x7FF0, v15  }
0x64: {  	v8 =	vor.u32 v1, v8;
	vm2 =	veq.s32 v12, v3;
	v5 =	vor.u32 v1, v7;
	v7 =	vld [tilespmem:s10+$0x0]  }
0x65: {  	v9 =	vshrl.u32 v9, $0x5;
	v14 =	vld [tilespmem:s10+$0x10]  }
0x66: {  	v9 =	vand.u32 $0x7FF0, v9;
	v10 =	vor.u32 v1, v10;
	v11 =	vld [tilespmem:s10+$0x30];
	v12 =	vshrl.u32 v13, $0x14  }
0x67: {  	v9 =	vor.u32 v1, v9;
	v12 =	vand.u32 $0x7FF, v12  }
0x68: {  	v15 =	vld [tilespmem:s10+$0x20];
	v13 =	vshrl.u32 v13, $0x5;
	vm5 =	veq.s32 v12, v3  }
0x69: {  	v12 =	vand.u32 $0x7FF0, v13;
	v13 =	vshrl.u32 v4, $0x14;
	[tilespmem:v8+s16+$0x0] =	vst.idx.add.s32.msk vm4, v2;
	v8 =	vshrl.u32 v7, $0x14  }
0x6a: {  	[tilespmem:v5+s16+$0x0] =	vst.idx.add.s32.msk vm2, v2;
	v5 =	vshrl.u32 v14, $0x14;
	v7 =	vshrl.u32 v7, $0x5;
	v14 =	vshrl.u32 v14, $0x5  }
0x6b: {  	[tilespmem:v10+s16+$0x0] =	vst.idx.add.s32.msk vm0, v2;
	v10 =	vor.u32 v1, v12;
	v12 =	vand.u32 $0x7FF, v13;
	v13 =	vshrl.u32 v11, $0x14  }
0x6c: {  	s0 =	sor.u32 $0x180, s0;
	s18 =	sadd.s32 $0x10, s3;
	[tilespmem:v9+s16+$0x0] =	vst.idx.add.s32.msk vm1, v2;
	v11 =	vshrl.u32 v11, $0x5;
	vm0 =	veq.s32 v12, v3;
	v12 =	vand.u32 $0x7FF, v13  }
0x6d: {  	s11 =	sadd.s32 $0x20, s3;
	s2 =	sor.u32 $0x100, s18;
	v17 =	vld [tilespmem:s0+$0x0];
	v8 =	vand.u32 $0x7FF, v8;
	v11 =	vand.u32 $0x7FF0, v11;
	vm2 =	veq.s32 v12, v3  }
0x6e: {  	s24 =	sor.u32 $0x100, s11;
	v16 =	vld [tilespmem:s2+$0x0];
	v7 =	vand.u32 $0x7FF0, v7;
	v13 =	vshrl.u32 v15, $0x14;
	v11 =	vor.u32 v1, v11  }
0x6f: {  	s31 =	sor.u32 $0x100, s3;
	vm4 =	veq.s32 v8, v3;
	v8 =	vand.u32 $0x7FF, v13;
	v13 =	vand.u32 $0x7FF0, v14;
	v14 =	vld [tilespmem:s24+$0x0]  }
0x70: {  	v6 =	vor.u32 v1, v6;
	v5 =	vand.u32 $0x7FF, v5;
	v7 =	vor.u32 v1, v7;
	v12 =	vld [tilespmem:s31+$0x0]  }
0x71: {  	s14 =	sor.u32 $0x180, s9;
	v4 =	vshrl.u32 v4, $0x5;
	v15 =	vshrl.u32 v15, $0x5;
	[tilespmem:v10+s16+$0x0] =	vst.idx.add.s32.msk vm5, v2;
	vm5 =	veq.s32 v5, v3  }
0x72: {  	v15 =	vand.u32 $0x7FF0, v15;
	vm6 =	veq.s32 v8, v3;
	v5 =	vor.u32 v1, v13;
	v10 =	vld [tilespmem:s14+$0x0]  }
0x73: {  	v8 =	vor.u32 v1, v15;
	v15 =	vshrl.u32 v16, $0x5;
	v16 =	vshrl.u32 v16, $0x14;
	[tilespmem:v11+s16+$0x0] =	vst.idx.add.s32.msk vm2, v2  }
0x74: {  	v4 =	vand.u32 $0x7FF0, v4;
	v16 =	vand.u32 $0x7FF, v16;
	v9 =	vshrl.u32 v14, $0x14;
	v13 =	vld [tilespmem:s10+$0xB0]  }
0x75: {  	s25 =	sor.u32 $0x180, s1;
	[tilespmem:v7+s16+$0x0] =	vst.idx.add.s32.msk vm4, v2;
	v7 =	vshrl.u32 v14, $0x5;
	v11 =	vshrl.u32 v12, $0x14;
	v12 =	vshrl.u32 v12, $0x5  }
0x76: {  	v19 =	vld [tilespmem:s25+$0x0];
	v9 =	vand.u32 $0x7FF, v9;
	vm2 =	veq.s32 v16, v3;
	v11 =	vand.u32 $0x7FF, v11  }
0x77: {  	v18 =	vshrl.u32 v10, $0x14;
	v10 =	vshrl.u32 v10, $0x5;
	[tilespmem:v5+s16+$0x0] =	vst.idx.add.s32.msk vm5, v2;
	v5 =	vand.u32 $0x7FF0, v12  }
0x78: {  	[tilespmem:v8+s16+$0x0] =	vst.idx.add.s32.msk vm6, v2;
	v12 =	vand.u32 $0x7FF0, v7;
	v18 =	vand.u32 $0x7FF, v18;
	v10 =	vand.u32 $0x7FF0, v10  }
0x79: {  	v16 =	vld [tilespmem:s10+$0xA0];
	vm4 =	veq.s32 v18, v3;
	v14 =	vor.u32 v1, v10;
	v8 =	vshrl.u32 v13, $0x14  }
0x7a: {  	v10 =	vand.u32 $0x7FF0, v15;
	v15 =	vld [tilespmem:s10+$0x80];
	v7 =	vshrl.u32 v13, $0x5;
	v8 =	vand.u32 $0x7FF, v8  }
0x7b: {  	p0 =	por !p0, !p0;
	s0 =	simm.s32 $0x1;
	vm1 =	veq.s32 v9, v3;
	v18 =	vld [tilespmem:s10+$0x90];
	v7 =	vand.u32 $0x7FF0, v7;
	vm6 =	veq.s32 v8, v3  }
0x7c: {  	s0 =	simm.s32 @!p0 $0x0;
	v9 =	vshrl.u32 v19, $0x5;
	vm5 =	veq.s32 v11, v3;
	v20 =	vor.u32 v1, v7  }
0x7d: {  	s26 =	sshll.u32 s0, $0x6;
	v11 =	vshrl.u32 v19, $0x14;
	v8 =	vor.u32 v1, v5;
	v7 =	vor.u32 v1, v10  }
0x7e: {  	s26 =	sadd.s32 $0x200, s26;
	v5 =	vor.u32 v1, v12;
	v12 =	vshrl.u32 v17, $0x14;
	v10 =	vshrl.u32 v17, $0x5  }
0x7f: {  	[tilespmem:v6+s16+$0x0] =	vst.idx.add.s32.msk vm3, v2;
	s25 =	sor.u32 $0x180, s18;
	s0 =	sor.u32 $0x180, s3;
	s1 =	sadd.s32 $0x10, s26;
	v12 =	vand.u32 $0x7FF, v12;
	v6 =	vshrl.u32 v15, $0x5;
	v13 =	vshrl.u32 v15, $0x14  }
0x80: {  	s30 =	sadd.s32 $0x20, s26;
	s3 =	sadd.s32 $0x30, s26;
	s29 =	sor.u32 $0x100, s26;
	v17 =	vshrl.u32 v18, $0x5;
	v15 =	vshrl.u32 v16, $0x5;
	[tilespmem:v14+s16+$0x0] =	vst.idx.add.s32.msk vm4, v2;
	v13 =	vand.u32 $0x7FF, v13  }
0x81: {  	s28 =	sor.u32 $0x100, s1;
	s18 =	sor.u32 $0x100, s30;
	s31 =	sor.u32 $0x100, s3;
	v14 =	vshrl.u32 v18, $0x14;
	v18 =	vshrl.u32 v16, $0x14;
	v16 =	vand.u32 $0x7FF0, v6;
	[tilespmem:v20+s16+$0x0] =	vst.idx.add.s32.msk vm6, v2  }
0x82: {  	s24 =	sor.u32 $0x180, s11;
	s10 =	sor.u32 $0x180, s1;
	s1 =	sor.u32 $0x180, s30;
	v17 =	vand.u32 $0x7FF0, v17;
	v14 =	vand.u32 $0x7FF, v14;
	v18 =	vand.u32 $0x7FF, v18;
	v6 =	vld [tilespmem:s31+$0x0]  }
.LBB2_5:
0x83: {  	vm8 =	veq.s32 v13, v3  }
0x84: {  	s22 =	sadd.s32 $0x40, s22;
	s5 =	sor.u32 $0x180, s26;
	vm7 =	veq.s32 v14, v3;
	v13 =	vand.u32 $0x7FF0, v15;
	s23 =	sadd.s32 $0x100, s23;
	[tilespmem:v8+s16+$0x0] =	vst.idx.add.s32.msk vm5, v2;
	vm3 =	vmmov vm0  }
0x85: {  	v8 =	vor.u32 v1, v16;
	v14 =	vor.u32 v1, v17;
	vm5 =	veq.s32 v18, v3;
	s8 =	sand.u32 $0x40, s22;
	s9 =	sand.u32 $0x3E00, s23;
	p1 =	slt.u32 s22, $0xFC0;
	v15 =	vld [tilespmem:s0+$0x0]  }
0x86: {  	v13 =	vor.u32 v1, v13;
	s0 =	smov.u32 s5;
	s26 =	sor.u32 s8, s9;
	[tilespmem:v7+s16+$0x0] =	vst.idx.add.s32.msk vm2, v2;
	v7 =	vand.u32 $0x7FF0, v10;
	v10 =	vand.u32 $0x7FF, v11  }
0x87: {  	vm6 =	veq.s32 v12, v3;
	v9 =	vand.u32 $0x7FF0, v9;
	v11 =	vld [tilespmem:s26+$0x30];
	vm4 =	veq.s32 v10, v3  }
0x88: {  	v16 =	vor.u32 v1, v4;
	v17 =	vor.u32 v1, v7;
	v10 =	vld [tilespmem:s26+$0x0];
	v12 =	vshrl.u32 v6, $0x14  }
0x89: {  	v4 =	vshrl.u32 v6, $0x5;
	v6 =	vor.u32 v1, v9;
	v7 =	vld [tilespmem:s26+$0x10];
	v12 =	vand.u32 $0x7FF, v12  }
0x8a: {  	v4 =	vand.u32 $0x7FF0, v4;
	v9 =	vld [tilespmem:s26+$0x20];
	vm2 =	veq.s32 v12, v3;
	v12 =	vshrl.u32 v15, $0x14  }
0x8b: {  	[tilespmem:v8+s16+$0x0] =	vst.idx.add.s32.msk vm8, v2;
	v8 =	vor.u32 v1, v4;
	v4 =	vshrl.u32 v15, $0x5;
	v12 =	vand.u32 $0x7FF, v12  }
0x8c: {  	v15 =	vshrl.u32 v11, $0x14;
	[tilespmem:v14+s16+$0x0] =	vst.idx.add.s32.msk vm7, v2;
	vm0 =	veq.s32 v12, v3;
	v4 =	vand.u32 $0x7FF0, v4  }
0x8d: {  	v11 =	vshrl.u32 v11, $0x5;
	v12 =	vshrl.u32 v10, $0x14;
	v14 =	vand.u32 $0x7FF, v15;
	[tilespmem:v13+s16+$0x0] =	vst.idx.add.s32.msk vm5, v2  }
0x8e: {  	v11 =	vand.u32 $0x7FF0, v11;
	v13 =	vshrl.u32 v7, $0x14;
	vm5 =	veq.s32 v14, v3;
	v14 =	vld [tilespmem:s29+$0x0]  }
0x8f: {  	v10 =	vshrl.u32 v10, $0x5;
	v11 =	vor.u32 v1, v11;
	v15 =	vshrl.u32 v9, $0x14;
	v18 =	vld [tilespmem:s28+$0x0]  }
0x90: {  	s3 =	sor.u32 $0x180, s3;
	v12 =	vand.u32 $0x7FF, v12;
	v7 =	vshrl.u32 v7, $0x5;
	v9 =	vshrl.u32 v9, $0x5;
	[tilespmem:v8+s16+$0x0] =	vst.idx.add.s32.msk vm2, v2  }
0x91: {  	v8 =	vand.u32 $0x7FF0, v10;
	v10 =	vand.u32 $0x7FF, v13;
	v13 =	vand.u32 $0x7FF, v15;
	v15 =	vld [tilespmem:s3+$0x0]  }
0x92: {  	vm7 =	veq.s32 v12, v3;
	v7 =	vand.u32 $0x7FF0, v7;
	v9 =	vand.u32 $0x7FF0, v9;
	v12 =	vld [tilespmem:s18+$0x0]  }
0x93: {  	v8 =	vor.u32 v1, v8;
	vm9 =	veq.s32 v10, v3;
	vm2 =	veq.s32 v13, v3;
	v10 =	vld [tilespmem:s25+$0x0];
	s25 =	smov.u32 s10  }
0x94: {  	v7 =	vor.u32 v1, v7;
	v9 =	vor.u32 v1, v9;
	[tilespmem:v11+s16+$0x0] =	vst.idx.add.s32.msk vm5, v2;
	v11 =	vshrl.u32 v14, $0x14  }
0x95: {  	v14 =	vshrl.u32 v14, $0x5;
	v19 =	vshrl.u32 v18, $0x5;
	v18 =	vshrl.u32 v18, $0x14;
	v13 =	vld [tilespmem:s26+$0xB0]  }
0x96: {  	v11 =	vand.u32 $0x7FF, v11;
	v18 =	vand.u32 $0x7FF, v18;
	v20 =	vshrl.u32 v15, $0x14;
	[tilespmem:v5+s16+$0x0] =	vst.idx.add.s32.msk vm1, v2  }
0x97: {  	v15 =	vshrl.u32 v15, $0x5;
	v5 =	vshrl.u32 v12, $0x14;
	v20 =	vand.u32 $0x7FF, v20;
	v21 =	vld [tilespmem:s24+$0x0];
	s24 =	smov.u32 s1  }
0x98: {  	[tilespmem:v8+s16+$0x0] =	vst.idx.add.s32.msk vm7, v2;
	v8 =	vshrl.u32 v12, $0x5;
	vm8 =	veq.s32 v20, v3;
	v12 =	vand.u32 $0x7FF0, v15  }
0x99: {  	v5 =	vand.u32 $0x7FF, v5;
	[tilespmem:v7+s16+$0x0] =	vst.idx.add.s32.msk vm9, v2;
	v7 =	vand.u32 $0x7FF0, v14;
	v12 =	vor.u32 v1, v12  }
0x9a: {  	v14 =	vand.u32 $0x7FF0, v19;
	v15 =	vand.u32 $0x7FF0, v8;
	[tilespmem:v9+s16+$0x0] =	vst.idx.add.s32.msk vm2, v2;
	v9 =	vshrl.u32 v13, $0x14  }
0x9b: {  	vm5 =	veq.s32 v11, v3;
	v8 =	vshrl.u32 v13, $0x5;
	v19 =	vld [tilespmem:s26+$0x80];
	v9 =	vand.u32 $0x7FF, v9  }
0x9c: {  	vm2 =	veq.s32 v18, v3;
	v8 =	vand.u32 $0x7FF0, v8;
	v20 =	vld [tilespmem:s26+$0x90];
	vm7 =	veq.s32 v9, v3  }
0x9d: {  	p0 =	por !p0, !p0;
	s1 =	simm.s32 $0x1;
	vm1 =	veq.s32 v5, v3;
	v22 =	vor.u32 v1, v8;
	v8 =	vor.u32 v1, v7;
	v18 =	vld [tilespmem:s26+$0xA0]  }
0x9e: {  	s1 =	simm.s32 @!p0 $0x0;
	v5 =	vor.u32 v1, v15;
	v7 =	vor.u32 v1, v14;
	[tilespmem:v12+s16+$0x0] =	vst.idx.add.s32.msk vm8, v2;
	v12 =	vshrl.u32 v10, $0x14  }
.Ltmp1:
0x9f: {  	s1 =	sshll.u32 s1, $0x6;
	v9 =	vshrl.u32 v21, $0x5;
	v11 =	vshrl.u32 v21, $0x14;
	v10 =	vshrl.u32 v10, $0x5;
	[tilespmem:v16+s16+$0x0] =	vst.idx.add.s32.msk vm3, v2;
	(pc) =	sbr.rel @p1 .LBB2_5-.Ltmp1, $4  }
0xa0: {  	s26 =	sadd.s32 s1, s23;
	v12 =	vand.u32 $0x7FF, v12;
	v16 =	vshrl.u32 v19, $0x5;
	v13 =	vshrl.u32 v19, $0x14;
	[tilespmem:v17+s16+$0x0] =	vst.idx.add.s32.msk vm6, v2  }
0xa1: {  	s1 =	sadd.s32 $0x10, s26;
	s5 =	sadd.s32 $0x20, s26;
	s3 =	sadd.s32 $0x30, s26;
	v13 =	vand.u32 $0x7FF, v13;
	v17 =	vshrl.u32 v20, $0x5;
	v14 =	vshrl.u32 v20, $0x14;
	[tilespmem:v6+s16+$0x0] =	vst.idx.add.s32.msk vm4, v2  }
0xa2: {  	s28 =	sor.u32 $0x100, s1;
	s18 =	sor.u32 $0x100, s5;
	s8 =	sor.u32 $0x100, s3;
	v14 =	vand.u32 $0x7FF, v14;
	v15 =	vshrl.u32 v18, $0x5;
	v6 =	vshrl.u32 v18, $0x14;
	[tilespmem:v22+s16+$0x0] =	vst.idx.add.s32.msk vm7, v2  }
0xa3: {  	s29 =	sor.u32 $0x100, s26;
	s10 =	sor.u32 $0x180, s1;
	s1 =	sor.u32 $0x180, s5;
	v16 =	vand.u32 $0x7FF0, v16;
	v17 =	vand.u32 $0x7FF0, v17;
	v18 =	vand.u32 $0x7FF, v6;
	v6 =	vld [tilespmem:s8+$0x0]  }
0xa4: {  	vm3 =	veq.s32 v13, v3  }
0xa5: {  	v13 =	vor.u32 v1, v16;
	vm4 =	veq.s32 v14, v3  }
0xa6: {  	v14 =	vor.u32 v1, v17;
	v15 =	vand.u32 $0x7FF0, v15;
	vm6 =	veq.s32 v18, v3  }
0xa7: {  	v15 =	vor.u32 v1, v15;
	_ =	sdelay $0x2  }
0xa8: {  	[tilespmem:v13+s16+$0x0] =	vst.idx.add.s32.msk vm3, v2  }
0xa9: {  	[tilespmem:v14+s16+$0x0] =	vst.idx.add.s32.msk vm4, v2  }
0xaa: {  	v16 =	vshrl.u32 v6, $0x14;
	[tilespmem:v15+s16+$0x0] =	vst.idx.add.s32.msk vm6, v2  }
0xab: {  	v6 =	vshrl.u32 v6, $0x5;
	v13 =	vand.u32 $0x7FF, v16;
	v16 =	vld [tilespmem:s29+$0x0]  }
0xac: {  	v6 =	vand.u32 $0x7FF0, v6;
	vm4 =	veq.s32 v12, v3;
	vm7 =	veq.s32 v13, v3;
	v12 =	vld [tilespmem:s18+$0x0]  }
0xad: {  	v6 =	vor.u32 v1, v6;
	v13 =	vld [tilespmem:s28+$0x0];
	_ =	sdelay $0x1  }
0xae: {  	v11 =	vand.u32 $0x7FF, v11  }
0xaf: {  	[tilespmem:v8+s16+$0x0] =	vst.idx.add.s32.msk vm5, v2;
	v8 =	vand.u32 $0x7FF0, v9;
	vm3 =	vmmov vm0;
	vm0 =	veq.s32 v11, v3  }
0xb0: {  	[tilespmem:v7+s16+$0x0] =	vst.idx.add.s32.msk vm2, v2;
	v9 =	vshrl.u32 v16, $0x14;
	v14 =	vshrl.u32 v16, $0x5;
	v7 =	vshrl.u32 v12, $0x14  }
0xb1: {  	v12 =	vshrl.u32 v12, $0x5;
	v9 =	vand.u32 $0x7FF, v9;
	[tilespmem:v6+s16+$0x0] =	vst.idx.add.s32.msk vm7, v2;
	v6 =	vshrl.u32 v13, $0x14  }
0xb2: {  	v11 =	vld [tilespmem:s0+$0x0];
	v14 =	vand.u32 $0x7FF0, v14;
	v7 =	vand.u32 $0x7FF, v7;
	vm5 =	veq.s32 v9, v3  }
0xb3: {  	s30 =	sor.u32 $0x180, s3;
	[tilespmem:v5+s16+$0x0] =	vst.idx.add.s32.msk vm1, v2;
	v5 =	vand.u32 $0x7FF0, v12;
	v14 =	vor.u32 v1, v14;
	vm1 =	veq.s32 v7, v3  }
0xb4: {  	v13 =	vshrl.u32 v13, $0x5;
	v9 =	vld [tilespmem:s30+$0x0];
	v6 =	vand.u32 $0x7FF, v6;
	v5 =	vor.u32 v1, v5  }
0xb5: {  	v12 =	vld [tilespmem:s24+$0x0];
	v13 =	vand.u32 $0x7FF0, v13;
	vm2 =	veq.s32 v6, v3  }
0xb6: {  	v10 =	vand.u32 $0x7FF0, v10;
	v13 =	vor.u32 v1, v13  }
0xb7: {  	v4 =	vor.u32 v1, v4;
	v7 =	vor.u32 v1, v8;
	v8 =	vshrl.u32 v11, $0x14;
	v6 =	vld [tilespmem:s25+$0x0]  }
0xb8: {  	v10 =	vor.u32 v1, v10;
	v11 =	vshrl.u32 v11, $0x5;
	v8 =	vand.u32 $0x7FF, v8;
	[tilespmem:v14+s16+$0x0] =	vst.idx.add.s32.msk vm5, v2  }
0xb9: {  	s2 =	sor.u32 $0x180, s26;
	v11 =	vand.u32 $0x7FF0, v11;
	v15 =	vshrl.u32 v9, $0x14;
	vm5 =	veq.s32 v8, v3;
	[tilespmem:v5+s16+$0x0] =	vst.idx.add.s32.msk vm1, v2  }
0xba: {  	v8 =	vshrl.u32 v9, $0x5;
	v9 =	vand.u32 $0x7FF, v15;
	v15 =	vshrl.u32 v12, $0x5;
	v14 =	vld [tilespmem:s2+$0x0]  }
0xbb: {  	v12 =	vshrl.u32 v12, $0x14;
	vm6 =	veq.s32 v9, v3;
	v8 =	vand.u32 $0x7FF0, v8;
	[tilespmem:v13+s16+$0x0] =	vst.idx.add.s32.msk vm2, v2  }
0xbc: {  	v9 =	vshrl.u32 v6, $0x14;
	v6 =	vshrl.u32 v6, $0x5;
	v8 =	vor.u32 v1, v8;
	v13 =	vld [tilespmem:s10+$0x0]  }
0xbd: {  	v9 =	vand.u32 $0x7FF, v9;
	v5 =	vand.u32 $0x7FF0, v6;
	v6 =	vand.u32 $0x7FF, v12;
	v12 =	vld [tilespmem:s1+$0x0]  }
0xbe: {  	vm1 =	vmmov vm5;
	vm2 =	veq.s32 v9, v3;
	vm5 =	veq.s32 v6, v3  }
0xbf: {  	v6 =	vand.u32 $0x7FF0, v15;
	v9 =	vor.u32 v1, v11;
	v11 =	vshrl.u32 v14, $0x14  }
0xc0: {  	v5 =	vor.u32 v1, v5;
	v6 =	vor.u32 v1, v6;
	v11 =	vand.u32 $0x7FF, v11  }
0xc1: {  	v14 =	vshrl.u32 v14, $0x5;
	[tilespmem:v8+s16+$0x0] =	vst.idx.add.s32.msk vm6, v2;
	v8 =	vshrl.u32 v13, $0x5;
	vm7 =	veq.s32 v11, v3  }
0xc2: {  	v11 =	vand.u32 $0x7FF0, v14;
	v14 =	vshrl.u32 v13, $0x14;
	v13 =	vshrl.u32 v12, $0x5  }
0xc3: {  	[tilespmem:v4+s16+$0x0] =	vst.idx.add.s32.msk vm3, v2;
	v12 =	vshrl.u32 v12, $0x14;
	v8 =	vand.u32 $0x7FF0, v8;
	v4 =	vand.u32 $0x7FF, v14  }
0xc4: {  	[tilespmem:v10+s16+$0x0] =	vst.idx.add.s32.msk vm4, v2;
	v10 =	vand.u32 $0x7FF, v12;
	vm4 =	veq.s32 v4, v3;
	v4 =	vor.u32 v1, v11  }
0xc5: {  	[tilespmem:v7+s16+$0x0] =	vst.idx.add.s32.msk vm0, v2;
	v7 =	vand.u32 $0x7FF0, v13;
	v8 =	vor.u32 v1, v8;
	vm0 =	veq.s32 v10, v3  }
0xc6: {  	[tilespmem:v9+s16+$0x0] =	vst.idx.add.s32.msk vm1, v2;
	v7 =	vor.u32 v1, v7  }
0xc7: {  	[tilespmem:v5+s16+$0x0] =	vst.idx.add.s32.msk vm2, v2  }
0xc8: {  	[tilespmem:v6+s16+$0x0] =	vst.idx.add.s32.msk vm5, v2  }
0xc9: {  	p0 =	seq.s32 s20, $0xF;
	[tilespmem:v4+s16+$0x0] =	vst.idx.add.s32.msk vm7, v2  }
0xca: {  	s3 =	simm.s32 @!p0 $0x400;
	[tilespmem:v8+s16+$0x0] =	vst.idx.add.s32.msk vm4, v2  }
0xcb: {  	s5 =	simm.s32 @!p0 $0x0;
	s0 =	sadd.s32 @!p0 s21, s7;
	s1 =	simm.s32 @!p0 $0x200;
	[tilespmem:v7+s16+$0x0] =	vst.idx.add.s32.msk vm0, v2  }
0xcc: {  	[tilespmem:s5], [sflag:$0x1] =	stream.strided.gather @!p0 [hbm4b:s0+s1], $0x4000, s3, s1, $0x38;
	[tilespmem:$0x10080] =	vst v63  }
0xcd: {  	s3 =	simm.s32 $0x0;
	s5 =	simm.s32 $0x0  }
0xce: {  	_ =	swait.ge [sflag:s17], $0x4000;
	s29 =	sand.u32 $0x40, s5;
	s3 =	sand.u32 $0x3E00, s3  }
0xcf: {  	[sflag:s17] =	ssyncset.done $0x0;
	s0 =	sor.u32 $0x4000, s3;
	s22 =	sor.u32 $0x30, s29  }
0xd0: {  	[sflag:s17] =	ssyncadd.s32 $0xFFFFC000;
	s8 =	sor.u32 s22, s0  }
0xd1: {  	s31 =	sor.u32 $0x20, s29;
	v4 =	vld [tilespmem:s8+$0x0]  }
0xd2: {  	s21 =	sor.u32 $0x10, s29;
	s10 =	sor.u32 s31, s0  }
0xd3: {  	s9 =	sor.u32 s21, s0;
	s0 =	sor.u32 s29, s0;
	v6 =	vld [tilespmem:s10+$0x0]  }
0xd4: {  	v7 =	vld [tilespmem:s0+$0x0];
	_ =	sdelay $0x1  }
0xd5: {  	v5 =	vld [tilespmem:s9+$0x0];
	v8 =	vshrl.u32 v4, $0x14  }
0xd6: {  	v4 =	vshrl.u32 v4, $0x5;
	v8 =	vand.u32 $0x7FF, v8  }
0xd7: {  	vm3 =	vmmov vm7;
	v4 =	vand.u32 $0x7FF0, v4;
	vm0 =	veq.s32 v8, v3  }
0xd8: {  	v9 =	vshrl.u32 v6, $0x14;
	v10 =	vshrl.u32 v7, $0x14;
	v4 =	vor.u32 v1, v4  }
0xd9: {  	v7 =	vshrl.u32 v7, $0x5;
	v6 =	vshrl.u32 v6, $0x5;
	v10 =	vand.u32 $0x7FF, v10  }
0xda: {  	v9 =	vand.u32 $0x7FF, v9;
	v6 =	vand.u32 $0x7FF0, v6;
	v8 =	vshrl.u32 v5, $0x14  }
0xdb: {  	v5 =	vshrl.u32 v5, $0x5;
	vm2 =	veq.s32 v9, v3;
	v8 =	vand.u32 $0x7FF, v8  }
0xdc: {  	s11 =	sor.u32 $0x4080, s3;
	v6 =	vor.u32 v1, v6;
	v5 =	vand.u32 $0x7FF0, v5;
	vm1 =	veq.s32 v8, v3  }
0xdd: {  	s14 =	sor.u32 s22, s11;
	v7 =	vand.u32 $0x7FF0, v7;
	vm3 =	veq.s32 v10, v3;
	v5 =	vor.u32 v1, v5;
	[tilespmem:v4+s16+$0x0] =	vst.idx.add.s32.msk vm0, v2  }
0xde: {  	v4 =	vor.u32 v1, v7;
	v7 =	vld [tilespmem:s14+$0x0];
	_ =	sdelay $0x2  }
0xdf: {  	[tilespmem:v6+s16+$0x0] =	vst.idx.add.s32.msk vm2, v2  }
0xe0: {  	[tilespmem:v5+s16+$0x0] =	vst.idx.add.s32.msk vm1, v2  }
0xe1: {  	s18 =	sor.u32 s21, s11;
	[tilespmem:v4+s16+$0x0] =	vst.idx.add.s32.msk vm3, v2;
	v4 =	vshrl.u32 v7, $0x14  }
0xe2: {  	s23 =	sor.u32 s31, s11;
	v5 =	vld [tilespmem:s18+$0x0];
	v6 =	vshrl.u32 v7, $0x5;
	v4 =	vand.u32 $0x7FF, v4  }
0xe3: {  	s0 =	sor.u32 s29, s11;
	v7 =	vld [tilespmem:s23+$0x0];
	vm0 =	veq.s32 v4, v3;
	v4 =	vand.u32 $0x7FF0, v6  }
0xe4: {  	s24 =	simm.s32 $0x40;
	s25 =	simm.s32 $0x100;
	v6 =	vld [tilespmem:s0+$0x0];
	v4 =	vor.u32 v1, v4  }
0xe5: {  	s30 =	sand.u32 $0x40, s24;
	s18 =	sand.u32 $0x3E00, s25  }
0xe6: {  	s10 =	sor.u32 $0x30, s30;
	s26 =	sor.u32 $0x4000, s18  }
0xe7: {  	s2 =	sor.u32 s10, s26;
	v8 =	vshrl.u32 v5, $0x5;
	v5 =	vshrl.u32 v5, $0x14  }
0xe8: {  	s8 =	sor.u32 $0x4100, s3;
	v10 =	vld [tilespmem:s2+$0x0];
	v5 =	vand.u32 $0x7FF, v5;
	v9 =	vshrl.u32 v7, $0x5;
	v7 =	vshrl.u32 v7, $0x14  }
0xe9: {  	s9 =	sor.u32 s22, s8;
	v7 =	vand.u32 $0x7FF, v7;
	v11 =	vshrl.u32 v6, $0x5;
	v6 =	vshrl.u32 v6, $0x14;
	[tilespmem:v4+s16+$0x0] =	vst.idx.add.s32.msk vm0, v2  }
0xea: {  	v4 =	vand.u32 $0x7FF, v6;
	v6 =	vand.u32 $0x7FF0, v8;
	vm0 =	veq.s32 v5, v3;
	v8 =	vld [tilespmem:s9+$0x0]  }
0xeb: {  	s1 =	sor.u32 $0x20, s30;
	s5 =	sor.u32 s30, s26;
	vm1 =	veq.s32 v7, v3;
	v5 =	vand.u32 $0x7FF0, v9;
	v6 =	vor.u32 v1, v6  }
0xec: {  	s23 =	sor.u32 s1, s26;
	v12 =	vld [tilespmem:s5+$0x0];
	s0 =	sor.u32 $0x10, s30;
	v7 =	vand.u32 $0x7FF0, v11;
	vm2 =	veq.s32 v4, v3;
	v4 =	vor.u32 v1, v5  }
0xed: {  	v9 =	vld [tilespmem:s23+$0x0];
	v11 =	vshrl.u32 v10, $0x14;
	s9 =	sor.u32 s0, s26;
	v7 =	vor.u32 v1, v7  }
0xee: {  	v10 =	vshrl.u32 v10, $0x5;
	v11 =	vand.u32 $0x7FF, v11;
	v5 =	vld [tilespmem:s9+$0x0]  }
0xef: {  	v10 =	vand.u32 $0x7FF0, v10;
	vm3 =	veq.s32 v11, v3;
	v13 =	vshrl.u32 v8, $0x14  }
0xf0: {  	v8 =	vshrl.u32 v8, $0x5;
	[tilespmem:v6+s16+$0x0] =	vst.idx.add.s32.msk vm0, v2;
	v6 =	vor.u32 v1, v10;
	v11 =	vand.u32 $0x7FF, v13  }
0xf1: {  	[tilespmem:v4+s16+$0x0] =	vst.idx.add.s32.msk vm1, v2;
	v8 =	vand.u32 $0x7FF0, v8;
	vm0 =	veq.s32 v11, v3  }
0xf2: {  	s11 =	sor.u32 s21, s8;
	[tilespmem:v7+s16+$0x0] =	vst.idx.add.s32.msk vm2, v2;
	v7 =	vshrl.u32 v9, $0x14;
	v9 =	vshrl.u32 v9, $0x5;
	v4 =	vor.u32 v1, v8  }
0xf3: {  	s14 =	sor.u32 s31, s8;
	v10 =	vld [tilespmem:s11+$0x0];
	v8 =	vshrl.u32 v5, $0x14;
	v11 =	vshrl.u32 v12, $0x14;
	v5 =	vshrl.u32 v5, $0x5  }
0xf4: {  	s23 =	sor.u32 $0x4080, s18;
	v13 =	vld [tilespmem:s14+$0x0];
	v12 =	vshrl.u32 v12, $0x5;
	v7 =	vand.u32 $0x7FF, v7;
	v8 =	vand.u32 $0x7FF, v8  }
0xf5: {  	s24 =	sor.u32 s10, s23;
	v11 =	vand.u32 $0x7FF, v11;
	v5 =	vand.u32 $0x7FF0, v5;
	vm1 =	veq.s32 v8, v3;
	[tilespmem:v6+s16+$0x0] =	vst.idx.add.s32.msk vm3, v2  }
0xf6: {  	vm2 =	veq.s32 v7, v3;
	v5 =	vor.u32 v1, v5;
	v6 =	vand.u32 $0x7FF0, v9;
	v7 =	vld [tilespmem:s24+$0x0]  }
0xf7: {  	s3 =	sor.u32 $0x4180, s3;
	v6 =	vor.u32 v1, v6;
	[tilespmem:v4+s16+$0x0] =	vst.idx.add.s32.msk vm0, v2;
	v4 =	vand.u32 $0x7FF0, v12;
	vm0 =	veq.s32 v11, v3  }
0xf8: {  	s25 =	sor.u32 s22, s3;
	v4 =	vor.u32 v1, v4  }
0xf9: {  	s8 =	sor.u32 s29, s8;
	v8 =	vld [tilespmem:s25+$0x0]  }
0xfa: {  	v9 =	vld [tilespmem:s8+$0x0]  }
0xfb: {  	v11 =	vshrl.u32 v10, $0x14;
	v10 =	vshrl.u32 v10, $0x5;
	[tilespmem:v5+s16+$0x0] =	vst.idx.add.s32.msk vm1, v2;
	v5 =	vshrl.u32 v7, $0x14  }
0xfc: {  	v12 =	vshrl.u32 v13, $0x5;
	v13 =	vshrl.u32 v13, $0x14;
	[tilespmem:v6+s16+$0x0] =	vst.idx.add.s32.msk vm2, v2;
	v5 =	vand.u32 $0x7FF, v5  }
0xfd: {  	s26 =	sor.u32 s0, s23;
	v11 =	vand.u32 $0x7FF, v11;
	v6 =	vshrl.u32 v7, $0x5;
	vm1 =	veq.s32 v5, v3;
	[tilespmem:v4+s16+$0x0] =	vst.idx.add.s32.msk vm0, v2  }
0xfe: {  	s2 =	sor.u32 s1, s23;
	v7 =	vshrl.u32 v8, $0x14;
	v4 =	vand.u32 $0x7FF0, v6;
	v6 =	vshrl.u32 v8, $0x5;
	v8 =	vld [tilespmem:s26+$0x0]  }
0xff: {  	v10 =	vand.u32 $0x7FF0, v10;
	vm3 =	veq.s32 v11, v3;
	v11 =	vld [tilespmem:s2+$0x0];
	v4 =	vor.u32 v1, v4  }
0x100: {  	s5 =	sor.u32 s30, s23;
	v13 =	vand.u32 $0x7FF, v13;
	v10 =	vor.u32 v1, v10;
	v7 =	vand.u32 $0x7FF, v7  }
0x101: {  	v12 =	vand.u32 $0x7FF0, v12;
	vm0 =	veq.s32 v13, v3;
	vm2 =	veq.s32 v7, v3;
	v7 =	vld [tilespmem:s5+$0x0]  }
0x102: {  	v12 =	vor.u32 v1, v12;
	v5 =	vshrl.u32 v9, $0x14;
	v9 =	vshrl.u32 v9, $0x5  }
0x103: {  	v5 =	vand.u32 $0x7FF, v5;
	v13 =	vshrl.u32 v8, $0x5;
	v8 =	vshrl.u32 v8, $0x14  }
0x104: {  	s8 =	sor.u32 $0x4100, s18;
	v9 =	vand.u32 $0x7FF0, v9;
	[tilespmem:v4+s16+$0x0] =	vst.idx.add.s32.msk vm1, v2;
	v4 =	vand.u32 $0x7FF, v8;
	v8 =	vshrl.u32 v11, $0x5  }
0x105: {  	s28 =	simm.s32 $0x200;
	s9 =	sor.u32 s10, s8;
	s26 =	simm.s32 $0x80;
	[tilespmem:v10+s16+$0x0] =	vst.idx.add.s32.msk vm3, v2;
	v11 =	vshrl.u32 v11, $0x14;
	v10 =	vand.u32 $0x7FF0, v13;
	vm1 =	veq.s32 v5, v3  }
0x106: {  	s11 =	sor.u32 s21, s3;
	s24 =	sand.u32 $0x3E00, s28;
	s21 =	sand.u32 $0x40, s26;
	v14 =	vld [tilespmem:s9+$0x0];
	v15 =	vshrl.u32 v7, $0x5;
	v7 =	vshrl.u32 v7, $0x14;
	v11 =	vand.u32 $0x7FF, v11  }
0x107: {  	s22 =	sor.u32 $0x10, s21;
	[tilespmem:v12+s16+$0x0] =	vst.idx.add.s32.msk vm0, v2;
	vm3 =	veq.s32 v4, v3;
	s9 =	sor.u32 $0x4000, s24;
	v8 =	vand.u32 $0x7FF0, v8;
	v10 =	vor.u32 v1, v10  }
0x108: {  	s25 =	sor.u32 $0x30, s21;
	v4 =	vld [tilespmem:s11+$0x0];
	v7 =	vand.u32 $0x7FF, v7;
	vm4 =	veq.s32 v11, v3;
	v11 =	vand.u32 $0x7FF0, v15;
	s11 =	sor.u32 s22, s9  }
0x109: {  	s23 =	sor.u32 $0x20, s21;
	s14 =	sor.u32 s25, s9;
	vm5 =	veq.s32 v7, v3;
	v7 =	vor.u32 v1, v8;
	v5 =	vor.u32 v1, v11;
	v11 =	vld [tilespmem:s11+$0x0]  }
0x10a: {  	v9 =	vor.u32 v1, v9;
	s2 =	sor.u32 s23, s9;
	v8 =	vld [tilespmem:s14+$0x0]  }
0x10b: {  	v6 =	vand.u32 $0x7FF0, v6;
	s9 =	sor.u32 s21, s9;
	v13 =	vld [tilespmem:s2+$0x0];
	v12 =	vshrl.u32 v14, $0x14  }
0x10c: {  	v6 =	vor.u32 v1, v6;
	v15 =	vld [tilespmem:s9+$0x0];
	v14 =	vshrl.u32 v14, $0x5;
	v12 =	vand.u32 $0x7FF, v12  }
0x10d: {  	[tilespmem:v10+s16+$0x0] =	vst.idx.add.s32.msk vm3, v2;
	vm6 =	veq.s32 v12, v3;
	v12 =	vand.u32 $0x7FF0, v14;
	v14 =	vshrl.u32 v4, $0x14  }
0x10e: {  	[tilespmem:v7+s16+$0x0] =	vst.idx.add.s32.msk vm4, v2;
	v7 =	vshrl.u32 v11, $0x14;
	v11 =	vshrl.u32 v11, $0x5;
	v10 =	vor.u32 v1, v12  }
0x10f: {  	[tilespmem:v9+s16+$0x0] =	vst.idx.add.s32.msk vm1, v2;
	v12 =	vand.u32 $0x7FF, v14;
	v14 =	vshrl.u32 v8, $0x14;
	v8 =	vshrl.u32 v8, $0x5  }
0x110: {  	s2 =	sor.u32 s1, s8;
	[tilespmem:v5+s16+$0x0] =	vst.idx.add.s32.msk vm5, v2;
	v5 =	vshrl.u32 v13, $0x14;
	vm0 =	veq.s32 v12, v3;
	v12 =	vand.u32 $0x7FF, v14  }
0x111: {  	s14 =	sor.u32 s0, s8;
	v16 =	vld [tilespmem:s2+$0x0];
	v7 =	vand.u32 $0x7FF, v7;
	v8 =	vand.u32 $0x7FF0, v8;
	vm3 =	veq.s32 v12, v3  }
0x112: {  	s8 =	sor.u32 s30, s8;
	v14 =	vshrl.u32 v15, $0x14;
	v15 =	vshrl.u32 v15, $0x5;
	v12 =	vld [tilespmem:s14+$0x0];
	v8 =	vor.u32 v1, v8  }
0x113: {  	s18 =	sor.u32 $0x4180, s18;
	v11 =	vand.u32 $0x7FF0, v11;
	vm4 =	veq.s32 v7, v3;
	v7 =	vand.u32 $0x7FF0, v15;
	v15 =	vld [tilespmem:s8+$0x0]  }
0x114: {  	s11 =	sor.u32 s10, s18;
	v13 =	vshrl.u32 v13, $0x5;
	v5 =	vand.u32 $0x7FF, v5;
	v11 =	vor.u32 v1, v11;
	[tilespmem:v10+s16+$0x0] =	vst.idx.add.s32.msk vm6, v2  }
0x115: {  	v13 =	vand.u32 $0x7FF0, v13;
	s14 =	sor.u32 s31, s3;
	v10 =	vand.u32 $0x7FF, v14;
	vm6 =	veq.s32 v5, v3;
	v14 =	vld [tilespmem:s11+$0x0]  }
0x116: {  	v4 =	vshrl.u32 v4, $0x5;
	s2 =	sor.u32 $0x4080, s24;
	v17 =	vld [tilespmem:s14+$0x0];
	v5 =	vor.u32 v1, v7;
	v7 =	vor.u32 v1, v13  }
0x117: {  	s9 =	sor.u32 s25, s2;
	v13 =	vshrl.u32 v16, $0x5;
	v16 =	vshrl.u32 v16, $0x14;
	vm5 =	veq.s32 v10, v3;
	[tilespmem:v8+s16+$0x0] =	vst.idx.add.s32.msk vm3, v2  }
0x118: {  	v4 =	vand.u32 $0x7FF0, v4;
	v16 =	vand.u32 $0x7FF, v16;
	v9 =	vshrl.u32 v15, $0x14;
	v10 =	vld [tilespmem:s9+$0x0]  }
0x119: {  	s3 =	sor.u32 s29, s3;
	[tilespmem:v11+s16+$0x0] =	vst.idx.add.s32.msk vm4, v2;
	v15 =	vshrl.u32 v15, $0x5;
	v8 =	vshrl.u32 v12, $0x14;
	v12 =	vshrl.u32 v12, $0x5  }
0x11a: {  	v11 =	vld [tilespmem:s3+$0x0];
	v8 =	vand.u32 $0x7FF, v8;
	v18 =	vshrl.u32 v14, $0x14;
	v14 =	vshrl.u32 v14, $0x5  }
0x11b: {  	s10 =	sor.u32 s22, s2;
	[tilespmem:v7+s16+$0x0] =	vst.idx.add.s32.msk vm6, v2;
	v7 =	vand.u32 $0x7FF, v9;
	v9 =	vand.u32 $0x7FF0, v12;
	v12 =	vand.u32 $0x7FF0, v15  }
0x11c: {  	v15 =	vld [tilespmem:s10+$0x0];
	vm6 =	veq.s32 v8, v3;
	v18 =	vand.u32 $0x7FF, v18;
	v14 =	vand.u32 $0x7FF0, v14  }
0x11d: {  	[tilespmem:v5+s16+$0x0] =	vst.idx.add.s32.msk vm5, v2;
	vm5 =	veq.s32 v16, v3;
	vm1 =	veq.s32 v7, v3;
	v5 =	vshrl.u32 v10, $0x14  }
0x11e: {  	s11 =	sor.u32 s23, s2;
	vm3 =	veq.s32 v18, v3;
	v10 =	vshrl.u32 v10, $0x5;
	v5 =	vand.u32 $0x7FF, v5  }
0x11f: {  	s14 =	sor.u32 s21, s2;
	v19 =	vld [tilespmem:s11+$0x0];
	v18 =	vor.u32 v1, v14;
	vm4 =	veq.s32 v5, v3;
	v5 =	vand.u32 $0x7FF0, v10  }
0x120: {  	v7 =	vshrl.u32 v17, $0x14;
	v14 =	vand.u32 $0x7FF0, v13;
	v16 =	vld [tilespmem:s14+$0x0];
	v20 =	vor.u32 v1, v5  }
0x121: {  	v13 =	vor.u32 v1, v9;
	v8 =	vand.u32 $0x7FF, v7;
	v9 =	vor.u32 v1, v14  }
0x122: {  	[tilespmem:v6+s16+$0x0] =	vst.idx.add.s32.msk vm2, v2;
	v10 =	vshrl.u32 v11, $0x5;
	v14 =	vshrl.u32 v15, $0x5;
	v6 =	vshrl.u32 v15, $0x14  }
0x123: {  	s5 =	sor.u32 $0x4100, s24;
	v5 =	vor.u32 v1, v12;
	v12 =	vshrl.u32 v11, $0x14;
	v11 =	vshrl.u32 v17, $0x5  }
0x124: {  	s0 =	sor.u32 s0, s18;
	s31 =	sor.u32 s1, s18;
	s29 =	sor.u32 s30, s18;
	v7 =	vand.u32 $0x7FF, v6;
	v15 =	vshrl.u32 v19, $0x5;
	[tilespmem:v18+s16+$0x0] =	vst.idx.add.s32.msk vm3, v2;
	v18 =	vshrl.u32 v19, $0x14  }
0x125: {  	s1 =	sor.u32 s23, s5;
	s8 =	sor.u32 s25, s5;
	s3 =	sor.u32 s22, s5;
	v6 =	vshrl.u32 v16, $0x5;
	v17 =	vshrl.u32 v16, $0x14;
	v16 =	vand.u32 $0x7FF, v18;
	[tilespmem:v20+s16+$0x0] =	vst.idx.add.s32.msk vm4, v2  }
.LBB2_7:
0x126: {  	v17 =	vand.u32 $0x7FF, v17  }
0x127: {  	s26 =	sadd.s32 $0x40, s26;
	s10 =	sor.u32 s21, s5;
	v14 =	vand.u32 $0x7FF0, v14;
	v15 =	vand.u32 $0x7FF0, v15;
	v18 =	vld [tilespmem:s8+$0x0];
	s28 =	sadd.s32 $0x100, s28;
	vm2 =	vmmov vm0  }
0x128: {  	v6 =	vand.u32 $0x7FF0, v6;
	vm7 =	veq.s32 v7, v3;
	vm0 =	veq.s32 v16, v3;
	s18 =	sand.u32 $0x40, s26;
	s5 =	sand.u32 $0x3E00, s28;
	p0 =	slt.u32 s26, $0xFC0;
	[tilespmem:v13+s16+$0x0] =	vst.idx.add.s32.msk vm6, v2  }
0x129: {  	vm6 =	veq.s32 v17, v3;
	v13 =	vor.u32 v1, v14;
	v14 =	vor.u32 v1, v15;
	s11 =	sor.u32 $0x4000, s5;
	s8 =	sor.u32 $0x10, s18;
	s30 =	sor.u32 $0x30, s18;
	v15 =	vld [tilespmem:s0+$0x0]  }
0x12a: {  	v7 =	vand.u32 $0x7FF0, v11;
	v16 =	vor.u32 v1, v6;
	v6 =	vand.u32 $0x7FF, v12;
	s9 =	sor.u32 $0x20, s18;
	s0 =	sor.u32 s8, s11;
	s2 =	sor.u32 s30, s11;
	[tilespmem:v9+s16+$0x0] =	vst.idx.add.s32.msk vm5, v2  }
0x12b: {  	vm4 =	veq.s32 v8, v3;
	vm3 =	veq.s32 v6, v3;
	v6 =	vand.u32 $0x7FF0, v10;
	s14 =	sor.u32 s18, s11;
	s11 =	sor.u32 s9, s11;
	v9 =	vld [tilespmem:s2+$0x0]  }
0x12c: {  	v8 =	vor.u32 v1, v4;
	v7 =	vor.u32 v1, v7;
	v10 =	vld [tilespmem:s0+$0x0];
	v11 =	vshrl.u32 v18, $0x14  }
0x12d: {  	v6 =	vor.u32 v1, v6;
	v4 =	vshrl.u32 v18, $0x5;
	v12 =	vld [tilespmem:s11+$0x0];
	v11 =	vand.u32 $0x7FF, v11  }
0x12e: {  	v4 =	vand.u32 $0x7FF0, v4;
	v17 =	vld [tilespmem:s14+$0x0];
	vm8 =	veq.s32 v11, v3;
	v11 =	vshrl.u32 v15, $0x14  }
0x12f: {  	[tilespmem:v13+s16+$0x0] =	vst.idx.add.s32.msk vm7, v2;
	v13 =	vor.u32 v1, v4;
	v4 =	vshrl.u32 v15, $0x5;
	v11 =	vand.u32 $0x7FF, v11  }
0x130: {  	v15 =	vshrl.u32 v9, $0x14;
	[tilespmem:v14+s16+$0x0] =	vst.idx.add.s32.msk vm0, v2;
	vm0 =	veq.s32 v11, v3;
	v4 =	vand.u32 $0x7FF0, v4  }
0x131: {  	v9 =	vshrl.u32 v9, $0x5;
	v11 =	vshrl.u32 v10, $0x14;
	v14 =	vand.u32 $0x7FF, v15;
	[tilespmem:v16+s16+$0x0] =	vst.idx.add.s32.msk vm6, v2  }
0x132: {  	v9 =	vand.u32 $0x7FF0, v9;
	v15 =	vshrl.u32 v12, $0x14;
	vm5 =	veq.s32 v14, v3;
	v14 =	vld [tilespmem:s3+$0x0]  }
0x133: {  	s2 =	sor.u32 $0x4180, s24;
	s24 =	smov.u32 s5;
	v10 =	vshrl.u32 v10, $0x5;
	v9 =	vor.u32 v1, v9;
	v16 =	vshrl.u32 v17, $0x14;
	v18 =	vld [tilespmem:s1+$0x0]  }
0x134: {  	s0 =	sor.u32 s22, s2;
	v11 =	vand.u32 $0x7FF, v11;
	v12 =	vshrl.u32 v12, $0x5;
	s3 =	sor.u32 s25, s2;
	v17 =	vshrl.u32 v17, $0x5;
	s1 =	sor.u32 s23, s2;
	[tilespmem:v13+s16+$0x0] =	vst.idx.add.s32.msk vm8, v2  }
0x135: {  	s22 =	smov.u32 s8;
	v10 =	vand.u32 $0x7FF0, v10;
	v15 =	vand.u32 $0x7FF, v15;
	s2 =	sor.u32 s21, s2;
	s21 =	smov.u32 s18;
	v13 =	vand.u32 $0x7FF, v16;
	v16 =	vld [tilespmem:s3+$0x0]  }
0x136: {  	s25 =	smov.u32 s30;
	vm7 =	veq.s32 v11, v3;
	v11 =	vand.u32 $0x7FF0, v12;
	s23 =	smov.u32 s9;
	v17 =	vand.u32 $0x7FF0, v17;
	v12 =	vld [tilespmem:s10+$0x0]  }
0x137: {  	v10 =	vor.u32 v1, v10;
	vm8 =	veq.s32 v15, v3;
	vm6 =	veq.s32 v13, v3;
	s3 =	sor.u32 $0x4080, s24;
	v15 =	vld [tilespmem:s31+$0x0];
	s31 =	smov.u32 s1  }
0x138: {  	v11 =	vor.u32 v1, v11;
	v13 =	vor.u32 v1, v17;
	s5 =	sor.u32 s23, s3;
	s8 =	sor.u32 s25, s3;
	s1 =	sor.u32 s22, s3;
	[tilespmem:v9+s16+$0x0] =	vst.idx.add.s32.msk vm5, v2;
	v9 =	vshrl.u32 v14, $0x14  }
0x139: {  	s3 =	sor.u32 s21, s3;
	v14 =	vshrl.u32 v14, $0x5;
	v19 =	vshrl.u32 v18, $0x5;
	v18 =	vshrl.u32 v18, $0x14;
	v17 =	vld [tilespmem:s8+$0x0]  }
0x13a: {  	v9 =	vand.u32 $0x7FF, v9;
	v18 =	vand.u32 $0x7FF, v18;
	v20 =	vshrl.u32 v16, $0x14;
	[tilespmem:v5+s16+$0x0] =	vst.idx.add.s32.msk vm1, v2  }
0x13b: {  	v16 =	vshrl.u32 v16, $0x5;
	v5 =	vshrl.u32 v12, $0x14;
	v20 =	vand.u32 $0x7FF, v20;
	v21 =	vld [tilespmem:s29+$0x0];
	s29 =	smov.u32 s2  }
0x13c: {  	[tilespmem:v10+s16+$0x0] =	vst.idx.add.s32.msk vm7, v2;
	v10 =	vshrl.u32 v12, $0x5;
	vm9 =	veq.s32 v20, v3;
	v12 =	vand.u32 $0x7FF0, v16  }
0x13d: {  	v5 =	vand.u32 $0x7FF, v5;
	[tilespmem:v11+s16+$0x0] =	vst.idx.add.s32.msk vm8, v2;
	v11 =	vand.u32 $0x7FF0, v14;
	v12 =	vor.u32 v1, v12  }
0x13e: {  	v10 =	vand.u32 $0x7FF0, v10;
	v14 =	vand.u32 $0x7FF0, v19;
	[tilespmem:v13+s16+$0x0] =	vst.idx.add.s32.msk vm6, v2;
	v13 =	vshrl.u32 v17, $0x14  }
0x13f: {  	v17 =	vshrl.u32 v17, $0x5;
	vm6 =	veq.s32 v9, v3;
	v16 =	vld [tilespmem:s1+$0x0];
	v13 =	vand.u32 $0x7FF, v13  }
0x140: {  	vm5 =	veq.s32 v18, v3;
	v9 =	vand.u32 $0x7FF0, v17;
	v19 =	vld [tilespmem:s5+$0x0];
	vm7 =	veq.s32 v13, v3  }
0x141: {  	vm1 =	veq.s32 v5, v3;
	v18 =	vor.u32 v1, v9;
	v13 =	vor.u32 v1, v11;
	v17 =	vld [tilespmem:s3+$0x0]  }
.Ltmp2:
0x142: {  	v20 =	vshrl.u32 v15, $0x14;
	v5 =	vor.u32 v1, v10;
	v9 =	vor.u32 v1, v14;
	[tilespmem:v12+s16+$0x0] =	vst.idx.add.s32.msk vm9, v2;
	(pc) =	sbr.rel @p0 .LBB2_7-.Ltmp2, $4  }
0x143: {  	v10 =	vshrl.u32 v21, $0x5;
	v11 =	vshrl.u32 v15, $0x5;
	v12 =	vshrl.u32 v21, $0x14;
	[tilespmem:v8+s16+$0x0] =	vst.idx.add.s32.msk vm2, v2  }
0x144: {  	v8 =	vand.u32 $0x7FF, v20;
	v14 =	vshrl.u32 v16, $0x5;
	v15 =	vshrl.u32 v16, $0x14;
	[tilespmem:v7+s16+$0x0] =	vst.idx.add.s32.msk vm4, v2  }
0x145: {  	s5 =	sor.u32 $0x4100, s24;
	v7 =	vand.u32 $0x7FF, v15;
	v15 =	vshrl.u32 v19, $0x5;
	v16 =	vshrl.u32 v19, $0x14;
	[tilespmem:v6+s16+$0x0] =	vst.idx.add.s32.msk vm3, v2  }
0x146: {  	s3 =	sor.u32 s22, s5;
	s1 =	sor.u32 s23, s5;
	s8 =	sor.u32 s25, s5;
	v6 =	vshrl.u32 v17, $0x5;
	v17 =	vshrl.u32 v17, $0x14;
	v16 =	vand.u32 $0x7FF, v16;
	[tilespmem:v18+s16+$0x0] =	vst.idx.add.s32.msk vm7, v2  }
0x147: {  	_ = 	snop  }
0x148: {  	v14 =	vand.u32 $0x7FF0, v14;
	vm2 =	veq.s32 v7, v3  }
0x149: {  	v15 =	vand.u32 $0x7FF0, v15;
	vm3 =	veq.s32 v16, v3;
	v14 =	vor.u32 v1, v14  }
0x14a: {  	v28 =	vld [tilespmem:s8+$0x0];
	v15 =	vor.u32 v1, v15;
	_ =	sdelay $0x1  }
0x14b: {  	v29 =	vand.u32 $0x7FF, v17;
	[tilespmem:v13+s16+$0x0] =	vst.idx.add.s32.msk vm6, v2  }
0x14c: {  	v6 =	vand.u32 $0x7FF0, v6;
	[tilespmem:v9+s16+$0x0] =	vst.idx.add.s32.msk vm5, v2;
	vm4 =	veq.s32 v29, v3  }
0x14d: {  	v6 =	vor.u32 v1, v6;
	[tilespmem:v14+s16+$0x0] =	vst.idx.add.s32.msk vm2, v2  }
0x14e: {  	v30 =	vshrl.u32 v28, $0x14;
	[tilespmem:v15+s16+$0x0] =	vst.idx.add.s32.msk vm3, v2  }
0x14f: {  	v7 =	vshrl.u32 v28, $0x5;
	v13 =	vand.u32 $0x7FF, v30;
	v14 =	vld [tilespmem:s3+$0x0]  }
0x150: {  	v7 =	vand.u32 $0x7FF0, v7;
	vm11 =	veq.s32 v13, v3;
	v31 =	vld [tilespmem:s1+$0x0]  }
0x151: {  	[tilespmem:v5+s16+$0x0] =	vst.idx.add.s32.msk vm1, v2;
	v7 =	vor.u32 v1, v7  }
0x152: {  	s18 =	sor.u32 s21, s5;
	[tilespmem:v6+s16+$0x0] =	vst.idx.add.s32.msk vm4, v2  }
0x153: {  	v12 =	vand.u32 $0x7FF, v12;
	v32 =	vand.u32 $0x7FF0, v11;
	v10 =	vand.u32 $0x7FF0, v10;
	v33 =	vld [tilespmem:s18+$0x0]  }
0x154: {  	v34 =	vld [tilespmem:s0+$0x0];
	vm3 =	veq.s32 v8, v3;
	v35 =	vshrl.u32 v14, $0x14;
	v36 =	vshrl.u32 v14, $0x5  }
0x155: {  	v39 =	vld [tilespmem:s31+$0x0];
	v37 =	vshrl.u32 v31, $0x14;
	v13 =	vshrl.u32 v31, $0x5;
	v8 =	vand.u32 $0x7FF, v35  }
0x156: {  	[tilespmem:v7+s16+$0x0] =	vst.idx.add.s32.msk vm11, v2;
	v9 =	vand.u32 $0x7FF0, v36;
	v7 =	vand.u32 $0x7FF, v37;
	vm12 =	veq.s32 v8, v3  }
0x157: {  	v43 =	vld [tilespmem:s29+$0x0];
	v13 =	vand.u32 $0x7FF0, v13;
	v9 =	vor.u32 v1, v9;
	vm13 =	veq.s32 v7, v3  }
0x158: {  	v4 =	vor.u32 v1, v4;
	v40 =	vshrl.u32 v33, $0x14;
	v42 =	vor.u32 v1, v13  }
0x159: {  	s26 =	sor.u32 $0x4180, s24;
	v44 =	vor.u32 v1, v10;
	v5 =	vshrl.u32 v33, $0x5;
	v41 =	vand.u32 $0x7FF, v40  }
0x15a: {  	s28 =	sor.u32 s25, s26;
	vm2 =	vmmov vm0;
	v5 =	vand.u32 $0x7FF0, v5;
	vm14 =	veq.s32 v41, v3  }
0x15b: {  	vm0 =	veq.s32 v12, v3;
	v45 =	vshrl.u32 v34, $0x14;
	v38 =	vld [tilespmem:s28+$0x0];
	v5 =	vor.u32 v1, v5  }
0x15c: {  	v12 =	vshrl.u32 v34, $0x5;
	v49 =	vshrl.u32 v39, $0x14;
	v50 =	vshrl.u32 v43, $0x5;
	[tilespmem:v9+s16+$0x0] =	vst.idx.add.s32.msk vm12, v2  }
0x15d: {  	s30 =	sor.u32 s22, s26;
	v6 =	vor.u32 v1, v32;
	v10 =	vand.u32 $0x7FF, v45;
	v12 =	vand.u32 $0x7FF0, v12;
	[tilespmem:v42+s16+$0x0] =	vst.idx.add.s32.msk vm13, v2  }
0x15e: {  	s31 =	sor.u32 s23, s26;
	vm15 =	veq.s32 v10, v3;
	v54 =	vor.u32 v1, v12;
	v14 =	vshrl.u32 v39, $0x5;
	v48 =	vld [tilespmem:s30+$0x0]  }
0x15f: {  	vm10 =	vmmov vm15;
	v52 =	vand.u32 $0x7FF0, v14;
	v13 =	vshrl.u32 v43, $0x14;
	v51 =	vld [tilespmem:s31+$0x0]  }
0x160: {  	s0 =	sor.u32 s21, s26;
	v55 =	vor.u32 v1, v52;
	v46 =	vshrl.u32 v38, $0x14;
	v8 =	vshrl.u32 v38, $0x5;
	[tilespmem:v5+s16+$0x0] =	vst.idx.add.s32.msk vm14, v2  }
0x161: {  	v47 =	vand.u32 $0x7FF, v46;
	v8 =	vand.u32 $0x7FF0, v8;
	v9 =	vand.u32 $0x7FF, v49;
	v53 =	vld [tilespmem:s0+$0x0]  }
0x162: {  	vm9 =	veq.s32 v47, v3;
	v8 =	vor.u32 v1, v8;
	v5 =	vand.u32 $0x7FF, v13  }
0x163: {  	vm12 =	veq.s32 v9, v3;
	vm11 =	veq.s32 v5, v3;
	v5 =	vand.u32 $0x7FF0, v50  }
0x164: {  	v5 =	vor.u32 v1, v5;
	v56 =	vshrl.u32 v48, $0x14;
	v10 =	vshrl.u32 v48, $0x5  }
0x165: {  	v57 =	vshrl.u32 v51, $0x14;
	v60 =	vshrl.u32 v51, $0x5;
	v12 =	vand.u32 $0x7FF, v56  }
0x166: {  	[tilespmem:v4+s16+$0x0] =	vst.idx.add.s32.msk vm2, v2;
	v10 =	vand.u32 $0x7FF0, v10;
	v58 =	vshrl.u32 v53, $0x5;
	v59 =	vshrl.u32 v53, $0x14  }
0x167: {  	[tilespmem:v6+s16+$0x0] =	vst.idx.add.s32.msk vm3, v2;
	v4 =	vand.u32 $0x7FF, v57;
	v62 =	vand.u32 $0x7FF0, v60;
	vm7 =	veq.s32 v12, v3  }
0x168: {  	[tilespmem:v44+s16+$0x0] =	vst.idx.add.s32.msk vm0, v2;
	v61 =	vand.u32 $0x7FF, v59;
	vm14 =	veq.s32 v4, v3;
	v4 =	vor.u32 v1, v10  }
0x169: {  	s20 =	sadd.s32 $0x1, s20;
	[tilespmem:v54+s16+$0x0] =	vst.idx.add.s32.msk vm10, v2;
	v63 =	vand.u32 $0x7FF0, v58;
	v6 =	vor.u32 v1, v62;
	vm15 =	veq.s32 v61, v3  }
0x16a: {  	p0 =	sne.s32 s20, $0x10;
	[tilespmem:v8+s16+$0x0] =	vst.idx.add.s32.msk vm9, v2;
	v7 =	vor.u32 v1, v63  }
.Ltmp3:
0x16b: {  	[tilespmem:v55+s16+$0x0] =	vst.idx.add.s32.msk vm12, v2;
	(pc) =	sbr.rel @p0 .LBB2_4-.Ltmp3, $4  }
0x16c: {  	[tilespmem:v5+s16+$0x0] =	vst.idx.add.s32.msk vm11, v2  }
0x16d: {  	[tilespmem:v4+s16+$0x0] =	vst.idx.add.s32.msk vm7, v2  }
0x16e: {  	[tilespmem:v6+s16+$0x0] =	vst.idx.add.s32.msk vm14, v2  }
0x16f: {  	vm13 =	vmmov vm7;
	[tilespmem:v7+s16+$0x0] =	vst.idx.add.s32.msk vm15, v2  }
0x170: {  	s0 =	rddreg [dreg:$0x7];
	s1 =	simm.s32 $0x80;
	s2 =	simm.s32 $0x3  }
0x171: {  	[hbm4b:s0+s1] =	stream.strided.scatter [tilespmem:s16], [sflag:$0x3], $0x8000, s13, s1, $0x38;
	[tilespmem:$0x10080] =	vst v63  }
0x172: {  	_ =	swait.ge [sflag:s2], $0x8000  }
0x173: {  	s8 =	rddreg [dreg:$0x4]  }
0x174: {  	s31 =	rddreg [dreg:$0x8];
	s8 =	sadd.s32 $0x1, s8  }
0x175: {  	p0 =	sne.s32 s8, s31  }
.Ltmp4:
0x176: {  	_ = 	snop;
	(pc) =	sbr.rel @p0 .LBB2_1-.Ltmp4, $3  }
0x177: {  	_ =	sdelay $0x1  }
0x178: {  	[sflag:s2] =	ssyncset.done $0x0  }
0x179: {  	[sflag:s2] =	ssyncadd.s32 $0xFFFF8000  }
0x17a: {  	_ =	sfence.sel $0x180000  }
0x17b: {  	[bflag:$0x0] =	sbarrier.arrive $0xFFFF  }
0x17c: {  	_ =	strace $0x9000004A  }
0x17d: {  	s0 =	stileid.u32;
	[bflag:$0x2] =	sbarrier.arrive $0xFFFF  }
0x17e: {  	p0 =	sne.s32 s0, $0x0;
	s0 =	rddreg [dreg:$0x3]  }
0x17f: {  	s0 =	sadd.s32 @!p0 $0x100000, s0  }
0x180: {  	[sflag:s0] =	ssyncadd.tile.s32 @!p0 $0x1;
	_ =	shalt  }
.Lfunc_end2:
_tile_overlayer_lowered:
.L_overlay_start_2:
0x181: {  	(tag) =	ssettag $0x2  }
0x182: {  	s0 =	rddreg [dreg:$0x0];
	s2 =	stileid.u32  }
0x183: {  	s1 =	rddreg [dreg:$0x1];
	p0 =	sne.s32 s2, $0x0  }
0x184: {  	s3 =	rddreg [dreg:$0x2];
	[bflag:$0x3] =	sbarrier.arrive $0xFFFF;
	s2 =	simm.s32 @!p0 $0x1C03  }
0x185: {  	[timem:s3], [sflag:s2] =	dma.local @!p0 [hbm:s0], s1  }
0x186: {  	s0 =	simm.s32 @!p0 $0x3  }
0x187: {  	_ =	swait.ge @!p0 [sflag:s0], s1  }
0x188: {  	s1 =	ssub.s32 @!p0 $0x0, s1;
	[sflag:s0] =	ssyncset.done @!p0 $0x0  }
0x189: {  	[sflag:s0] =	ssyncadd.s32 @!p0 s1  }
0x18a: {  	[bflag:$0x3] =	sbarrier.arrive $0xFFFF  }
0x18b: {  	_ =	shalt  }

// kernel: kernel.15.cloned.1.call-start
scs
__scs_entry_jumppad:
0x0: {  	(pc) =	sbr.rel $0x88, $3  }
0x1: {  	(tag) =	ssettag $0x0;
	lr =	simm.s32 $0x1  }
0x2: {  	[smem:$0x3F9F] =	sst lr;
	_ =	strace $0xD0000000  }
0x3: {  	_ = 	snop  }
0x4: {  	_ = 	snop  }
0x5: {  	_ = 	snop  }
0x6: {  	_ = 	snop  }
0x7: {  	_ = 	snop  }
__scs_overlays_trampoline_lowered:
0x8: {  	[smem:$0x3FAE] =	sst s0  }
0x9: {  	[smem:$0x3FAF] =	sst s1  }
0xa: {  	[smem:$0x3FB0] =	sst s2  }
0xb: {  	[smem:$0x3FB1] =	sst s3  }
0xc: {  	[smem:$0x3FB2] =	sst s4  }
0xd: {  	[smem:$0x3FB3] =	sst s5  }
0xe: {  	[smem:$0x3FB4] =	sst s6  }
0xf: {  	[smem:$0x3FB5] =	sst s7  }
0x10: {  	[smem:$0x3FB6] =	sst s8  }
0x11: {  	[smem:$0x3FB7] =	sst s9;
	s0 =	simm.s32 @!p0 $0x0  }
0x12: {  	s1 =	sld [smem:$0x3F9D];
	s0 =	simm.s32 @p0 $0x1  }
0x13: {  	[smem:$0x3FB8] =	sst s0;
	s0 =	simm.s32 @!p1 $0x0  }
0x14: {  	s2 =	sld [smem:$0x3F9C];
	s0 =	simm.s32 @p1 $0x1  }
0x15: {  	[smem:$0x3FB9] =	sst s0;
	s0 =	simm.s32 @!p2 $0x0  }
0x16: {  	s3 =	sld [smem:$0x3FDB];
	s0 =	simm.s32 @p2 $0x1  }
0x17: {  	s4 =	simm.s32 $0x1BF5;
	[smem:$0x3FBB] =	sst s0  }
0x18: {  	s0 =	sld [smem:$0x3F9E];
	_ =	swait.ge [sflag:s4], $0x0  }
0x19: {  	s7 =	sld [smem:$0x3F9F]  }
0x1a: {  	s8 =	sadd.s32 $0xFFFFE003, lr  }
0x1b: {  	s9 =	sadd.s32 $0xFFFFFEF7, lr;
	s5 =	simm.s32 $0xFFFFFFFF;
	p2 =	slt.u32 s8, $0xFFFFF086  }
0x1c: {  	p1 =	slt.u32 s9, $0xF7A;
	s5 =	simm.s32 @!p2 $0x0  }
0x1d: {  	s5 =	simm.s32 @p1 $0x1;
	p0 =	seq.s32 s7, s2  }
0x1e: {  	s7 =	smul.u32 @!p0 $0xF7A, s2;
	p2 =	seq.s32 @!p0 s5, $0x0  }
0x1f: {  	s9 =	smul.u32 $0xF7A, s1;
	s8 =	simm.s32 @!p0 $0x1BF5;
	p2 =	por !p2, p0  }
0x20: {  	[sflag:s8] =	ssyncset.s32 @!p0 $0xFFFFF086;
	s6 =	sadd.s32 @!p0 s3, s7;
	s7 =	simm.s32 @!p0 $0x108  }
0x21: {  	s3 =	sadd.s32 s3, s9;
	s6 =	sadd.s32 @!p0 $0x88, s6;
	s7 =	simm.s32 @p2 $0x1082  }
0x22: {  	[simem:s7], [sflag:s8] =	dma.local @!p0 [hbm:s6], $0xF7A  }
0x23: {  	s9 =	sor.u32 $0xD0000000, s2;
	s6 =	simm.s32 $0x108;
	_ =	swait.ge @!p0 [sflag:s8], $0x0  }
0x24: {  	s3 =	sadd.s32 $0x88, s3;
	s6 =	simm.s32 @!p1 $0x1082;
	[sflag:s4] =	ssyncset.s32 $0xFFFFF086  }
0x25: {  	[simem:s6], [sflag:s4] =	dma.local [hbm:s3], $0xF7A  }
0x26: {  	[smem:$0x3F9F] =	sst s1;
	(tag) =	ssettag s2;
	_ =	strace s9  }
0x27: {  	s1 =	sld [smem:$0x3FAF]  }
0x28: {  	s2 =	sld [smem:$0x3FB0]  }
0x29: {  	s4 =	sld [smem:$0x3FB2]  }
0x2a: {  	p0 =	seq.s32 s5, $0x0;
	s5 =	sld [smem:$0x3FB3]  }
0x2b: {  	s6 =	sld [smem:$0x3FB4]  }
0x2c: {  	s7 =	sld [smem:$0x3FB5]  }
0x2d: {  	s3 =	simm.s32 $0x108;
	s8 =	sld [smem:$0x3FB6]  }
0x2e: {  	s3 =	simm.s32 @!p0 $0x1082;
	s9 =	sld [smem:$0x3FB7]  }
0x2f: {  	lr =	sadd.s32 s0, s3;
	s0 =	sld [smem:$0x3FAE]  }
0x30: {  	s3 =	sld [smem:$0x3FB1]  }
0x31: {  	[smem:$0x3FBA] =	sst s10  }
0x32: {  	s10 =	sld [smem:$0x3FB8];
	_ =	sdelay $0x3  }
0x33: {  	p0 =	seq.s32 s10, $0x1;
	s10 =	sld [smem:$0x3FBA];
	_ =	sdelay $0x3  }
0x34: {  	[smem:$0x3FBA] =	sst s10  }
0x35: {  	s10 =	sld [smem:$0x3FB9];
	_ =	sdelay $0x3  }
0x36: {  	p1 =	seq.s32 s10, $0x1;
	s10 =	sld [smem:$0x3FBA];
	_ =	sdelay $0x3  }
0x37: {  	[smem:$0x3FBA] =	sst s10  }
0x38: {  	s10 =	sld [smem:$0x3FBB]  }
0x39: {  	_ = 	snop;
	(pc) =	sbr.ind lr, $3  }
0x3a: {  	_ = 	snop  }
0x3b: {  	_ = 	snop  }
0x3c: {  	p2 =	seq.s32 s10, $0x1;
	s10 =	sld [smem:$0x3FBA]  }
0x3d: {  	_ =	shalt  }
0x3e: {  	_ =	shalt  }
0x3f: {  	_ =	shalt  }
0x40: {  	_ =	shalt  }
0x41: {  	_ =	shalt  }
0x42: {  	_ =	shalt  }
0x43: {  	_ =	shalt  }
0x44: {  	_ =	shalt  }
0x45: {  	_ =	shalt  }
0x46: {  	_ =	shalt  }
0x47: {  	_ =	shalt  }
0x48: {  	_ =	shalt  }
0x49: {  	_ =	shalt  }
0x4a: {  	_ =	shalt  }
0x4b: {  	_ =	shalt  }
0x4c: {  	_ =	shalt  }
0x4d: {  	_ =	shalt  }
0x4e: {  	_ =	shalt  }
0x4f: {  	_ =	shalt  }
0x50: {  	_ =	shalt  }
0x51: {  	_ =	shalt  }
0x52: {  	_ =	shalt  }
0x53: {  	_ =	shalt  }
0x54: {  	_ =	shalt  }
0x55: {  	_ =	shalt  }
0x56: {  	_ =	shalt  }
0x57: {  	_ =	shalt  }
0x58: {  	_ =	shalt  }
0x59: {  	_ =	shalt  }
0x5a: {  	_ =	shalt  }
0x5b: {  	_ =	shalt  }
0x5c: {  	_ =	shalt  }
0x5d: {  	_ =	shalt  }
0x5e: {  	_ =	shalt  }
0x5f: {  	_ =	shalt  }
0x60: {  	_ =	shalt  }
0x61: {  	_ =	shalt  }
0x62: {  	_ =	shalt  }
0x63: {  	_ =	shalt  }
0x64: {  	_ =	shalt  }
0x65: {  	_ =	shalt  }
0x66: {  	_ =	shalt  }
0x67: {  	_ =	shalt  }
0x68: {  	_ =	shalt  }
0x69: {  	_ =	shalt  }
0x6a: {  	_ =	shalt  }
0x6b: {  	_ =	shalt  }
0x6c: {  	_ =	shalt  }
0x6d: {  	_ =	shalt  }
0x6e: {  	_ =	shalt  }
0x6f: {  	_ =	shalt  }
0x70: {  	_ =	shalt  }
0x71: {  	_ =	shalt  }
0x72: {  	_ =	shalt  }
0x73: {  	_ =	shalt  }
0x74: {  	_ =	shalt  }
0x75: {  	_ =	shalt  }
0x76: {  	_ =	shalt  }
0x77: {  	_ =	shalt  }
0x78: {  	_ =	shalt  }
0x79: {  	_ =	shalt  }
0x7a: {  	_ =	shalt  }
0x7b: {  	_ =	shalt  }
0x7c: {  	_ =	shalt  }
0x7d: {  	_ =	shalt  }
0x7e: {  	_ =	shalt  }
0x7f: {  	_ =	shalt  }
0x80: {  	_ =	shalt  }
0x81: {  	_ =	shalt  }
0x82: {  	_ =	shalt  }
0x83: {  	_ =	shalt  }
0x84: {  	_ =	shalt  }
0x85: {  	_ =	shalt  }
0x86: {  	_ =	shalt  }
0x87: {  	_ =	shalt  }
.Lfunc_end0:
.L_simem_size_0:
called_computation.2_lowered:
.L_overlay_start_0:
0x88: {  	s2 =	sld [smem:$0x3FD9]  }
0x89: {  	s3 =	sld [smem:$0x3FFE];
	_ =	sdelay $0x1  }
0x8a: {  	s1 =	srdreg.scid  }
0x8b: {  	s0 =	sand.u32 $0x1, s1  }
0x8c: {  	s15 =	sshll.u32 s0, $0xA;
	s2 =	sadd.s32 s3, s2  }
0x8d: {  	s2 =	sadd.s32 s2, s15  }
0x8e: {  	[smem:$0x3FC6] =	sst s2  }
0x8f: {  	_ = 	snop  }
0x90: {  	s2 =	sld [smem:$0x3FD0];
	_ =	sdelay $0x2  }
0x91: {  	s4 =	simm.s32 $0xA;
	s5 =	simm.s32 $0x10;
	s16 =	sld [smem:$0x3FC9]  }
0x92: {  	[smem:s5], [sflag:s4] =	dma.local [hbm:s2], $0x1  }
0x93: {  	_ =	swait.eq [sflag:s4], $0x1  }
0x94: {  	[sflag:s4] =	ssyncset.done $0x0  }
0x95: {  	s17 =	sld [smem:$0x10];
	[sflag:s4] =	ssyncadd.s32 $0xFFFFFFFF  }
0x96: {  	s18 =	sld [smem:$0x11];
	(tm) =	ssettm $0x1  }
0x97: {  	s19 =	sld [smem:$0x3FFB];
	_ =	sdelay $0x3  }
0x98: {  	_ =	strace s19  }
0x99: {  	s5 =	sld [smem:$0x3FFC];
	_ =	sdelay $0x3  }
0x9a: {  	_ =	strace s5  }
0x9b: {  	s5 =	sld [smem:$0x3FFD];
	_ =	sdelay $0x3  }
0x9c: {  	_ =	strace s5  }
0x9d: {  	_ =	strace $0x8FFFFFFF  }
0x9e: {  	s20 =	sld [smem:$0x3FDB];
	_ =	sdelay $0x1  }
0x9f: {  	s6 =	simm.s32 $_scs_section_size  }
0xa0: {  	s7 =	simm.s32 $_size__tile_overlayer_lowered;
	s8 =	simm.s32 $_tile_overlayer_lowered  }
0xa1: {  	s23 =	simm.s32 $0x1BFF;
	s22 =	sshll.u32 s8, $0x1;
	s5 =	sadd.s32 s6, s20  }
0xa2: {  	s9 =	simm.s32 $0x0;
	s21 =	sshll.u32 s7, $0x1;
	s7 =	sadd.s32 s22, s5  }
0xa3: {  	[timem:s9], [sflag:s23] =	dma.local [hbm:s7], s21  }
0xa4: {  	_ =	swait.ge [sflag:s23], s21  }
0xa5: {  	s6 =	ssub.s32 $0x0, s21;
	[sflag:s23] =	ssyncset.done $0x0  }
0xa6: {  	[sflag:s23] =	ssyncadd.s32 s6;
	_ =	sdelay $0x1  }
0xa7: {  	s24 =	simm.s32 $0x1B8B  }
0xa8: {  	_ =	swait.ge [sflag:s24], $0x1  }
0xa9: {  	[sflag:s24] =	ssyncset.done $0x0  }
0xaa: {  	s25 =	simm.s32 $0x1B8E;
	[sflag:s24] =	ssyncadd.s32 $0xFFFFFFFF  }
0xab: {  	s26 =	simm.s32 $execute0_lowered;
	[smem:$0x3FD2] =	sst s25  }
0xac: {  	s6 =	sshll.u32 s26, $0x1;
	_ =	strace $0x8000004C;
	[dreg:$0x1] =	wrdreg $0xFFFFFFFF  }
0xad: {  	s28 =	simm.s32 $_size_execute0_lowered;
	s5 =	sadd.s32 s5, s6;
	[dreg:$0x0] =	wrdreg $0x0  }
0xae: {  	s6 =	sshll.u32 s28, $0x1;
	[dreg:$0x2] =	wrdreg s5  }
0xaf: {  	[dreg:$0x3] =	wrdreg s6  }
0xb0: {  	[dreg:$0x4] =	wrdreg $0xC0  }
0xb1: {  	_ =	task [dreg:s9], $0x5FFFF  }
0xb2: {  	[dreg:$0x1] =	wrdreg $0xFFFFFFFF  }
0xb3: {  	[dreg:$0x0] =	wrdreg $0x60  }
0xb4: {  	[dreg:$0x2] =	wrdreg s16  }
0xb5: {  	[dreg:$0x3] =	wrdreg s18  }
0xb6: {  	[dreg:$0x4] =	wrdreg s17  }
0xb7: {  	[dreg:$0x5] =	wrdreg $0x9  }
0xb8: {  	_ =	task.clear_ibuf [dreg:s9], $0x6FFFF;
	_ =	strace $0x9000004C  }
0xb9: {  	s29 =	simm.s32 $0x9;
	_ =	strace $0x8000004E  }
0xba: {  	_ =	swait.ge [sflag:s29], $0x1  }
0xbb: {  	[sflag:s29] =	ssyncadd.s32 $0xFFFFFFFF  }
0xbc: {  	_ =	strace $0x9000004E  }
0xbd: {  	_ =	sfence  }
0xbe: {  	s30 =	sld [smem:$0x0];
	_ =	sdelay $0x2  }
0xbf: {  	s31 =	sshll.u32 s1, $0xD;
	s1 =	sshrl.u32 s1, $0x2  }
0xc0: {  	s3 =	sand.u32 $0x4000, s31;
	s1 =	sadd.s32 s1, s30  }
0xc1: {  	s0 =	sor.u32 s3, s0;
	s1 =	sshll.u32 s1, $0x11  }
0xc2: {  	s0 =	sor.u32 s1, s0  }
0xc3: {  	s0 =	sadd.s32 $0x8F2B, s0  }
0xc4: {  	[sflag:s0] =	ssyncadd.remote.s32 $0x1  }
0xc5: {  	_ =	sfence.sel $0xFFFF  }
0xc6: {  	[dreg:$0x0] =	wrdreg $0xFFFFFFFF;
	(pc) =	sbr.abs _section_cstart, $3  }
0xc7: {  	[dreg:$0x1] =	wrdreg $0xFFFFFFFF  }
0xc8: {  	_ =	task.clear_ibuf [dreg:s9], $0x2FFFF;
	_ =	strace $0x9FFFFFFF  }
0xc9: {  	(tm) =	ssettm $0x7FFFFFFF  }
tec
execute0_lowered:
.L_overlay_start_1:
0x0: {  	(tag) =	ssettag $0x1  }
0x1: {  	s0 =	rddreg [dreg:$0x0]  }
0x2: {  	s1 =	rddreg [dreg:$0x2];
	s2 =	srdreg.scid;
	s9 =	simm.s32 $0x0  }
0x3: {  	s3 =	stileid.u32;
	s12 =	simm.s32 $0x200;
	s13 =	simm.s32 $0x400  }
0x4: {  	s15 =	simm.s32 $0x1;
	s16 =	simm.s32 $0x8000;
	s17 =	simm.s32 $0x2  }
0x5: {  	s19 =	simm.s32 $0x0;
	s2 =	sand.u32 $0x1, s2;
	[smem:$0x7FF] =	sst s9  }
0x6: {  	s5 =	sshll.u32 s3, $0x1;
	s28 =	sshll.u32 s3, $0xB;
	s4 =	ssub.s32 $0x2, s2  }
0x7: {  	_ =	strace $0x8000004D;
	s2 =	sor.u32 s2, s5;
	s6 =	sshrl.u32 s4, $0x1  }
0x8: {  	s7 =	sand.u32 $0x6000, s28;
	s8 =	ssub.s32 s4, s6;
	s4 =	sshll.u32 s2, $0x10  }
0x9: {  	s1 =	sadd.s32 s1, s7;
	s2 =	sshll.u32 s2, $0x4;
	s29 =	sadd.s32 s0, s4  }
0xa: {  	s30 =	sand.u32 $0x70, s2;
	s31 =	smax.u32 s8, $0x1;
	[dreg:$0x5] =	wrdreg s29  }
0xb: {  	s6 =	sadd.s32 $0x40, s0;
	s0 =	sadd.s32 s30, s1;
	[dreg:$0x7] =	wrdreg s31  }
0xc: {  	v0 =	vimm.s32 $0x0;
	v1 =	vlaneseq.u32;
	v2 =	vimm.s32 $0x1;
	s2 =	simm.s32 $0x3;
	s7 =	sadd.s32 $0x1000, s29;
	[dreg:$0x6] =	wrdreg s0  }
.LBB2_1:
0xd: {  	s0 =	simm.s32 $0x8040  }
0xe: {  	[tilespmem:s0+$0xFFFFFFC0] =	vst v0  }
0xf: {  	[tilespmem:s0+$0x30] =	vst v0  }
0x10: {  	[tilespmem:s0+$0x20] =	vst v0  }
0x11: {  	[tilespmem:s0+$0x10] =	vst v0  }
0x12: {  	[tilespmem:s0+$0x0] =	vst v0  }
0x13: {  	[tilespmem:s0+$0xFFFFFFF0] =	vst v0  }
0x14: {  	[dreg:$0x4] =	wrdreg s9;
	s1 =	simm.s32 $0x0;
	[tilespmem:s0+$0xFFFFFFE0] =	vst v0  }
.LBB2_2:
0x15: {  	s1 =	sadd.s32 $0x8, s1;
	[tilespmem:s0+$0xFFFFFFD0] =	vst v0;
	s0 =	sadd.s32 $0x80, s0  }
0x16: {  	[tilespmem:s0+$0xFFFFFFC0] =	vst v0;
	p0 =	slt.u32 s1, $0x1F8  }
0x17: {  	[tilespmem:s0+$0x30] =	vst v0  }
.Ltmp0:
0x18: {  	[tilespmem:s0+$0x20] =	vst v0;
	(pc) =	sbr.rel @p0 .LBB2_2-.Ltmp0, $4  }
0x19: {  	[tilespmem:s0+$0x10] =	vst v0  }
0x1a: {  	[tilespmem:s0+$0x0] =	vst v0  }
0x1b: {  	[tilespmem:s0+$0xFFFFFFF0] =	vst v0  }
0x1c: {  	[tilespmem:s0+$0xFFFFFFE0] =	vst v0  }
0x1d: {  	[tilespmem:s0+$0xFFFFFFD0] =	vst v0;
	s30 =	rddreg [dreg:$0x1];
	s1 =	simm.s32 $0xA000  }
0x1e: {  	[tilespmem:s1], [sflag:$0x3] =	stream.linear.gather [hbm4b:s30+s19], $0x80, $0x38;
	[tilespmem:$0xA080] =	vst v63  }
0x1f: {  	_ =	swait.ge [sflag:s2], $0x80  }
0x20: {  	[sflag:s2] =	ssyncset.done $0x0  }
0x21: {  	[sflag:s2] =	ssyncadd.s32 $0xFFFFFF80  }
0x22: {  	v3 =	vld [tilespmem:$0xA000];
	_ =	sdelay $0x2  }
0x23: {  	s20 =	simm.s32 $0x0;
	s31 =	rddreg [dreg:$0x5]  }
0x24: {  	[tilespmem:s19], [sflag:$0x1] =	stream.strided.gather [hbm4b:s31+s12], $0x4000, s13, s12, $0x38;
	[tilespmem:$0xA080] =	vst v63  }
.LBB2_4:
0x25: {  	s21 =	sshll.u32 s20, $0xC  }
0x26: {  	s0 =	sor.u32 s21, s4  }
0x27: {  	s1 =	simm.s32 $0x4000;
	s0 =	sadd.s32 s0, s6  }
0x28: {  	[tilespmem:s1], [sflag:$0x2] =	stream.strided.gather [hbm4b:s0+s12], $0x4000, s13, s12, $0x38;
	[tilespmem:$0xA080] =	vst v63  }
0x29: {  	s22 =	simm.s32 $0x0;
	_ =	swait.ge [sflag:s15], $0x4000  }
0x2a: {  	s23 =	sand.u32 $0x3E00, s19;
	s0 =	sand.u32 $0x40, s22;
	[sflag:s15] =	ssyncset.done $0x0  }
0x2b: {  	s2 =	sor.u32 s0, s23;
	[sflag:s15] =	ssyncadd.s32 $0xFFFFC000  }
0x2c: {  	v4 =	vld [tilespmem:s2+$0x10]  }
0x2d: {  	v5 =	vld [tilespmem:s2+$0x0];
	_ =	sdelay $0x2  }
0x2e: {  	v6 =	vld [tilespmem:s2+$0x20];
	_ =	sdelay $0x1  }
0x2f: {  	v7 =	vshll.u32 v4, $0x4;
	v8 =	vshrl.u32 v5, $0x9;
	v4 =	vshrl.u32 v4, $0x9  }
0x30: {  	v5 =	vshll.u32 v5, $0x4;
	v7 =	vor.u32 v1, v7;
	v8 =	vand.u32 $0x3FFFFF, v8  }
0x31: {  	v4 =	vand.u32 $0x3FFFFF, v4;
	v5 =	vor.u32 v1, v5;
	vm0 =	veq.s32 v8, v3  }
0x32: {  	vm1 =	veq.s32 v4, v3;
	v4 =	vand.u32 $0x1FFF, v5;
	v5 =	vshrl.u32 v6, $0x9  }
0x33: {  	v6 =	vshll.u32 v6, $0x4;
	v7 =	vand.u32 $0x1FFF, v7;
	v5 =	vand.u32 $0x3FFFFF, v5  }
0x34: {  	v6 =	vor.u32 v1, v6;
	vm2 =	veq.s32 v5, v3  }
0x35: {  	v5 =	vand.u32 $0x1FFF, v6  }
0x36: {  	v6 =	vld [tilespmem:s2+$0x30]  }
0x37: {  	[tilespmem:v4+s16+$0x0] =	vst.idx.add.s32.msk vm0, v2  }
0x38: {  	[tilespmem:v7+s16+$0x0] =	vst.idx.add.s32.msk vm1, v2  }
0x39: {  	v4 =	vld [tilespmem:s2+$0x90]  }
0x3a: {  	[tilespmem:v5+s16+$0x0] =	vst.idx.add.s32.msk vm2, v2  }
0x3b: {  	v5 =	vld [tilespmem:s2+$0xA0]  }
0x3c: {  	s24 =	simm.s32 $0x40;
	s25 =	simm.s32 $0x100;
	v7 =	vshrl.u32 v6, $0x9;
	v8 =	vld [tilespmem:s2+$0x80]  }
0x3d: {  	s1 =	sand.u32 $0x3E00, s25;
	s0 =	sand.u32 $0x40, s24;
	v6 =	vshll.u32 v6, $0x4;
	v7 =	vand.u32 $0x3FFFFF, v7  }
0x3e: {  	s0 =	sor.u32 s0, s1;
	v6 =	vor.u32 v1, v6;
	vm0 =	veq.s32 v7, v3;
	v9 =	vshrl.u32 v4, $0x9  }
0x3f: {  	v7 =	vld [tilespmem:s0+$0x10];
	v6 =	vand.u32 $0x1FFF, v6;
	v4 =	vshll.u32 v4, $0x4;
	v9 =	vand.u32 $0x3FFFFF, v9  }
0x40: {  	v10 =	vld [tilespmem:s0+$0x0];
	vm1 =	veq.s32 v9, v3;
	v9 =	vshll.u32 v5, $0x4;
	v5 =	vshrl.u32 v5, $0x9  }
0x41: {  	v11 =	vshrl.u32 v8, $0x9;
	v4 =	vor.u32 v1, v4;
	v5 =	vand.u32 $0x3FFFFF, v5  }
0x42: {  	v4 =	vand.u32 $0x1FFF, v4;
	v9 =	vor.u32 v1, v9;
	vm2 =	veq.s32 v5, v3  }
0x43: {  	p0 =	por $0x0, $0x0;
	s1 =	simm.s32 $0x1;
	v12 =	vld [tilespmem:s0+$0x20];
	v8 =	vshll.u32 v8, $0x4;
	v5 =	vand.u32 $0x1FFF, v9;
	v9 =	vand.u32 $0x3FFFFF, v11  }
0x44: {  	s1 =	simm.s32 @!p0 $0x0;
	v8 =	vor.u32 v1, v8;
	[tilespmem:v6+s16+$0x0] =	vst.idx.add.s32.msk vm0, v2;
	v11 =	vshll.u32 v7, $0x4;
	vm0 =	veq.s32 v9, v3  }
0x45: {  	s1 =	sshll.u32 s1, $0x6;
	v8 =	vand.u32 $0x1FFF, v8;
	v13 =	vld [tilespmem:s2+$0xB0];
	v6 =	vor.u32 v1, v11;
	v11 =	vshrl.u32 v10, $0x9  }
0x46: {  	s1 =	sadd.s32 $0x0, s1;
	v7 =	vshrl.u32 v7, $0x9;
	v9 =	vld [tilespmem:s0+$0x30];
	v10 =	vshll.u32 v10, $0x4;
	v11 =	vand.u32 $0x3FFFFF, v11  }
0x47: {  	s18 =	sadd.s32 $0x20, s1;
	[tilespmem:v4+s16+$0x0] =	vst.idx.add.s32.msk vm1, v2;
	v4 =	vand.u32 $0x3FFFFF, v7;
	vm1 =	veq.s32 v11, v3;
	v7 =	vor.u32 v1, v10  }
0x48: {  	s8 =	sor.u32 $0x100, s18;
	[tilespmem:v5+s16+$0x0] =	vst.idx.add.s32.msk vm2, v2;
	vm2 =	veq.s32 v4, v3;
	v4 =	vand.u32 $0x1FFF, v7  }
0x49: {  	v6 =	vand.u32 $0x1FFF, v6;
	v10 =	vshll.u32 v12, $0x4;
	v5 =	vshrl.u32 v12, $0x9;
	v7 =	vld [tilespmem:s8+$0x0]  }
0x4a: {  	s30 =	sor.u32 $0x100, s1;
	s2 =	sadd.s32 $0x10, s1;
	v10 =	vor.u32 v1, v10;
	v5 =	vand.u32 $0x3FFFFF, v5;
	[tilespmem:v8+s16+$0x0] =	vst.idx.add.s32.msk vm0, v2  }
0x4b: {  	s26 =	sor.u32 $0x100, s2;
	v12 =	vshll.u32 v13, $0x4;
	v8 =	vshrl.u32 v13, $0x9;
	vm4 =	veq.s32 v5, v3;
	v13 =	vld [tilespmem:s30+$0x0]  }
0x4c: {  	v11 =	vld [tilespmem:s26+$0x0];
	v12 =	vor.u32 v1, v12;
	v5 =	vand.u32 $0x1FFF, v10;
	v8 =	vand.u32 $0x3FFFFF, v8  }
0x4d: {  	v10 =	vshll.u32 v9, $0x4;
	v9 =	vshrl.u32 v9, $0x9;
	[tilespmem:v4+s16+$0x0] =	vst.idx.add.s32.msk vm1, v2;
	vm1 =	veq.s32 v8, v3  }
0x4e: {  	v4 =	vand.u32 $0x3FFFFF, v9;
	v9 =	vand.u32 $0x1FFF, v12;
	v8 =	vshrl.u32 v7, $0x9;
	[tilespmem:v6+s16+$0x0] =	vst.idx.add.s32.msk vm2, v2  }
0x4f: {  	s25 =	simm.s32 $0x200;
	s24 =	simm.s32 $0x80;
	v6 =	vor.u32 v1, v10;
	vm3 =	veq.s32 v4, v3;
	v10 =	vld [tilespmem:s0+$0x80];
	v4 =	vand.u32 $0x3FFFFF, v8  }
0x50: {  	s9 =	sand.u32 $0x3E00, s25;
	s31 =	sand.u32 $0x40, s24;
	v8 =	vld [tilespmem:s0+$0x90];
	v6 =	vand.u32 $0x1FFF, v6;
	v12 =	vshll.u32 v13, $0x4;
	vm0 =	veq.s32 v4, v3  }
0x51: {  	s26 =	sor.u32 s31, s9;
	v4 =	vshll.u32 v7, $0x4;
	[tilespmem:v5+s16+$0x0] =	vst.idx.add.s32.msk vm4, v2;
	v5 =	vshrl.u32 v11, $0x9;
	v7 =	vshrl.u32 v13, $0x9  }
0x52: {  	v16 =	vld [tilespmem:s26+$0x30];
	v4 =	vor.u32 v1, v4;
	v7 =	vand.u32 $0x3FFFFF, v7;
	v5 =	vand.u32 $0x3FFFFF, v5  }
0x53: {  	v13 =	vld [tilespmem:s0+$0xA0];
	v4 =	vand.u32 $0x1FFF, v4;
	vm2 =	veq.s32 v5, v3;
	v5 =	vshll.u32 v11, $0x4  }
0x54: {  	s10 =	sadd.s32 $0x30, s1;
	v17 =	vld [tilespmem:s26+$0x20];
	vm4 =	veq.s32 v7, v3;
	v7 =	vor.u32 v1, v12;
	v5 =	vor.u32 v1, v5  }
0x55: {  	s3 =	sor.u32 $0x100, s10;
	[tilespmem:v9+s16+$0x0] =	vst.idx.add.s32.msk vm1, v2;
	v7 =	vand.u32 $0x1FFF, v7;
	v15 =	vshrl.u32 v10, $0x9;
	v10 =	vshll.u32 v10, $0x4  }
0x56: {  	v11 =	vshrl.u32 v8, $0x9;
	v8 =	vshll.u32 v8, $0x4;
	v12 =	vld [tilespmem:s3+$0x0];
	v5 =	vand.u32 $0x1FFF, v5  }
0x57: {  	v9 =	vld [tilespmem:s26+$0x10];
	v10 =	vor.u32 v1, v10;
	v11 =	vand.u32 $0x3FFFFF, v11;
	v8 =	vor.u32 v1, v8  }
0x58: {  	v10 =	vand.u32 $0x1FFF, v10;
	vm1 =	veq.s32 v11, v3;
	v11 =	vld [tilespmem:s26+$0x0];
	v14 =	vshll.u32 v13, $0x4  }
0x59: {  	[tilespmem:v6+s16+$0x0] =	vst.idx.add.s32.msk vm3, v2;
	v13 =	vshrl.u32 v13, $0x9;
	v6 =	vand.u32 $0x1FFF, v8;
	v8 =	vand.u32 $0x3FFFFF, v15  }
0x5a: {  	v15 =	vshll.u32 v16, $0x4;
	v13 =	vand.u32 $0x3FFFFF, v13;
	[tilespmem:v4+s16+$0x0] =	vst.idx.add.s32.msk vm0, v2;
	vm0 =	veq.s32 v8, v3  }
0x5b: {  	s5 =	sor.u32 $0x180, s18;
	v14 =	vor.u32 v1, v14;
	vm3 =	veq.s32 v13, v3;
	[tilespmem:v7+s16+$0x0] =	vst.idx.add.s32.msk vm4, v2;
	v8 =	vshrl.u32 v12, $0x9  }
0x5c: {  	p0 =	por !p0, !p0;
	s8 =	simm.s32 $0x1;
	v16 =	vshrl.u32 v16, $0x9;
	v4 =	vand.u32 $0x1FFF, v14;
	v14 =	vld [tilespmem:s5+$0x0];
	v8 =	vand.u32 $0x3FFFFF, v8  }
0x5d: {  	s8 =	simm.s32 @!p0 $0x0;
	v13 =	vshll.u32 v9, $0x4;
	[tilespmem:v5+s16+$0x0] =	vst.idx.add.s32.msk vm2, v2;
	vm5 =	veq.s32 v8, v3;
	v8 =	vshll.u32 v11, $0x4  }
0x5e: {  	s14 =	sor.u32 $0x180, s1;
	s8 =	sshll.u32 s8, $0x6;
	v5 =	vshrl.u32 v9, $0x9;
	v9 =	vand.u32 $0x3FFFFF, v16;
	[tilespmem:v6+s16+$0x0] =	vst.idx.add.s32.msk vm1, v2;
	v6 =	vor.u32 v1, v8  }
0x5f: {  	s23 =	sadd.s32 $0x100, s8;
	v8 =	vshll.u32 v17, $0x4;
	v16 =	vand.u32 $0x1FFF, v6;
	v6 =	vshrl.u32 v17, $0x9;
	v17 =	vld [tilespmem:s14+$0x0]  }
0x60: {  	s29 =	sadd.s32 $0x20, s23;
	v15 =	vor.u32 v1, v15;
	[tilespmem:v10+s16+$0x0] =	vst.idx.add.s32.msk vm0, v2  }
0x61: {  	s9 =	sor.u32 $0x100, s29;
	v15 =	vand.u32 $0x1FFF, v15;
	v12 =	vshll.u32 v12, $0x4;
	[tilespmem:v4+s16+$0x0] =	vst.idx.add.s32.msk vm3, v2  }
0x62: {  	s22 =	sadd.s32 $0x10, s23;
	vm6 =	veq.s32 v9, v3;
	v4 =	vand.u32 $0x3FFFFF, v5;
	v5 =	vor.u32 v1, v12;
	v12 =	vld [tilespmem:s9+$0x0]  }
0x63: {  	s11 =	sor.u32 $0x100, s22;
	v7 =	vor.u32 v1, v13;
	v13 =	vshrl.u32 v11, $0x9;
	vm4 =	veq.s32 v4, v3;
	v4 =	vld [tilespmem:s0+$0xB0]  }
0x64: {  	s30 =	sor.u32 $0x100, s23;
	v13 =	vand.u32 $0x3FFFFF, v13;
	v11 =	vand.u32 $0x1FFF, v5;
	v5 =	vld [tilespmem:s11+$0x0]  }
0x65: {  	v7 =	vand.u32 $0x1FFF, v7;
	vm2 =	veq.s32 v13, v3;
	v18 =	vld [tilespmem:s30+$0x0]  }
0x66: {  	v8 =	vor.u32 v1, v8;
	v9 =	vand.u32 $0x3FFFFF, v6  }
0x67: {  	v13 =	vshrl.u32 v14, $0x9;
	v8 =	vand.u32 $0x1FFF, v8;
	vm1 =	veq.s32 v9, v3  }
0x68: {  	[tilespmem:v15+s16+$0x0] =	vst.idx.add.s32.msk vm6, v2;
	v9 =	vshrl.u32 v12, $0x9;
	v10 =	vshll.u32 v4, $0x4;
	v4 =	vshrl.u32 v4, $0x9  }
0x69: {  	[tilespmem:v11+s16+$0x0] =	vst.idx.add.s32.msk vm5, v2;
	v15 =	vshrl.u32 v5, $0x9;
	v11 =	vshll.u32 v17, $0x4;
	v9 =	vand.u32 $0x3FFFFF, v9  }
0x6a: {  	v10 =	vor.u32 v1, v10;
	v4 =	vand.u32 $0x3FFFFF, v4;
	[tilespmem:v7+s16+$0x0] =	vst.idx.add.s32.msk vm4, v2;
	v7 =	vshrl.u32 v18, $0x9  }
0x6b: {  	s31 =	sor.u32 $0x180, s10;
	[tilespmem:v16+s16+$0x0] =	vst.idx.add.s32.msk vm2, v2;
	vm2 =	veq.s32 v9, v3;
	vm3 =	veq.s32 v4, v3;
	v9 =	vand.u32 $0x1FFF, v10  }
0x6c: {  	v16 =	vld [tilespmem:s31+$0x0];
	v4 =	vshll.u32 v12, $0x4;
	v10 =	vshrl.u32 v17, $0x9;
	v12 =	vand.u32 $0x3FFFFF, v13  }
0x6d: {  	s18 =	sor.u32 $0x180, s2;
	v17 =	vshll.u32 v14, $0x4;
	v13 =	vshll.u32 v18, $0x4;
	v4 =	vor.u32 v1, v4  }
0x6e: {  	v6 =	vld [tilespmem:s18+$0x0];
	v14 =	vand.u32 $0x3FFFFF, v15;
	vm0 =	veq.s32 v12, v3;
	v12 =	vand.u32 $0x1FFF, v4  }
0x6f: {  	[tilespmem:v8+s16+$0x0] =	vst.idx.add.s32.msk vm1, v2;
	v10 =	vand.u32 $0x3FFFFF, v10;
	v8 =	vor.u32 v1, v17;
	v4 =	vand.u32 $0x3FFFFF, v7  }
0x70: {  	v7 =	vor.u32 v1, v11;
	vm1 =	veq.s32 v10, v3;
	v11 =	vld [tilespmem:s26+$0x90];
	vm4 =	veq.s32 v4, v3  }
0x71: {  	p0 =	por !p0, !p0;
	s28 =	sadd.s32 $0x30, s23;
	s0 =	simm.s32 $0x200;
	v10 =	vld [tilespmem:s26+$0x80];
	v4 =	vand.u32 $0x1FFF, v7;
	v7 =	vshll.u32 v16, $0x4;
	v15 =	vshrl.u32 v16, $0x9  }
.LBB2_5:
0x72: {  	s24 =	sadd.s32 $0x40, s24;
	v16 =	vld [tilespmem:s26+$0xA0];
	s25 =	sadd.s32 $0x100, s25;
	v13 =	vor.u32 v1, v13;
	vm5 =	veq.s32 v14, v3;
	v14 =	vand.u32 $0x3FFFFF, v15  }
0x73: {  	v5 =	vshll.u32 v5, $0x4;
	s1 =	sand.u32 $0x40, s24;
	s2 =	sand.u32 $0x3E00, s25;
	p1 =	slt.u32 s24, $0xFC0;
	[tilespmem:v12+s16+$0x0] =	vst.idx.add.s32.msk vm2, v2;
	v12 =	vshrl.u32 v6, $0x9;
	vm2 =	veq.s32 v14, v3  }
0x74: {  	v5 =	vor.u32 v1, v5;
	v6 =	vshll.u32 v6, $0x4;
	s1 =	sor.u32 s1, s2;
	[tilespmem:v9+s16+$0x0] =	vst.idx.add.s32.msk vm3, v2;
	v9 =	vand.u32 $0x3FFFFF, v12  }
0x75: {  	v13 =	vand.u32 $0x1FFF, v13;
	v12 =	vld [tilespmem:s1+$0x10];
	v14 =	vshll.u32 v11, $0x4;
	v11 =	vshrl.u32 v11, $0x9  }
0x76: {  	v5 =	vand.u32 $0x1FFF, v5;
	s2 =	sor.u32 $0x100, s28;
	v11 =	vand.u32 $0x3FFFFF, v11;
	[tilespmem:v4+s16+$0x0] =	vst.idx.add.s32.msk vm1, v2;
	vm1 =	veq.s32 v9, v3  }
0x77: {  	vm6 =	veq.s32 v11, v3;
	v4 =	vshll.u32 v16, $0x4;
	v9 =	vshrl.u32 v16, $0x9;
	v11 =	vld [tilespmem:s2+$0x0]  }
0x78: {  	v14 =	vor.u32 v1, v14;
	v16 =	vshrl.u32 v10, $0x9;
	v15 =	vld [tilespmem:s1+$0x0];
	v4 =	vor.u32 v1, v4  }
0x79: {  	v14 =	vand.u32 $0x1FFF, v14;
	v9 =	vand.u32 $0x3FFFFF, v9;
	v17 =	vld [tilespmem:s1+$0x30];
	v4 =	vand.u32 $0x1FFF, v4  }
0x7a: {  	v8 =	vand.u32 $0x1FFF, v8;
	s2 =	sor.u32 $0x180, s29;
	v16 =	vand.u32 $0x3FFFFF, v16;
	vm7 =	veq.s32 v9, v3;
	[tilespmem:v13+s16+$0x0] =	vst.idx.add.s32.msk vm4, v2  }
0x7b: {  	v6 =	vor.u32 v1, v6;
	vm3 =	veq.s32 v16, v3;
	v9 =	vshll.u32 v12, $0x4;
	v13 =	vld [tilespmem:s2+$0x0];
	s2 =	simm.s32 $0x1  }
0x7c: {  	v16 =	vand.u32 $0x1FFF, v6;
	v9 =	vor.u32 v1, v9;
	s2 =	simm.s32 @!p0 $0x0;
	[tilespmem:v5+s16+$0x0] =	vst.idx.add.s32.msk vm5, v2;
	v5 =	vshrl.u32 v11, $0x9  }
0x7d: {  	v7 =	vor.u32 v1, v7;
	v10 =	vshll.u32 v10, $0x4;
	v6 =	vshrl.u32 v15, $0x9;
	v18 =	vld [tilespmem:s1+$0x20];
	s2 =	sshll.u32 s2, $0x6  }
0x7e: {  	v7 =	vand.u32 $0x1FFF, v7;
	v19 =	vshll.u32 v17, $0x4;
	v17 =	vshrl.u32 v17, $0x9;
	s8 =	sadd.s32 s2, s0;
	[tilespmem:v14+s16+$0x0] =	vst.idx.add.s32.msk vm6, v2;
	s0 =	smov.u32 s25  }
0x7f: {  	v10 =	vor.u32 v1, v10;
	v5 =	vand.u32 $0x3FFFFF, v5;
	v14 =	vor.u32 v1, v19;
	s9 =	sadd.s32 $0x10, s8;
	s29 =	sadd.s32 $0x20, s8;
	s2 =	sadd.s32 $0x30, s8;
	[tilespmem:v8+s16+$0x0] =	vst.idx.add.s32.msk vm0, v2  }
0x80: {  	v8 =	vshrl.u32 v12, $0x9;
	v12 =	vand.u32 $0x3FFFFF, v17;
	[tilespmem:v4+s16+$0x0] =	vst.idx.add.s32.msk vm7, v2;
	s10 =	sor.u32 $0x100, s29;
	v4 =	vshll.u32 v11, $0x4  }
0x81: {  	v10 =	vand.u32 $0x1FFF, v10;
	v8 =	vand.u32 $0x3FFFFF, v8;
	v11 =	vld [tilespmem:s10+$0x0];
	v4 =	vor.u32 v1, v4  }
0x82: {  	v6 =	vand.u32 $0x3FFFFF, v6;
	vm0 =	veq.s32 v5, v3;
	vm4 =	veq.s32 v8, v3;
	v8 =	vld [tilespmem:s26+$0xB0];
	s26 =	smov.u32 s1  }
0x83: {  	v5 =	vshll.u32 v15, $0x4;
	vm7 =	veq.s32 v6, v3;
	s1 =	sor.u32 $0x100, s9;
	v4 =	vand.u32 $0x1FFF, v4;
	[tilespmem:v7+s16+$0x0] =	vst.idx.add.s32.msk vm2, v2  }
0x84: {  	v6 =	vor.u32 v1, v5;
	v15 =	vshrl.u32 v13, $0x9;
	v7 =	vshll.u32 v18, $0x4;
	v5 =	vld [tilespmem:s1+$0x0];
	s1 =	sor.u32 $0x180, s23;
	s23 =	smov.u32 s8  }
0x85: {  	vm6 =	veq.s32 v12, v3;
	v17 =	vand.u32 $0x1FFF, v6;
	v6 =	vshrl.u32 v18, $0x9;
	v12 =	vld [tilespmem:s1+$0x0];
	s1 =	sor.u32 $0x180, s22;
	s22 =	smov.u32 s9  }
0x86: {  	v18 =	vand.u32 $0x1FFF, v9;
	v9 =	vand.u32 $0x3FFFFF, v6;
	v7 =	vor.u32 v1, v7;
	v6 =	vld [tilespmem:s1+$0x0]  }
0x87: {  	v14 =	vand.u32 $0x1FFF, v14;
	vm5 =	veq.s32 v9, v3;
	v9 =	vshrl.u32 v11, $0x9;
	[tilespmem:v10+s16+$0x0] =	vst.idx.add.s32.msk vm3, v2  }
0x88: {  	v7 =	vand.u32 $0x1FFF, v7;
	s1 =	sor.u32 $0x100, s23;
	v10 =	vshll.u32 v8, $0x4;
	v8 =	vshrl.u32 v8, $0x9;
	[tilespmem:v16+s16+$0x0] =	vst.idx.add.s32.msk vm1, v2  }
0x89: {  	v9 =	vand.u32 $0x3FFFFF, v9;
	v10 =	vor.u32 v1, v10;
	v8 =	vand.u32 $0x3FFFFF, v8;
	v16 =	vld [tilespmem:s1+$0x0]  }
0x8a: {  	vm2 =	veq.s32 v9, v3;
	vm3 =	veq.s32 v8, v3;
	v9 =	vand.u32 $0x1FFF, v10;
	[tilespmem:v17+s16+$0x0] =	vst.idx.add.s32.msk vm7, v2  }
0x8b: {  	p0 =	por !p0, !p0;
	v8 =	vshll.u32 v11, $0x4;
	v11 =	vand.u32 $0x3FFFFF, v15;
	s1 =	sor.u32 $0x180, s28;
	s28 =	smov.u32 s2;
	v10 =	vshrl.u32 v12, $0x9;
	[tilespmem:v4+s16+$0x0] =	vst.idx.add.s32.msk vm0, v2  }
0x8c: {  	v4 =	vor.u32 v1, v8;
	v8 =	vand.u32 $0x3FFFFF, v10;
	vm0 =	veq.s32 v11, v3;
	v15 =	vld [tilespmem:s1+$0x0]  }
.Ltmp1:
0x8d: {  	v17 =	vshll.u32 v13, $0x4;
	v10 =	vshrl.u32 v5, $0x9;
	v11 =	vshll.u32 v12, $0x4;
	[tilespmem:v14+s16+$0x0] =	vst.idx.add.s32.msk vm6, v2;
	(pc) =	sbr.rel @p1 .LBB2_5-.Ltmp1, $4  }
0x8e: {  	v12 =	vand.u32 $0x1FFF, v4;
	[tilespmem:v18+s16+$0x0] =	vst.idx.add.s32.msk vm4, v2;
	v13 =	vshll.u32 v16, $0x4;
	v14 =	vshrl.u32 v16, $0x9  }
0x8f: {  	vm1 =	veq.s32 v8, v3;
	[tilespmem:v7+s16+$0x0] =	vst.idx.add.s32.msk vm5, v2;
	v4 =	vand.u32 $0x3FFFFF, v14;
	v7 =	vor.u32 v1, v11  }
0x90: {  	v8 =	vor.u32 v1, v17;
	v14 =	vand.u32 $0x3FFFFF, v10;
	v11 =	vld [tilespmem:s26+$0x90];
	vm4 =	veq.s32 v4, v3  }
0x91: {  	v4 =	vand.u32 $0x1FFF, v7;
	v10 =	vld [tilespmem:s26+$0x80];
	v7 =	vshll.u32 v15, $0x4;
	v15 =	vshrl.u32 v15, $0x9  }
0x92: {  	_ = 	snop  }
0x93: {  	v16 =	vld [tilespmem:s26+$0xA0];
	_ =	sdelay $0x1  }
0x94: {  	v13 =	vor.u32 v1, v13  }
0x95: {  	vm5 =	veq.s32 v14, v3;
	v14 =	vand.u32 $0x3FFFFF, v15;
	v17 =	vld [tilespmem:s26+$0xB0];
	v5 =	vshll.u32 v5, $0x4  }
0x96: {  	[tilespmem:v12+s16+$0x0] =	vst.idx.add.s32.msk vm2, v2;
	v12 =	vshrl.u32 v6, $0x9;
	v13 =	vand.u32 $0x1FFF, v13;
	v5 =	vor.u32 v1, v5  }
0x97: {  	vm2 =	veq.s32 v14, v3;
	v5 =	vand.u32 $0x1FFF, v5;
	v15 =	vshrl.u32 v16, $0x9  }
0x98: {  	v18 =	vshrl.u32 v10, $0x9;
	v16 =	vshll.u32 v16, $0x4;
	v15 =	vand.u32 $0x3FFFFF, v15  }
0x99: {  	v10 =	vshll.u32 v10, $0x4;
	v16 =	vor.u32 v1, v16;
	vm6 =	veq.s32 v15, v3  }
0x9a: {  	s1 =	simm.s32 $0x1;
	[tilespmem:v9+s16+$0x0] =	vst.idx.add.s32.msk vm3, v2;
	s2 =	sor.u32 $0x100, s28;
	v10 =	vor.u32 v1, v10;
	v15 =	vand.u32 $0x1FFF, v16;
	v16 =	vand.u32 $0x3FFFFF, v18  }
0x9b: {  	s1 =	simm.s32 @!p0 $0x0;
	v14 =	vshrl.u32 v17, $0x9;
	v9 =	vand.u32 $0x1FFF, v10;
	v10 =	vld [tilespmem:s2+$0x0];
	vm7 =	veq.s32 v16, v3  }
0x9c: {  	s8 =	sor.u32 $0x180, s29;
	v12 =	vand.u32 $0x3FFFFF, v12;
	s1 =	sshll.u32 s1, $0x6;
	[tilespmem:v13+s16+$0x0] =	vst.idx.add.s32.msk vm4, v2;
	v13 =	vshll.u32 v17, $0x4;
	v14 =	vand.u32 $0x3FFFFF, v14  }
0x9d: {  	vm3 =	veq.s32 v12, v3;
	v12 =	vld [tilespmem:s8+$0x0];
	s0 =	sadd.s32 s1, s0;
	v13 =	vor.u32 v1, v13;
	vm4 =	veq.s32 v14, v3  }
0x9e: {  	s1 =	sadd.s32 $0x20, s0;
	[tilespmem:v5+s16+$0x0] =	vst.idx.add.s32.msk vm5, v2;
	v16 =	vshrl.u32 v11, $0x9;
	v13 =	vand.u32 $0x1FFF, v13  }
0x9f: {  	s25 =	sor.u32 $0x100, s1;
	v11 =	vshll.u32 v11, $0x4;
	v14 =	vand.u32 $0x3FFFFF, v16;
	[tilespmem:v15+s16+$0x0] =	vst.idx.add.s32.msk vm6, v2  }
0xa0: {  	v11 =	vor.u32 v1, v11;
	vm6 =	veq.s32 v14, v3;
	v15 =	vld [tilespmem:s25+$0x0]  }
0xa1: {  	v6 =	vshll.u32 v6, $0x4;
	s26 =	sor.u32 $0x100, s0;
	v14 =	vshrl.u32 v10, $0x9;
	[tilespmem:v9+s16+$0x0] =	vst.idx.add.s32.msk vm7, v2;
	v9 =	vand.u32 $0x1FFF, v11  }
0xa2: {  	v7 =	vor.u32 v1, v7;
	s3 =	sadd.s32 $0x30, s0;
	v10 =	vshll.u32 v10, $0x4;
	v14 =	vand.u32 $0x3FFFFF, v14;
	v11 =	vld [tilespmem:s26+$0x0]  }
0xa3: {  	v8 =	vand.u32 $0x1FFF, v8;
	s9 =	sor.u32 $0x100, s3;
	[tilespmem:v13+s16+$0x0] =	vst.idx.add.s32.msk vm4, v2;
	v10 =	vor.u32 v1, v10;
	vm4 =	veq.s32 v14, v3  }
0xa4: {  	s30 =	sor.u32 $0x180, s23;
	v6 =	vor.u32 v1, v6;
	v7 =	vand.u32 $0x1FFF, v7;
	v10 =	vand.u32 $0x1FFF, v10;
	v14 =	vld [tilespmem:s9+$0x0]  }
0xa5: {  	v6 =	vand.u32 $0x1FFF, v6;
	s5 =	sadd.s32 $0x10, s0;
	v5 =	vshrl.u32 v12, $0x9;
	v16 =	vld [tilespmem:s30+$0x0];
	v17 =	vshrl.u32 v15, $0x9  }
0xa6: {  	s10 =	sor.u32 $0x100, s5;
	v5 =	vand.u32 $0x3FFFFF, v5;
	[tilespmem:v9+s16+$0x0] =	vst.idx.add.s32.msk vm6, v2;
	v9 =	vshll.u32 v15, $0x4;
	v13 =	vand.u32 $0x3FFFFF, v17  }
0xa7: {  	v15 =	vld [tilespmem:s10+$0x0];
	v9 =	vor.u32 v1, v9;
	vm6 =	veq.s32 v13, v3;
	v13 =	vshrl.u32 v11, $0x9  }
0xa8: {  	v11 =	vshll.u32 v11, $0x4;
	v9 =	vand.u32 $0x1FFF, v9;
	v13 =	vand.u32 $0x3FFFFF, v13  }
0xa9: {  	s14 =	sor.u32 $0x180, s28;
	v18 =	vshrl.u32 v14, $0x9;
	[tilespmem:v10+s16+$0x0] =	vst.idx.add.s32.msk vm4, v2;
	v11 =	vor.u32 v1, v11;
	vm7 =	veq.s32 v13, v3  }
0xaa: {  	s11 =	sor.u32 $0x180, s22;
	vm4 =	veq.s32 v5, v3;
	v10 =	vshll.u32 v14, $0x4;
	v14 =	vld [tilespmem:s14+$0x0];
	v11 =	vand.u32 $0x1FFF, v11  }
0xab: {  	v17 =	vld [tilespmem:s11+$0x0];
	v5 =	vand.u32 $0x3FFFFF, v18;
	v10 =	vor.u32 v1, v10;
	v13 =	vshrl.u32 v16, $0x9  }
0xac: {  	[tilespmem:v4+s16+$0x0] =	vst.idx.add.s32.msk vm1, v2;
	vm8 =	veq.s32 v5, v3;
	v13 =	vand.u32 $0x3FFFFF, v13;
	v18 =	vshrl.u32 v15, $0x9  }
0xad: {  	v15 =	vshll.u32 v15, $0x4;
	v5 =	vand.u32 $0x3FFFFF, v18;
	[tilespmem:v9+s16+$0x0] =	vst.idx.add.s32.msk vm6, v2;
	v9 =	vand.u32 $0x1FFF, v10  }
0xae: {  	vm5 =	veq.s32 v13, v3;
	vm9 =	veq.s32 v5, v3;
	v5 =	vor.u32 v1, v15  }
0xaf: {  	s1 =	sor.u32 $0x180, s1;
	v10 =	vshll.u32 v16, $0x4;
	v15 =	vshll.u32 v14, $0x4;
	v5 =	vand.u32 $0x1FFF, v5;
	[tilespmem:v11+s16+$0x0] =	vst.idx.add.s32.msk vm7, v2  }
0xb0: {  	s0 =	sor.u32 $0x180, s0;
	v14 =	vshrl.u32 v14, $0x9;
	v16 =	vshrl.u32 v17, $0x9;
	v11 =	vshll.u32 v12, $0x4;
	v12 =	vld [tilespmem:s1+$0x0]  }
0xb1: {  	v17 =	vshll.u32 v17, $0x4;
	v10 =	vor.u32 v1, v10;
	v14 =	vand.u32 $0x3FFFFF, v14;
	v13 =	vld [tilespmem:s0+$0x0]  }
0xb2: {  	s18 =	sor.u32 $0x180, s3;
	v16 =	vand.u32 $0x3FFFFF, v16;
	v10 =	vand.u32 $0x1FFF, v10;
	vm7 =	veq.s32 v14, v3;
	[tilespmem:v9+s16+$0x0] =	vst.idx.add.s32.msk vm8, v2  }
0xb3: {  	vm6 =	veq.s32 v16, v3;
	v11 =	vor.u32 v1, v11;
	v9 =	vor.u32 v1, v17;
	v14 =	vld [tilespmem:s18+$0x0]  }
0xb4: {  	s22 =	sor.u32 $0x180, s5;
	[tilespmem:v5+s16+$0x0] =	vst.idx.add.s32.msk vm9, v2;
	v5 =	vand.u32 $0x1FFF, v11;
	v9 =	vand.u32 $0x1FFF, v9;
	v11 =	vor.u32 v1, v15  }
0xb5: {  	v11 =	vand.u32 $0x1FFF, v11;
	v15 =	vshrl.u32 v12, $0x9;
	v16 =	vld [tilespmem:s22+$0x0];
	v4 =	vshll.u32 v12, $0x4  }
0xb6: {  	v17 =	vshrl.u32 v13, $0x9;
	v15 =	vand.u32 $0x3FFFFF, v15;
	v13 =	vshll.u32 v13, $0x4  }
0xb7: {  	[tilespmem:v8+s16+$0x0] =	vst.idx.add.s32.msk vm0, v2;
	v4 =	vor.u32 v1, v4;
	v17 =	vand.u32 $0x3FFFFF, v17;
	vm1 =	veq.s32 v15, v3  }
0xb8: {  	[tilespmem:v7+s16+$0x0] =	vst.idx.add.s32.msk vm2, v2;
	v12 =	vor.u32 v1, v13;
	v4 =	vand.u32 $0x1FFF, v4;
	vm0 =	veq.s32 v17, v3  }
0xb9: {  	[tilespmem:v6+s16+$0x0] =	vst.idx.add.s32.msk vm3, v2;
	v7 =	vand.u32 $0x1FFF, v12;
	v8 =	vshrl.u32 v14, $0x9;
	v12 =	vshll.u32 v14, $0x4  }
0xba: {  	[tilespmem:v10+s16+$0x0] =	vst.idx.add.s32.msk vm5, v2;
	v8 =	vand.u32 $0x3FFFFF, v8;
	v6 =	vshrl.u32 v16, $0x9;
	v10 =	vor.u32 v1, v12  }
0xbb: {  	vm2 =	veq.s32 v8, v3;
	v8 =	vshll.u32 v16, $0x4;
	v6 =	vand.u32 $0x3FFFFF, v6  }
0xbc: {  	[tilespmem:v5+s16+$0x0] =	vst.idx.add.s32.msk vm4, v2;
	vm3 =	veq.s32 v6, v3;
	v5 =	vor.u32 v1, v8;
	v6 =	vand.u32 $0x1FFF, v10  }
0xbd: {  	[tilespmem:v9+s16+$0x0] =	vst.idx.add.s32.msk vm6, v2;
	v5 =	vand.u32 $0x1FFF, v5  }
0xbe: {  	[tilespmem:v11+s16+$0x0] =	vst.idx.add.s32.msk vm7, v2  }
0xbf: {  	[tilespmem:v4+s16+$0x0] =	vst.idx.add.s32.msk vm1, v2  }
0xc0: {  	p0 =	seq.s32 s20, $0xF;
	[tilespmem:v7+s16+$0x0] =	vst.idx.add.s32.msk vm0, v2  }
0xc1: {  	s23 =	simm.s32 $0x0;
	s24 =	simm.s32 $0x0;
	s8 =	simm.s32 @!p0 $0x0;
	[tilespmem:v6+s16+$0x0] =	vst.idx.add.s32.msk vm2, v2  }
0xc2: {  	s2 =	simm.s32 @!p0 $0x400;
	s1 =	simm.s32 @!p0 $0x200;
	s0 =	sadd.s32 @!p0 s21, s7;
	[tilespmem:v5+s16+$0x0] =	vst.idx.add.s32.msk vm3, v2  }
0xc3: {  	[tilespmem:s8], [sflag:$0x1] =	stream.strided.gather @!p0 [hbm4b:s0+s1], $0x4000, s2, s1, $0x38;
	[tilespmem:$0xA080] =	vst v63  }
0xc4: {  	s29 =	sand.u32 $0x40, s24;
	s18 =	sand.u32 $0x3E00, s23;
	_ =	swait.ge [sflag:s17], $0x4000  }
0xc5: {  	s21 =	sor.u32 $0x30, s29;
	s0 =	sor.u32 $0x4000, s18;
	[sflag:s17] =	ssyncset.done $0x0  }
0xc6: {  	s25 =	sor.u32 s21, s0;
	[sflag:s17] =	ssyncadd.s32 $0xFFFFC000  }
0xc7: {  	v4 =	vld [tilespmem:s25+$0x0];
	_ =	sdelay $0x1  }
0xc8: {  	s31 =	sor.u32 $0x20, s29  }
0xc9: {  	s22 =	sor.u32 $0x10, s29;
	s30 =	sor.u32 s31, s0  }
0xca: {  	s26 =	sor.u32 s22, s0;
	s0 =	sor.u32 s29, s0;
	v6 =	vld [tilespmem:s30+$0x0]  }
0xcb: {  	v7 =	vld [tilespmem:s0+$0x0];
	v8 =	vshrl.u32 v4, $0x9  }
0xcc: {  	v5 =	vld [tilespmem:s26+$0x0];
	v4 =	vshll.u32 v4, $0x4;
	v8 =	vand.u32 $0x3FFFFF, v8  }
0xcd: {  	v4 =	vor.u32 v1, v4;
	vm0 =	veq.s32 v8, v3  }
0xce: {  	v4 =	vand.u32 $0x1FFF, v4;
	_ =	sdelay $0x1  }
0xcf: {  	v9 =	vshrl.u32 v6, $0x9;
	v10 =	vshrl.u32 v7, $0x9;
	v6 =	vshll.u32 v6, $0x4  }
0xd0: {  	v9 =	vand.u32 $0x3FFFFF, v9;
	v6 =	vor.u32 v1, v6;
	v8 =	vshrl.u32 v5, $0x9  }
0xd1: {  	s3 =	sor.u32 $0x4080, s18;
	v5 =	vshll.u32 v5, $0x4;
	vm2 =	veq.s32 v9, v3;
	v8 =	vand.u32 $0x3FFFFF, v8  }
0xd2: {  	s5 =	sor.u32 s21, s3;
	v6 =	vand.u32 $0x1FFF, v6;
	v5 =	vor.u32 v1, v5;
	vm1 =	veq.s32 v8, v3;
	[tilespmem:v4+s16+$0x0] =	vst.idx.add.s32.msk vm0, v2  }
0xd3: {  	v5 =	vand.u32 $0x1FFF, v5;
	v4 =	vshll.u32 v7, $0x4;
	v7 =	vand.u32 $0x3FFFFF, v10;
	v8 =	vld [tilespmem:s5+$0x0]  }
0xd4: {  	v4 =	vor.u32 v1, v4;
	vm0 =	veq.s32 v7, v3  }
0xd5: {  	v4 =	vand.u32 $0x1FFF, v4;
	_ =	sdelay $0x1  }
0xd6: {  	[tilespmem:v6+s16+$0x0] =	vst.idx.add.s32.msk vm2, v2  }
0xd7: {  	s8 =	sor.u32 s22, s3;
	[tilespmem:v5+s16+$0x0] =	vst.idx.add.s32.msk vm1, v2;
	v5 =	vshrl.u32 v8, $0x9  }
0xd8: {  	v6 =	vld [tilespmem:s8+$0x0];
	v7 =	vshll.u32 v8, $0x4;
	v5 =	vand.u32 $0x3FFFFF, v5  }
0xd9: {  	s9 =	sor.u32 s31, s3;
	[tilespmem:v4+s16+$0x0] =	vst.idx.add.s32.msk vm0, v2;
	v4 =	vor.u32 v1, v7;
	vm0 =	veq.s32 v5, v3  }
0xda: {  	s10 =	simm.s32 $0x40;
	s11 =	simm.s32 $0x100;
	s0 =	sor.u32 s29, s3;
	v5 =	vld [tilespmem:s9+$0x0];
	v4 =	vand.u32 $0x1FFF, v4  }
0xdb: {  	s30 =	sand.u32 $0x40, s10;
	s10 =	sand.u32 $0x3E00, s11;
	v7 =	vld [tilespmem:s0+$0x0]  }
0xdc: {  	s14 =	sor.u32 $0x4000, s10;
	s1 =	sor.u32 $0x30, s30  }
0xdd: {  	s24 =	sor.u32 s1, s14;
	v8 =	vshrl.u32 v6, $0x9  }
0xde: {  	v9 =	vld [tilespmem:s24+$0x0];
	s8 =	sor.u32 $0x4100, s18;
	v6 =	vshll.u32 v6, $0x4;
	v8 =	vand.u32 $0x3FFFFF, v8  }
0xdf: {  	s25 =	sor.u32 s21, s8;
	v6 =	vor.u32 v1, v6;
	v10 =	vshll.u32 v5, $0x4;
	v5 =	vshrl.u32 v5, $0x9;
	[tilespmem:v4+s16+$0x0] =	vst.idx.add.s32.msk vm0, v2  }
0xe0: {  	v4 =	vor.u32 v1, v10;
	v5 =	vand.u32 $0x3FFFFF, v5;
	v10 =	vshll.u32 v7, $0x4;
	v11 =	vld [tilespmem:s25+$0x0]  }
0xe1: {  	v7 =	vshrl.u32 v7, $0x9;
	vm0 =	veq.s32 v8, v3;
	v8 =	vor.u32 v1, v10  }
0xe2: {  	s0 =	sor.u32 $0x10, s30;
	v7 =	vand.u32 $0x3FFFFF, v7;
	vm1 =	veq.s32 v5, v3;
	v5 =	vand.u32 $0x1FFF, v6  }
0xe3: {  	s26 =	sor.u32 s0, s14;
	v4 =	vand.u32 $0x1FFF, v4;
	vm2 =	veq.s32 v7, v3;
	v7 =	vshrl.u32 v9, $0x9  }
0xe4: {  	s2 =	sor.u32 $0x20, s30;
	s9 =	sor.u32 s30, s14;
	v6 =	vld [tilespmem:s26+$0x0];
	v8 =	vand.u32 $0x1FFF, v8;
	v9 =	vshll.u32 v9, $0x4;
	v7 =	vand.u32 $0x3FFFFF, v7  }
0xe5: {  	s24 =	sor.u32 s2, s14;
	v13 =	vld [tilespmem:s9+$0x0];
	v9 =	vor.u32 v1, v9;
	vm3 =	veq.s32 v7, v3;
	v12 =	vshrl.u32 v11, $0x9  }
0xe6: {  	v10 =	vld [tilespmem:s24+$0x0];
	v9 =	vand.u32 $0x1FFF, v9;
	v7 =	vshll.u32 v11, $0x4;
	v11 =	vand.u32 $0x3FFFFF, v12  }
0xe7: {  	[tilespmem:v5+s16+$0x0] =	vst.idx.add.s32.msk vm0, v2;
	v7 =	vor.u32 v1, v7;
	vm4 =	veq.s32 v11, v3  }
0xe8: {  	[tilespmem:v4+s16+$0x0] =	vst.idx.add.s32.msk vm1, v2;
	v5 =	vand.u32 $0x1FFF, v7  }
0xe9: {  	s3 =	sor.u32 s22, s8;
	v4 =	vshrl.u32 v6, $0x9;
	[tilespmem:v8+s16+$0x0] =	vst.idx.add.s32.msk vm2, v2  }
0xea: {  	s5 =	sor.u32 $0x4080, s10;
	v6 =	vshll.u32 v6, $0x4;
	v8 =	vld [tilespmem:s3+$0x0];
	v4 =	vand.u32 $0x3FFFFF, v4  }
0xeb: {  	s11 =	sor.u32 s1, s5;
	v7 =	vshrl.u32 v10, $0x9;
	v6 =	vor.u32 v1, v6;
	vm0 =	veq.s32 v4, v3;
	[tilespmem:v9+s16+$0x0] =	vst.idx.add.s32.msk vm3, v2  }
0xec: {  	v7 =	vand.u32 $0x3FFFFF, v7;
	v6 =	vand.u32 $0x1FFF, v6;
	v4 =	vld [tilespmem:s11+$0x0]  }
0xed: {  	s18 =	sor.u32 $0x4180, s18;
	s14 =	sor.u32 s31, s8;
	v11 =	vshrl.u32 v13, $0x9;
	v10 =	vshll.u32 v10, $0x4;
	vm1 =	veq.s32 v7, v3;
	[tilespmem:v5+s16+$0x0] =	vst.idx.add.s32.msk vm4, v2  }
0xee: {  	s21 =	sor.u32 s21, s18;
	v7 =	vshll.u32 v13, $0x4;
	v5 =	vor.u32 v1, v10;
	v10 =	vand.u32 $0x3FFFFF, v11;
	v11 =	vld [tilespmem:s14+$0x0]  }
0xef: {  	s8 =	sor.u32 s29, s8;
	v7 =	vor.u32 v1, v7;
	v9 =	vld [tilespmem:s21+$0x0];
	v5 =	vand.u32 $0x1FFF, v5;
	vm2 =	veq.s32 v10, v3  }
0xf0: {  	v7 =	vand.u32 $0x1FFF, v7;
	v10 =	vld [tilespmem:s8+$0x0]  }
0xf1: {  	s24 =	sor.u32 s0, s5;
	v12 =	vshrl.u32 v8, $0x9;
	[tilespmem:v6+s16+$0x0] =	vst.idx.add.s32.msk vm0, v2  }
0xf2: {  	v8 =	vshll.u32 v8, $0x4;
	v12 =	vand.u32 $0x3FFFFF, v12;
	v13 =	vshrl.u32 v4, $0x9;
	v14 =	vld [tilespmem:s24+$0x0]  }
0xf3: {  	v8 =	vor.u32 v1, v8;
	v4 =	vshll.u32 v4, $0x4;
	v6 =	vand.u32 $0x3FFFFF, v13  }
0xf4: {  	v8 =	vand.u32 $0x1FFF, v8;
	v4 =	vor.u32 v1, v4;
	[tilespmem:v5+s16+$0x0] =	vst.idx.add.s32.msk vm1, v2;
	vm1 =	veq.s32 v6, v3  }
0xf5: {  	s25 =	sor.u32 s2, s5;
	v4 =	vand.u32 $0x1FFF, v4;
	v13 =	vshrl.u32 v11, $0x9;
	v5 =	vshrl.u32 v9, $0x9;
	[tilespmem:v7+s16+$0x0] =	vst.idx.add.s32.msk vm2, v2  }
0xf6: {  	v6 =	vshll.u32 v9, $0x4;
	v9 =	vshrl.u32 v10, $0x9;
	v5 =	vand.u32 $0x3FFFFF, v5;
	v7 =	vld [tilespmem:s25+$0x0]  }
0xf7: {  	s9 =	sor.u32 s30, s5;
	vm2 =	veq.s32 v12, v3;
	v12 =	vand.u32 $0x3FFFFF, v13;
	v13 =	vshrl.u32 v14, $0x9  }
0xf8: {  	vm0 =	veq.s32 v5, v3;
	v5 =	vshll.u32 v10, $0x4;
	v10 =	vshll.u32 v11, $0x4;
	v11 =	vld [tilespmem:s9+$0x0]  }
0xf9: {  	s8 =	sor.u32 $0x4100, s10;
	v13 =	vand.u32 $0x3FFFFF, v13;
	v5 =	vor.u32 v1, v5  }
0xfa: {  	s26 =	sor.u32 s1, s8;
	v9 =	vand.u32 $0x3FFFFF, v9;
	vm3 =	veq.s32 v13, v3;
	[tilespmem:v4+s16+$0x0] =	vst.idx.add.s32.msk vm1, v2;
	v4 =	vor.u32 v1, v10  }
0xfb: {  	s28 =	simm.s32 $0x200;
	v10 =	vshll.u32 v14, $0x4;
	v15 =	vshll.u32 v7, $0x4;
	v7 =	vshrl.u32 v7, $0x9;
	v14 =	vld [tilespmem:s26+$0x0];
	s26 =	simm.s32 $0x80  }
0xfc: {  	s24 =	sand.u32 $0x3E00, s28;
	vm1 =	veq.s32 v9, v3;
	v9 =	vand.u32 $0x1FFF, v5;
	v10 =	vor.u32 v1, v10;
	s21 =	sand.u32 $0x40, s26  }
0xfd: {  	s3 =	sor.u32 s22, s18;
	s5 =	sor.u32 $0x4000, s24;
	v7 =	vand.u32 $0x3FFFFF, v7;
	v16 =	vshll.u32 v11, $0x4;
	v11 =	vshrl.u32 v11, $0x9;
	[tilespmem:v8+s16+$0x0] =	vst.idx.add.s32.msk vm2, v2;
	s25 =	sor.u32 $0x30, s21  }
0xfe: {  	vm2 =	veq.s32 v12, v3;
	vm4 =	veq.s32 v7, v3;
	v7 =	vand.u32 $0x1FFF, v10;
	v10 =	vld [tilespmem:s3+$0x0];
	s22 =	sor.u32 $0x10, s21;
	s11 =	sor.u32 s25, s5  }
0xff: {  	v17 =	vand.u32 $0x1FFF, v4;
	v8 =	vand.u32 $0x3FFFFF, v11;
	s23 =	sor.u32 $0x20, s21;
	s14 =	sor.u32 s22, s5;
	v11 =	vld [tilespmem:s11+$0x0]  }
0x100: {  	v6 =	vor.u32 v1, v6;
	v15 =	vor.u32 v1, v15;
	v13 =	vor.u32 v1, v16;
	s3 =	sor.u32 s23, s5;
	v16 =	vld [tilespmem:s14+$0x0]  }
0x101: {  	v6 =	vand.u32 $0x1FFF, v6;
	vm5 =	veq.s32 v8, v3;
	v8 =	vand.u32 $0x1FFF, v15;
	v12 =	vld [tilespmem:s3+$0x0]  }
0x102: {  	v13 =	vand.u32 $0x1FFF, v13;
	v15 =	vshrl.u32 v14, $0x9;
	v14 =	vshll.u32 v14, $0x4;
	[tilespmem:v9+s16+$0x0] =	vst.idx.add.s32.msk vm1, v2  }
0x103: {  	v15 =	vand.u32 $0x3FFFFF, v15;
	v14 =	vor.u32 v1, v14;
	[tilespmem:v7+s16+$0x0] =	vst.idx.add.s32.msk vm3, v2;
	v4 =	vshll.u32 v10, $0x4  }
0x104: {  	s5 =	sor.u32 s21, s5;
	v5 =	vshrl.u32 v10, $0x9;
	[tilespmem:v17+s16+$0x0] =	vst.idx.add.s32.msk vm2, v2;
	vm6 =	veq.s32 v15, v3;
	v14 =	vand.u32 $0x1FFF, v14  }
0x105: {  	v15 =	vld [tilespmem:s5+$0x0];
	v4 =	vor.u32 v1, v4;
	v5 =	vand.u32 $0x3FFFFF, v5;
	v7 =	vshrl.u32 v11, $0x9  }
0x106: {  	s11 =	sor.u32 s2, s8;
	[tilespmem:v8+s16+$0x0] =	vst.idx.add.s32.msk vm4, v2;
	v8 =	vshrl.u32 v16, $0x9;
	v10 =	vshll.u32 v11, $0x4;
	v7 =	vand.u32 $0x3FFFFF, v7  }
0x107: {  	v18 =	vld [tilespmem:s11+$0x0];
	v11 =	vshrl.u32 v12, $0x9;
	v10 =	vor.u32 v1, v10;
	vm3 =	veq.s32 v7, v3  }
0x108: {  	s9 =	sor.u32 s0, s8;
	[tilespmem:v13+s16+$0x0] =	vst.idx.add.s32.msk vm5, v2;
	v16 =	vshll.u32 v16, $0x4;
	v12 =	vshll.u32 v12, $0x4;
	v10 =	vand.u32 $0x1FFF, v10  }
0x109: {  	s14 =	sor.u32 s30, s8;
	v8 =	vand.u32 $0x3FFFFF, v8;
	v16 =	vor.u32 v1, v16;
	v11 =	vand.u32 $0x3FFFFF, v11;
	v7 =	vld [tilespmem:s9+$0x0]  }
0x10a: {  	s10 =	sor.u32 $0x4180, s10;
	vm4 =	veq.s32 v8, v3;
	v8 =	vor.u32 v1, v12;
	v12 =	vld [tilespmem:s14+$0x0];
	vm5 =	veq.s32 v11, v3  }
0x10b: {  	s1 =	sor.u32 s1, s10;
	v13 =	vshrl.u32 v15, $0x9;
	v8 =	vand.u32 $0x1FFF, v8;
	[tilespmem:v14+s16+$0x0] =	vst.idx.add.s32.msk vm6, v2;
	v14 =	vshll.u32 v15, $0x4  }
0x10c: {  	v13 =	vand.u32 $0x3FFFFF, v13;
	v9 =	vshrl.u32 v18, $0x9;
	v18 =	vshll.u32 v18, $0x4;
	v15 =	vld [tilespmem:s1+$0x0];
	s1 =	sor.u32 $0x4080, s24  }
0x10d: {  	v14 =	vor.u32 v1, v14;
	vm2 =	veq.s32 v13, v3;
	v13 =	vand.u32 $0x1FFF, v16;
	s3 =	sor.u32 s25, s1;
	[tilespmem:v10+s16+$0x0] =	vst.idx.add.s32.msk vm3, v2  }
0x10e: {  	s8 =	sor.u32 s31, s18;
	v9 =	vand.u32 $0x3FFFFF, v9;
	v18 =	vor.u32 v1, v18;
	v11 =	vand.u32 $0x1FFF, v14;
	v14 =	vld [tilespmem:s3+$0x0]  }
0x10f: {  	v17 =	vld [tilespmem:s8+$0x0];
	v19 =	vshrl.u32 v12, $0x9;
	v12 =	vshll.u32 v12, $0x4;
	v10 =	vshrl.u32 v7, $0x9  }
0x110: {  	s14 =	sor.u32 s23, s1;
	v7 =	vshll.u32 v7, $0x4;
	[tilespmem:v8+s16+$0x0] =	vst.idx.add.s32.msk vm5, v2;
	v12 =	vor.u32 v1, v12;
	vm3 =	veq.s32 v9, v3  }
0x111: {  	v10 =	vand.u32 $0x3FFFFF, v10;
	v7 =	vor.u32 v1, v7;
	v20 =	vld [tilespmem:s14+$0x0];
	v16 =	vshrl.u32 v15, $0x9  }
0x112: {  	s11 =	sor.u32 s22, s1;
	v15 =	vshll.u32 v15, $0x4;
	[tilespmem:v13+s16+$0x0] =	vst.idx.add.s32.msk vm4, v2;
	v13 =	vand.u32 $0x3FFFFF, v19;
	vm4 =	veq.s32 v10, v3  }
0x113: {  	s9 =	sor.u32 s29, s18;
	v16 =	vand.u32 $0x3FFFFF, v16;
	v15 =	vor.u32 v1, v15;
	v19 =	vld [tilespmem:s11+$0x0];
	v8 =	vshrl.u32 v14, $0x9  }
0x114: {  	vm1 =	veq.s32 v16, v3;
	v16 =	vld [tilespmem:s9+$0x0];
	v14 =	vshll.u32 v14, $0x4;
	v8 =	vand.u32 $0x3FFFFF, v8  }
0x115: {  	s1 =	sor.u32 s21, s1;
	[tilespmem:v11+s16+$0x0] =	vst.idx.add.s32.msk vm2, v2;
	v15 =	vand.u32 $0x1FFF, v15;
	v10 =	vor.u32 v1, v14;
	vm5 =	veq.s32 v8, v3  }
0x116: {  	v9 =	vand.u32 $0x1FFF, v12;
	v12 =	vand.u32 $0x1FFF, v18;
	v22 =	vld [tilespmem:s1+$0x0];
	v21 =	vand.u32 $0x1FFF, v10  }
0x117: {  	vm2 =	veq.s32 v13, v3;
	v13 =	vand.u32 $0x1FFF, v7;
	v11 =	vshll.u32 v17, $0x4  }
0x118: {  	[tilespmem:v6+s16+$0x0] =	vst.idx.add.s32.msk vm0, v2;
	v8 =	vshrl.u32 v17, $0x9;
	v6 =	vshll.u32 v19, $0x4;
	v14 =	vshrl.u32 v19, $0x9  }
0x119: {  	v7 =	vshll.u32 v16, $0x4;
	v10 =	vshrl.u32 v16, $0x9;
	v8 =	vand.u32 $0x3FFFFF, v8  }
0x11a: {  	s0 =	sor.u32 s0, s10;
	s18 =	sor.u32 $0x4100, s24;
	v19 =	vand.u32 $0x3FFFFF, v14;
	v14 =	vshll.u32 v20, $0x4;
	v16 =	vshrl.u32 v20, $0x9;
	[tilespmem:v15+s16+$0x0] =	vst.idx.add.s32.msk vm1, v2  }
0x11b: {  	s31 =	sor.u32 s2, s10;
	s29 =	sor.u32 s30, s10;
	s30 =	sor.u32 s25, s18;
	v17 =	vshll.u32 v22, $0x4;
	v18 =	vshrl.u32 v22, $0x9;
	v15 =	vor.u32 v1, v6;
	[tilespmem:v21+s16+$0x0] =	vst.idx.add.s32.msk vm5, v2  }
0x11c: {  	s10 =	sor.u32 s22, s18;
	s2 =	sor.u32 s21, s18;
	s1 =	sor.u32 s23, s18;
	v14 =	vor.u32 v1, v14;
	v16 =	vand.u32 $0x3FFFFF, v16;
	vm5 =	veq.s32 v19, v3;
	v6 =	vld [tilespmem:s30+$0x0]  }
.LBB2_7:
0x11d: {  	s26 =	sadd.s32 $0x40, s26;
	v17 =	vor.u32 v1, v17;
	v18 =	vand.u32 $0x3FFFFF, v18;
	vm6 =	veq.s32 v16, v3;
	s28 =	sadd.s32 $0x100, s28;
	[tilespmem:v13+s16+$0x0] =	vst.idx.add.s32.msk vm4, v2  }
0x11e: {  	v13 =	vand.u32 $0x1FFF, v15;
	v14 =	vand.u32 $0x1FFF, v14;
	s8 =	sand.u32 $0x40, s26;
	s5 =	sand.u32 $0x3E00, s28;
	p0 =	slt.u32 s26, $0xFC0;
	vm4 =	veq.s32 v18, v3;
	[tilespmem:v12+s16+$0x0] =	vst.idx.add.s32.msk vm3, v2  }
0x11f: {  	v12 =	vand.u32 $0x1FFF, v17;
	s11 =	sor.u32 $0x4000, s5;
	s30 =	sor.u32 $0x10, s8;
	s18 =	sor.u32 $0x30, s8;
	[tilespmem:v9+s16+$0x0] =	vst.idx.add.s32.msk vm2, v2;
	v9 =	vand.u32 $0x3FFFFF, v10;
	v10 =	vor.u32 v1, v11  }
0x120: {  	v7 =	vor.u32 v1, v7;
	vm0 =	veq.s32 v8, v3;
	s9 =	sor.u32 $0x20, s8;
	vm2 =	veq.s32 v5, v3;
	s3 =	sor.u32 s30, s11;
	s14 =	sor.u32 s18, s11;
	v11 =	vld [tilespmem:s0+$0x0]  }
0x121: {  	s0 =	sor.u32 s8, s11;
	s11 =	sor.u32 s9, s11;
	vm1 =	veq.s32 v9, v3;
	v9 =	vand.u32 $0x1FFF, v4;
	v15 =	vld [tilespmem:s14+$0x0];
	v5 =	vshrl.u32 v6, $0x9  }
0x122: {  	v8 =	vand.u32 $0x1FFF, v10;
	v4 =	vshll.u32 v6, $0x4;
	v16 =	vld [tilespmem:s3+$0x0];
	v5 =	vand.u32 $0x3FFFFF, v5  }
0x123: {  	v6 =	vand.u32 $0x1FFF, v7;
	v4 =	vor.u32 v1, v4;
	v10 =	vld [tilespmem:s11+$0x0];
	vm7 =	veq.s32 v5, v3  }
0x124: {  	v17 =	vand.u32 $0x1FFF, v4;
	v7 =	vld [tilespmem:s0+$0x0]  }
0x125: {  	[tilespmem:v13+s16+$0x0] =	vst.idx.add.s32.msk vm5, v2;
	v4 =	vshll.u32 v11, $0x4;
	v5 =	vshrl.u32 v11, $0x9  }
0x126: {  	v11 =	vshrl.u32 v15, $0x9;
	[tilespmem:v14+s16+$0x0] =	vst.idx.add.s32.msk vm6, v2;
	v4 =	vor.u32 v1, v4;
	v5 =	vand.u32 $0x3FFFFF, v5  }
0x127: {  	v14 =	vshll.u32 v15, $0x4;
	v13 =	vshrl.u32 v16, $0x9;
	v11 =	vand.u32 $0x3FFFFF, v11;
	[tilespmem:v12+s16+$0x0] =	vst.idx.add.s32.msk vm4, v2  }
0x128: {  	s3 =	sor.u32 $0x4180, s24;
	s24 =	smov.u32 s5;
	v14 =	vor.u32 v1, v14;
	v12 =	vshrl.u32 v10, $0x9;
	vm3 =	veq.s32 v11, v3;
	v11 =	vld [tilespmem:s10+$0x0]  }
0x129: {  	s5 =	sor.u32 s23, s3;
	s0 =	sor.u32 s22, s3;
	v16 =	vshll.u32 v16, $0x4;
	v14 =	vand.u32 $0x1FFF, v14;
	s10 =	sor.u32 s25, s3;
	v15 =	vshrl.u32 v7, $0x9;
	[tilespmem:v17+s16+$0x0] =	vst.idx.add.s32.msk vm7, v2  }
0x12a: {  	s22 =	smov.u32 s30;
	v13 =	vand.u32 $0x3FFFFF, v13;
	v10 =	vshll.u32 v10, $0x4;
	s3 =	sor.u32 s21, s3;
	s21 =	smov.u32 s8;
	v7 =	vshll.u32 v7, $0x4;
	v17 =	vld [tilespmem:s10+$0x0]  }
0x12b: {  	s23 =	smov.u32 s9;
	v16 =	vor.u32 v1, v16;
	s25 =	smov.u32 s18;
	v12 =	vand.u32 $0x3FFFFF, v12;
	v15 =	vand.u32 $0x3FFFFF, v15;
	v18 =	vld [tilespmem:s1+$0x0]  }
0x12c: {  	vm5 =	veq.s32 v13, v3;
	v10 =	vor.u32 v1, v10;
	v7 =	vor.u32 v1, v7;
	v13 =	vld [tilespmem:s2+$0x0]  }
0x12d: {  	vm6 =	veq.s32 v12, v3;
	vm4 =	veq.s32 v15, v3;
	s1 =	sor.u32 $0x4080, s24;
	v15 =	vand.u32 $0x1FFF, v16;
	v16 =	vld [tilespmem:s31+$0x0];
	s31 =	smov.u32 s5  }
0x12e: {  	v10 =	vand.u32 $0x1FFF, v10;
	v7 =	vand.u32 $0x1FFF, v7;
	s2 =	sor.u32 s22, s1;
	s8 =	sor.u32 s25, s1;
	s5 =	sor.u32 s23, s1;
	v12 =	vshrl.u32 v11, $0x9;
	[tilespmem:v14+s16+$0x0] =	vst.idx.add.s32.msk vm3, v2  }
0x12f: {  	s1 =	sor.u32 s21, s1;
	v11 =	vshll.u32 v11, $0x4;
	v12 =	vand.u32 $0x3FFFFF, v12;
	v14 =	vld [tilespmem:s8+$0x0];
	v19 =	vshrl.u32 v17, $0x9  }
0x130: {  	v17 =	vshll.u32 v17, $0x4;
	v20 =	vshrl.u32 v18, $0x9;
	v19 =	vand.u32 $0x3FFFFF, v19;
	v21 =	vld [tilespmem:s29+$0x0];
	s29 =	smov.u32 s3  }
0x131: {  	v17 =	vor.u32 v1, v17;
	v22 =	vshrl.u32 v13, $0x9;
	vm7 =	veq.s32 v19, v3;
	[tilespmem:v9+s16+$0x0] =	vst.idx.add.s32.msk vm2, v2  }
0x132: {  	v9 =	vshll.u32 v13, $0x4;
	v13 =	vshll.u32 v18, $0x4;
	[tilespmem:v15+s16+$0x0] =	vst.idx.add.s32.msk vm5, v2;
	v15 =	vand.u32 $0x1FFF, v17  }
0x133: {  	v11 =	vor.u32 v1, v11;
	v17 =	vand.u32 $0x3FFFFF, v20;
	[tilespmem:v10+s16+$0x0] =	vst.idx.add.s32.msk vm6, v2;
	v10 =	vand.u32 $0x3FFFFF, v22  }
0x134: {  	v9 =	vor.u32 v1, v9;
	v18 =	vor.u32 v1, v13;
	[tilespmem:v7+s16+$0x0] =	vst.idx.add.s32.msk vm4, v2;
	v7 =	vshrl.u32 v14, $0x9  }
0x135: {  	v13 =	vshll.u32 v14, $0x4;
	vm4 =	veq.s32 v12, v3;
	v19 =	vld [tilespmem:s2+$0x0];
	v7 =	vand.u32 $0x3FFFFF, v7  }
0x136: {  	vm3 =	veq.s32 v17, v3;
	v12 =	vor.u32 v1, v13;
	v14 =	vld [tilespmem:s5+$0x0];
	vm5 =	veq.s32 v7, v3  }
0x137: {  	vm2 =	veq.s32 v10, v3;
	v13 =	vand.u32 $0x1FFF, v11;
	v17 =	vand.u32 $0x1FFF, v12;
	[tilespmem:v15+s16+$0x0] =	vst.idx.add.s32.msk vm7, v2  }
0x138: {  	v9 =	vand.u32 $0x1FFF, v9;
	v12 =	vand.u32 $0x1FFF, v18;
	v15 =	vshrl.u32 v16, $0x9;
	v20 =	vld [tilespmem:s1+$0x0]  }
.Ltmp2:
0x139: {  	v10 =	vshrl.u32 v21, $0x9;
	v11 =	vshll.u32 v16, $0x4;
	v7 =	vshll.u32 v21, $0x4;
	[tilespmem:v8+s16+$0x0] =	vst.idx.add.s32.msk vm0, v2;
	(pc) =	sbr.rel @p0 .LBB2_7-.Ltmp2, $4  }
0x13a: {  	v8 =	vand.u32 $0x3FFFFF, v15;
	v16 =	vshll.u32 v19, $0x4;
	v18 =	vshrl.u32 v19, $0x9;
	[tilespmem:v6+s16+$0x0] =	vst.idx.add.s32.msk vm1, v2  }
0x13b: {  	s2 =	sor.u32 $0x4100, s24;
	v6 =	vand.u32 $0x3FFFFF, v18;
	v18 =	vshll.u32 v14, $0x4;
	v19 =	vshrl.u32 v14, $0x9  }
0x13c: {  	s10 =	sor.u32 s22, s2;
	s3 =	sor.u32 s25, s2;
	s1 =	sor.u32 s23, s2;
	v15 =	vor.u32 v1, v16;
	v14 =	vor.u32 v1, v18;
	v16 =	vand.u32 $0x3FFFFF, v19;
	[tilespmem:v17+s16+$0x0] =	vst.idx.add.s32.msk vm5, v2  }
0x13d: {  	s2 =	sor.u32 s21, s2;
	vm5 =	veq.s32 v6, v3;
	v17 =	vshll.u32 v20, $0x4;
	v18 =	vshrl.u32 v20, $0x9;
	v6 =	vld [tilespmem:s3+$0x0]  }
0x13e: {  	vm0 =	veq.s32 v16, v3;
	v15 =	vand.u32 $0x1FFF, v15  }
0x13f: {  	v18 =	vand.u32 $0x3FFFFF, v18;
	v14 =	vand.u32 $0x1FFF, v14  }
0x140: {  	v21 =	vor.u32 v1, v17;
	vm1 =	veq.s32 v18, v3  }
0x141: {  	v16 =	vand.u32 $0x1FFF, v21;
	_ =	sdelay $0x1  }
0x142: {  	[tilespmem:v15+s16+$0x0] =	vst.idx.add.s32.msk vm5, v2  }
0x143: {  	[tilespmem:v14+s16+$0x0] =	vst.idx.add.s32.msk vm0, v2  }
0x144: {  	v22 =	vld [tilespmem:s10+$0x0]  }
0x145: {  	[tilespmem:v16+s16+$0x0] =	vst.idx.add.s32.msk vm1, v2  }
0x146: {  	v24 =	vshrl.u32 v6, $0x9;
	v23 =	vld [tilespmem:s1+$0x0]  }
0x147: {  	v26 =	vshll.u32 v6, $0x4;
	v16 =	vand.u32 $0x3FFFFF, v24;
	v25 =	vld [tilespmem:s2+$0x0]  }
0x148: {  	[tilespmem:v13+s16+$0x0] =	vst.idx.add.s32.msk vm4, v2;
	v6 =	vor.u32 v1, v26;
	vm10 =	veq.s32 v16, v3  }
0x149: {  	[tilespmem:v12+s16+$0x0] =	vst.idx.add.s32.msk vm3, v2;
	v37 =	vand.u32 $0x3FFFFF, v10;
	v6 =	vand.u32 $0x1FFF, v6;
	v27 =	vshrl.u32 v22, $0x9  }
0x14a: {  	[tilespmem:v9+s16+$0x0] =	vst.idx.add.s32.msk vm2, v2;
	vm14 =	veq.s32 v5, v3;
	v14 =	vshll.u32 v22, $0x4;
	v28 =	vand.u32 $0x3FFFFF, v27  }
0x14b: {  	v33 =	vld [tilespmem:s0+$0x0];
	v29 =	vshrl.u32 v23, $0x9;
	v15 =	vshll.u32 v23, $0x4;
	v14 =	vor.u32 v1, v14  }
0x14c: {  	v5 =	vld [tilespmem:s31+$0x0];
	v30 =	vshrl.u32 v25, $0x9;
	v16 =	vand.u32 $0x3FFFFF, v29;
	vm11 =	veq.s32 v28, v3  }
0x14d: {  	v41 =	vld [tilespmem:s29+$0x0];
	v34 =	vor.u32 v1, v15;
	v35 =	vand.u32 $0x1FFF, v14;
	vm12 =	veq.s32 v16, v3  }
0x14e: {  	v31 =	vshll.u32 v25, $0x4;
	v32 =	vand.u32 $0x3FFFFF, v30;
	[tilespmem:v6+s16+$0x0] =	vst.idx.add.s32.msk vm10, v2;
	v6 =	vand.u32 $0x1FFF, v34  }
0x14f: {  	s26 =	sor.u32 $0x4180, s24;
	v38 =	vor.u32 v1, v11;
	v12 =	vor.u32 v1, v31;
	vm13 =	veq.s32 v32, v3  }
0x150: {  	v7 =	vor.u32 v1, v7;
	vm15 =	veq.s32 v8, v3;
	s28 =	sor.u32 s25, s26;
	v39 =	vand.u32 $0x1FFF, v12  }
0x151: {  	v4 =	vand.u32 $0x1FFF, v4;
	vm9 =	veq.s32 v37, v3;
	v40 =	vand.u32 $0x1FFF, v38;
	v36 =	vld [tilespmem:s28+$0x0]  }
0x152: {  	v7 =	vand.u32 $0x1FFF, v7;
	v42 =	vshll.u32 v33, $0x4;
	v43 =	vshrl.u32 v33, $0x9;
	[tilespmem:v35+s16+$0x0] =	vst.idx.add.s32.msk vm11, v2  }
0x153: {  	s30 =	sor.u32 s22, s26;
	v49 =	vshrl.u32 v5, $0x9;
	v51 =	vshll.u32 v41, $0x4;
	v9 =	vshrl.u32 v41, $0x9;
	[tilespmem:v6+s16+$0x0] =	vst.idx.add.s32.msk vm12, v2  }
0x154: {  	v5 =	vshll.u32 v5, $0x4;
	v10 =	vor.u32 v1, v42;
	v9 =	vand.u32 $0x3FFFFF, v9;
	v50 =	vld [tilespmem:s30+$0x0]  }
0x155: {  	s31 =	sor.u32 s23, s26;
	v45 =	vand.u32 $0x3FFFFF, v43;
	v5 =	vor.u32 v1, v5;
	vm6 =	veq.s32 v9, v3;
	[tilespmem:v39+s16+$0x0] =	vst.idx.add.s32.msk vm13, v2  }
0x156: {  	s0 =	sor.u32 s21, s26;
	v54 =	vand.u32 $0x1FFF, v10;
	v5 =	vand.u32 $0x1FFF, v5;
	v12 =	vand.u32 $0x3FFFFF, v49;
	v52 =	vld [tilespmem:s31+$0x0]  }
0x157: {  	vm11 =	veq.s32 v45, v3;
	v44 =	vshrl.u32 v36, $0x9;
	v14 =	vshll.u32 v36, $0x4;
	v53 =	vld [tilespmem:s0+$0x0]  }
0x158: {  	vm12 =	veq.s32 v12, v3;
	v46 =	vand.u32 $0x3FFFFF, v44;
	v47 =	vor.u32 v1, v14  }
0x159: {  	v14 =	vor.u32 v1, v51;
	vm10 =	veq.s32 v46, v3;
	v48 =	vand.u32 $0x1FFF, v47  }
0x15a: {  	v55 =	vand.u32 $0x1FFF, v14;
	v56 =	vshll.u32 v50, $0x4;
	v57 =	vshrl.u32 v50, $0x9  }
0x15b: {  	v10 =	vor.u32 v1, v56;
	v12 =	vand.u32 $0x3FFFFF, v57;
	v58 =	vshrl.u32 v52, $0x9  }
0x15c: {  	[tilespmem:v4+s16+$0x0] =	vst.idx.add.s32.msk vm14, v2;
	v15 =	vshll.u32 v52, $0x4;
	v4 =	vshll.u32 v53, $0x4;
	v59 =	vshrl.u32 v53, $0x9  }
0x15d: {  	[tilespmem:v40+s16+$0x0] =	vst.idx.add.s32.msk vm15, v2;
	v60 =	vand.u32 $0x3FFFFF, v58;
	vm13 =	veq.s32 v12, v3;
	v62 =	vor.u32 v1, v15  }
0x15e: {  	[tilespmem:v7+s16+$0x0] =	vst.idx.add.s32.msk vm9, v2;
	v10 =	vand.u32 $0x1FFF, v10;
	v61 =	vand.u32 $0x3FFFFF, v59;
	vm14 =	veq.s32 v60, v3  }
0x15f: {  	s20 =	sadd.s32 $0x1, s20;
	[tilespmem:v54+s16+$0x0] =	vst.idx.add.s32.msk vm11, v2;
	v4 =	vor.u32 v1, v4;
	v63 =	vand.u32 $0x1FFF, v62;
	vm15 =	veq.s32 v61, v3  }
0x160: {  	p0 =	sne.s32 s20, $0x10;
	[tilespmem:v5+s16+$0x0] =	vst.idx.add.s32.msk vm12, v2;
	v4 =	vand.u32 $0x1FFF, v4  }
.Ltmp3:
0x161: {  	[tilespmem:v55+s16+$0x0] =	vst.idx.add.s32.msk vm6, v2;
	(pc) =	sbr.rel @p0 .LBB2_4-.Ltmp3, $4  }
0x162: {  	[tilespmem:v48+s16+$0x0] =	vst.idx.add.s32.msk vm10, v2  }
0x163: {  	[tilespmem:v10+s16+$0x0] =	vst.idx.add.s32.msk vm13, v2  }
0x164: {  	[tilespmem:v63+s16+$0x0] =	vst.idx.add.s32.msk vm14, v2  }
0x165: {  	[tilespmem:v4+s16+$0x0] =	vst.idx.add.s32.msk vm15, v2  }
0x166: {  	s0 =	rddreg [dreg:$0x6];
	s1 =	simm.s32 $0x80;
	s2 =	simm.s32 $0x3  }
0x167: {  	[hbm4b:s0+s1] =	stream.strided.scatter [tilespmem:s16], [sflag:$0x3], $0x2000, s13, s1, $0x38;
	[tilespmem:$0xA080] =	vst v63  }
0x168: {  	_ =	swait.ge [sflag:s2], $0x2000  }
0x169: {  	s9 =	rddreg [dreg:$0x4]  }
0x16a: {  	s31 =	rddreg [dreg:$0x7];
	s9 =	sadd.s32 $0x1, s9  }
0x16b: {  	p0 =	sne.s32 s9, s31  }
.Ltmp4:
0x16c: {  	_ = 	snop;
	(pc) =	sbr.rel @p0 .LBB2_1-.Ltmp4, $3  }
0x16d: {  	_ =	sdelay $0x1  }
0x16e: {  	[sflag:s2] =	ssyncset.done $0x0  }
0x16f: {  	[sflag:s2] =	ssyncadd.s32 $0xFFFFE000  }
0x170: {  	_ =	sfence.sel $0x180000  }
0x171: {  	[bflag:$0x0] =	sbarrier.arrive $0xFFFF  }
0x172: {  	_ =	strace $0x9000004D  }
0x173: {  	s0 =	stileid.u32;
	[bflag:$0x2] =	sbarrier.arrive $0xFFFF  }
0x174: {  	p0 =	sne.s32 s0, $0x0;
	s0 =	rddreg [dreg:$0x3]  }
0x175: {  	s0 =	sadd.s32 @!p0 $0x100000, s0  }
0x176: {  	[sflag:s0] =	ssyncadd.tile.s32 @!p0 $0x1;
	_ =	shalt  }
.Lfunc_end2:
_tile_overlayer_lowered:
.L_overlay_start_2:
0x177: {  	(tag) =	ssettag $0x2  }
0x178: {  	s0 =	rddreg [dreg:$0x0];
	s2 =	stileid.u32  }
0x179: {  	s1 =	rddreg [dreg:$0x1];
	p0 =	sne.s32 s2, $0x0  }
0x17a: {  	s3 =	rddreg [dreg:$0x2];
	[bflag:$0x3] =	sbarrier.arrive $0xFFFF;
	s2 =	simm.s32 @!p0 $0x1C03  }
0x17b: {  	[timem:s3], [sflag:s2] =	dma.local @!p0 [hbm:s0], s1  }
0x17c: {  	s0 =	simm.s32 @!p0 $0x3  }
0x17d: {  	_ =	swait.ge @!p0 [sflag:s0], s1  }
0x17e: {  	s1 =	ssub.s32 @!p0 $0x0, s1;
	[sflag:s0] =	ssyncset.done @!p0 $0x0  }
0x17f: {  	[sflag:s0] =	ssyncadd.s32 @!p0 s1  }
0x180: {  	[bflag:$0x3] =	sbarrier.arrive $0xFFFF  }
0x181: {  	_ =	shalt  }

// kernel: kernel.9.cloned.1.call-start
scs
__scs_entry_jumppad:
0x0: {  	(pc) =	sbr.rel $0x88, $3  }
0x1: {  	(tag) =	ssettag $0x0;
	lr =	simm.s32 $0x1  }
0x2: {  	[smem:$0x3F9F] =	sst lr;
	_ =	strace $0xD0000000  }
0x3: {  	_ = 	snop  }
0x4: {  	_ = 	snop  }
0x5: {  	_ = 	snop  }
0x6: {  	_ = 	snop  }
0x7: {  	_ = 	snop  }
__scs_overlays_trampoline_lowered:
0x8: {  	[smem:$0x3FAE] =	sst s0  }
0x9: {  	[smem:$0x3FAF] =	sst s1  }
0xa: {  	[smem:$0x3FB0] =	sst s2  }
0xb: {  	[smem:$0x3FB1] =	sst s3  }
0xc: {  	[smem:$0x3FB2] =	sst s4  }
0xd: {  	[smem:$0x3FB3] =	sst s5  }
0xe: {  	[smem:$0x3FB4] =	sst s6  }
0xf: {  	[smem:$0x3FB5] =	sst s7  }
0x10: {  	[smem:$0x3FB6] =	sst s8  }
0x11: {  	[smem:$0x3FB7] =	sst s9;
	s0 =	simm.s32 @!p0 $0x0  }
0x12: {  	s1 =	sld [smem:$0x3F9D];
	s0 =	simm.s32 @p0 $0x1  }
0x13: {  	[smem:$0x3FB8] =	sst s0;
	s0 =	simm.s32 @!p1 $0x0  }
0x14: {  	s2 =	sld [smem:$0x3F9C];
	s0 =	simm.s32 @p1 $0x1  }
0x15: {  	[smem:$0x3FB9] =	sst s0;
	s0 =	simm.s32 @!p2 $0x0  }
0x16: {  	s3 =	sld [smem:$0x3FDB];
	s0 =	simm.s32 @p2 $0x1  }
0x17: {  	s4 =	simm.s32 $0x1BF5;
	[smem:$0x3FBB] =	sst s0  }
0x18: {  	s0 =	sld [smem:$0x3F9E];
	_ =	swait.ge [sflag:s4], $0x0  }
0x19: {  	s7 =	sld [smem:$0x3F9F]  }
0x1a: {  	s8 =	sadd.s32 $0xFFFFE003, lr  }
0x1b: {  	s9 =	sadd.s32 $0xFFFFFEF7, lr;
	s5 =	simm.s32 $0xFFFFFFFF;
	p2 =	slt.u32 s8, $0xFFFFF086  }
0x1c: {  	p1 =	slt.u32 s9, $0xF7A;
	s5 =	simm.s32 @!p2 $0x0  }
0x1d: {  	s5 =	simm.s32 @p1 $0x1;
	p0 =	seq.s32 s7, s2  }
0x1e: {  	s7 =	smul.u32 @!p0 $0xF7A, s2;
	p2 =	seq.s32 @!p0 s5, $0x0  }
0x1f: {  	s9 =	smul.u32 $0xF7A, s1;
	s8 =	simm.s32 @!p0 $0x1BF5;
	p2 =	por !p2, p0  }
0x20: {  	[sflag:s8] =	ssyncset.s32 @!p0 $0xFFFFF086;
	s6 =	sadd.s32 @!p0 s3, s7;
	s7 =	simm.s32 @!p0 $0x108  }
0x21: {  	s3 =	sadd.s32 s3, s9;
	s6 =	sadd.s32 @!p0 $0x88, s6;
	s7 =	simm.s32 @p2 $0x1082  }
0x22: {  	[simem:s7], [sflag:s8] =	dma.local @!p0 [hbm:s6], $0xF7A  }
0x23: {  	s9 =	sor.u32 $0xD0000000, s2;
	s6 =	simm.s32 $0x108;
	_ =	swait.ge @!p0 [sflag:s8], $0x0  }
0x24: {  	s3 =	sadd.s32 $0x88, s3;
	s6 =	simm.s32 @!p1 $0x1082;
	[sflag:s4] =	ssyncset.s32 $0xFFFFF086  }
0x25: {  	[simem:s6], [sflag:s4] =	dma.local [hbm:s3], $0xF7A  }
0x26: {  	[smem:$0x3F9F] =	sst s1;
	(tag) =	ssettag s2;
	_ =	strace s9  }
0x27: {  	s1 =	sld [smem:$0x3FAF]  }
0x28: {  	s2 =	sld [smem:$0x3FB0]  }
0x29: {  	s4 =	sld [smem:$0x3FB2]  }
0x2a: {  	p0 =	seq.s32 s5, $0x0;
	s5 =	sld [smem:$0x3FB3]  }
0x2b: {  	s6 =	sld [smem:$0x3FB4]  }
0x2c: {  	s7 =	sld [smem:$0x3FB5]  }
0x2d: {  	s3 =	simm.s32 $0x108;
	s8 =	sld [smem:$0x3FB6]  }
0x2e: {  	s3 =	simm.s32 @!p0 $0x1082;
	s9 =	sld [smem:$0x3FB7]  }
0x2f: {  	lr =	sadd.s32 s0, s3;
	s0 =	sld [smem:$0x3FAE]  }
0x30: {  	s3 =	sld [smem:$0x3FB1]  }
0x31: {  	[smem:$0x3FBA] =	sst s10  }
0x32: {  	s10 =	sld [smem:$0x3FB8];
	_ =	sdelay $0x3  }
0x33: {  	p0 =	seq.s32 s10, $0x1;
	s10 =	sld [smem:$0x3FBA];
	_ =	sdelay $0x3  }
0x34: {  	[smem:$0x3FBA] =	sst s10  }
0x35: {  	s10 =	sld [smem:$0x3FB9];
	_ =	sdelay $0x3  }
0x36: {  	p1 =	seq.s32 s10, $0x1;
	s10 =	sld [smem:$0x3FBA];
	_ =	sdelay $0x3  }
0x37: {  	[smem:$0x3FBA] =	sst s10  }
0x38: {  	s10 =	sld [smem:$0x3FBB]  }
0x39: {  	_ = 	snop;
	(pc) =	sbr.ind lr, $3  }
0x3a: {  	_ = 	snop  }
0x3b: {  	_ = 	snop  }
0x3c: {  	p2 =	seq.s32 s10, $0x1;
	s10 =	sld [smem:$0x3FBA]  }
0x3d: {  	_ =	shalt  }
0x3e: {  	_ =	shalt  }
0x3f: {  	_ =	shalt  }
0x40: {  	_ =	shalt  }
0x41: {  	_ =	shalt  }
0x42: {  	_ =	shalt  }
0x43: {  	_ =	shalt  }
0x44: {  	_ =	shalt  }
0x45: {  	_ =	shalt  }
0x46: {  	_ =	shalt  }
0x47: {  	_ =	shalt  }
0x48: {  	_ =	shalt  }
0x49: {  	_ =	shalt  }
0x4a: {  	_ =	shalt  }
0x4b: {  	_ =	shalt  }
0x4c: {  	_ =	shalt  }
0x4d: {  	_ =	shalt  }
0x4e: {  	_ =	shalt  }
0x4f: {  	_ =	shalt  }
0x50: {  	_ =	shalt  }
0x51: {  	_ =	shalt  }
0x52: {  	_ =	shalt  }
0x53: {  	_ =	shalt  }
0x54: {  	_ =	shalt  }
0x55: {  	_ =	shalt  }
0x56: {  	_ =	shalt  }
0x57: {  	_ =	shalt  }
0x58: {  	_ =	shalt  }
0x59: {  	_ =	shalt  }
0x5a: {  	_ =	shalt  }
0x5b: {  	_ =	shalt  }
0x5c: {  	_ =	shalt  }
0x5d: {  	_ =	shalt  }
0x5e: {  	_ =	shalt  }
0x5f: {  	_ =	shalt  }
0x60: {  	_ =	shalt  }
0x61: {  	_ =	shalt  }
0x62: {  	_ =	shalt  }
0x63: {  	_ =	shalt  }
0x64: {  	_ =	shalt  }
0x65: {  	_ =	shalt  }
0x66: {  	_ =	shalt  }
0x67: {  	_ =	shalt  }
0x68: {  	_ =	shalt  }
0x69: {  	_ =	shalt  }
0x6a: {  	_ =	shalt  }
0x6b: {  	_ =	shalt  }
0x6c: {  	_ =	shalt  }
0x6d: {  	_ =	shalt  }
0x6e: {  	_ =	shalt  }
0x6f: {  	_ =	shalt  }
0x70: {  	_ =	shalt  }
0x71: {  	_ =	shalt  }
0x72: {  	_ =	shalt  }
0x73: {  	_ =	shalt  }
0x74: {  	_ =	shalt  }
0x75: {  	_ =	shalt  }
0x76: {  	_ =	shalt  }
0x77: {  	_ =	shalt  }
0x78: {  	_ =	shalt  }
0x79: {  	_ =	shalt  }
0x7a: {  	_ =	shalt  }
0x7b: {  	_ =	shalt  }
0x7c: {  	_ =	shalt  }
0x7d: {  	_ =	shalt  }
0x7e: {  	_ =	shalt  }
0x7f: {  	_ =	shalt  }
0x80: {  	_ =	shalt  }
0x81: {  	_ =	shalt  }
0x82: {  	_ =	shalt  }
0x83: {  	_ =	shalt  }
0x84: {  	_ =	shalt  }
0x85: {  	_ =	shalt  }
0x86: {  	_ =	shalt  }
0x87: {  	_ =	shalt  }
.Lfunc_end0:
.L_simem_size_0:
called_computation_lowered:
.L_overlay_start_0:
0x88: {  	s2 =	sld [smem:$0x3FD9]  }
0x89: {  	s3 =	sld [smem:$0x3FFE];
	_ =	sdelay $0x1  }
0x8a: {  	s1 =	srdreg.scid  }
0x8b: {  	s0 =	sand.u32 $0x1, s1  }
0x8c: {  	s15 =	sshll.u32 s0, $0xA;
	s2 =	sadd.s32 s3, s2  }
0x8d: {  	s2 =	sadd.s32 s2, s15  }
0x8e: {  	[smem:$0x3FC6] =	sst s2  }
0x8f: {  	_ = 	snop  }
0x90: {  	s2 =	sld [smem:$0x3FD0];
	_ =	sdelay $0x2  }
0x91: {  	s4 =	simm.s32 $0xA;
	s5 =	simm.s32 $0x10;
	s16 =	sld [smem:$0x3FC9]  }
0x92: {  	[smem:s5], [sflag:s4] =	dma.local [hbm:s2], $0x1  }
0x93: {  	_ =	swait.eq [sflag:s4], $0x1  }
0x94: {  	[sflag:s4] =	ssyncset.done $0x0  }
0x95: {  	[sflag:s4] =	ssyncadd.s32 $0xFFFFFFFF  }
0x96: {  	s17 =	sld [smem:$0x10];
	(tm) =	ssettm $0x1  }
0x97: {  	s18 =	sld [smem:$0x3FFB];
	_ =	sdelay $0x3  }
0x98: {  	_ =	strace s18  }
0x99: {  	s4 =	sld [smem:$0x3FFC];
	_ =	sdelay $0x3  }
0x9a: {  	_ =	strace s4  }
0x9b: {  	s4 =	sld [smem:$0x3FFD];
	_ =	sdelay $0x3  }
0x9c: {  	_ =	strace s4  }
0x9d: {  	_ =	strace $0x8FFFFFFF  }
0x9e: {  	s19 =	sld [smem:$0x3FDB];
	_ =	sdelay $0x1  }
0x9f: {  	s20 =	simm.s32 $_scs_section_size  }
0xa0: {  	s6 =	simm.s32 $_size__tile_overlayer_lowered;
	s7 =	simm.s32 $_tile_overlayer_lowered  }
0xa1: {  	s23 =	simm.s32 $0x1BFF;
	s22 =	sshll.u32 s7, $0x1;
	s4 =	sadd.s32 s20, s19  }
0xa2: {  	s8 =	simm.s32 $0x0;
	s21 =	sshll.u32 s6, $0x1;
	s6 =	sadd.s32 s22, s4  }
0xa3: {  	[timem:s8], [sflag:s23] =	dma.local [hbm:s6], s21  }
0xa4: {  	_ =	swait.ge [sflag:s23], s21  }
0xa5: {  	s5 =	ssub.s32 $0x0, s21;
	[sflag:s23] =	ssyncset.done $0x0  }
0xa6: {  	[sflag:s23] =	ssyncadd.s32 s5;
	_ =	sdelay $0x1  }
0xa7: {  	s24 =	simm.s32 $0x1B8B  }
0xa8: {  	_ =	swait.ge [sflag:s24], $0x1  }
0xa9: {  	[sflag:s24] =	ssyncset.done $0x0  }
0xaa: {  	s25 =	simm.s32 $0x1B8E;
	[sflag:s24] =	ssyncadd.s32 $0xFFFFFFFF  }
0xab: {  	s26 =	simm.s32 $execute0_lowered;
	[smem:$0x3FD2] =	sst s25  }
0xac: {  	s5 =	sshll.u32 s26, $0x1;
	_ =	strace $0x80000046;
	[dreg:$0x1] =	wrdreg $0xFFFFFFFF  }
0xad: {  	s28 =	simm.s32 $_size_execute0_lowered;
	s4 =	sadd.s32 s4, s5;
	[dreg:$0x0] =	wrdreg $0x0  }
0xae: {  	s5 =	sshll.u32 s28, $0x1;
	[dreg:$0x2] =	wrdreg s4  }
0xaf: {  	[dreg:$0x3] =	wrdreg s5  }
0xb0: {  	[dreg:$0x4] =	wrdreg $0xC0  }
0xb1: {  	_ =	task [dreg:s8], $0x5FFFF  }
0xb2: {  	[dreg:$0x1] =	wrdreg $0xFFFFFFFF  }
0xb3: {  	[dreg:$0x0] =	wrdreg $0x60  }
0xb4: {  	[dreg:$0x2] =	wrdreg s16  }
0xb5: {  	[dreg:$0x3] =	wrdreg s17  }
0xb6: {  	[dreg:$0x4] =	wrdreg $0x9  }
0xb7: {  	_ =	task.clear_ibuf [dreg:s8], $0x5FFFF;
	_ =	strace $0x90000046  }
0xb8: {  	s29 =	simm.s32 $0x9;
	_ =	strace $0x80000048  }
0xb9: {  	_ =	swait.ge [sflag:s29], $0x1  }
0xba: {  	[sflag:s29] =	ssyncadd.s32 $0xFFFFFFFF  }
0xbb: {  	_ =	strace $0x90000048  }
0xbc: {  	_ =	sfence  }
0xbd: {  	s30 =	sld [smem:$0x0];
	_ =	sdelay $0x2  }
0xbe: {  	s31 =	sshll.u32 s1, $0xD;
	s1 =	sshrl.u32 s1, $0x2  }
0xbf: {  	s3 =	sand.u32 $0x4000, s31;
	s1 =	sadd.s32 s1, s30  }
0xc0: {  	s0 =	sor.u32 s3, s0;
	s1 =	sshll.u32 s1, $0x11  }
0xc1: {  	s0 =	sor.u32 s1, s0  }
0xc2: {  	s0 =	sadd.s32 $0x8F2B, s0  }
0xc3: {  	[sflag:s0] =	ssyncadd.remote.s32 $0x1  }
0xc4: {  	_ =	sfence.sel $0xFFFF  }
0xc5: {  	[dreg:$0x0] =	wrdreg $0xFFFFFFFF;
	(pc) =	sbr.abs _section_cstart, $3  }
0xc6: {  	[dreg:$0x1] =	wrdreg $0xFFFFFFFF  }
0xc7: {  	_ =	task.clear_ibuf [dreg:s8], $0x2FFFF;
	_ =	strace $0x9FFFFFFF  }
0xc8: {  	(tm) =	ssettm $0x7FFFFFFF  }
0xc9: {  	_ =	shalt  }
tec
execute0_lowered:
.L_overlay_start_1:
0x0: {  	(tag) =	ssettag $0x1  }
0x1: {  	s5 =	rddreg [dreg:$0x0]  }
0x2: {  	s6 =	rddreg [dreg:$0x1];
	s1 =	srdreg.scid;
	s2 =	simm.s32 $0x0  }
0x3: {  	s0 =	stileid.u32;
	s10 =	simm.s32 $0x400;
	s11 =	simm.s32 $0x4000  }
0x4: {  	s12 =	simm.s32 $0x1;
	s13 =	simm.s32 $0x8000;
	s14 =	simm.s32 $0x2  }
0x5: {  	s16 =	simm.s32 $0x3;
	s3 =	sand.u32 $0x1, s1;
	[smem:$0x7FF] =	sst s2  }
0x6: {  	s8 =	sshll.u32 s0, $0x1;
	s28 =	sshll.u32 s0, $0xD;
	s4 =	ssub.s32 $0x2, s3  }
0x7: {  	_ =	strace $0x80000047;
	s26 =	sor.u32 s3, s8;
	s7 =	sshrl.u32 s4, $0x1  }
0x8: {  	s3 =	sshll.u32 s26, $0x10;
	s8 =	sshll.u32 s26, $0x4;
	s9 =	ssub.s32 s4, s7  }
0x9: {  	s7 =	sand.u32 $0x18000, s28;
	s29 =	sadd.s32 s5, s3;
	s8 =	sand.u32 $0x70, s8  }
0xa: {  	s7 =	sadd.s32 s6, s7;
	[dreg:$0x3] =	wrdreg s29;
	s31 =	smax.u32 s9, $0x1  }
0xb: {  	s5 =	sadd.s32 $0x40, s5;
	s30 =	sadd.s32 s8, s7;
	[dreg:$0x5] =	wrdreg s31  }
0xc: {  	v0 =	vimm.s32 $0x0;
	v1 =	vlaneseq.u32;
	v2 =	vimm.s32 $0x1;
	s6 =	sadd.s32 $0x1000, s29;
	s9 =	simm.s32 $0x200;
	[dreg:$0x4] =	wrdreg s30  }
.LBB2_1:
0xd: {  	s17 =	simm.s32 $0x8040  }
0xe: {  	[tilespmem:s17+$0xFFFFFFC0] =	vst v0  }
0xf: {  	[tilespmem:s17+$0x30] =	vst v0  }
0x10: {  	[tilespmem:s17+$0x20] =	vst v0  }
0x11: {  	[tilespmem:s17+$0x10] =	vst v0  }
0x12: {  	[tilespmem:s17+$0x0] =	vst v0  }
0x13: {  	[tilespmem:s17+$0xFFFFFFF0] =	vst v0  }
0x14: {  	s18 =	simm.s32 $0x0;
	[tilespmem:s17+$0xFFFFFFE0] =	vst v0  }
.LBB2_2:
0x15: {  	s18 =	sadd.s32 $0x8, s18;
	[tilespmem:s17+$0xFFFFFFD0] =	vst v0;
	s17 =	sadd.s32 $0x80, s17  }
0x16: {  	[tilespmem:s17+$0xFFFFFFC0] =	vst v0;
	p0 =	slt.u32 s18, $0x7F8  }
0x17: {  	[tilespmem:s17+$0x30] =	vst v0  }
.Ltmp0:
0x18: {  	[tilespmem:s17+$0x20] =	vst v0;
	(pc) =	sbr.rel @p0 .LBB2_2-.Ltmp0, $4  }
0x19: {  	[tilespmem:s17+$0x10] =	vst v0  }
0x1a: {  	[tilespmem:s17+$0x0] =	vst v0  }
0x1b: {  	[tilespmem:s17+$0xFFFFFFF0] =	vst v0  }
0x1c: {  	[tilespmem:s17+$0xFFFFFFE0] =	vst v0  }
0x1d: {  	[tilespmem:s17+$0xFFFFFFD0] =	vst v0;
	s17 =	simm.s32 $0x0;
	s0 =	rddreg [dreg:$0x3];
	s18 =	simm.s32 $0x0  }
0x1e: {  	[tilespmem:s17], [sflag:$0x1] =	stream.strided.gather [hbm4b:s0+s9], $0x4000, s10, s9, $0x38;
	[tilespmem:$0x10000] =	vst v63  }
.LBB2_4:
0x1f: {  	s19 =	sshll.u32 s18, $0xC  }
0x20: {  	s20 =	sor.u32 s19, s3  }
0x21: {  	s20 =	sadd.s32 s20, s5  }
0x22: {  	[tilespmem:s11], [sflag:$0x2] =	stream.strided.gather [hbm4b:s20+s9], $0x4000, s10, s9, $0x38;
	[tilespmem:$0x10000] =	vst v63  }
0x23: {  	s7 =	simm.s32 $0x0;
	_ =	swait.ge [sflag:s12], $0x4000  }
0x24: {  	s21 =	sand.u32 $0x3E00, s17;
	s20 =	sand.u32 $0x40, s7;
	[sflag:s12] =	ssyncset.done $0x0  }
0x25: {  	s20 =	sor.u32 s20, s21;
	[sflag:s12] =	ssyncadd.s32 $0xFFFFC000  }
0x26: {  	v3 =	vld [tilespmem:s20+$0x30];
	_ =	sdelay $0x2  }
0x27: {  	v4 =	vld [tilespmem:s20+$0x0];
	_ =	sdelay $0x1  }
0x28: {  	v3 =	vshrl.u32 v3, $0x10  }
0x29: {  	v3 =	vand.u32 $0x7FF0, v3  }
0x2a: {  	v3 =	vor.u32 v1, v3  }
0x2b: {  	v4 =	vshrl.u32 v4, $0x10  }
0x2c: {  	v5 =	vld [tilespmem:s20+$0x10];
	v4 =	vand.u32 $0x7FF0, v4  }
0x2d: {  	v6 =	vld [tilespmem:s20+$0x20];
	v4 =	vor.u32 v1, v4;
	_ =	sdelay $0x1  }
0x2e: {  	[tilespmem:v3+s13+$0x0] =	vst.idx.add.s32.msk $0xffff, v2  }
0x2f: {  	v3 =	vld [tilespmem:s20+$0xB0]  }
0x30: {  	v5 =	vshrl.u32 v5, $0x10  }
0x31: {  	v6 =	vshrl.u32 v6, $0x10;
	v5 =	vand.u32 $0x7FF0, v5;
	[tilespmem:v4+s13+$0x0] =	vst.idx.add.s32.msk $0xffff, v2  }
0x32: {  	v6 =	vand.u32 $0x7FF0, v6;
	v4 =	vor.u32 v1, v5;
	v5 =	vld [tilespmem:s20+$0x80]  }
0x33: {  	v6 =	vor.u32 v1, v6  }
0x34: {  	v3 =	vshrl.u32 v3, $0x10  }
0x35: {  	v3 =	vand.u32 $0x7FF0, v3  }
0x36: {  	p0 =	por $0x0, $0x0;
	s21 =	simm.s32 $0x1;
	v3 =	vor.u32 v1, v3  }
0x37: {  	s21 =	simm.s32 @!p0 $0x0;
	[tilespmem:v4+s13+$0x0] =	vst.idx.add.s32.msk $0xffff, v2;
	v4 =	vshrl.u32 v5, $0x10  }
0x38: {  	s21 =	sshll.u32 s21, $0x6;
	[tilespmem:v6+s13+$0x0] =	vst.idx.add.s32.msk $0xffff, v2;
	v4 =	vand.u32 $0x7FF0, v4  }
0x39: {  	s22 =	sadd.s32 $0x0, s21;
	v5 =	vld [tilespmem:s20+$0x90];
	v4 =	vor.u32 v1, v4  }
0x3a: {  	s23 =	sadd.s32 $0x30, s22;
	v6 =	vld [tilespmem:s20+$0xA0]  }
0x3b: {  	s8 =	sor.u32 $0x100, s23;
	[tilespmem:v3+s13+$0x0] =	vst.idx.add.s32.msk $0xffff, v2  }
0x3c: {  	v3 =	vld [tilespmem:s8+$0x0]  }
0x3d: {  	s21 =	simm.s32 $0x100;
	s20 =	simm.s32 $0x40  }
0x3e: {  	s24 =	sor.u32 $0x100, s22;
	s26 =	sand.u32 $0x3E00, s21;
	s25 =	sand.u32 $0x40, s20;
	v5 =	vshrl.u32 v5, $0x10;
	[tilespmem:v4+s13+$0x0] =	vst.idx.add.s32.msk $0xffff, v2  }
0x3f: {  	v6 =	vshrl.u32 v6, $0x10;
	s25 =	sor.u32 s25, s26;
	v4 =	vand.u32 $0x7FF0, v5;
	v5 =	vld [tilespmem:s24+$0x0]  }
0x40: {  	v6 =	vand.u32 $0x7FF0, v6;
	v7 =	vld [tilespmem:s25+$0x30];
	v4 =	vor.u32 v1, v4  }
0x41: {  	v6 =	vor.u32 v1, v6;
	v9 =	vld [tilespmem:s25+$0x10];
	v3 =	vshrl.u32 v3, $0x10  }
0x42: {  	v10 =	vld [tilespmem:s25+$0x20];
	v3 =	vand.u32 $0x7FF0, v3  }
0x43: {  	v3 =	vor.u32 v1, v3  }
0x44: {  	v8 =	vld [tilespmem:s25+$0x0];
	v5 =	vshrl.u32 v5, $0x10  }
0x45: {  	s31 =	sadd.s32 $0x20, s22;
	[tilespmem:v4+s13+$0x0] =	vst.idx.add.s32.msk $0xffff, v2;
	v4 =	vshrl.u32 v7, $0x10;
	v5 =	vand.u32 $0x7FF0, v5  }
0x46: {  	s28 =	sor.u32 $0x100, s31;
	[tilespmem:v6+s13+$0x0] =	vst.idx.add.s32.msk $0xffff, v2;
	v4 =	vand.u32 $0x7FF0, v4;
	v5 =	vor.u32 v1, v5  }
0x47: {  	v6 =	vshrl.u32 v9, $0x10;
	v9 =	vshrl.u32 v10, $0x10;
	v10 =	vld [tilespmem:s28+$0x0];
	v4 =	vor.u32 v1, v4  }
0x48: {  	s15 =	sadd.s32 $0x10, s22;
	s23 =	sor.u32 $0x180, s23;
	v6 =	vand.u32 $0x7FF0, v6;
	[tilespmem:v3+s13+$0x0] =	vst.idx.add.s32.msk $0xffff, v2  }
0x49: {  	s0 =	sor.u32 $0x100, s15;
	v9 =	vand.u32 $0x7FF0, v9;
	v6 =	vor.u32 v1, v6;
	v3 =	vshrl.u32 v8, $0x10;
	v7 =	vld [tilespmem:s23+$0x0]  }
0x4a: {  	v9 =	vor.u32 v1, v9;
	v8 =	vld [tilespmem:s0+$0x0];
	v3 =	vand.u32 $0x7FF0, v3  }
0x4b: {  	[tilespmem:v5+s13+$0x0] =	vst.idx.add.s32.msk $0xffff, v2;
	v3 =	vor.u32 v1, v3  }
0x4c: {  	[tilespmem:v4+s13+$0x0] =	vst.idx.add.s32.msk $0xffff, v2  }
0x4d: {  	v5 =	vld [tilespmem:s25+$0xB0]  }
0x4e: {  	[tilespmem:v6+s13+$0x0] =	vst.idx.add.s32.msk $0xffff, v2;
	v6 =	vshrl.u32 v10, $0x10;
	v4 =	vshrl.u32 v7, $0x10  }
0x4f: {  	[tilespmem:v9+s13+$0x0] =	vst.idx.add.s32.msk $0xffff, v2;
	v6 =	vand.u32 $0x7FF0, v6;
	v7 =	vshrl.u32 v8, $0x10;
	v4 =	vand.u32 $0x7FF0, v4  }
0x50: {  	v6 =	vor.u32 v1, v6;
	[tilespmem:v3+s13+$0x0] =	vst.idx.add.s32.msk $0xffff, v2;
	v3 =	vor.u32 v1, v4;
	v4 =	vand.u32 $0x7FF0, v7  }
0x51: {  	v7 =	vld [tilespmem:s25+$0x80];
	v4 =	vor.u32 v1, v4  }
0x52: {  	v8 =	vld [tilespmem:s25+$0x90];
	v5 =	vshrl.u32 v5, $0x10  }
0x53: {  	s22 =	sor.u32 $0x180, s22;
	v9 =	vld [tilespmem:s25+$0xA0];
	v5 =	vand.u32 $0x7FF0, v5  }
0x54: {  	p0 =	por !p0, !p0;
	v10 =	vld [tilespmem:s22+$0x0];
	v5 =	vor.u32 v1, v5;
	s25 =	simm.s32 $0x1  }
0x55: {  	[tilespmem:v6+s13+$0x0] =	vst.idx.add.s32.msk $0xffff, v2;
	s25 =	simm.s32 @!p0 $0x0  }
0x56: {  	s25 =	sshll.u32 s25, $0x6;
	[tilespmem:v4+s13+$0x0] =	vst.idx.add.s32.msk $0xffff, v2;
	v4 =	vshrl.u32 v7, $0x10  }
0x57: {  	s1 =	sor.u32 $0x180, s15;
	s4 =	sadd.s32 $0x100, s25;
	[tilespmem:v3+s13+$0x0] =	vst.idx.add.s32.msk $0xffff, v2;
	v7 =	vshrl.u32 v8, $0x10;
	v4 =	vand.u32 $0x7FF0, v4  }
0x58: {  	s25 =	sadd.s32 $0x30, s4;
	v8 =	vshrl.u32 v9, $0x10;
	v3 =	vld [tilespmem:s1+$0x0];
	v6 =	vor.u32 v1, v4;
	v4 =	vand.u32 $0x7FF0, v7  }
0x59: {  	[tilespmem:v5+s13+$0x0] =	vst.idx.add.s32.msk $0xffff, v2;
	s15 =	sor.u32 $0x100, s25;
	v5 =	vand.u32 $0x7FF0, v8;
	v8 =	vor.u32 v1, v4  }
0x5a: {  	s7 =	sor.u32 $0x180, s31;
	s8 =	sadd.s32 $0x10, s4;
	s31 =	sadd.s32 $0x20, s4;
	v7 =	vld [tilespmem:s15+$0x0]  }
0x5b: {  	s30 =	sor.u32 $0x100, s4;
	s24 =	sor.u32 $0x180, s4;
	s29 =	sor.u32 $0x100, s8;
	v4 =	vld [tilespmem:s7+$0x0]  }
0x5c: {  	s26 =	sor.u32 $0x100, s31;
	s23 =	sor.u32 $0x180, s8;
	s22 =	sor.u32 $0x180, s31;
	v9 =	vshrl.u32 v10, $0x10;
	v5 =	vor.u32 v1, v5  }
.LBB2_5:
0x5d: {  	s20 =	sadd.s32 $0x40, s20;
	[tilespmem:v6+s13+$0x0] =	vst.idx.add.s32.msk $0xffff, v2;
	s21 =	sadd.s32 $0x100, s21;
	v6 =	vand.u32 $0x7FF0, v9;
	v3 =	vshrl.u32 v3, $0x10  }
0x5e: {  	s28 =	sand.u32 $0x40, s20;
	s31 =	sand.u32 $0x3E00, s21;
	p1 =	slt.u32 s20, $0xFC0;
	[tilespmem:v8+s13+$0x0] =	vst.idx.add.s32.msk $0xffff, v2;
	v6 =	vor.u32 v1, v6;
	v3 =	vand.u32 $0x7FF0, v3  }
0x5f: {  	s28 =	sor.u32 s28, s31;
	v8 =	vld [tilespmem:s30+$0x0];
	v7 =	vshrl.u32 v7, $0x10;
	v3 =	vor.u32 v1, v3  }
0x60: {  	v9 =	vld [tilespmem:s28+$0x30];
	v7 =	vand.u32 $0x7FF0, v7;
	v4 =	vshrl.u32 v4, $0x10  }
0x61: {  	v10 =	vld [tilespmem:s28+$0x0];
	v7 =	vor.u32 v1, v7;
	v4 =	vand.u32 $0x7FF0, v4  }
0x62: {  	v11 =	vld [tilespmem:s28+$0x10];
	v12 =	vor.u32 v1, v4  }
0x63: {  	v4 =	vld [tilespmem:s28+$0x20]  }
0x64: {  	v8 =	vshrl.u32 v8, $0x10;
	[tilespmem:v5+s13+$0x0] =	vst.idx.add.s32.msk $0xffff, v2  }
0x65: {  	v5 =	vshrl.u32 v9, $0x10;
	v8 =	vand.u32 $0x7FF0, v8;
	v9 =	vld [tilespmem:s29+$0x0]  }
0x66: {  	s25 =	sor.u32 $0x180, s25;
	v10 =	vshrl.u32 v10, $0x10;
	v5 =	vand.u32 $0x7FF0, v5;
	v8 =	vor.u32 v1, v8;
	[tilespmem:v7+s13+$0x0] =	vst.idx.add.s32.msk $0xffff, v2  }
0x67: {  	v7 =	vand.u32 $0x7FF0, v10;
	v10 =	vshrl.u32 v11, $0x10;
	v5 =	vor.u32 v1, v5;
	v11 =	vld [tilespmem:s25+$0x0]  }
0x68: {  	v7 =	vor.u32 v1, v7;
	v10 =	vand.u32 $0x7FF0, v10;
	v4 =	vshrl.u32 v4, $0x10;
	v13 =	vld [tilespmem:s26+$0x0]  }
0x69: {  	v10 =	vor.u32 v1, v10;
	v4 =	vand.u32 $0x7FF0, v4;
	[tilespmem:v6+s13+$0x0] =	vst.idx.add.s32.msk $0xffff, v2  }
0x6a: {  	v4 =	vor.u32 v1, v4;
	v6 =	vshrl.u32 v9, $0x10;
	[tilespmem:v3+s13+$0x0] =	vst.idx.add.s32.msk $0xffff, v2  }
0x6b: {  	[tilespmem:v8+s13+$0x0] =	vst.idx.add.s32.msk $0xffff, v2;
	v3 =	vand.u32 $0x7FF0, v6  }
0x6c: {  	[tilespmem:v5+s13+$0x0] =	vst.idx.add.s32.msk $0xffff, v2;
	v3 =	vor.u32 v1, v3;
	v5 =	vshrl.u32 v11, $0x10  }
0x6d: {  	v6 =	vld [tilespmem:s28+$0xB0];
	v8 =	vshrl.u32 v13, $0x10;
	v5 =	vand.u32 $0x7FF0, v5  }
0x6e: {  	[tilespmem:v7+s13+$0x0] =	vst.idx.add.s32.msk $0xffff, v2;
	v7 =	vand.u32 $0x7FF0, v8;
	v5 =	vor.u32 v1, v5  }
0x6f: {  	[tilespmem:v10+s13+$0x0] =	vst.idx.add.s32.msk $0xffff, v2;
	v7 =	vor.u32 v1, v7  }
0x70: {  	[tilespmem:v4+s13+$0x0] =	vst.idx.add.s32.msk $0xffff, v2  }
0x71: {  	v4 =	vld [tilespmem:s28+$0x80]  }
0x72: {  	v8 =	vld [tilespmem:s28+$0x90];
	v6 =	vshrl.u32 v6, $0x10  }
0x73: {  	p0 =	por !p0, !p0;
	s25 =	simm.s32 $0x1;
	v6 =	vand.u32 $0x7FF0, v6;
	[tilespmem:v5+s13+$0x0] =	vst.idx.add.s32.msk $0xffff, v2  }
0x74: {  	s25 =	simm.s32 @!p0 $0x0;
	v5 =	vld [tilespmem:s28+$0xA0];
	v9 =	vor.u32 v1, v6  }
0x75: {  	s25 =	sshll.u32 s25, $0x6;
	[tilespmem:v3+s13+$0x0] =	vst.idx.add.s32.msk $0xffff, v2  }
0x76: {  	s28 =	sadd.s32 s25, s21;
	v3 =	vshrl.u32 v4, $0x10;
	[tilespmem:v7+s13+$0x0] =	vst.idx.add.s32.msk $0xffff, v2  }
0x77: {  	s31 =	sadd.s32 $0x20, s28;
	v3 =	vand.u32 $0x7FF0, v3;
	v4 =	vshrl.u32 v8, $0x10;
	v10 =	vld [tilespmem:s24+$0x0]  }
.Ltmp1:
0x78: {  	s25 =	sadd.s32 $0x30, s28;
	s24 =	sadd.s32 $0x10, s28;
	v6 =	vor.u32 v1, v3;
	v4 =	vand.u32 $0x7FF0, v4;
	v3 =	vld [tilespmem:s23+$0x0];
	(pc) =	sbr.rel @p1 .LBB2_5-.Ltmp1, $4  }
0x79: {  	s26 =	sor.u32 $0x100, s31;
	s0 =	sor.u32 $0x100, s25;
	s29 =	sor.u32 $0x100, s24;
	v8 =	vor.u32 v1, v4;
	v4 =	vshrl.u32 v5, $0x10;
	[tilespmem:v9+s13+$0x0] =	vst.idx.add.s32.msk $0xffff, v2  }
0x7a: {  	s30 =	sor.u32 $0x100, s28;
	s31 =	sor.u32 $0x180, s31;
	s23 =	sor.u32 $0x180, s24;
	v4 =	vand.u32 $0x7FF0, v4;
	v7 =	vld [tilespmem:s0+$0x0]  }
0x7b: {  	s24 =	sor.u32 $0x180, s28;
	v5 =	vor.u32 v1, v4;
	v4 =	vld [tilespmem:s22+$0x0];
	s22 =	smov.u32 s31  }
0x7c: {  	v9 =	vshrl.u32 v10, $0x10;
	[tilespmem:v12+s13+$0x0] =	vst.idx.add.s32.msk $0xffff, v2  }
0x7d: {  	_ =	sdelay $0x3  }
0x7e: {  	[tilespmem:v6+s13+$0x0] =	vst.idx.add.s32.msk $0xffff, v2  }
0x7f: {  	[tilespmem:v8+s13+$0x0] =	vst.idx.add.s32.msk $0xffff, v2  }
0x80: {  	[tilespmem:v5+s13+$0x0] =	vst.idx.add.s32.msk $0xffff, v2  }
0x81: {  	v6 =	vld [tilespmem:s30+$0x0]  }
0x82: {  	v5 =	vld [tilespmem:s29+$0x0]  }
0x83: {  	v8 =	vld [tilespmem:s26+$0x0]  }
0x84: {  	v7 =	vshrl.u32 v7, $0x10  }
0x85: {  	v7 =	vand.u32 $0x7FF0, v7  }
0x86: {  	v7 =	vor.u32 v1, v7;
	v6 =	vshrl.u32 v6, $0x10  }
0x87: {  	v5 =	vshrl.u32 v5, $0x10;
	v6 =	vand.u32 $0x7FF0, v6  }
0x88: {  	v8 =	vshrl.u32 v8, $0x10;
	v5 =	vand.u32 $0x7FF0, v5;
	v6 =	vor.u32 v1, v6  }
0x89: {  	v8 =	vand.u32 $0x7FF0, v8;
	v5 =	vor.u32 v1, v5  }
0x8a: {  	v8 =	vor.u32 v1, v8  }
0x8b: {  	s0 =	sor.u32 $0x180, s25;
	[tilespmem:v7+s13+$0x0] =	vst.idx.add.s32.msk $0xffff, v2  }
0x8c: {  	v7 =	vld [tilespmem:s0+$0x0]  }
0x8d: {  	[tilespmem:v6+s13+$0x0] =	vst.idx.add.s32.msk $0xffff, v2  }
0x8e: {  	[tilespmem:v5+s13+$0x0] =	vst.idx.add.s32.msk $0xffff, v2  }
0x8f: {  	[tilespmem:v8+s13+$0x0] =	vst.idx.add.s32.msk $0xffff, v2  }
0x90: {  	v5 =	vld [tilespmem:s24+$0x0]  }
0x91: {  	v6 =	vld [tilespmem:s23+$0x0]  }
0x92: {  	v3 =	vshrl.u32 v3, $0x10;
	v8 =	vand.u32 $0x7FF0, v9;
	v9 =	vld [tilespmem:s22+$0x0]  }
0x93: {  	v3 =	vand.u32 $0x7FF0, v3;
	v4 =	vshrl.u32 v4, $0x10;
	v8 =	vor.u32 v1, v8  }
0x94: {  	v3 =	vor.u32 v1, v3;
	v4 =	vand.u32 $0x7FF0, v4;
	v7 =	vshrl.u32 v7, $0x10  }
0x95: {  	v4 =	vor.u32 v1, v4;
	v7 =	vand.u32 $0x7FF0, v7;
	v5 =	vshrl.u32 v5, $0x10  }
0x96: {  	v7 =	vor.u32 v1, v7;
	v6 =	vshrl.u32 v6, $0x10;
	v5 =	vand.u32 $0x7FF0, v5  }
0x97: {  	v9 =	vshrl.u32 v9, $0x10;
	v6 =	vand.u32 $0x7FF0, v6;
	v5 =	vor.u32 v1, v5  }
0x98: {  	[tilespmem:v8+s13+$0x0] =	vst.idx.add.s32.msk $0xffff, v2;
	v8 =	vand.u32 $0x7FF0, v9;
	v6 =	vor.u32 v1, v6  }
0x99: {  	[tilespmem:v3+s13+$0x0] =	vst.idx.add.s32.msk $0xffff, v2;
	v3 =	vor.u32 v1, v8  }
0x9a: {  	[tilespmem:v4+s13+$0x0] =	vst.idx.add.s32.msk $0xffff, v2  }
0x9b: {  	[tilespmem:v7+s13+$0x0] =	vst.idx.add.s32.msk $0xffff, v2  }
0x9c: {  	p0 =	seq.s32 s18, $0xF;
	[tilespmem:v5+s13+$0x0] =	vst.idx.add.s32.msk $0xffff, v2  }
0x9d: {  	s20 =	simm.s32 @!p0 $0x400;
	s21 =	simm.s32 @!p0 $0x0;
	s0 =	sadd.s32 @!p0 s19, s6;
	[tilespmem:v6+s13+$0x0] =	vst.idx.add.s32.msk $0xffff, v2  }
0x9e: {  	s19 =	simm.s32 @!p0 $0x200;
	s22 =	simm.s32 $0x0;
	s23 =	simm.s32 $0x0;
	[tilespmem:v3+s13+$0x0] =	vst.idx.add.s32.msk $0xffff, v2  }
0x9f: {  	[tilespmem:s21], [sflag:$0x1] =	stream.strided.gather @!p0 [hbm4b:s0+s19], $0x4000, s20, s19, $0x38;
	[tilespmem:$0x10000] =	vst v63  }
0xa0: {  	s19 =	sand.u32 $0x40, s23;
	s23 =	sand.u32 $0x3E00, s22;
	_ =	swait.ge [sflag:s14], $0x4000  }
0xa1: {  	s0 =	sor.u32 $0x4000, s23;
	s22 =	sor.u32 $0x30, s19;
	[sflag:s14] =	ssyncset.done $0x0  }
0xa2: {  	s24 =	sor.u32 s22, s0;
	[sflag:s14] =	ssyncadd.s32 $0xFFFFC000  }
0xa3: {  	v3 =	vld [tilespmem:s24+$0x0];
	_ =	sdelay $0x4  }
0xa4: {  	s21 =	sor.u32 $0x10, s19;
	v3 =	vshrl.u32 v3, $0x10  }
0xa5: {  	s25 =	sor.u32 s21, s0;
	v3 =	vand.u32 $0x7FF0, v3  }
0xa6: {  	v4 =	vld [tilespmem:s25+$0x0];
	v3 =	vor.u32 v1, v3;
	_ =	sdelay $0x1  }
0xa7: {  	s20 =	sor.u32 $0x20, s19  }
0xa8: {  	s26 =	sor.u32 s20, s0  }
0xa9: {  	s28 =	sor.u32 $0x4080, s23;
	v5 =	vld [tilespmem:s26+$0x0]  }
0xaa: {  	s31 =	sor.u32 s22, s28;
	v4 =	vshrl.u32 v4, $0x10;
	[tilespmem:v3+s13+$0x0] =	vst.idx.add.s32.msk $0xffff, v2  }
0xab: {  	v3 =	vand.u32 $0x7FF0, v4;
	v4 =	vld [tilespmem:s31+$0x0]  }
0xac: {  	s0 =	sor.u32 s19, s0;
	v3 =	vor.u32 v1, v3  }
0xad: {  	v6 =	vld [tilespmem:s0+$0x0]  }
0xae: {  	v5 =	vshrl.u32 v5, $0x10  }
0xaf: {  	v5 =	vand.u32 $0x7FF0, v5  }
0xb0: {  	v5 =	vor.u32 v1, v5;
	v4 =	vshrl.u32 v4, $0x10  }
0xb1: {  	s1 =	sor.u32 s21, s28;
	[tilespmem:v3+s13+$0x0] =	vst.idx.add.s32.msk $0xffff, v2;
	v3 =	vand.u32 $0x7FF0, v4  }
0xb2: {  	v4 =	vshrl.u32 v6, $0x10;
	v6 =	vld [tilespmem:s1+$0x0];
	v3 =	vor.u32 v1, v3  }
0xb3: {  	v4 =	vand.u32 $0x7FF0, v4  }
0xb4: {  	v4 =	vor.u32 v1, v4  }
0xb5: {  	s4 =	sor.u32 s20, s28;
	[tilespmem:v5+s13+$0x0] =	vst.idx.add.s32.msk $0xffff, v2  }
0xb6: {  	s0 =	sor.u32 $0x4100, s23;
	v5 =	vld [tilespmem:s4+$0x0]  }
0xb7: {  	s7 =	sor.u32 s22, s0;
	v6 =	vshrl.u32 v6, $0x10;
	[tilespmem:v3+s13+$0x0] =	vst.idx.add.s32.msk $0xffff, v2  }
0xb8: {  	v3 =	vand.u32 $0x7FF0, v6;
	v6 =	vld [tilespmem:s7+$0x0]  }
0xb9: {  	s8 =	simm.s32 $0x40;
	s24 =	sor.u32 s19, s28;
	s28 =	simm.s32 $0x100;
	[tilespmem:v4+s13+$0x0] =	vst.idx.add.s32.msk $0xffff, v2;
	v3 =	vor.u32 v1, v3  }
0xba: {  	s26 =	sand.u32 $0x40, s8;
	s31 =	sand.u32 $0x3E00, s28;
	v4 =	vld [tilespmem:s24+$0x0]  }
0xbb: {  	s30 =	sor.u32 $0x30, s26;
	s15 =	sor.u32 $0x4000, s31;
	v5 =	vshrl.u32 v5, $0x10  }
0xbc: {  	s4 =	sor.u32 s30, s15;
	v5 =	vand.u32 $0x7FF0, v5  }
0xbd: {  	v7 =	vld [tilespmem:s4+$0x0];
	v5 =	vor.u32 v1, v5;
	v6 =	vshrl.u32 v6, $0x10  }
0xbe: {  	s28 =	sor.u32 $0x10, s26;
	s7 =	sor.u32 s21, s0;
	[tilespmem:v3+s13+$0x0] =	vst.idx.add.s32.msk $0xffff, v2;
	v3 =	vand.u32 $0x7FF0, v6  }
0xbf: {  	s29 =	sor.u32 $0x20, s26;
	s1 =	sor.u32 s28, s15;
	v4 =	vshrl.u32 v4, $0x10;
	v6 =	vld [tilespmem:s7+$0x0];
	v3 =	vor.u32 v1, v3  }
0xc0: {  	s8 =	sor.u32 s29, s15;
	v8 =	vld [tilespmem:s1+$0x0];
	v4 =	vand.u32 $0x7FF0, v4  }
0xc1: {  	v9 =	vld [tilespmem:s8+$0x0];
	v4 =	vor.u32 v1, v4  }
0xc2: {  	s15 =	sor.u32 s26, s15;
	[tilespmem:v5+s13+$0x0] =	vst.idx.add.s32.msk $0xffff, v2;
	v5 =	vshrl.u32 v7, $0x10  }
0xc3: {  	s23 =	sor.u32 $0x4180, s23;
	v7 =	vld [tilespmem:s15+$0x0];
	v5 =	vand.u32 $0x7FF0, v5  }
0xc4: {  	s24 =	sor.u32 s22, s23;
	v6 =	vshrl.u32 v6, $0x10;
	[tilespmem:v3+s13+$0x0] =	vst.idx.add.s32.msk $0xffff, v2;
	v3 =	vor.u32 v1, v5  }
0xc5: {  	v5 =	vand.u32 $0x7FF0, v6;
	v6 =	vshrl.u32 v8, $0x10;
	v8 =	vld [tilespmem:s24+$0x0]  }
0xc6: {  	s25 =	sor.u32 s20, s0;
	[tilespmem:v4+s13+$0x0] =	vst.idx.add.s32.msk $0xffff, v2;
	v4 =	vor.u32 v1, v5;
	v5 =	vand.u32 $0x7FF0, v6;
	v6 =	vshrl.u32 v9, $0x10  }
0xc7: {  	s0 =	sor.u32 s19, s0;
	v9 =	vld [tilespmem:s25+$0x0];
	v5 =	vor.u32 v1, v5;
	v6 =	vand.u32 $0x7FF0, v6  }
0xc8: {  	s4 =	sor.u32 $0x4080, s31;
	v10 =	vld [tilespmem:s0+$0x0];
	v6 =	vor.u32 v1, v6  }
0xc9: {  	v7 =	vshrl.u32 v7, $0x10;
	s7 =	sor.u32 s30, s4;
	[tilespmem:v3+s13+$0x0] =	vst.idx.add.s32.msk $0xffff, v2  }
0xca: {  	v3 =	vand.u32 $0x7FF0, v7;
	v7 =	vshrl.u32 v8, $0x10;
	v8 =	vld [tilespmem:s7+$0x0]  }
0xcb: {  	v3 =	vor.u32 v1, v3;
	[tilespmem:v4+s13+$0x0] =	vst.idx.add.s32.msk $0xffff, v2;
	v4 =	vand.u32 $0x7FF0, v7  }
0xcc: {  	v7 =	vshrl.u32 v9, $0x10;
	[tilespmem:v5+s13+$0x0] =	vst.idx.add.s32.msk $0xffff, v2;
	v4 =	vor.u32 v1, v4  }
0xcd: {  	s8 =	sor.u32 s28, s4;
	v5 =	vand.u32 $0x7FF0, v7;
	v7 =	vshrl.u32 v10, $0x10;
	[tilespmem:v6+s13+$0x0] =	vst.idx.add.s32.msk $0xffff, v2  }
0xce: {  	s15 =	sor.u32 s29, s4;
	v5 =	vor.u32 v1, v5;
	v6 =	vand.u32 $0x7FF0, v7;
	v7 =	vld [tilespmem:s8+$0x0]  }
0xcf: {  	v9 =	vld [tilespmem:s15+$0x0];
	v6 =	vor.u32 v1, v6  }
0xd0: {  	v8 =	vshrl.u32 v8, $0x10;
	[tilespmem:v3+s13+$0x0] =	vst.idx.add.s32.msk $0xffff, v2  }
0xd1: {  	s0 =	sor.u32 s26, s4;
	v3 =	vand.u32 $0x7FF0, v8;
	[tilespmem:v4+s13+$0x0] =	vst.idx.add.s32.msk $0xffff, v2  }
0xd2: {  	v3 =	vor.u32 v1, v3;
	v4 =	vld [tilespmem:s0+$0x0]  }
0xd3: {  	[tilespmem:v5+s13+$0x0] =	vst.idx.add.s32.msk $0xffff, v2;
	v5 =	vshrl.u32 v7, $0x10  }
0xd4: {  	s21 =	sor.u32 s21, s23;
	[tilespmem:v6+s13+$0x0] =	vst.idx.add.s32.msk $0xffff, v2;
	v5 =	vand.u32 $0x7FF0, v5;
	v6 =	vshrl.u32 v9, $0x10  }
0xd5: {  	s20 =	sor.u32 s20, s23;
	v7 =	vld [tilespmem:s21+$0x0];
	v5 =	vor.u32 v1, v5;
	v6 =	vand.u32 $0x7FF0, v6  }
0xd6: {  	s0 =	sor.u32 $0x4100, s31;
	v8 =	vld [tilespmem:s20+$0x0];
	v6 =	vor.u32 v1, v6  }
0xd7: {  	s22 =	sor.u32 s30, s0;
	[tilespmem:v3+s13+$0x0] =	vst.idx.add.s32.msk $0xffff, v2  }
0xd8: {  	s24 =	sor.u32 s19, s23;
	s23 =	simm.s32 $0x200;
	v3 =	vld [tilespmem:s22+$0x0];
	s22 =	simm.s32 $0x80  }
0xd9: {  	s20 =	sand.u32 $0x3E00, s23;
	v9 =	vld [tilespmem:s24+$0x0];
	s19 =	sand.u32 $0x40, s22  }
0xda: {  	s15 =	sor.u32 $0x4000, s20;
	v4 =	vshrl.u32 v4, $0x10;
	[tilespmem:v5+s13+$0x0] =	vst.idx.add.s32.msk $0xffff, v2;
	s24 =	sor.u32 $0x30, s19  }
0xdb: {  	v4 =	vand.u32 $0x7FF0, v4;
	[tilespmem:v6+s13+$0x0] =	vst.idx.add.s32.msk $0xffff, v2;
	s7 =	sor.u32 s24, s15  }
0xdc: {  	s25 =	sor.u32 s28, s0;
	v7 =	vshrl.u32 v7, $0x10;
	v4 =	vor.u32 v1, v4;
	s21 =	sor.u32 $0x10, s19;
	v6 =	vld [tilespmem:s7+$0x0]  }
0xdd: {  	v7 =	vand.u32 $0x7FF0, v7;
	v5 =	vld [tilespmem:s25+$0x0];
	s4 =	sor.u32 s21, s15;
	s25 =	sor.u32 $0x20, s19;
	v3 =	vshrl.u32 v3, $0x10  }
0xde: {  	v7 =	vor.u32 v1, v7;
	s8 =	sor.u32 s25, s15;
	v10 =	vld [tilespmem:s4+$0x0];
	v3 =	vand.u32 $0x7FF0, v3  }
0xdf: {  	s15 =	sor.u32 s19, s15;
	v11 =	vld [tilespmem:s8+$0x0];
	v3 =	vor.u32 v1, v3  }
0xe0: {  	v8 =	vshrl.u32 v8, $0x10;
	v12 =	vld [tilespmem:s15+$0x0]  }
0xe1: {  	v8 =	vand.u32 $0x7FF0, v8;
	s4 =	sor.u32 s29, s0;
	s0 =	sor.u32 s26, s0;
	[tilespmem:v4+s13+$0x0] =	vst.idx.add.s32.msk $0xffff, v2;
	v6 =	vshrl.u32 v6, $0x10  }
0xe2: {  	v13 =	vld [tilespmem:s0+$0x0];
	v4 =	vshrl.u32 v5, $0x10;
	v5 =	vor.u32 v1, v8;
	v6 =	vand.u32 $0x7FF0, v6  }
0xe3: {  	s31 =	sor.u32 $0x4180, s31;
	[tilespmem:v7+s13+$0x0] =	vst.idx.add.s32.msk $0xffff, v2;
	v6 =	vor.u32 v1, v6  }
0xe4: {  	s7 =	sor.u32 s30, s31;
	v4 =	vand.u32 $0x7FF0, v4;
	v11 =	vshrl.u32 v11, $0x10;
	[tilespmem:v3+s13+$0x0] =	vst.idx.add.s32.msk $0xffff, v2  }
0xe5: {  	v4 =	vor.u32 v1, v4;
	v11 =	vand.u32 $0x7FF0, v11;
	v3 =	vshrl.u32 v10, $0x10;
	v10 =	vld [tilespmem:s7+$0x0]  }
0xe6: {  	v8 =	vld [tilespmem:s4+$0x0];
	v12 =	vshrl.u32 v12, $0x10;
	v11 =	vor.u32 v1, v11;
	v3 =	vand.u32 $0x7FF0, v3  }
0xe7: {  	s0 =	sor.u32 $0x4080, s20;
	v7 =	vand.u32 $0x7FF0, v12;
	[tilespmem:v5+s13+$0x0] =	vst.idx.add.s32.msk $0xffff, v2;
	v3 =	vor.u32 v1, v3  }
0xe8: {  	s8 =	sor.u32 s24, s0;
	v5 =	vor.u32 v1, v7;
	[tilespmem:v6+s13+$0x0] =	vst.idx.add.s32.msk $0xffff, v2  }
0xe9: {  	v6 =	vld [tilespmem:s8+$0x0]  }
0xea: {  	[tilespmem:v4+s13+$0x0] =	vst.idx.add.s32.msk $0xffff, v2;
	v4 =	vshrl.u32 v10, $0x10  }
0xeb: {  	v7 =	vshrl.u32 v8, $0x10;
	[tilespmem:v11+s13+$0x0] =	vst.idx.add.s32.msk $0xffff, v2;
	v4 =	vand.u32 $0x7FF0, v4  }
0xec: {  	[tilespmem:v3+s13+$0x0] =	vst.idx.add.s32.msk $0xffff, v2;
	v3 =	vor.u32 v1, v4;
	v4 =	vand.u32 $0x7FF0, v7;
	v7 =	vshrl.u32 v13, $0x10  }
0xed: {  	s4 =	sor.u32 s25, s0;
	[tilespmem:v5+s13+$0x0] =	vst.idx.add.s32.msk $0xffff, v2;
	v4 =	vor.u32 v1, v4;
	v7 =	vand.u32 $0x7FF0, v7  }
0xee: {  	s15 =	sor.u32 s21, s0;
	v8 =	vld [tilespmem:s4+$0x0];
	v5 =	vor.u32 v1, v7;
	v6 =	vshrl.u32 v6, $0x10  }
0xef: {  	s0 =	sor.u32 s19, s0;
	v7 =	vld [tilespmem:s15+$0x0];
	v6 =	vand.u32 $0x7FF0, v6  }
0xf0: {  	v10 =	vld [tilespmem:s0+$0x0];
	v6 =	vor.u32 v1, v6  }
0xf1: {  	[tilespmem:v3+s13+$0x0] =	vst.idx.add.s32.msk $0xffff, v2  }
0xf2: {  	[tilespmem:v4+s13+$0x0] =	vst.idx.add.s32.msk $0xffff, v2  }
0xf3: {  	s7 =	sor.u32 s28, s31;
	v3 =	vshrl.u32 v9, $0x10;
	[tilespmem:v5+s13+$0x0] =	vst.idx.add.s32.msk $0xffff, v2  }
0xf4: {  	v8 =	vshrl.u32 v8, $0x10;
	v3 =	vand.u32 $0x7FF0, v3;
	v5 =	vld [tilespmem:s7+$0x0];
	v7 =	vshrl.u32 v7, $0x10  }
0xf5: {  	s8 =	sor.u32 s29, s31;
	v9 =	vshrl.u32 v10, $0x10;
	v3 =	vor.u32 v1, v3;
	[tilespmem:v6+s13+$0x0] =	vst.idx.add.s32.msk $0xffff, v2;
	v6 =	vand.u32 $0x7FF0, v7  }
0xf6: {  	s15 =	sor.u32 $0x4100, s20;
	v11 =	vand.u32 $0x7FF0, v9;
	v4 =	vld [tilespmem:s8+$0x0];
	v7 =	vand.u32 $0x7FF0, v8;
	v9 =	vor.u32 v1, v6  }
0xf7: {  	s28 =	sor.u32 s24, s15;
	v10 =	vor.u32 v1, v7  }
0xf8: {  	s31 =	sor.u32 s26, s31;
	v8 =	vld [tilespmem:s28+$0x0]  }
0xf9: {  	s30 =	sor.u32 s21, s15;
	s29 =	sor.u32 s25, s15;
	s26 =	sor.u32 s19, s15;
	v7 =	vor.u32 v1, v11;
	v6 =	vld [tilespmem:s31+$0x0]  }
.LBB2_7:
0xfa: {  	s22 =	sadd.s32 $0x40, s22;
	s23 =	sadd.s32 $0x100, s23;
	v5 =	vshrl.u32 v5, $0x10;
	[tilespmem:v3+s13+$0x0] =	vst.idx.add.s32.msk $0xffff, v2  }
0xfb: {  	s0 =	sand.u32 $0x40, s22;
	s1 =	sand.u32 $0x3E00, s23;
	p0 =	slt.u32 s22, $0xFC0;
	[tilespmem:v9+s13+$0x0] =	vst.idx.add.s32.msk $0xffff, v2;
	v3 =	vand.u32 $0x7FF0, v5;
	v4 =	vshrl.u32 v4, $0x10  }
0xfc: {  	s7 =	sor.u32 $0x4000, s1;
	s15 =	sor.u32 $0x10, s0;
	s31 =	sor.u32 $0x30, s0;
	[tilespmem:v10+s13+$0x0] =	vst.idx.add.s32.msk $0xffff, v2;
	v5 =	vor.u32 v1, v3;
	v3 =	vand.u32 $0x7FF0, v4  }
0xfd: {  	s8 =	sor.u32 $0x20, s0;
	s28 =	sor.u32 s15, s7;
	s4 =	sor.u32 s31, s7;
	v4 =	vld [tilespmem:s30+$0x0];
	v8 =	vshrl.u32 v8, $0x10;
	v9 =	vor.u32 v1, v3  }
0xfe: {  	s30 =	sor.u32 s0, s7;
	s7 =	sor.u32 s8, s7;
	v10 =	vld [tilespmem:s4+$0x0];
	v3 =	vand.u32 $0x7FF0, v8;
	v6 =	vshrl.u32 v6, $0x10  }
0xff: {  	v8 =	vld [tilespmem:s28+$0x0];
	v11 =	vor.u32 v1, v3;
	v3 =	vand.u32 $0x7FF0, v6  }
0x100: {  	v6 =	vld [tilespmem:s7+$0x0];
	v3 =	vor.u32 v1, v3  }
0x101: {  	v12 =	vld [tilespmem:s30+$0x0]  }
0x102: {  	[tilespmem:v7+s13+$0x0] =	vst.idx.add.s32.msk $0xffff, v2;
	v4 =	vshrl.u32 v4, $0x10  }
0x103: {  	s4 =	sor.u32 $0x4180, s20;
	s20 =	smov.u32 s1;
	v7 =	vshrl.u32 v10, $0x10;
	v4 =	vand.u32 $0x7FF0, v4;
	v10 =	vld [tilespmem:s29+$0x0]  }
0x104: {  	s1 =	sor.u32 s24, s4;
	s30 =	sor.u32 s21, s4;
	s29 =	sor.u32 s25, s4;
	v8 =	vshrl.u32 v8, $0x10;
	v7 =	vand.u32 $0x7FF0, v7;
	v4 =	vor.u32 v1, v4;
	[tilespmem:v11+s13+$0x0] =	vst.idx.add.s32.msk $0xffff, v2  }
0x105: {  	s28 =	sor.u32 s19, s4;
	s19 =	smov.u32 s0;
	s21 =	smov.u32 s15;
	v8 =	vand.u32 $0x7FF0, v8;
	v6 =	vshrl.u32 v6, $0x10;
	v7 =	vor.u32 v1, v7;
	v11 =	vld [tilespmem:s1+$0x0]  }
0x106: {  	s24 =	smov.u32 s31;
	s25 =	smov.u32 s8;
	v12 =	vshrl.u32 v12, $0x10;
	v8 =	vor.u32 v1, v8;
	v6 =	vand.u32 $0x7FF0, v6;
	v13 =	vld [tilespmem:s26+$0x0]  }
0x107: {  	v12 =	vand.u32 $0x7FF0, v12;
	v6 =	vor.u32 v1, v6;
	[tilespmem:v5+s13+$0x0] =	vst.idx.add.s32.msk $0xffff, v2  }
0x108: {  	v5 =	vor.u32 v1, v12;
	v10 =	vshrl.u32 v10, $0x10;
	[tilespmem:v9+s13+$0x0] =	vst.idx.add.s32.msk $0xffff, v2  }
0x109: {  	s0 =	sor.u32 $0x4080, s20;
	[tilespmem:v4+s13+$0x0] =	vst.idx.add.s32.msk $0xffff, v2;
	v4 =	vand.u32 $0x7FF0, v10  }
0x10a: {  	s7 =	sor.u32 s24, s0;
	s4 =	sor.u32 s25, s0;
	s1 =	sor.u32 s21, s0;
	[tilespmem:v7+s13+$0x0] =	vst.idx.add.s32.msk $0xffff, v2;
	v4 =	vor.u32 v1, v4;
	v7 =	vshrl.u32 v11, $0x10  }
0x10b: {  	s0 =	sor.u32 s19, s0;
	v9 =	vld [tilespmem:s7+$0x0];
	v10 =	vshrl.u32 v13, $0x10;
	v7 =	vand.u32 $0x7FF0, v7  }
0x10c: {  	[tilespmem:v8+s13+$0x0] =	vst.idx.add.s32.msk $0xffff, v2;
	v8 =	vand.u32 $0x7FF0, v10;
	v7 =	vor.u32 v1, v7  }
0x10d: {  	[tilespmem:v6+s13+$0x0] =	vst.idx.add.s32.msk $0xffff, v2;
	v6 =	vor.u32 v1, v8  }
0x10e: {  	[tilespmem:v5+s13+$0x0] =	vst.idx.add.s32.msk $0xffff, v2  }
0x10f: {  	v5 =	vld [tilespmem:s1+$0x0]  }
0x110: {  	v8 =	vld [tilespmem:s4+$0x0];
	v9 =	vshrl.u32 v9, $0x10  }
0x111: {  	v9 =	vand.u32 $0x7FF0, v9;
	[tilespmem:v7+s13+$0x0] =	vst.idx.add.s32.msk $0xffff, v2  }
0x112: {  	v7 =	vld [tilespmem:s0+$0x0];
	v11 =	vor.u32 v1, v9  }
0x113: {  	[tilespmem:v4+s13+$0x0] =	vst.idx.add.s32.msk $0xffff, v2  }
0x114: {  	v4 =	vshrl.u32 v5, $0x10;
	[tilespmem:v6+s13+$0x0] =	vst.idx.add.s32.msk $0xffff, v2  }
.Ltmp2:
0x115: {  	v4 =	vand.u32 $0x7FF0, v4;
	v6 =	vshrl.u32 v8, $0x10;
	v5 =	vld [tilespmem:s30+$0x0];
	(pc) =	sbr.rel @p0 .LBB2_7-.Ltmp2, $4  }
0x116: {  	s0 =	sor.u32 $0x4100, s20;
	v9 =	vor.u32 v1, v4;
	v6 =	vand.u32 $0x7FF0, v6;
	v4 =	vld [tilespmem:s29+$0x0]  }
0x117: {  	s1 =	sor.u32 s24, s0;
	s30 =	sor.u32 s21, s0;
	s29 =	sor.u32 s25, s0;
	v7 =	vshrl.u32 v7, $0x10;
	v10 =	vor.u32 v1, v6;
	[tilespmem:v11+s13+$0x0] =	vst.idx.add.s32.msk $0xffff, v2  }
0x118: {  	s26 =	sor.u32 s19, s0;
	v6 =	vand.u32 $0x7FF0, v7;
	v8 =	vld [tilespmem:s1+$0x0]  }
0x119: {  	v7 =	vor.u32 v1, v6;
	v6 =	vld [tilespmem:s28+$0x0]  }
0x11a: {  	_ =	sdelay $0x3  }
0x11b: {  	[tilespmem:v9+s13+$0x0] =	vst.idx.add.s32.msk $0xffff, v2  }
0x11c: {  	[tilespmem:v10+s13+$0x0] =	vst.idx.add.s32.msk $0xffff, v2  }
0x11d: {  	[tilespmem:v7+s13+$0x0] =	vst.idx.add.s32.msk $0xffff, v2  }
0x11e: {  	v9 =	vld [tilespmem:s30+$0x0]  }
0x11f: {  	v55 =	vld [tilespmem:s29+$0x0]  }
0x120: {  	v56 =	vld [tilespmem:s26+$0x0]  }
0x121: {  	v8 =	vshrl.u32 v8, $0x10  }
0x122: {  	v8 =	vand.u32 $0x7FF0, v8  }
0x123: {  	v8 =	vor.u32 v1, v8;
	v9 =	vshrl.u32 v9, $0x10  }
0x124: {  	v7 =	vshrl.u32 v55, $0x10;
	v9 =	vand.u32 $0x7FF0, v9  }
0x125: {  	v10 =	vshrl.u32 v56, $0x10;
	v7 =	vand.u32 $0x7FF0, v7;
	v9 =	vor.u32 v1, v9  }
0x126: {  	v10 =	vand.u32 $0x7FF0, v10;
	v7 =	vor.u32 v1, v7  }
0x127: {  	s0 =	sor.u32 $0x4180, s20;
	v10 =	vor.u32 v1, v10  }
0x128: {  	s1 =	sor.u32 s24, s0;
	[tilespmem:v8+s13+$0x0] =	vst.idx.add.s32.msk $0xffff, v2  }
0x129: {  	v8 =	vld [tilespmem:s1+$0x0]  }
0x12a: {  	[tilespmem:v9+s13+$0x0] =	vst.idx.add.s32.msk $0xffff, v2  }
0x12b: {  	[tilespmem:v7+s13+$0x0] =	vst.idx.add.s32.msk $0xffff, v2  }
0x12c: {  	s31 =	sor.u32 s21, s0;
	[tilespmem:v10+s13+$0x0] =	vst.idx.add.s32.msk $0xffff, v2  }
0x12d: {  	s4 =	sor.u32 s25, s0;
	v57 =	vld [tilespmem:s31+$0x0]  }
0x12e: {  	v5 =	vshrl.u32 v5, $0x10;
	s0 =	sor.u32 s19, s0;
	v58 =	vld [tilespmem:s4+$0x0]  }
0x12f: {  	v5 =	vand.u32 $0x7FF0, v5;
	v4 =	vshrl.u32 v4, $0x10;
	v10 =	vld [tilespmem:s0+$0x0]  }
0x130: {  	v5 =	vor.u32 v1, v5;
	v4 =	vand.u32 $0x7FF0, v4;
	v6 =	vshrl.u32 v6, $0x10  }
0x131: {  	v4 =	vor.u32 v1, v4;
	v6 =	vand.u32 $0x7FF0, v6;
	v8 =	vshrl.u32 v8, $0x10  }
0x132: {  	v6 =	vor.u32 v1, v6;
	v8 =	vand.u32 $0x7FF0, v8;
	v7 =	vshrl.u32 v57, $0x10  }
0x133: {  	v8 =	vor.u32 v1, v8;
	v9 =	vshrl.u32 v58, $0x10;
	v7 =	vand.u32 $0x7FF0, v7  }
0x134: {  	[tilespmem:v3+s13+$0x0] =	vst.idx.add.s32.msk $0xffff, v2;
	v60 =	vshrl.u32 v10, $0x10;
	v59 =	vand.u32 $0x7FF0, v9;
	v3 =	vor.u32 v1, v7  }
0x135: {  	s18 =	sadd.s32 $0x1, s18;
	[tilespmem:v5+s13+$0x0] =	vst.idx.add.s32.msk $0xffff, v2;
	v62 =	vand.u32 $0x7FF0, v60;
	v61 =	vor.u32 v1, v59  }
0x136: {  	p0 =	sne.s32 s18, $0x10;
	[tilespmem:v4+s13+$0x0] =	vst.idx.add.s32.msk $0xffff, v2;
	v63 =	vor.u32 v1, v62  }
.Ltmp3:
0x137: {  	[tilespmem:v6+s13+$0x0] =	vst.idx.add.s32.msk $0xffff, v2;
	(pc) =	sbr.rel @p0 .LBB2_4-.Ltmp3, $4  }
0x138: {  	[tilespmem:v8+s13+$0x0] =	vst.idx.add.s32.msk $0xffff, v2  }
0x139: {  	[tilespmem:v3+s13+$0x0] =	vst.idx.add.s32.msk $0xffff, v2  }
0x13a: {  	[tilespmem:v61+s13+$0x0] =	vst.idx.add.s32.msk $0xffff, v2  }
0x13b: {  	[tilespmem:v63+s13+$0x0] =	vst.idx.add.s32.msk $0xffff, v2  }
0x13c: {  	s0 =	rddreg [dreg:$0x4];
	s1 =	simm.s32 $0x80  }
0x13d: {  	[hbm4b:s0+s1] =	stream.strided.scatter [tilespmem:s13], [sflag:$0x3], $0x8000, s10, s1, $0x38;
	[tilespmem:$0x10000] =	vst v63  }
0x13e: {  	_ =	swait.ge [sflag:s16], $0x8000  }
0x13f: {  	s2 =	sadd.s32 $0x1, s2;
	s31 =	rddreg [dreg:$0x5]  }
0x140: {  	p0 =	sne.s32 s2, s31  }
.Ltmp4:
0x141: {  	_ = 	snop;
	(pc) =	sbr.rel @p0 .LBB2_1-.Ltmp4, $3  }
0x142: {  	_ =	sdelay $0x1  }
0x143: {  	[sflag:s16] =	ssyncset.done $0x0  }
0x144: {  	[sflag:s16] =	ssyncadd.s32 $0xFFFF8000  }
0x145: {  	_ =	sfence.sel $0x180000  }
0x146: {  	[bflag:$0x0] =	sbarrier.arrive $0xFFFF  }
0x147: {  	_ =	strace $0x90000047  }
0x148: {  	s0 =	stileid.u32;
	[bflag:$0x2] =	sbarrier.arrive $0xFFFF  }
0x149: {  	p0 =	sne.s32 s0, $0x0;
	s0 =	rddreg [dreg:$0x2]  }
0x14a: {  	s0 =	sadd.s32 @!p0 $0x100000, s0  }
0x14b: {  	[sflag:s0] =	ssyncadd.tile.s32 @!p0 $0x1;
	_ =	shalt  }
.Lfunc_end2:
_tile_overlayer_lowered:
.L_overlay_start_2:
0x14c: {  	(tag) =	ssettag $0x2  }
0x14d: {  	s0 =	rddreg [dreg:$0x0];
	s2 =	stileid.u32  }
0x14e: {  	s1 =	rddreg [dreg:$0x1];
	p0 =	sne.s32 s2, $0x0  }
0x14f: {  	s3 =	rddreg [dreg:$0x2];
	[bflag:$0x3] =	sbarrier.arrive $0xFFFF;
	s2 =	simm.s32 @!p0 $0x1C03  }
0x150: {  	[timem:s3], [sflag:s2] =	dma.local @!p0 [hbm:s0], s1  }
0x151: {  	s0 =	simm.s32 @!p0 $0x3  }
0x152: {  	_ =	swait.ge @!p0 [sflag:s0], s1  }
0x153: {  	s1 =	ssub.s32 @!p0 $0x0, s1;
	[sflag:s0] =	ssyncset.done @!p0 $0x0  }
0x154: {  	[sflag:s0] =	ssyncadd.s32 @!p0 s1  }
0x155: {  	[bflag:$0x3] =	sbarrier.arrive $0xFFFF  }
0x156: {  	_ =	shalt  }

</sc_bundles>
